<compile_context>
chip_gen: v7x
topology: tpu7x:2x2x1
jax: 0.10.2.dev20260603
libtpu: 0.0.44.dev20260713+nightly
codegen_flags: <defaults>
</compile_context>

<pallas_src>
import functools
import jax
import jax.numpy as jnp
from jax import lax
from jax.experimental import pallas as pl
from jax.experimental.pallas import tpu as pltpu
from jax.experimental.pallas import tpu_sc as plsc

N = 10000
E = 160000
H = 256
HH = H // 2
G = 64
BN = 1000
NB = N // BN

NC = 2
NS = 16
EPT = E // NS
CH = 128
NFULL = EPT // CH
TAIL = EPT - NFULL * CH
ACC_ROWS = N
ZPT = ACC_ROWS // NS
HW = HH // 2
OPT = (N // NS) // 8 * 8
OREM = N - OPT * NS



def _mlp_body(x_ref, w1_ref, b1_ref, w2_ref, b2_ref, w0_ref,
              h_ref, m2a_ref, m2b_ref):
    x = x_ref[...]
    h = jnp.maximum(jnp.dot(x, w1_ref[...], preferred_element_type=jnp.float32) + b1_ref[...], 0.0)
    h = jnp.maximum(jnp.dot(h, w2_ref[...], preferred_element_type=jnp.float32) + b2_ref[...], 0.0)
    h_ref[...] = h
    m2 = jnp.dot(h, w0_ref[...], preferred_element_type=jnp.float32)
    m2a_ref[...] = m2[:, :HH]
    m2b_ref[...] = m2[:, HH:]


def _mlp_call(x, w1, b1, w2, b2, w0):
    row = pl.BlockSpec((BN, H), lambda i: (i, 0))
    half = pl.BlockSpec((BN, HH), lambda i: (i, 0))
    full = pl.BlockSpec((H, H), lambda i: (0, 0))
    bias = pl.BlockSpec((1, H), lambda i: (0, 0))
    return pl.pallas_call(
        _mlp_body,
        grid=(NB,),
        in_specs=[row, full, bias, full, bias, full],
        out_specs=[row, half, half],
        out_shape=[jax.ShapeDtypeStruct((N, H), jnp.float32),
                   jax.ShapeDtypeStruct((N, HH), jnp.float32),
                   jax.ShapeDtypeStruct((N, HH), jnp.float32)],
    )(x, w1, b1, w2, b2, w0)


def _gru_gates(agga_ref, aggb_ref, h_ref, wih_ref, whh_ref, bih_ref, bhh_ref):
    agg = jnp.concatenate([agga_ref[...], aggb_ref[...]], axis=1)
    h = h_ref[...]
    gi = lax.dot_general(agg, wih_ref[...], (((1,), (1,)), ((), ())),
                         preferred_element_type=jnp.float32) + bih_ref[...]
    gh = lax.dot_general(h, whh_ref[...], (((1,), (1,)), ((), ())),
                         preferred_element_type=jnp.float32) + bhh_ref[...]
    r = jax.nn.sigmoid(gi[:, :H] + gh[:, :H])
    z = jax.nn.sigmoid(gi[:, H:2 * H] + gh[:, H:2 * H])
    n = jnp.tanh(gi[:, 2 * H:] + r * gh[:, 2 * H:])
    return (1.0 - z) * n + z * h


def _gru_m2_body(agga_ref, aggb_ref, h_ref, wih_ref, whh_ref, bih_ref,
                 bhh_ref, wn_ref, hn_ref, m2a_ref, m2b_ref):
    hn = _gru_gates(agga_ref, aggb_ref, h_ref, wih_ref, whh_ref, bih_ref, bhh_ref)
    hn_ref[...] = hn
    m2 = jnp.dot(hn, wn_ref[...], preferred_element_type=jnp.float32)
    m2a_ref[...] = m2[:, :HH]
    m2b_ref[...] = m2[:, HH:]


def _gru_last_body(agga_ref, aggb_ref, h_ref, wih_ref, whh_ref, bih_ref,
                   bhh_ref, hn_ref):
    hn_ref[...] = _gru_gates(agga_ref, aggb_ref, h_ref, wih_ref, whh_ref,
                             bih_ref, bhh_ref)


def _gru_specs():
    row = pl.BlockSpec((BN, H), lambda i: (i, 0))
    wspec = pl.BlockSpec((3 * H, H), lambda i: (0, 0))
    bspec = pl.BlockSpec((1, 3 * H), lambda i: (0, 0))
    return [pl.BlockSpec((BN, HH), lambda i: (i, 0)),
            pl.BlockSpec((BN, HH), lambda i: (NB + i, 0)),
            row, wspec, wspec, bspec, bspec]


def _gru_m2_call(agg2, h, wih, whh, bih, bhh, wn):
    row = pl.BlockSpec((BN, H), lambda i: (i, 0))
    half = pl.BlockSpec((BN, HH), lambda i: (i, 0))
    full = pl.BlockSpec((H, H), lambda i: (0, 0))
    return pl.pallas_call(
        _gru_m2_body,
        grid=(NB,),
        in_specs=_gru_specs() + [full],
        out_specs=[row, half, half],
        out_shape=[jax.ShapeDtypeStruct((N, H), jnp.float32),
                   jax.ShapeDtypeStruct((N, HH), jnp.float32),
                   jax.ShapeDtypeStruct((N, HH), jnp.float32)],
    )(agg2, agg2, h, wih, whh, bih, bhh, wn)


def _gru_last_call(agg2, h, wih, whh, bih, bhh):
    row = pl.BlockSpec((BN, H), lambda i: (i, 0))
    return pl.pallas_call(
        _gru_last_body,
        grid=(NB,),
        in_specs=_gru_specs(),
        out_specs=row,
        out_shape=jax.ShapeDtypeStruct((N, H), jnp.float32),
    )(agg2, agg2, h, wih, whh, bih, bhh)


def _pool_body(h_ref, batch_ref, ow_ref, ob_ref, out_ref):
    h = h_ref[...]
    b = batch_ref[...]
    onehot = (b == lax.broadcasted_iota(jnp.int32, (1, G), 1)).astype(jnp.float32)
    sums = lax.dot_general(onehot, h, (((0,), (0,)), ((), ())),
                           preferred_element_type=jnp.float32)
    counts = jnp.sum(onehot, axis=0)[:, None]
    pooled = sums / jnp.maximum(counts, 1.0)
    out_ref[...] = jnp.dot(pooled, ow_ref[...], preferred_element_type=jnp.float32) + ob_ref[...]


def _pool_call(h, batch2d, out_w, out_b):
    return pl.pallas_call(
        _pool_body,
        in_specs=[pl.BlockSpec((N, H), lambda: (0, 0)),
                  pl.BlockSpec((N, 1), lambda: (0, 0)),
                  pl.BlockSpec((H, 2), lambda: (0, 0)),
                  pl.BlockSpec((1, 2), lambda: (0, 0))],
        out_specs=pl.BlockSpec((G, 2), lambda: (0, 0)),
        out_shape=jax.ShapeDtypeStruct((G, 2), jnp.float32),
    )(h, batch2d, out_w, out_b)



_MESH = plsc.VectorSubcoreMesh(core_axis_name="c", subcore_axis_name="s")


def _agg_body(m2_hbm, src_hbm, dst_hbm, zeros_hbm, agg2_hbm,
              schunk0, dchunk0, schunk1, dchunk1, dscat0, dscat1,
              schunk_t, dchunk_t, rows0, rows1, acc,
              semg0, semg1, semc0, semc1, semi):
    c_idx = lax.axis_index("c")
    s_idx = lax.axis_index("s")

    pltpu.sync_copy(zeros_hbm, acc.at[pl.ds(s_idx * ZPT, ZPT)])
    plsc.subcore_barrier()

    base = s_idx * EPT
    coff = c_idx * N

    def stage(sc, dc, j):
        pltpu.sync_copy(src_hbm.at[pl.ds(base + j * CH, CH)], sc)
        pltpu.sync_copy(dst_hbm.at[pl.ds(base + j * CH, CH)], dc)
        for k in range(CH // 16):
            sc[pl.ds(k * 16, 16)] = sc[pl.ds(k * 16, 16)] + coff

    def prefetch(sc, dc, j):
        pltpu.async_copy(src_hbm.at[pl.ds(base + j * CH, CH)], sc, semi)
        pltpu.async_copy(dst_hbm.at[pl.ds(base + j * CH, CH)], dc, semi)

    def prefetch_wait(sc, dc, j):
        pltpu.make_async_copy(src_hbm.at[pl.ds(base + j * CH, CH)], sc, semi).wait()
        pltpu.make_async_copy(dst_hbm.at[pl.ds(base + j * CH, CH)], dc, semi).wait()
        for k in range(CH // 16):
            sc[pl.ds(k * 16, 16)] = sc[pl.ds(k * 16, 16)] + coff

    NP = NFULL // 2
    stage(schunk0, dchunk0, 0)
    pltpu.async_copy(m2_hbm.at[schunk0], rows0, semg0)
    stage(schunk1, dchunk1, 1)

    def pair(i, carry):
        pltpu.async_copy(m2_hbm.at[schunk1], rows1, semg1)
        pltpu.make_async_copy(m2_hbm.at[schunk0], rows0, semg0).wait()
        last = i == NP - 1
        for k in range(CH // 16):
            dscat0[pl.ds(k * 16, 16)] = dchunk0[pl.ds(k * 16, 16)]

        @pl.when(~last)
        def _():
            prefetch(schunk0, dchunk0, 2 * i + 2)
        pltpu.sync_copy(rows0, acc.at[dscat0], add=True)

        @pl.when(~last)
        def _():
            prefetch_wait(schunk0, dchunk0, 2 * i + 2)
            pltpu.async_copy(m2_hbm.at[schunk0], rows0, semg0)

        pltpu.make_async_copy(m2_hbm.at[schunk1], rows1, semg1).wait()
        for k in range(CH // 16):
            dscat1[pl.ds(k * 16, 16)] = dchunk1[pl.ds(k * 16, 16)]

        @pl.when(~last)
        def _():
            prefetch(schunk1, dchunk1, 2 * i + 3)
        pltpu.sync_copy(rows1, acc.at[dscat1], add=True)

        @pl.when(~last)
        def _():
            prefetch_wait(schunk1, dchunk1, 2 * i + 3)
        return carry

    lax.fori_loop(0, NP, pair, 0)

    pltpu.sync_copy(src_hbm.at[pl.ds(base + NFULL * CH, TAIL)], schunk_t)
    pltpu.sync_copy(dst_hbm.at[pl.ds(base + NFULL * CH, TAIL)], dchunk_t)
    schunk_t[...] = schunk_t[...] + coff
    pltpu.async_copy(m2_hbm.at[schunk_t], rows0.at[pl.ds(0, TAIL)], semg0).wait()
    pltpu.sync_copy(rows0.at[pl.ds(0, TAIL)], acc.at[dchunk_t], add=True)

    plsc.subcore_barrier()
    obase = s_idx * OPT
    pltpu.sync_copy(acc.at[pl.ds(obase, OPT)],
                    agg2_hbm.at[pl.ds(c_idx * N + obase, OPT)])

    @pl.when(s_idx == NS - 1)
    def _():
        pltpu.sync_copy(acc.at[pl.ds(OPT * NS, OREM)],
                        agg2_hbm.at[pl.ds(c_idx * N + OPT * NS, OREM)])


def _agg_call(m2, src, dst, zeros):
    return pl.kernel(
        _agg_body,
        out_type=jax.ShapeDtypeStruct((NC * N, HH), jnp.float32),
        mesh=_MESH,
        scratch_types=[
            pltpu.VMEM((CH,), jnp.int32),
            pltpu.VMEM((CH,), jnp.int32),
            pltpu.VMEM((CH,), jnp.int32),
            pltpu.VMEM((CH,), jnp.int32),
            pltpu.VMEM((CH,), jnp.int32),
            pltpu.VMEM((CH,), jnp.int32),
            pltpu.VMEM((TAIL,), jnp.int32),
            pltpu.VMEM((TAIL,), jnp.int32),
            pltpu.VMEM((CH, HH), jnp.float32),
            pltpu.VMEM((CH, HH), jnp.float32),
            pltpu.VMEM_SHARED((ACC_ROWS, HH), jnp.float32),
            pltpu.SemaphoreType.DMA,
            pltpu.SemaphoreType.DMA,
            pltpu.SemaphoreType.DMA,
            pltpu.SemaphoreType.DMA,
            pltpu.SemaphoreType.DMA,
        ],
    )(m2, src, dst, zeros)



def kernel(x, edge_index, batch, mlp_w1, mlp_b1, mlp_w2, mlp_b2, ggc_w,
           gru_wih, gru_whh, gru_bih, gru_bhh, out_w, out_b):
    src = edge_index[0].astype(jnp.int32)
    dst = edge_index[1].astype(jnp.int32)
    batch2d = batch.astype(jnp.int32).reshape(N, 1)
    b1 = mlp_b1.reshape(1, H)
    b2 = mlp_b2.reshape(1, H)
    bih = gru_bih.reshape(1, 3 * H)
    bhh = gru_bhh.reshape(1, 3 * H)
    ob = out_b.reshape(1, 2)
    zeros = jnp.zeros((ZPT, HH), jnp.float32)

    h, m2a, m2b = _mlp_call(x, mlp_w1, b1, mlp_w2, b2, ggc_w[0])
    for i in range(3):
        m2 = jnp.concatenate([m2a, m2b], axis=0)
        agg2 = _agg_call(m2, src, dst, zeros)
        if i < 2:
            h, m2a, m2b = _gru_m2_call(agg2, h, gru_wih, gru_whh, bih, bhh,
                                       ggc_w[i + 1])
        else:
            h = _gru_last_call(agg2, h, gru_wih, gru_whh, bih, bhh)
    return _pool_call(h, batch2d, out_w, ob)

# --- scband reference (transcript-rebuilt; emitter-appended) ---
"""Pipeline reference for scband-net-74311524155690 (READ-ONLY COPY).

The authoritative reference and input builder live on the scoring server;
editing this copy changes nothing except your own understanding.
"""

import jax, jax.numpy as jnp
import numpy as np

N = 10000   # nodes
E = 160000  # edges
H = 256     # emb_size == out_channels
L = 3       # num_layers in GatedGraphConv
G = 64      # number of graphs in batch


def setup_inputs(seed: int = 0) -> dict:
    key = jax.random.key(seed)
    ks = jax.random.split(key, 16)
    s = 1.0 / np.sqrt(H)
    x = jax.random.normal(ks[0], (N, H), dtype=jnp.float32)
    edge_index = jax.random.randint(ks[1], (2, E), 0, N, dtype=jnp.int64)
    batch = jnp.sort(jax.random.randint(ks[2], (N,), 0, G, dtype=jnp.int64))
    mlp_w1 = jax.random.uniform(ks[3], (H, H), jnp.float32, -s, s)
    mlp_b1 = jax.random.uniform(ks[4], (H,), jnp.float32, -s, s)
    mlp_w2 = jax.random.uniform(ks[5], (H, H), jnp.float32, -s, s)
    mlp_b2 = jax.random.uniform(ks[6], (H,), jnp.float32, -s, s)
    ggc_w = jax.random.uniform(ks[7], (L, H, H), jnp.float32, -s, s)
    gru_wih = jax.random.uniform(ks[8], (3 * H, H), jnp.float32, -s, s)
    gru_whh = jax.random.uniform(ks[9], (3 * H, H), jnp.float32, -s, s)
    gru_bih = jax.random.uniform(ks[10], (3 * H,), jnp.float32, -s, s)
    gru_bhh = jax.random.uniform(ks[11], (3 * H,), jnp.float32, -s, s)
    out_w = jax.random.uniform(ks[12], (H, 2), jnp.float32, -s, s)
    out_b = jax.random.uniform(ks[13], (2,), jnp.float32, -s, s)
    return {
        'x': x, 'edge_index': edge_index, 'batch': batch,
        'mlp_w1': mlp_w1, 'mlp_b1': mlp_b1, 'mlp_w2': mlp_w2, 'mlp_b2': mlp_b2,
        'ggc_w': ggc_w,
        'gru_wih': gru_wih, 'gru_whh': gru_whh, 'gru_bih': gru_bih, 'gru_bhh': gru_bhh,
        'out_w': out_w, 'out_b': out_b,
    }


def _gru_cell(inp, h, wih, whh, bih, bhh):
    gi = inp @ wih.T + bih
    gh = h @ whh.T + bhh
    i_r, i_z, i_n = jnp.split(gi, 3, axis=-1)
    h_r, h_z, h_n = jnp.split(gh, 3, axis=-1)
    r = jax.nn.sigmoid(i_r + h_r)
    z = jax.nn.sigmoid(i_z + h_z)
    n = jnp.tanh(i_n + r * h_n)
    return (1.0 - z) * n + z * h


def reference(x, edge_index, batch, mlp_w1, mlp_b1, mlp_w2, mlp_b2, ggc_w,
              gru_wih, gru_whh, gru_bih, gru_bhh, out_w, out_b):
    # inp_mlp: Linear -> ReLU -> Linear -> ReLU
    h = jax.nn.relu(x @ mlp_w1 + mlp_b1)
    h = jax.nn.relu(h @ mlp_w2 + mlp_b2)
    # GatedGraphConv: per layer, m = h @ W[i]; sum-aggregate m_j over incoming edges; GRUCell update
    src = edge_index[0]
    dst = edge_index[1]
    for i in range(L):
        m = h @ ggc_w[i]
        agg = jax.ops.segment_sum(m[src], dst, num_segments=N)
        h = _gru_cell(agg, h, gru_wih, gru_whh, gru_bih, gru_bhh)
    # global_mean_pool over batch assignment
    sums = jax.ops.segment_sum(h, batch, num_segments=G)
    counts = jax.ops.segment_sum(jnp.ones((N, 1), h.dtype), batch, num_segments=G)
    pooled = sums / jnp.maximum(counts, 1.0)
    # ln_out: Linear(H, 2)
    return pooled @ out_w + out_b

if __name__ == "__main__":
    import jax
    _d = setup_inputs()
    print(jax.jit(kernel)(*tuple(_d.values())))

</pallas_src>

<mosaic_0001>
#map = affine_map<(d0, d1) -> (0, 0)>
#map1 = affine_map<(d0, d1) -> (0)>
module attributes {stable_mosaic.version = 14 : i64} {
  func.func @_agg_body(%arg0: i32, %arg1: i32, %arg2: memref<20000x128xf32, #tpu.memory_space<hbm>>, %arg3: memref<160000xi32, #tpu.memory_space<hbm>>, %arg4: memref<160000xi32, #tpu.memory_space<hbm>>, %arg5: memref<625x128xf32, #tpu.memory_space<hbm>>, %arg6: memref<20000x128xf32, #tpu.memory_space<hbm>>, %arg7: memref<128xi32, #tpu.memory_space<vmem>>, %arg8: memref<128xi32, #tpu.memory_space<vmem>>, %arg9: memref<128xi32, #tpu.memory_space<vmem>>, %arg10: memref<128xi32, #tpu.memory_space<vmem>>, %arg11: memref<128xi32, #tpu.memory_space<vmem>>, %arg12: memref<128xi32, #tpu.memory_space<vmem>>, %arg13: memref<16xi32, #tpu.memory_space<vmem>>, %arg14: memref<16xi32, #tpu.memory_space<vmem>>, %arg15: memref<128x128xf32, #tpu.memory_space<vmem>>, %arg16: memref<128x128xf32, #tpu.memory_space<vmem>>, %arg17: memref<10000x128xf32, #tpu.memory_space<vmem_shared>>, %arg18: memref<!tpu.dma_semaphore, #tpu.memory_space<semaphore_mem>>, %arg19: memref<!tpu.dma_semaphore, #tpu.memory_space<semaphore_mem>>, %arg20: memref<!tpu.dma_semaphore, #tpu.memory_space<semaphore_mem>>, %arg21: memref<!tpu.dma_semaphore, #tpu.memory_space<semaphore_mem>>, %arg22: memref<!tpu.dma_semaphore, #tpu.memory_space<semaphore_mem>>) attributes {dimension_semantics = [#tpu.dimension_semantics<core_parallel>, #tpu.dimension_semantics<subcore_parallel>], iteration_bounds = array<i64: 2, 16>, scalar_prefetch = 0 : i64, scratch_operands = 16 : i64, tpu.core_type = #tpu.core_type<sc_vector_subcore>, window_params = [{transform_indices = #map}, {transform_indices = #map1}, {transform_indices = #map1}, {transform_indices = #map}, {transform_indices = #map}]} {
    %mul3A = arith.constant 625 : i32
    %mul3A_0 = arith.muli %arg1, %mul3A : i32
    "tpu.region"() ({
      %run_scoped3A = tpu.sem_alloc : memref<!tpu.dma_semaphore, #tpu.memory_space<semaphore_mem>>
      %dma_start3A_193 = arith.constant 0 : i32
      %dma_start3A_194 = tpu.memref_slice %arg17[%mul3A_0, %dma_start3A_193] : memref<10000x128xf32, #tpu.memory_space<vmem_shared>> -> memref<625x128xf32, #tpu.memory_space<vmem_shared>>
      tpu.enqueue_dma source(%arg5 : memref<625x128xf32, #tpu.memory_space<hbm>>) target(%dma_start3A_194 : memref<625x128xf32, #tpu.memory_space<vmem_shared>>) target_semaphore(%run_scoped3A : memref<!tpu.dma_semaphore, #tpu.memory_space<semaphore_mem>>)
      %dma_wait3A_195 = arith.constant 0 : i32
      %dma_wait3A_196 = tpu.memref_slice %arg17[%mul3A_0, %dma_wait3A_195] : memref<10000x128xf32, #tpu.memory_space<vmem_shared>> -> memref<625x128xf32, #tpu.memory_space<vmem_shared>>
      tpu.wait_dma2 semaphore(%run_scoped3A : memref<!tpu.dma_semaphore, #tpu.memory_space<semaphore_mem>>) src(%arg5 : memref<625x128xf32, #tpu.memory_space<hbm>>) dst(%dma_wait3A_196 : memref<625x128xf32, #tpu.memory_space<vmem_shared>>)
      tpu.yield
    }) : () -> ()
    %barrier3A = arith.constant 0 : index
    tpu.barrier barrier_id(%barrier3A)
    %mul3A_1 = arith.constant 10000 : i32
    %mul3A_2 = arith.muli %arg1, %mul3A_1 : i32
    %mul3A_3 = arith.constant 10000 : i32
    %mul3A_4 = arith.muli %arg0, %mul3A_3 : i32
    %add3A = arith.constant 0 : i32
    %add3A_5 = arith.addi %mul3A_2, %add3A : i32
    "tpu.region"() ({
      %run_scoped3A = tpu.sem_alloc : memref<!tpu.dma_semaphore, #tpu.memory_space<semaphore_mem>>
      %dma_start3A_193 = tpu.memref_slice %arg3[%add3A_5] : memref<160000xi32, #tpu.memory_space<hbm>> -> memref<128xi32, #tpu.memory_space<hbm>>
      %dma_start3A_194 = tpu.memref_slice %arg3[%add3A_5] : memref<160000xi32, #tpu.memory_space<hbm>> -> memref<128xi32, #tpu.memory_space<hbm>>
      tpu.enqueue_dma source(%dma_start3A_194 : memref<128xi32, #tpu.memory_space<hbm>>) target(%arg7 : memref<128xi32, #tpu.memory_space<vmem>>) target_semaphore(%run_scoped3A : memref<!tpu.dma_semaphore, #tpu.memory_space<semaphore_mem>>)
      %dma_wait3A_195 = tpu.memref_slice %arg3[%add3A_5] : memref<160000xi32, #tpu.memory_space<hbm>> -> memref<128xi32, #tpu.memory_space<hbm>>
      %dma_wait3A_196 = tpu.memref_slice %arg3[%add3A_5] : memref<160000xi32, #tpu.memory_space<hbm>> -> memref<128xi32, #tpu.memory_space<hbm>>
      tpu.wait_dma2 semaphore(%run_scoped3A : memref<!tpu.dma_semaphore, #tpu.memory_space<semaphore_mem>>) src(%dma_wait3A_196 : memref<128xi32, #tpu.memory_space<hbm>>) dst(%arg7 : memref<128xi32, #tpu.memory_space<vmem>>)
      tpu.yield
    }) : () -> ()
    %add3A_6 = arith.constant 0 : i32
    %add3A_7 = arith.addi %mul3A_2, %add3A_6 : i32
    "tpu.region"() ({
      %run_scoped3A = tpu.sem_alloc : memref<!tpu.dma_semaphore, #tpu.memory_space<semaphore_mem>>
      %dma_start3A_193 = tpu.memref_slice %arg4[%add3A_7] : memref<160000xi32, #tpu.memory_space<hbm>> -> memref<128xi32, #tpu.memory_space<hbm>>
      %dma_start3A_194 = tpu.memref_slice %arg4[%add3A_7] : memref<160000xi32, #tpu.memory_space<hbm>> -> memref<128xi32, #tpu.memory_space<hbm>>
      tpu.enqueue_dma source(%dma_start3A_194 : memref<128xi32, #tpu.memory_space<hbm>>) target(%arg8 : memref<128xi32, #tpu.memory_space<vmem>>) target_semaphore(%run_scoped3A : memref<!tpu.dma_semaphore, #tpu.memory_space<semaphore_mem>>)
      %dma_wait3A_195 = tpu.memref_slice %arg4[%add3A_7] : memref<160000xi32, #tpu.memory_space<hbm>> -> memref<128xi32, #tpu.memory_space<hbm>>
      %dma_wait3A_196 = tpu.memref_slice %arg4[%add3A_7] : memref<160000xi32, #tpu.memory_space<hbm>> -> memref<128xi32, #tpu.memory_space<hbm>>
      tpu.wait_dma2 semaphore(%run_scoped3A : memref<!tpu.dma_semaphore, #tpu.memory_space<semaphore_mem>>) src(%dma_wait3A_196 : memref<128xi32, #tpu.memory_space<hbm>>) dst(%arg8 : memref<128xi32, #tpu.memory_space<vmem>>)
      tpu.yield
    }) : () -> ()
    %get3A = arith.constant 0 : index
    %get3A_8 = tpu.vector_load %arg7[%get3A] {strides = array<i32>} : memref<128xi32, #tpu.memory_space<vmem>>, vector<16xi32>,
    %get3A_9 = vector.shape_cast %get3A_8 : vector<16xi32> to vector<16xi32>
    %add3A_10 = vector.broadcast %mul3A_4 : i32 to vector<16xi32>
    %add3A_11 = arith.addi %get3A_9, %add3A_10 : vector<16xi32>
    %swap3A = arith.constant 0 : index
    %swap3A_12 = tpu.vector_load %arg7[%swap3A] {strides = array<i32>} : memref<128xi32, #tpu.memory_space<vmem>>, vector<16xi32>,
    %swap3A_13 = vector.shape_cast %swap3A_12 : vector<16xi32> to vector<16xi32>
    %swap3A_14 = vector.shape_cast %add3A_11 : vector<16xi32> to vector<16xi32>
    tpu.vector_store %arg7[%swap3A], %swap3A_14 {strides = array<i32>} : memref<128xi32, #tpu.memory_space<vmem>>, vector<16xi32>,
    %get3A_15 = arith.constant 16 : index
    %get3A_16 = tpu.vector_load %arg7[%get3A_15] {strides = array<i32>} : memref<128xi32, #tpu.memory_space<vmem>>, vector<16xi32>,
    %get3A_17 = vector.shape_cast %get3A_16 : vector<16xi32> to vector<16xi32>
    %add3A_18 = vector.broadcast %mul3A_4 : i32 to vector<16xi32>
    %add3A_19 = arith.addi %get3A_17, %add3A_18 : vector<16xi32>
    %swap3A_20 = arith.constant 16 : index
    %swap3A_21 = tpu.vector_load %arg7[%swap3A_20] {strides = array<i32>} : memref<128xi32, #tpu.memory_space<vmem>>, vector<16xi32>,
    %swap3A_22 = vector.shape_cast %swap3A_21 : vector<16xi32> to vector<16xi32>
    %swap3A_23 = vector.shape_cast %add3A_19 : vector<16xi32> to vector<16xi32>
    tpu.vector_store %arg7[%swap3A_20], %swap3A_23 {strides = array<i32>} : memref<128xi32, #tpu.memory_space<vmem>>, vector<16xi32>,
    %get3A_24 = arith.constant 32 : index
    %get3A_25 = tpu.vector_load %arg7[%get3A_24] {strides = array<i32>} : memref<128xi32, #tpu.memory_space<vmem>>, vector<16xi32>,
    %get3A_26 = vector.shape_cast %get3A_25 : vector<16xi32> to vector<16xi32>
    %add3A_27 = vector.broadcast %mul3A_4 : i32 to vector<16xi32>
    %add3A_28 = arith.addi %get3A_26, %add3A_27 : vector<16xi32>
    %swap3A_29 = arith.constant 32 : index
    %swap3A_30 = tpu.vector_load %arg7[%swap3A_29] {strides = array<i32>} : memref<128xi32, #tpu.memory_space<vmem>>, vector<16xi32>,
    %swap3A_31 = vector.shape_cast %swap3A_30 : vector<16xi32> to vector<16xi32>
    %swap3A_32 = vector.shape_cast %add3A_28 : vector<16xi32> to vector<16xi32>
    tpu.vector_store %arg7[%swap3A_29], %swap3A_32 {strides = array<i32>} : memref<128xi32, #tpu.memory_space<vmem>>, vector<16xi32>,
    %get3A_33 = arith.constant 48 : index
    %get3A_34 = tpu.vector_load %arg7[%get3A_33] {strides = array<i32>} : memref<128xi32, #tpu.memory_space<vmem>>, vector<16xi32>,
    %get3A_35 = vector.shape_cast %get3A_34 : vector<16xi32> to vector<16xi32>
    %add3A_36 = vector.broadcast %mul3A_4 : i32 to vector<16xi32>
    %add3A_37 = arith.addi %get3A_35, %add3A_36 : vector<16xi32>
    %swap3A_38 = arith.constant 48 : index
    %swap3A_39 = tpu.vector_load %arg7[%swap3A_38] {strides = array<i32>} : memref<128xi32, #tpu.memory_space<vmem>>, vector<16xi32>,
    %swap3A_40 = vector.shape_cast %swap3A_39 : vector<16xi32> to vector<16xi32>
    %swap3A_41 = vector.shape_cast %add3A_37 : vector<16xi32> to vector<16xi32>
    tpu.vector_store %arg7[%swap3A_38], %swap3A_41 {strides = array<i32>} : memref<128xi32, #tpu.memory_space<vmem>>, vector<16xi32>,
    %get3A_42 = arith.constant 64 : index
    %get3A_43 = tpu.vector_load %arg7[%get3A_42] {strides = array<i32>} : memref<128xi32, #tpu.memory_space<vmem>>, vector<16xi32>,
    %get3A_44 = vector.shape_cast %get3A_43 : vector<16xi32> to vector<16xi32>
    %add3A_45 = vector.broadcast %mul3A_4 : i32 to vector<16xi32>
    %add3A_46 = arith.addi %get3A_44, %add3A_45 : vector<16xi32>
    %swap3A_47 = arith.constant 64 : index
    %swap3A_48 = tpu.vector_load %arg7[%swap3A_47] {strides = array<i32>} : memref<128xi32, #tpu.memory_space<vmem>>, vector<16xi32>,
    %swap3A_49 = vector.shape_cast %swap3A_48 : vector<16xi32> to vector<16xi32>
    %swap3A_50 = vector.shape_cast %add3A_46 : vector<16xi32> to vector<16xi32>
    tpu.vector_store %arg7[%swap3A_47], %swap3A_50 {strides = array<i32>} : memref<128xi32, #tpu.memory_space<vmem>>, vector<16xi32>,
    %get3A_51 = arith.constant 80 : index
    %get3A_52 = tpu.vector_load %arg7[%get3A_51] {strides = array<i32>} : memref<128xi32, #tpu.memory_space<vmem>>, vector<16xi32>,
    %get3A_53 = vector.shape_cast %get3A_52 : vector<16xi32> to vector<16xi32>
    %add3A_54 = vector.broadcast %mul3A_4 : i32 to vector<16xi32>
    %add3A_55 = arith.addi %get3A_53, %add3A_54 : vector<16xi32>
    %swap3A_56 = arith.constant 80 : index
    %swap3A_57 = tpu.vector_load %arg7[%swap3A_56] {strides = array<i32>} : memref<128xi32, #tpu.memory_space<vmem>>, vector<16xi32>,
    %swap3A_58 = vector.shape_cast %swap3A_57 : vector<16xi32> to vector<16xi32>
    %swap3A_59 = vector.shape_cast %add3A_55 : vector<16xi32> to vector<16xi32>
    tpu.vector_store %arg7[%swap3A_56], %swap3A_59 {strides = array<i32>} : memref<128xi32, #tpu.memory_space<vmem>>, vector<16xi32>,
    %get3A_60 = arith.constant 96 : index
    %get3A_61 = tpu.vector_load %arg7[%get3A_60] {strides = array<i32>} : memref<128xi32, #tpu.memory_space<vmem>>, vector<16xi32>,
    %get3A_62 = vector.shape_cast %get3A_61 : vector<16xi32> to vector<16xi32>
    %add3A_63 = vector.broadcast %mul3A_4 : i32 to vector<16xi32>
    %add3A_64 = arith.addi %get3A_62, %add3A_63 : vector<16xi32>
    %swap3A_65 = arith.constant 96 : index
    %swap3A_66 = tpu.vector_load %arg7[%swap3A_65] {strides = array<i32>} : memref<128xi32, #tpu.memory_space<vmem>>, vector<16xi32>,
    %swap3A_67 = vector.shape_cast %swap3A_66 : vector<16xi32> to vector<16xi32>
    %swap3A_68 = vector.shape_cast %add3A_64 : vector<16xi32> to vector<16xi32>
    tpu.vector_store %arg7[%swap3A_65], %swap3A_68 {strides = array<i32>} : memref<128xi32, #tpu.memory_space<vmem>>, vector<16xi32>,
    %get3A_69 = arith.constant 112 : index
    %get3A_70 = tpu.vector_load %arg7[%get3A_69] {strides = array<i32>} : memref<128xi32, #tpu.memory_space<vmem>>, vector<16xi32>,
    %get3A_71 = vector.shape_cast %get3A_70 : vector<16xi32> to vector<16xi32>
    %add3A_72 = vector.broadcast %mul3A_4 : i32 to vector<16xi32>
    %add3A_73 = arith.addi %get3A_71, %add3A_72 : vector<16xi32>
    %swap3A_74 = arith.constant 112 : index
    %swap3A_75 = tpu.vector_load %arg7[%swap3A_74] {strides = array<i32>} : memref<128xi32, #tpu.memory_space<vmem>>, vector<16xi32>,
    %swap3A_76 = vector.shape_cast %swap3A_75 : vector<16xi32> to vector<16xi32>
    %swap3A_77 = vector.shape_cast %add3A_73 : vector<16xi32> to vector<16xi32>
    tpu.vector_store %arg7[%swap3A_74], %swap3A_77 {strides = array<i32>} : memref<128xi32, #tpu.memory_space<vmem>>, vector<16xi32>,
    %dma_start3A = arith.constant 0 : i32
    %dma_start3A_78 = arith.constant 0 : i32
    %dma_start3A_79 = tpu.memref_slice %arg2[%dma_start3A, %dma_start3A_78] : memref<20000x128xf32, #tpu.memory_space<hbm>> -> memref<20000x128xf32, #tpu.memory_space<hbm>>
    tpu.enqueue_indirect_dma source(%dma_start3A_79 : memref<20000x128xf32, #tpu.memory_space<hbm>>) target(%arg15 : memref<128x128xf32, #tpu.memory_space<vmem>>) offsets(%arg7 : memref<128xi32, #tpu.memory_space<vmem>>) semaphore(%arg18 : memref<!tpu.dma_semaphore, #tpu.memory_space<semaphore_mem>>)
    %add3A_80 = arith.constant 128 : i32
    %add3A_81 = arith.addi %mul3A_2, %add3A_80 : i32
    "tpu.region"() ({
      %run_scoped3A = tpu.sem_alloc : memref<!tpu.dma_semaphore, #tpu.memory_space<semaphore_mem>>
      %dma_start3A_193 = tpu.memref_slice %arg3[%add3A_81] : memref<160000xi32, #tpu.memory_space<hbm>> -> memref<128xi32, #tpu.memory_space<hbm>>
      %dma_start3A_194 = tpu.memref_slice %arg3[%add3A_81] : memref<160000xi32, #tpu.memory_space<hbm>> -> memref<128xi32, #tpu.memory_space<hbm>>
      tpu.enqueue_dma source(%dma_start3A_194 : memref<128xi32, #tpu.memory_space<hbm>>) target(%arg9 : memref<128xi32, #tpu.memory_space<vmem>>) target_semaphore(%run_scoped3A : memref<!tpu.dma_semaphore, #tpu.memory_space<semaphore_mem>>)
      %dma_wait3A_195 = tpu.memref_slice %arg3[%add3A_81] : memref<160000xi32, #tpu.memory_space<hbm>> -> memref<128xi32, #tpu.memory_space<hbm>>
      %dma_wait3A_196 = tpu.memref_slice %arg3[%add3A_81] : memref<160000xi32, #tpu.memory_space<hbm>> -> memref<128xi32, #tpu.memory_space<hbm>>
      tpu.wait_dma2 semaphore(%run_scoped3A : memref<!tpu.dma_semaphore, #tpu.memory_space<semaphore_mem>>) src(%dma_wait3A_196 : memref<128xi32, #tpu.memory_space<hbm>>) dst(%arg9 : memref<128xi32, #tpu.memory_space<vmem>>)
      tpu.yield
    }) : () -> ()
    %add3A_82 = arith.constant 128 : i32
    %add3A_83 = arith.addi %mul3A_2, %add3A_82 : i32
    "tpu.region"() ({
      %run_scoped3A = tpu.sem_alloc : memref<!tpu.dma_semaphore, #tpu.memory_space<semaphore_mem>>
      %dma_start3A_193 = tpu.memref_slice %arg4[%add3A_83] : memref<160000xi32, #tpu.memory_space<hbm>> -> memref<128xi32, #tpu.memory_space<hbm>>
      %dma_start3A_194 = tpu.memref_slice %arg4[%add3A_83] : memref<160000xi32, #tpu.memory_space<hbm>> -> memref<128xi32, #tpu.memory_space<hbm>>
      tpu.enqueue_dma source(%dma_start3A_194 : memref<128xi32, #tpu.memory_space<hbm>>) target(%arg10 : memref<128xi32, #tpu.memory_space<vmem>>) target_semaphore(%run_scoped3A : memref<!tpu.dma_semaphore, #tpu.memory_space<semaphore_mem>>)
      %dma_wait3A_195 = tpu.memref_slice %arg4[%add3A_83] : memref<160000xi32, #tpu.memory_space<hbm>> -> memref<128xi32, #tpu.memory_space<hbm>>
      %dma_wait3A_196 = tpu.memref_slice %arg4[%add3A_83] : memref<160000xi32, #tpu.memory_space<hbm>> -> memref<128xi32, #tpu.memory_space<hbm>>
      tpu.wait_dma2 semaphore(%run_scoped3A : memref<!tpu.dma_semaphore, #tpu.memory_space<semaphore_mem>>) src(%dma_wait3A_196 : memref<128xi32, #tpu.memory_space<hbm>>) dst(%arg10 : memref<128xi32, #tpu.memory_space<vmem>>)
      tpu.yield
    }) : () -> ()
    %get3A_84 = arith.constant 0 : index
    %get3A_85 = tpu.vector_load %arg9[%get3A_84] {strides = array<i32>} : memref<128xi32, #tpu.memory_space<vmem>>, vector<16xi32>,
    %get3A_86 = vector.shape_cast %get3A_85 : vector<16xi32> to vector<16xi32>
    %add3A_87 = vector.broadcast %mul3A_4 : i32 to vector<16xi32>
    %add3A_88 = arith.addi %get3A_86, %add3A_87 : vector<16xi32>
    %swap3A_89 = arith.constant 0 : index
    %swap3A_90 = tpu.vector_load %arg9[%swap3A_89] {strides = array<i32>} : memref<128xi32, #tpu.memory_space<vmem>>, vector<16xi32>,
    %swap3A_91 = vector.shape_cast %swap3A_90 : vector<16xi32> to vector<16xi32>
    %swap3A_92 = vector.shape_cast %add3A_88 : vector<16xi32> to vector<16xi32>
    tpu.vector_store %arg9[%swap3A_89], %swap3A_92 {strides = array<i32>} : memref<128xi32, #tpu.memory_space<vmem>>, vector<16xi32>,
    %get3A_93 = arith.constant 16 : index
    %get3A_94 = tpu.vector_load %arg9[%get3A_93] {strides = array<i32>} : memref<128xi32, #tpu.memory_space<vmem>>, vector<16xi32>,
    %get3A_95 = vector.shape_cast %get3A_94 : vector<16xi32> to vector<16xi32>
    %add3A_96 = vector.broadcast %mul3A_4 : i32 to vector<16xi32>
    %add3A_97 = arith.addi %get3A_95, %add3A_96 : vector<16xi32>
    %swap3A_98 = arith.constant 16 : index
    %swap3A_99 = tpu.vector_load %arg9[%swap3A_98] {strides = array<i32>} : memref<128xi32, #tpu.memory_space<vmem>>, vector<16xi32>,
    %swap3A_100 = vector.shape_cast %swap3A_99 : vector<16xi32> to vector<16xi32>
    %swap3A_101 = vector.shape_cast %add3A_97 : vector<16xi32> to vector<16xi32>
    tpu.vector_store %arg9[%swap3A_98], %swap3A_101 {strides = array<i32>} : memref<128xi32, #tpu.memory_space<vmem>>, vector<16xi32>,
    %get3A_102 = arith.constant 32 : index
    %get3A_103 = tpu.vector_load %arg9[%get3A_102] {strides = array<i32>} : memref<128xi32, #tpu.memory_space<vmem>>, vector<16xi32>,
    %get3A_104 = vector.shape_cast %get3A_103 : vector<16xi32> to vector<16xi32>
    %add3A_105 = vector.broadcast %mul3A_4 : i32 to vector<16xi32>
    %add3A_106 = arith.addi %get3A_104, %add3A_105 : vector<16xi32>
    %swap3A_107 = arith.constant 32 : index
    %swap3A_108 = tpu.vector_load %arg9[%swap3A_107] {strides = array<i32>} : memref<128xi32, #tpu.memory_space<vmem>>, vector<16xi32>,
    %swap3A_109 = vector.shape_cast %swap3A_108 : vector<16xi32> to vector<16xi32>
    %swap3A_110 = vector.shape_cast %add3A_106 : vector<16xi32> to vector<16xi32>
    tpu.vector_store %arg9[%swap3A_107], %swap3A_110 {strides = array<i32>} : memref<128xi32, #tpu.memory_space<vmem>>, vector<16xi32>,
    %get3A_111 = arith.constant 48 : index
    %get3A_112 = tpu.vector_load %arg9[%get3A_111] {strides = array<i32>} : memref<128xi32, #tpu.memory_space<vmem>>, vector<16xi32>,
    %get3A_113 = vector.shape_cast %get3A_112 : vector<16xi32> to vector<16xi32>
    %add3A_114 = vector.broadcast %mul3A_4 : i32 to vector<16xi32>
    %add3A_115 = arith.addi %get3A_113, %add3A_114 : vector<16xi32>
    %swap3A_116 = arith.constant 48 : index
    %swap3A_117 = tpu.vector_load %arg9[%swap3A_116] {strides = array<i32>} : memref<128xi32, #tpu.memory_space<vmem>>, vector<16xi32>,
    %swap3A_118 = vector.shape_cast %swap3A_117 : vector<16xi32> to vector<16xi32>
    %swap3A_119 = vector.shape_cast %add3A_115 : vector<16xi32> to vector<16xi32>
    tpu.vector_store %arg9[%swap3A_116], %swap3A_119 {strides = array<i32>} : memref<128xi32, #tpu.memory_space<vmem>>, vector<16xi32>,
    %get3A_120 = arith.constant 64 : index
    %get3A_121 = tpu.vector_load %arg9[%get3A_120] {strides = array<i32>} : memref<128xi32, #tpu.memory_space<vmem>>, vector<16xi32>,
    %get3A_122 = vector.shape_cast %get3A_121 : vector<16xi32> to vector<16xi32>
    %add3A_123 = vector.broadcast %mul3A_4 : i32 to vector<16xi32>
    %add3A_124 = arith.addi %get3A_122, %add3A_123 : vector<16xi32>
    %swap3A_125 = arith.constant 64 : index
    %swap3A_126 = tpu.vector_load %arg9[%swap3A_125] {strides = array<i32>} : memref<128xi32, #tpu.memory_space<vmem>>, vector<16xi32>,
    %swap3A_127 = vector.shape_cast %swap3A_126 : vector<16xi32> to vector<16xi32>
    %swap3A_128 = vector.shape_cast %add3A_124 : vector<16xi32> to vector<16xi32>
    tpu.vector_store %arg9[%swap3A_125], %swap3A_128 {strides = array<i32>} : memref<128xi32, #tpu.memory_space<vmem>>, vector<16xi32>,
    %get3A_129 = arith.constant 80 : index
    %get3A_130 = tpu.vector_load %arg9[%get3A_129] {strides = array<i32>} : memref<128xi32, #tpu.memory_space<vmem>>, vector<16xi32>,
    %get3A_131 = vector.shape_cast %get3A_130 : vector<16xi32> to vector<16xi32>
    %add3A_132 = vector.broadcast %mul3A_4 : i32 to vector<16xi32>
    %add3A_133 = arith.addi %get3A_131, %add3A_132 : vector<16xi32>
    %swap3A_134 = arith.constant 80 : index
    %swap3A_135 = tpu.vector_load %arg9[%swap3A_134] {strides = array<i32>} : memref<128xi32, #tpu.memory_space<vmem>>, vector<16xi32>,
    %swap3A_136 = vector.shape_cast %swap3A_135 : vector<16xi32> to vector<16xi32>
    %swap3A_137 = vector.shape_cast %add3A_133 : vector<16xi32> to vector<16xi32>
    tpu.vector_store %arg9[%swap3A_134], %swap3A_137 {strides = array<i32>} : memref<128xi32, #tpu.memory_space<vmem>>, vector<16xi32>,
    %get3A_138 = arith.constant 96 : index
    %get3A_139 = tpu.vector_load %arg9[%get3A_138] {strides = array<i32>} : memref<128xi32, #tpu.memory_space<vmem>>, vector<16xi32>,
    %get3A_140 = vector.shape_cast %get3A_139 : vector<16xi32> to vector<16xi32>
    %add3A_141 = vector.broadcast %mul3A_4 : i32 to vector<16xi32>
    %add3A_142 = arith.addi %get3A_140, %add3A_141 : vector<16xi32>
    %swap3A_143 = arith.constant 96 : index
    %swap3A_144 = tpu.vector_load %arg9[%swap3A_143] {strides = array<i32>} : memref<128xi32, #tpu.memory_space<vmem>>, vector<16xi32>,
    %swap3A_145 = vector.shape_cast %swap3A_144 : vector<16xi32> to vector<16xi32>
    %swap3A_146 = vector.shape_cast %add3A_142 : vector<16xi32> to vector<16xi32>
    tpu.vector_store %arg9[%swap3A_143], %swap3A_146 {strides = array<i32>} : memref<128xi32, #tpu.memory_space<vmem>>, vector<16xi32>,
    %get3A_147 = arith.constant 112 : index
    %get3A_148 = tpu.vector_load %arg9[%get3A_147] {strides = array<i32>} : memref<128xi32, #tpu.memory_space<vmem>>, vector<16xi32>,
    %get3A_149 = vector.shape_cast %get3A_148 : vector<16xi32> to vector<16xi32>
    %add3A_150 = vector.broadcast %mul3A_4 : i32 to vector<16xi32>
    %add3A_151 = arith.addi %get3A_149, %add3A_150 : vector<16xi32>
    %swap3A_152 = arith.constant 112 : index
    %swap3A_153 = tpu.vector_load %arg9[%swap3A_152] {strides = array<i32>} : memref<128xi32, #tpu.memory_space<vmem>>, vector<16xi32>,
    %swap3A_154 = vector.shape_cast %swap3A_153 : vector<16xi32> to vector<16xi32>
    %swap3A_155 = vector.shape_cast %add3A_151 : vector<16xi32> to vector<16xi32>
    tpu.vector_store %arg9[%swap3A_152], %swap3A_155 {strides = array<i32>} : memref<128xi32, #tpu.memory_space<vmem>>, vector<16xi32>,
    %scan3A = arith.constant 0 : i32
    %scan3A_156 = arith.constant 0 : i32
    %scan3A_157 = arith.constant 39 : i32
    %scan3A_158 = arith.addi %scan3A_156, %scan3A_157 : i32
    %scan3A_159 = arith.constant 1 : i32
    scf.for %scan3A_193 = %scan3A_156 to %scan3A_158 step %scan3A_159  : i32 {
      %dma_start3A_194 = arith.constant 0 : i32
      %dma_start3A_195 = arith.constant 0 : i32
      %dma_start3A_196 = tpu.memref_slice %arg2[%dma_start3A_194, %dma_start3A_195] : memref<20000x128xf32, #tpu.memory_space<hbm>> -> memref<20000x128xf32, #tpu.memory_space<hbm>>
      tpu.enqueue_indirect_dma source(%dma_start3A_196 : memref<20000x128xf32, #tpu.memory_space<hbm>>) target(%arg16 : memref<128x128xf32, #tpu.memory_space<vmem>>) offsets(%arg9 : memref<128xi32, #tpu.memory_space<vmem>>) semaphore(%arg19 : memref<!tpu.dma_semaphore, #tpu.memory_space<semaphore_mem>>)
      %dma_wait3A_197 = arith.constant 0 : i32
      %dma_wait3A_198 = arith.constant 0 : i32
      %dma_wait3A_199 = tpu.memref_slice %arg2[%dma_wait3A_197, %dma_wait3A_198] : memref<20000x128xf32, #tpu.memory_space<hbm>> -> memref<20000x128xf32, #tpu.memory_space<hbm>>
      tpu.wait_indirect_dma semaphore(%arg18 : memref<!tpu.dma_semaphore, #tpu.memory_space<semaphore_mem>>) src(%dma_wait3A_199 : memref<20000x128xf32, #tpu.memory_space<hbm>>) dst(%arg15 : memref<128x128xf32, #tpu.memory_space<vmem>>)
      %eq3A_200 = arith.constant 38 : i32
      %eq3A_201 = arith.cmpi eq, %scan3A_193, %eq3A_200 : i32
      %get3A_202 = arith.constant 0 : index
      %get3A_203 = tpu.vector_load %arg8[%get3A_202] {strides = array<i32>} : memref<128xi32, #tpu.memory_space<vmem>>, vector<16xi32>,
      %get3A_204 = vector.shape_cast %get3A_203 : vector<16xi32> to vector<16xi32>
      %swap3A_205 = arith.constant 0 : index
      %swap3A_206 = tpu.vector_load %arg11[%swap3A_205] {strides = array<i32>} : memref<128xi32, #tpu.memory_space<vmem>>, vector<16xi32>,
      %swap3A_207 = vector.shape_cast %swap3A_206 : vector<16xi32> to vector<16xi32>
      %swap3A_208 = vector.shape_cast %get3A_204 : vector<16xi32> to vector<16xi32>
      tpu.vector_store %arg11[%swap3A_205], %swap3A_208 {strides = array<i32>} : memref<128xi32, #tpu.memory_space<vmem>>, vector<16xi32>,
      %get3A_209 = arith.constant 16 : index
      %get3A_210 = tpu.vector_load %arg8[%get3A_209] {strides = array<i32>} : memref<128xi32, #tpu.memory_space<vmem>>, vector<16xi32>,
      %get3A_211 = vector.shape_cast %get3A_210 : vector<16xi32> to vector<16xi32>
      %swap3A_212 = arith.constant 16 : index
      %swap3A_213 = tpu.vector_load %arg11[%swap3A_212] {strides = array<i32>} : memref<128xi32, #tpu.memory_space<vmem>>, vector<16xi32>,
      %swap3A_214 = vector.shape_cast %swap3A_213 : vector<16xi32> to vector<16xi32>
      %swap3A_215 = vector.shape_cast %get3A_211 : vector<16xi32> to vector<16xi32>
      tpu.vector_store %arg11[%swap3A_212], %swap3A_215 {strides = array<i32>} : memref<128xi32, #tpu.memory_space<vmem>>, vector<16xi32>,
      %get3A_216 = arith.constant 32 : index
      %get3A_217 = tpu.vector_load %arg8[%get3A_216] {strides = array<i32>} : memref<128xi32, #tpu.memory_space<vmem>>, vector<16xi32>,
      %get3A_218 = vector.shape_cast %get3A_217 : vector<16xi32> to vector<16xi32>
      %swap3A_219 = arith.constant 32 : index
      %swap3A_220 = tpu.vector_load %arg11[%swap3A_219] {strides = array<i32>} : memref<128xi32, #tpu.memory_space<vmem>>, vector<16xi32>,
      %swap3A_221 = vector.shape_cast %swap3A_220 : vector<16xi32> to vector<16xi32>
      %swap3A_222 = vector.shape_cast %get3A_218 : vector<16xi32> to vector<16xi32>
      tpu.vector_store %arg11[%swap3A_219], %swap3A_222 {strides = array<i32>} : memref<128xi32, #tpu.memory_space<vmem>>, vector<16xi32>,
      %get3A_223 = arith.constant 48 : index
      %get3A_224 = tpu.vector_load %arg8[%get3A_223] {strides = array<i32>} : memref<128xi32, #tpu.memory_space<vmem>>, vector<16xi32>,
      %get3A_225 = vector.shape_cast %get3A_224 : vector<16xi32> to vector<16xi32>
      %swap3A_226 = arith.constant 48 : index
      %swap3A_227 = tpu.vector_load %arg11[%swap3A_226] {strides = array<i32>} : memref<128xi32, #tpu.memory_space<vmem>>, vector<16xi32>,
      %swap3A_228 = vector.shape_cast %swap3A_227 : vector<16xi32> to vector<16xi32>
      %swap3A_229 = vector.shape_cast %get3A_225 : vector<16xi32> to vector<16xi32>
      tpu.vector_store %arg11[%swap3A_226], %swap3A_229 {strides = array<i32>} : memref<128xi32, #tpu.memory_space<vmem>>, vector<16xi32>,
      %get3A_230 = arith.constant 64 : index
      %get3A_231 = tpu.vector_load %arg8[%get3A_230] {strides = array<i32>} : memref<128xi32, #tpu.memory_space<vmem>>, vector<16xi32>,
      %get3A_232 = vector.shape_cast %get3A_231 : vector<16xi32> to vector<16xi32>
      %swap3A_233 = arith.constant 64 : index
      %swap3A_234 = tpu.vector_load %arg11[%swap3A_233] {strides = array<i32>} : memref<128xi32, #tpu.memory_space<vmem>>, vector<16xi32>,
      %swap3A_235 = vector.shape_cast %swap3A_234 : vector<16xi32> to vector<16xi32>
      %swap3A_236 = vector.shape_cast %get3A_232 : vector<16xi32> to vector<16xi32>
      tpu.vector_store %arg11[%swap3A_233], %swap3A_236 {strides = array<i32>} : memref<128xi32, #tpu.memory_space<vmem>>, vector<16xi32>,
      %get3A_237 = arith.constant 80 : index
      %get3A_238 = tpu.vector_load %arg8[%get3A_237] {strides = array<i32>} : memref<128xi32, #tpu.memory_space<vmem>>, vector<16xi32>,
      %get3A_239 = vector.shape_cast %get3A_238 : vector<16xi32> to vector<16xi32>
      %swap3A_240 = arith.constant 80 : index
      %swap3A_241 = tpu.vector_load %arg11[%swap3A_240] {strides = array<i32>} : memref<128xi32, #tpu.memory_space<vmem>>, vector<16xi32>,
      %swap3A_242 = vector.shape_cast %swap3A_241 : vector<16xi32> to vector<16xi32>
      %swap3A_243 = vector.shape_cast %get3A_239 : vector<16xi32> to vector<16xi32>
      tpu.vector_store %arg11[%swap3A_240], %swap3A_243 {strides = array<i32>} : memref<128xi32, #tpu.memory_space<vmem>>, vector<16xi32>,
      %get3A_244 = arith.constant 96 : index
      %get3A_245 = tpu.vector_load %arg8[%get3A_244] {strides = array<i32>} : memref<128xi32, #tpu.memory_space<vmem>>, vector<16xi32>,
      %get3A_246 = vector.shape_cast %get3A_245 : vector<16xi32> to vector<16xi32>
      %swap3A_247 = arith.constant 96 : index
      %swap3A_248 = tpu.vector_load %arg11[%swap3A_247] {strides = array<i32>} : memref<128xi32, #tpu.memory_space<vmem>>, vector<16xi32>,
      %swap3A_249 = vector.shape_cast %swap3A_248 : vector<16xi32> to vector<16xi32>
      %swap3A_250 = vector.shape_cast %get3A_246 : vector<16xi32> to vector<16xi32>
      tpu.vector_store %arg11[%swap3A_247], %swap3A_250 {strides = array<i32>} : memref<128xi32, #tpu.memory_space<vmem>>, vector<16xi32>,
      %get3A_251 = arith.constant 112 : index
      %get3A_252 = tpu.vector_load %arg8[%get3A_251] {strides = array<i32>} : memref<128xi32, #tpu.memory_space<vmem>>, vector<16xi32>,
      %get3A_253 = vector.shape_cast %get3A_252 : vector<16xi32> to vector<16xi32>
      %swap3A_254 = arith.constant 112 : index
      %swap3A_255 = tpu.vector_load %arg11[%swap3A_254] {strides = array<i32>} : memref<128xi32, #tpu.memory_space<vmem>>, vector<16xi32>,
      %swap3A_256 = vector.shape_cast %swap3A_255 : vector<16xi32> to vector<16xi32>
      %swap3A_257 = vector.shape_cast %get3A_253 : vector<16xi32> to vector<16xi32>
      tpu.vector_store %arg11[%swap3A_254], %swap3A_257 {strides = array<i32>} : memref<128xi32, #tpu.memory_space<vmem>>, vector<16xi32>,
      %not3A = arith.constant true
      %not3A_258 = arith.xori %eq3A_201, %not3A : i1
      %convert_element_type3A_259 = arith.extui %not3A_258 : i1 to i32
      %cond3A_260 = arith.constant 0 : i32
      %cond3A_261 = arith.cmpi ne, %convert_element_type3A_259, %cond3A_260 : i32
      scf.if %cond3A_261 {
        %mul3A_336 = arith.constant 2 : i32
        %mul3A_337 = arith.muli %mul3A_336, %scan3A_193 : i32
        %add3A_338 = arith.constant 2 : i32
        %add3A_339 = arith.addi %mul3A_337, %add3A_338 : i32
        %mul3A_340 = arith.constant 128 : i32
        %mul3A_341 = arith.muli %add3A_339, %mul3A_340 : i32
        %add3A_342 = arith.addi %mul3A_2, %mul3A_341 : i32
        %dma_start3A_343 = tpu.memref_slice %arg3[%add3A_342] : memref<160000xi32, #tpu.memory_space<hbm>> -> memref<128xi32, #tpu.memory_space<hbm>>
        %dma_start3A_344 = tpu.memref_slice %arg3[%add3A_342] : memref<160000xi32, #tpu.memory_space<hbm>> -> memref<128xi32, #tpu.memory_space<hbm>>
        tpu.enqueue_dma source(%dma_start3A_344 : memref<128xi32, #tpu.memory_space<hbm>>) target(%arg7 : memref<128xi32, #tpu.memory_space<vmem>>) target_semaphore(%arg22 : memref<!tpu.dma_semaphore, #tpu.memory_space<semaphore_mem>>)
        %mul3A_345 = arith.constant 128 : i32
        %mul3A_346 = arith.muli %add3A_339, %mul3A_345 : i32
        %add3A_347 = arith.addi %mul3A_2, %mul3A_346 : i32
        %dma_start3A_348 = tpu.memref_slice %arg4[%add3A_347] : memref<160000xi32, #tpu.memory_space<hbm>> -> memref<128xi32, #tpu.memory_space<hbm>>
        %dma_start3A_349 = tpu.memref_slice %arg4[%add3A_347] : memref<160000xi32, #tpu.memory_space<hbm>> -> memref<128xi32, #tpu.memory_space<hbm>>
        tpu.enqueue_dma source(%dma_start3A_349 : memref<128xi32, #tpu.memory_space<hbm>>) target(%arg8 : memref<128xi32, #tpu.memory_space<vmem>>) target_semaphore(%arg22 : memref<!tpu.dma_semaphore, #tpu.memory_space<semaphore_mem>>)
      } else {
      }
      "tpu.region"() ({
        %run_scoped3A = tpu.sem_alloc : memref<!tpu.dma_semaphore, #tpu.memory_space<semaphore_mem>>
        %dma_start3A_336 = arith.constant 0 : i32
        %dma_start3A_337 = arith.constant 0 : i32
        %dma_start3A_338 = tpu.memref_slice %arg17[%dma_start3A_336, %dma_start3A_337] : memref<10000x128xf32, #tpu.memory_space<vmem_shared>> -> memref<10000x128xf32, #tpu.memory_space<vmem_shared>>
        tpu.enqueue_indirect_dma source(%arg15 : memref<128x128xf32, #tpu.memory_space<vmem>>) target(%dma_start3A_338 : memref<10000x128xf32, #tpu.memory_space<vmem_shared>>) offsets(%arg11 : memref<128xi32, #tpu.memory_space<vmem>>) semaphore(%run_scoped3A : memref<!tpu.dma_semaphore, #tpu.memory_space<semaphore_mem>>) {add = true}
        %dma_wait3A_339 = arith.constant 0 : i32
        %dma_wait3A_340 = arith.constant 0 : i32
        %dma_wait3A_341 = tpu.memref_slice %arg17[%dma_wait3A_339, %dma_wait3A_340] : memref<10000x128xf32, #tpu.memory_space<vmem_shared>> -> memref<10000x128xf32, #tpu.memory_space<vmem_shared>>
        tpu.wait_indirect_dma semaphore(%run_scoped3A : memref<!tpu.dma_semaphore, #tpu.memory_space<semaphore_mem>>) src(%arg15 : memref<128x128xf32, #tpu.memory_space<vmem>>) dst(%dma_wait3A_341 : memref<10000x128xf32, #tpu.memory_space<vmem_shared>>)
        tpu.yield
      }) : () -> ()
      %not3A_262 = arith.constant true
      %not3A_263 = arith.xori %eq3A_201, %not3A_262 : i1
      %convert_element_type3A_264 = arith.extui %not3A_263 : i1 to i32
      %cond3A_265 = arith.constant 0 : i32
      %cond3A_266 = arith.cmpi ne, %convert_element_type3A_264, %cond3A_265 : i32
      scf.if %cond3A_266 {
        %mul3A_336 = arith.constant 2 : i32
        %mul3A_337 = arith.muli %mul3A_336, %scan3A_193 : i32
        %add3A_338 = arith.constant 2 : i32
        %add3A_339 = arith.addi %mul3A_337, %add3A_338 : i32
        %mul3A_340 = arith.constant 128 : i32
        %mul3A_341 = arith.muli %add3A_339, %mul3A_340 : i32
        %add3A_342 = arith.addi %mul3A_2, %mul3A_341 : i32
        %dma_wait3A_343 = tpu.memref_slice %arg3[%add3A_342] : memref<160000xi32, #tpu.memory_space<hbm>> -> memref<128xi32, #tpu.memory_space<hbm>>
        %dma_wait3A_344 = tpu.memref_slice %arg3[%add3A_342] : memref<160000xi32, #tpu.memory_space<hbm>> -> memref<128xi32, #tpu.memory_space<hbm>>
        tpu.wait_dma2 semaphore(%arg22 : memref<!tpu.dma_semaphore, #tpu.memory_space<semaphore_mem>>) src(%dma_wait3A_344 : memref<128xi32, #tpu.memory_space<hbm>>) dst(%arg7 : memref<128xi32, #tpu.memory_space<vmem>>)
        %mul3A_345 = arith.constant 128 : i32
        %mul3A_346 = arith.muli %add3A_339, %mul3A_345 : i32
        %add3A_347 = arith.addi %mul3A_2, %mul3A_346 : i32
        %dma_wait3A_348 = tpu.memref_slice %arg4[%add3A_347] : memref<160000xi32, #tpu.memory_space<hbm>> -> memref<128xi32, #tpu.memory_space<hbm>>
        %dma_wait3A_349 = tpu.memref_slice %arg4[%add3A_347] : memref<160000xi32, #tpu.memory_space<hbm>> -> memref<128xi32, #tpu.memory_space<hbm>>
        tpu.wait_dma2 semaphore(%arg22 : memref<!tpu.dma_semaphore, #tpu.memory_space<semaphore_mem>>) src(%dma_wait3A_349 : memref<128xi32, #tpu.memory_space<hbm>>) dst(%arg8 : memref<128xi32, #tpu.memory_space<vmem>>)
        %get3A_350 = arith.constant 0 : index
        %get3A_351 = tpu.vector_load %arg7[%get3A_350] {strides = array<i32>} : memref<128xi32, #tpu.memory_space<vmem>>, vector<16xi32>,
        %get3A_352 = vector.shape_cast %get3A_351 : vector<16xi32> to vector<16xi32>
        %add3A_353 = vector.broadcast %mul3A_4 : i32 to vector<16xi32>
        %add3A_354 = arith.addi %get3A_352, %add3A_353 : vector<16xi32>
        %swap3A_355 = arith.constant 0 : index
        %swap3A_356 = tpu.vector_load %arg7[%swap3A_355] {strides = array<i32>} : memref<128xi32, #tpu.memory_space<vmem>>, vector<16xi32>,
        %swap3A_357 = vector.shape_cast %swap3A_356 : vector<16xi32> to vector<16xi32>
        %swap3A_358 = vector.shape_cast %add3A_354 : vector<16xi32> to vector<16xi32>
        tpu.vector_store %arg7[%swap3A_355], %swap3A_358 {strides = array<i32>} : memref<128xi32, #tpu.memory_space<vmem>>, vector<16xi32>,
        %get3A_359 = arith.constant 16 : index
        %get3A_360 = tpu.vector_load %arg7[%get3A_359] {strides = array<i32>} : memref<128xi32, #tpu.memory_space<vmem>>, vector<16xi32>,
        %get3A_361 = vector.shape_cast %get3A_360 : vector<16xi32> to vector<16xi32>
        %add3A_362 = vector.broadcast %mul3A_4 : i32 to vector<16xi32>
        %add3A_363 = arith.addi %get3A_361, %add3A_362 : vector<16xi32>
        %swap3A_364 = arith.constant 16 : index
        %swap3A_365 = tpu.vector_load %arg7[%swap3A_364] {strides = array<i32>} : memref<128xi32, #tpu.memory_space<vmem>>, vector<16xi32>,
        %swap3A_366 = vector.shape_cast %swap3A_365 : vector<16xi32> to vector<16xi32>
        %swap3A_367 = vector.shape_cast %add3A_363 : vector<16xi32> to vector<16xi32>
        tpu.vector_store %arg7[%swap3A_364], %swap3A_367 {strides = array<i32>} : memref<128xi32, #tpu.memory_space<vmem>>, vector<16xi32>,
        %get3A_368 = arith.constant 32 : index
        %get3A_369 = tpu.vector_load %arg7[%get3A_368] {strides = array<i32>} : memref<128xi32, #tpu.memory_space<vmem>>, vector<16xi32>,
        %get3A_370 = vector.shape_cast %get3A_369 : vector<16xi32> to vector<16xi32>
        %add3A_371 = vector.broadcast %mul3A_4 : i32 to vector<16xi32>
        %add3A_372 = arith.addi %get3A_370, %add3A_371 : vector<16xi32>
        %swap3A_373 = arith.constant 32 : index
        %swap3A_374 = tpu.vector_load %arg7[%swap3A_373] {strides = array<i32>} : memref<128xi32, #tpu.memory_space<vmem>>, vector<16xi32>,
        %swap3A_375 = vector.shape_cast %swap3A_374 : vector<16xi32> to vector<16xi32>
        %swap3A_376 = vector.shape_cast %add3A_372 : vector<16xi32> to vector<16xi32>
        tpu.vector_store %arg7[%swap3A_373], %swap3A_376 {strides = array<i32>} : memref<128xi32, #tpu.memory_space<vmem>>, vector<16xi32>,
        %get3A_377 = arith.constant 48 : index
        %get3A_378 = tpu.vector_load %arg7[%get3A_377] {strides = array<i32>} : memref<128xi32, #tpu.memory_space<vmem>>, vector<16xi32>,
        %get3A_379 = vector.shape_cast %get3A_378 : vector<16xi32> to vector<16xi32>
        %add3A_380 = vector.broadcast %mul3A_4 : i32 to vector<16xi32>
        %add3A_381 = arith.addi %get3A_379, %add3A_380 : vector<16xi32>
        %swap3A_382 = arith.constant 48 : index
        %swap3A_383 = tpu.vector_load %arg7[%swap3A_382] {strides = array<i32>} : memref<128xi32, #tpu.memory_space<vmem>>, vector<16xi32>,
        %swap3A_384 = vector.shape_cast %swap3A_383 : vector<16xi32> to vector<16xi32>
        %swap3A_385 = vector.shape_cast %add3A_381 : vector<16xi32> to vector<16xi32>
        tpu.vector_store %arg7[%swap3A_382], %swap3A_385 {strides = array<i32>} : memref<128xi32, #tpu.memory_space<vmem>>, vector<16xi32>,
        %get3A_386 = arith.constant 64 : index
        %get3A_387 = tpu.vector_load %arg7[%get3A_386] {strides = array<i32>} : memref<128xi32, #tpu.memory_space<vmem>>, vector<16xi32>,
        %get3A_388 = vector.shape_cast %get3A_387 : vector<16xi32> to vector<16xi32>
        %add3A_389 = vector.broadcast %mul3A_4 : i32 to vector<16xi32>
        %add3A_390 = arith.addi %get3A_388, %add3A_389 : vector<16xi32>
        %swap3A_391 = arith.constant 64 : index
        %swap3A_392 = tpu.vector_load %arg7[%swap3A_391] {strides = array<i32>} : memref<128xi32, #tpu.memory_space<vmem>>, vector<16xi32>,
        %swap3A_393 = vector.shape_cast %swap3A_392 : vector<16xi32> to vector<16xi32>
        %swap3A_394 = vector.shape_cast %add3A_390 : vector<16xi32> to vector<16xi32>
        tpu.vector_store %arg7[%swap3A_391], %swap3A_394 {strides = array<i32>} : memref<128xi32, #tpu.memory_space<vmem>>, vector<16xi32>,
        %get3A_395 = arith.constant 80 : index
        %get3A_396 = tpu.vector_load %arg7[%get3A_395] {strides = array<i32>} : memref<128xi32, #tpu.memory_space<vmem>>, vector<16xi32>,
        %get3A_397 = vector.shape_cast %get3A_396 : vector<16xi32> to vector<16xi32>
        %add3A_398 = vector.broadcast %mul3A_4 : i32 to vector<16xi32>
        %add3A_399 = arith.addi %get3A_397, %add3A_398 : vector<16xi32>
        %swap3A_400 = arith.constant 80 : index
        %swap3A_401 = tpu.vector_load %arg7[%swap3A_400] {strides = array<i32>} : memref<128xi32, #tpu.memory_space<vmem>>, vector<16xi32>,
        %swap3A_402 = vector.shape_cast %swap3A_401 : vector<16xi32> to vector<16xi32>
        %swap3A_403 = vector.shape_cast %add3A_399 : vector<16xi32> to vector<16xi32>
        tpu.vector_store %arg7[%swap3A_400], %swap3A_403 {strides = array<i32>} : memref<128xi32, #tpu.memory_space<vmem>>, vector<16xi32>,
        %get3A_404 = arith.constant 96 : index
        %get3A_405 = tpu.vector_load %arg7[%get3A_404] {strides = array<i32>} : memref<128xi32, #tpu.memory_space<vmem>>, vector<16xi32>,
        %get3A_406 = vector.shape_cast %get3A_405 : vector<16xi32> to vector<16xi32>
        %add3A_407 = vector.broadcast %mul3A_4 : i32 to vector<16xi32>
        %add3A_408 = arith.addi %get3A_406, %add3A_407 : vector<16xi32>
        %swap3A_409 = arith.constant 96 : index
        %swap3A_410 = tpu.vector_load %arg7[%swap3A_409] {strides = array<i32>} : memref<128xi32, #tpu.memory_space<vmem>>, vector<16xi32>,
        %swap3A_411 = vector.shape_cast %swap3A_410 : vector<16xi32> to vector<16xi32>
        %swap3A_412 = vector.shape_cast %add3A_408 : vector<16xi32> to vector<16xi32>
        tpu.vector_store %arg7[%swap3A_409], %swap3A_412 {strides = array<i32>} : memref<128xi32, #tpu.memory_space<vmem>>, vector<16xi32>,
        %get3A_413 = arith.constant 112 : index
        %get3A_414 = tpu.vector_load %arg7[%get3A_413] {strides = array<i32>} : memref<128xi32, #tpu.memory_space<vmem>>, vector<16xi32>,
        %get3A_415 = vector.shape_cast %get3A_414 : vector<16xi32> to vector<16xi32>
        %add3A_416 = vector.broadcast %mul3A_4 : i32 to vector<16xi32>
        %add3A_417 = arith.addi %get3A_415, %add3A_416 : vector<16xi32>
        %swap3A_418 = arith.constant 112 : index
        %swap3A_419 = tpu.vector_load %arg7[%swap3A_418] {strides = array<i32>} : memref<128xi32, #tpu.memory_space<vmem>>, vector<16xi32>,
        %swap3A_420 = vector.shape_cast %swap3A_419 : vector<16xi32> to vector<16xi32>
        %swap3A_421 = vector.shape_cast %add3A_417 : vector<16xi32> to vector<16xi32>
        tpu.vector_store %arg7[%swap3A_418], %swap3A_421 {strides = array<i32>} : memref<128xi32, #tpu.memory_space<vmem>>, vector<16xi32>,
        %dma_start3A_422 = arith.constant 0 : i32
        %dma_start3A_423 = arith.constant 0 : i32
        %dma_start3A_424 = tpu.memref_slice %arg2[%dma_start3A_422, %dma_start3A_423] : memref<20000x128xf32, #tpu.memory_space<hbm>> -> memref<20000x128xf32, #tpu.memory_space<hbm>>
        tpu.enqueue_indirect_dma source(%dma_start3A_424 : memref<20000x128xf32, #tpu.memory_space<hbm>>) target(%arg15 : memref<128x128xf32, #tpu.memory_space<vmem>>) offsets(%arg7 : memref<128xi32, #tpu.memory_space<vmem>>) semaphore(%arg18 : memref<!tpu.dma_semaphore, #tpu.memory_space<semaphore_mem>>)
      } else {
      }
      %dma_wait3A_267 = arith.constant 0 : i32
      %dma_wait3A_268 = arith.constant 0 : i32
      %dma_wait3A_269 = tpu.memref_slice %arg2[%dma_wait3A_267, %dma_wait3A_268] : memref<20000x128xf32, #tpu.memory_space<hbm>> -> memref<20000x128xf32, #tpu.memory_space<hbm>>
      tpu.wait_indirect_dma semaphore(%arg19 : memref<!tpu.dma_semaphore, #tpu.memory_space<semaphore_mem>>) src(%dma_wait3A_269 : memref<20000x128xf32, #tpu.memory_space<hbm>>) dst(%arg16 : memref<128x128xf32, #tpu.memory_space<vmem>>)
      %get3A_270 = arith.constant 0 : index
      %get3A_271 = tpu.vector_load %arg10[%get3A_270] {strides = array<i32>} : memref<128xi32, #tpu.memory_space<vmem>>, vector<16xi32>,
      %get3A_272 = vector.shape_cast %get3A_271 : vector<16xi32> to vector<16xi32>
      %swap3A_273 = arith.constant 0 : index
      %swap3A_274 = tpu.vector_load %arg12[%swap3A_273] {strides = array<i32>} : memref<128xi32, #tpu.memory_space<vmem>>, vector<16xi32>,
      %swap3A_275 = vector.shape_cast %swap3A_274 : vector<16xi32> to vector<16xi32>
      %swap3A_276 = vector.shape_cast %get3A_272 : vector<16xi32> to vector<16xi32>
      tpu.vector_store %arg12[%swap3A_273], %swap3A_276 {strides = array<i32>} : memref<128xi32, #tpu.memory_space<vmem>>, vector<16xi32>,
      %get3A_277 = arith.constant 16 : index
      %get3A_278 = tpu.vector_load %arg10[%get3A_277] {strides = array<i32>} : memref<128xi32, #tpu.memory_space<vmem>>, vector<16xi32>,
      %get3A_279 = vector.shape_cast %get3A_278 : vector<16xi32> to vector<16xi32>
      %swap3A_280 = arith.constant 16 : index
      %swap3A_281 = tpu.vector_load %arg12[%swap3A_280] {strides = array<i32>} : memref<128xi32, #tpu.memory_space<vmem>>, vector<16xi32>,
      %swap3A_282 = vector.shape_cast %swap3A_281 : vector<16xi32> to vector<16xi32>
      %swap3A_283 = vector.shape_cast %get3A_279 : vector<16xi32> to vector<16xi32>
      tpu.vector_store %arg12[%swap3A_280], %swap3A_283 {strides = array<i32>} : memref<128xi32, #tpu.memory_space<vmem>>, vector<16xi32>,
      %get3A_284 = arith.constant 32 : index
      %get3A_285 = tpu.vector_load %arg10[%get3A_284] {strides = array<i32>} : memref<128xi32, #tpu.memory_space<vmem>>, vector<16xi32>,
      %get3A_286 = vector.shape_cast %get3A_285 : vector<16xi32> to vector<16xi32>
      %swap3A_287 = arith.constant 32 : index
      %swap3A_288 = tpu.vector_load %arg12[%swap3A_287] {strides = array<i32>} : memref<128xi32, #tpu.memory_space<vmem>>, vector<16xi32>,
      %swap3A_289 = vector.shape_cast %swap3A_288 : vector<16xi32> to vector<16xi32>
      %swap3A_290 = vector.shape_cast %get3A_286 : vector<16xi32> to vector<16xi32>
      tpu.vector_store %arg12[%swap3A_287], %swap3A_290 {strides = array<i32>} : memref<128xi32, #tpu.memory_space<vmem>>, vector<16xi32>,
      %get3A_291 = arith.constant 48 : index
      %get3A_292 = tpu.vector_load %arg10[%get3A_291] {strides = array<i32>} : memref<128xi32, #tpu.memory_space<vmem>>, vector<16xi32>,
      %get3A_293 = vector.shape_cast %get3A_292 : vector<16xi32> to vector<16xi32>
      %swap3A_294 = arith.constant 48 : index
      %swap3A_295 = tpu.vector_load %arg12[%swap3A_294] {strides = array<i32>} : memref<128xi32, #tpu.memory_space<vmem>>, vector<16xi32>,
      %swap3A_296 = vector.shape_cast %swap3A_295 : vector<16xi32> to vector<16xi32>
      %swap3A_297 = vector.shape_cast %get3A_293 : vector<16xi32> to vector<16xi32>
      tpu.vector_store %arg12[%swap3A_294], %swap3A_297 {strides = array<i32>} : memref<128xi32, #tpu.memory_space<vmem>>, vector<16xi32>,
      %get3A_298 = arith.constant 64 : index
      %get3A_299 = tpu.vector_load %arg10[%get3A_298] {strides = array<i32>} : memref<128xi32, #tpu.memory_space<vmem>>, vector<16xi32>,
      %get3A_300 = vector.shape_cast %get3A_299 : vector<16xi32> to vector<16xi32>
      %swap3A_301 = arith.constant 64 : index
      %swap3A_302 = tpu.vector_load %arg12[%swap3A_301] {strides = array<i32>} : memref<128xi32, #tpu.memory_space<vmem>>, vector<16xi32>,
      %swap3A_303 = vector.shape_cast %swap3A_302 : vector<16xi32> to vector<16xi32>
      %swap3A_304 = vector.shape_cast %get3A_300 : vector<16xi32> to vector<16xi32>
      tpu.vector_store %arg12[%swap3A_301], %swap3A_304 {strides = array<i32>} : memref<128xi32, #tpu.memory_space<vmem>>, vector<16xi32>,
      %get3A_305 = arith.constant 80 : index
      %get3A_306 = tpu.vector_load %arg10[%get3A_305] {strides = array<i32>} : memref<128xi32, #tpu.memory_space<vmem>>, vector<16xi32>,
      %get3A_307 = vector.shape_cast %get3A_306 : vector<16xi32> to vector<16xi32>
      %swap3A_308 = arith.constant 80 : index
      %swap3A_309 = tpu.vector_load %arg12[%swap3A_308] {strides = array<i32>} : memref<128xi32, #tpu.memory_space<vmem>>, vector<16xi32>,
      %swap3A_310 = vector.shape_cast %swap3A_309 : vector<16xi32> to vector<16xi32>
      %swap3A_311 = vector.shape_cast %get3A_307 : vector<16xi32> to vector<16xi32>
      tpu.vector_store %arg12[%swap3A_308], %swap3A_311 {strides = array<i32>} : memref<128xi32, #tpu.memory_space<vmem>>, vector<16xi32>,
      %get3A_312 = arith.constant 96 : index
      %get3A_313 = tpu.vector_load %arg10[%get3A_312] {strides = array<i32>} : memref<128xi32, #tpu.memory_space<vmem>>, vector<16xi32>,
      %get3A_314 = vector.shape_cast %get3A_313 : vector<16xi32> to vector<16xi32>
      %swap3A_315 = arith.constant 96 : index
      %swap3A_316 = tpu.vector_load %arg12[%swap3A_315] {strides = array<i32>} : memref<128xi32, #tpu.memory_space<vmem>>, vector<16xi32>,
      %swap3A_317 = vector.shape_cast %swap3A_316 : vector<16xi32> to vector<16xi32>
      %swap3A_318 = vector.shape_cast %get3A_314 : vector<16xi32> to vector<16xi32>
      tpu.vector_store %arg12[%swap3A_315], %swap3A_318 {strides = array<i32>} : memref<128xi32, #tpu.memory_space<vmem>>, vector<16xi32>,
      %get3A_319 = arith.constant 112 : index
      %get3A_320 = tpu.vector_load %arg10[%get3A_319] {strides = array<i32>} : memref<128xi32, #tpu.memory_space<vmem>>, vector<16xi32>,
      %get3A_321 = vector.shape_cast %get3A_320 : vector<16xi32> to vector<16xi32>
      %swap3A_322 = arith.constant 112 : index
      %swap3A_323 = tpu.vector_load %arg12[%swap3A_322] {strides = array<i32>} : memref<128xi32, #tpu.memory_space<vmem>>, vector<16xi32>,
      %swap3A_324 = vector.shape_cast %swap3A_323 : vector<16xi32> to vector<16xi32>
      %swap3A_325 = vector.shape_cast %get3A_321 : vector<16xi32> to vector<16xi32>
      tpu.vector_store %arg12[%swap3A_322], %swap3A_325 {strides = array<i32>} : memref<128xi32, #tpu.memory_space<vmem>>, vector<16xi32>,
      %not3A_326 = arith.constant true
      %not3A_327 = arith.xori %eq3A_201, %not3A_326 : i1
      %convert_element_type3A_328 = arith.extui %not3A_327 : i1 to i32
      %cond3A_329 = arith.constant 0 : i32
      %cond3A_330 = arith.cmpi ne, %convert_element_type3A_328, %cond3A_329 : i32
      scf.if %cond3A_330 {
        %mul3A_336 = arith.constant 2 : i32
        %mul3A_337 = arith.muli %mul3A_336, %scan3A_193 : i32
        %add3A_338 = arith.constant 3 : i32
        %add3A_339 = arith.addi %mul3A_337, %add3A_338 : i32
        %mul3A_340 = arith.constant 128 : i32
        %mul3A_341 = arith.muli %add3A_339, %mul3A_340 : i32
        %add3A_342 = arith.addi %mul3A_2, %mul3A_341 : i32
        %dma_start3A_343 = tpu.memref_slice %arg3[%add3A_342] : memref<160000xi32, #tpu.memory_space<hbm>> -> memref<128xi32, #tpu.memory_space<hbm>>
        %dma_start3A_344 = tpu.memref_slice %arg3[%add3A_342] : memref<160000xi32, #tpu.memory_space<hbm>> -> memref<128xi32, #tpu.memory_space<hbm>>
        tpu.enqueue_dma source(%dma_start3A_344 : memref<128xi32, #tpu.memory_space<hbm>>) target(%arg9 : memref<128xi32, #tpu.memory_space<vmem>>) target_semaphore(%arg22 : memref<!tpu.dma_semaphore, #tpu.memory_space<semaphore_mem>>)
        %mul3A_345 = arith.constant 128 : i32
        %mul3A_346 = arith.muli %add3A_339, %mul3A_345 : i32
        %add3A_347 = arith.addi %mul3A_2, %mul3A_346 : i32
        %dma_start3A_348 = tpu.memref_slice %arg4[%add3A_347] : memref<160000xi32, #tpu.memory_space<hbm>> -> memref<128xi32, #tpu.memory_space<hbm>>
        %dma_start3A_349 = tpu.memref_slice %arg4[%add3A_347] : memref<160000xi32, #tpu.memory_space<hbm>> -> memref<128xi32, #tpu.memory_space<hbm>>
        tpu.enqueue_dma source(%dma_start3A_349 : memref<128xi32, #tpu.memory_space<hbm>>) target(%arg10 : memref<128xi32, #tpu.memory_space<vmem>>) target_semaphore(%arg22 : memref<!tpu.dma_semaphore, #tpu.memory_space<semaphore_mem>>)
      } else {
      }
      "tpu.region"() ({
        %run_scoped3A = tpu.sem_alloc : memref<!tpu.dma_semaphore, #tpu.memory_space<semaphore_mem>>
        %dma_start3A_336 = arith.constant 0 : i32
        %dma_start3A_337 = arith.constant 0 : i32
        %dma_start3A_338 = tpu.memref_slice %arg17[%dma_start3A_336, %dma_start3A_337] : memref<10000x128xf32, #tpu.memory_space<vmem_shared>> -> memref<10000x128xf32, #tpu.memory_space<vmem_shared>>
        tpu.enqueue_indirect_dma source(%arg16 : memref<128x128xf32, #tpu.memory_space<vmem>>) target(%dma_start3A_338 : memref<10000x128xf32, #tpu.memory_space<vmem_shared>>) offsets(%arg12 : memref<128xi32, #tpu.memory_space<vmem>>) semaphore(%run_scoped3A : memref<!tpu.dma_semaphore, #tpu.memory_space<semaphore_mem>>) {add = true}
        %dma_wait3A_339 = arith.constant 0 : i32
        %dma_wait3A_340 = arith.constant 0 : i32
        %dma_wait3A_341 = tpu.memref_slice %arg17[%dma_wait3A_339, %dma_wait3A_340] : memref<10000x128xf32, #tpu.memory_space<vmem_shared>> -> memref<10000x128xf32, #tpu.memory_space<vmem_shared>>
        tpu.wait_indirect_dma semaphore(%run_scoped3A : memref<!tpu.dma_semaphore, #tpu.memory_space<semaphore_mem>>) src(%arg16 : memref<128x128xf32, #tpu.memory_space<vmem>>) dst(%dma_wait3A_341 : memref<10000x128xf32, #tpu.memory_space<vmem_shared>>)
        tpu.yield
      }) : () -> ()
      %not3A_331 = arith.constant true
      %not3A_332 = arith.xori %eq3A_201, %not3A_331 : i1
      %convert_element_type3A_333 = arith.extui %not3A_332 : i1 to i32
      %cond3A_334 = arith.constant 0 : i32
      %cond3A_335 = arith.cmpi ne, %convert_element_type3A_333, %cond3A_334 : i32
      scf.if %cond3A_335 {
        %mul3A_336 = arith.constant 2 : i32
        %mul3A_337 = arith.muli %mul3A_336, %scan3A_193 : i32
        %add3A_338 = arith.constant 3 : i32
        %add3A_339 = arith.addi %mul3A_337, %add3A_338 : i32
        %mul3A_340 = arith.constant 128 : i32
        %mul3A_341 = arith.muli %add3A_339, %mul3A_340 : i32
        %add3A_342 = arith.addi %mul3A_2, %mul3A_341 : i32
        %dma_wait3A_343 = tpu.memref_slice %arg3[%add3A_342] : memref<160000xi32, #tpu.memory_space<hbm>> -> memref<128xi32, #tpu.memory_space<hbm>>
        %dma_wait3A_344 = tpu.memref_slice %arg3[%add3A_342] : memref<160000xi32, #tpu.memory_space<hbm>> -> memref<128xi32, #tpu.memory_space<hbm>>
        tpu.wait_dma2 semaphore(%arg22 : memref<!tpu.dma_semaphore, #tpu.memory_space<semaphore_mem>>) src(%dma_wait3A_344 : memref<128xi32, #tpu.memory_space<hbm>>) dst(%arg9 : memref<128xi32, #tpu.memory_space<vmem>>)
        %mul3A_345 = arith.constant 128 : i32
        %mul3A_346 = arith.muli %add3A_339, %mul3A_345 : i32
        %add3A_347 = arith.addi %mul3A_2, %mul3A_346 : i32
        %dma_wait3A_348 = tpu.memref_slice %arg4[%add3A_347] : memref<160000xi32, #tpu.memory_space<hbm>> -> memref<128xi32, #tpu.memory_space<hbm>>
        %dma_wait3A_349 = tpu.memref_slice %arg4[%add3A_347] : memref<160000xi32, #tpu.memory_space<hbm>> -> memref<128xi32, #tpu.memory_space<hbm>>
        tpu.wait_dma2 semaphore(%arg22 : memref<!tpu.dma_semaphore, #tpu.memory_space<semaphore_mem>>) src(%dma_wait3A_349 : memref<128xi32, #tpu.memory_space<hbm>>) dst(%arg10 : memref<128xi32, #tpu.memory_space<vmem>>)
        %get3A_350 = arith.constant 0 : index
        %get3A_351 = tpu.vector_load %arg9[%get3A_350] {strides = array<i32>} : memref<128xi32, #tpu.memory_space<vmem>>, vector<16xi32>,
        %get3A_352 = vector.shape_cast %get3A_351 : vector<16xi32> to vector<16xi32>
        %add3A_353 = vector.broadcast %mul3A_4 : i32 to vector<16xi32>
        %add3A_354 = arith.addi %get3A_352, %add3A_353 : vector<16xi32>
        %swap3A_355 = arith.constant 0 : index
        %swap3A_356 = tpu.vector_load %arg9[%swap3A_355] {strides = array<i32>} : memref<128xi32, #tpu.memory_space<vmem>>, vector<16xi32>,
        %swap3A_357 = vector.shape_cast %swap3A_356 : vector<16xi32> to vector<16xi32>
        %swap3A_358 = vector.shape_cast %add3A_354 : vector<16xi32> to vector<16xi32>
        tpu.vector_store %arg9[%swap3A_355], %swap3A_358 {strides = array<i32>} : memref<128xi32, #tpu.memory_space<vmem>>, vector<16xi32>,
        %get3A_359 = arith.constant 16 : index
        %get3A_360 = tpu.vector_load %arg9[%get3A_359] {strides = array<i32>} : memref<128xi32, #tpu.memory_space<vmem>>, vector<16xi32>,
        %get3A_361 = vector.shape_cast %get3A_360 : vector<16xi32> to vector<16xi32>
        %add3A_362 = vector.broadcast %mul3A_4 : i32 to vector<16xi32>
        %add3A_363 = arith.addi %get3A_361, %add3A_362 : vector<16xi32>
        %swap3A_364 = arith.constant 16 : index
        %swap3A_365 = tpu.vector_load %arg9[%swap3A_364] {strides = array<i32>} : memref<128xi32, #tpu.memory_space<vmem>>, vector<16xi32>,
        %swap3A_366 = vector.shape_cast %swap3A_365 : vector<16xi32> to vector<16xi32>
        %swap3A_367 = vector.shape_cast %add3A_363 : vector<16xi32> to vector<16xi32>
        tpu.vector_store %arg9[%swap3A_364], %swap3A_367 {strides = array<i32>} : memref<128xi32, #tpu.memory_space<vmem>>, vector<16xi32>,
        %get3A_368 = arith.constant 32 : index
        %get3A_369 = tpu.vector_load %arg9[%get3A_368] {strides = array<i32>} : memref<128xi32, #tpu.memory_space<vmem>>, vector<16xi32>,
        %get3A_370 = vector.shape_cast %get3A_369 : vector<16xi32> to vector<16xi32>
        %add3A_371 = vector.broadcast %mul3A_4 : i32 to vector<16xi32>
        %add3A_372 = arith.addi %get3A_370, %add3A_371 : vector<16xi32>
        %swap3A_373 = arith.constant 32 : index
        %swap3A_374 = tpu.vector_load %arg9[%swap3A_373] {strides = array<i32>} : memref<128xi32, #tpu.memory_space<vmem>>, vector<16xi32>,
        %swap3A_375 = vector.shape_cast %swap3A_374 : vector<16xi32> to vector<16xi32>
        %swap3A_376 = vector.shape_cast %add3A_372 : vector<16xi32> to vector<16xi32>
        tpu.vector_store %arg9[%swap3A_373], %swap3A_376 {strides = array<i32>} : memref<128xi32, #tpu.memory_space<vmem>>, vector<16xi32>,
        %get3A_377 = arith.constant 48 : index
        %get3A_378 = tpu.vector_load %arg9[%get3A_377] {strides = array<i32>} : memref<128xi32, #tpu.memory_space<vmem>>, vector<16xi32>,
        %get3A_379 = vector.shape_cast %get3A_378 : vector<16xi32> to vector<16xi32>
        %add3A_380 = vector.broadcast %mul3A_4 : i32 to vector<16xi32>
        %add3A_381 = arith.addi %get3A_379, %add3A_380 : vector<16xi32>
        %swap3A_382 = arith.constant 48 : index
        %swap3A_383 = tpu.vector_load %arg9[%swap3A_382] {strides = array<i32>} : memref<128xi32, #tpu.memory_space<vmem>>, vector<16xi32>,
        %swap3A_384 = vector.shape_cast %swap3A_383 : vector<16xi32> to vector<16xi32>
        %swap3A_385 = vector.shape_cast %add3A_381 : vector<16xi32> to vector<16xi32>
        tpu.vector_store %arg9[%swap3A_382], %swap3A_385 {strides = array<i32>} : memref<128xi32, #tpu.memory_space<vmem>>, vector<16xi32>,
        %get3A_386 = arith.constant 64 : index
        %get3A_387 = tpu.vector_load %arg9[%get3A_386] {strides = array<i32>} : memref<128xi32, #tpu.memory_space<vmem>>, vector<16xi32>,
        %get3A_388 = vector.shape_cast %get3A_387 : vector<16xi32> to vector<16xi32>
        %add3A_389 = vector.broadcast %mul3A_4 : i32 to vector<16xi32>
        %add3A_390 = arith.addi %get3A_388, %add3A_389 : vector<16xi32>
        %swap3A_391 = arith.constant 64 : index
        %swap3A_392 = tpu.vector_load %arg9[%swap3A_391] {strides = array<i32>} : memref<128xi32, #tpu.memory_space<vmem>>, vector<16xi32>,
        %swap3A_393 = vector.shape_cast %swap3A_392 : vector<16xi32> to vector<16xi32>
        %swap3A_394 = vector.shape_cast %add3A_390 : vector<16xi32> to vector<16xi32>
        tpu.vector_store %arg9[%swap3A_391], %swap3A_394 {strides = array<i32>} : memref<128xi32, #tpu.memory_space<vmem>>, vector<16xi32>,
        %get3A_395 = arith.constant 80 : index
        %get3A_396 = tpu.vector_load %arg9[%get3A_395] {strides = array<i32>} : memref<128xi32, #tpu.memory_space<vmem>>, vector<16xi32>,
        %get3A_397 = vector.shape_cast %get3A_396 : vector<16xi32> to vector<16xi32>
        %add3A_398 = vector.broadcast %mul3A_4 : i32 to vector<16xi32>
        %add3A_399 = arith.addi %get3A_397, %add3A_398 : vector<16xi32>
        %swap3A_400 = arith.constant 80 : index
        %swap3A_401 = tpu.vector_load %arg9[%swap3A_400] {strides = array<i32>} : memref<128xi32, #tpu.memory_space<vmem>>, vector<16xi32>,
        %swap3A_402 = vector.shape_cast %swap3A_401 : vector<16xi32> to vector<16xi32>
        %swap3A_403 = vector.shape_cast %add3A_399 : vector<16xi32> to vector<16xi32>
        tpu.vector_store %arg9[%swap3A_400], %swap3A_403 {strides = array<i32>} : memref<128xi32, #tpu.memory_space<vmem>>, vector<16xi32>,
        %get3A_404 = arith.constant 96 : index
        %get3A_405 = tpu.vector_load %arg9[%get3A_404] {strides = array<i32>} : memref<128xi32, #tpu.memory_space<vmem>>, vector<16xi32>,
        %get3A_406 = vector.shape_cast %get3A_405 : vector<16xi32> to vector<16xi32>
        %add3A_407 = vector.broadcast %mul3A_4 : i32 to vector<16xi32>
        %add3A_408 = arith.addi %get3A_406, %add3A_407 : vector<16xi32>
        %swap3A_409 = arith.constant 96 : index
        %swap3A_410 = tpu.vector_load %arg9[%swap3A_409] {strides = array<i32>} : memref<128xi32, #tpu.memory_space<vmem>>, vector<16xi32>,
        %swap3A_411 = vector.shape_cast %swap3A_410 : vector<16xi32> to vector<16xi32>
        %swap3A_412 = vector.shape_cast %add3A_408 : vector<16xi32> to vector<16xi32>
        tpu.vector_store %arg9[%swap3A_409], %swap3A_412 {strides = array<i32>} : memref<128xi32, #tpu.memory_space<vmem>>, vector<16xi32>,
        %get3A_413 = arith.constant 112 : index
        %get3A_414 = tpu.vector_load %arg9[%get3A_413] {strides = array<i32>} : memref<128xi32, #tpu.memory_space<vmem>>, vector<16xi32>,
        %get3A_415 = vector.shape_cast %get3A_414 : vector<16xi32> to vector<16xi32>
        %add3A_416 = vector.broadcast %mul3A_4 : i32 to vector<16xi32>
        %add3A_417 = arith.addi %get3A_415, %add3A_416 : vector<16xi32>
        %swap3A_418 = arith.constant 112 : index
        %swap3A_419 = tpu.vector_load %arg9[%swap3A_418] {strides = array<i32>} : memref<128xi32, #tpu.memory_space<vmem>>, vector<16xi32>,
        %swap3A_420 = vector.shape_cast %swap3A_419 : vector<16xi32> to vector<16xi32>
        %swap3A_421 = vector.shape_cast %add3A_417 : vector<16xi32> to vector<16xi32>
        tpu.vector_store %arg9[%swap3A_418], %swap3A_421 {strides = array<i32>} : memref<128xi32, #tpu.memory_space<vmem>>, vector<16xi32>,
      } else {
      }
    }
    %scan3A_160 = arith.constant 39 : i32
    %add3A_161 = arith.constant 9984 : i32
    %add3A_162 = arith.addi %mul3A_2, %add3A_161 : i32
    "tpu.region"() ({
      %run_scoped3A = tpu.sem_alloc : memref<!tpu.dma_semaphore, #tpu.memory_space<semaphore_mem>>
      %dma_start3A_193 = tpu.memref_slice %arg3[%add3A_162] : memref<160000xi32, #tpu.memory_space<hbm>> -> memref<16xi32, #tpu.memory_space<hbm>>
      %dma_start3A_194 = tpu.memref_slice %arg3[%add3A_162] : memref<160000xi32, #tpu.memory_space<hbm>> -> memref<16xi32, #tpu.memory_space<hbm>>
      tpu.enqueue_dma source(%dma_start3A_194 : memref<16xi32, #tpu.memory_space<hbm>>) target(%arg13 : memref<16xi32, #tpu.memory_space<vmem>>) target_semaphore(%run_scoped3A : memref<!tpu.dma_semaphore, #tpu.memory_space<semaphore_mem>>)
      %dma_wait3A_195 = tpu.memref_slice %arg3[%add3A_162] : memref<160000xi32, #tpu.memory_space<hbm>> -> memref<16xi32, #tpu.memory_space<hbm>>
      %dma_wait3A_196 = tpu.memref_slice %arg3[%add3A_162] : memref<160000xi32, #tpu.memory_space<hbm>> -> memref<16xi32, #tpu.memory_space<hbm>>
      tpu.wait_dma2 semaphore(%run_scoped3A : memref<!tpu.dma_semaphore, #tpu.memory_space<semaphore_mem>>) src(%dma_wait3A_196 : memref<16xi32, #tpu.memory_space<hbm>>) dst(%arg13 : memref<16xi32, #tpu.memory_space<vmem>>)
      tpu.yield
    }) : () -> ()
    %add3A_163 = arith.constant 9984 : i32
    %add3A_164 = arith.addi %mul3A_2, %add3A_163 : i32
    "tpu.region"() ({
      %run_scoped3A = tpu.sem_alloc : memref<!tpu.dma_semaphore, #tpu.memory_space<semaphore_mem>>
      %dma_start3A_193 = tpu.memref_slice %arg4[%add3A_164] : memref<160000xi32, #tpu.memory_space<hbm>> -> memref<16xi32, #tpu.memory_space<hbm>>
      %dma_start3A_194 = tpu.memref_slice %arg4[%add3A_164] : memref<160000xi32, #tpu.memory_space<hbm>> -> memref<16xi32, #tpu.memory_space<hbm>>
      tpu.enqueue_dma source(%dma_start3A_194 : memref<16xi32, #tpu.memory_space<hbm>>) target(%arg14 : memref<16xi32, #tpu.memory_space<vmem>>) target_semaphore(%run_scoped3A : memref<!tpu.dma_semaphore, #tpu.memory_space<semaphore_mem>>)
      %dma_wait3A_195 = tpu.memref_slice %arg4[%add3A_164] : memref<160000xi32, #tpu.memory_space<hbm>> -> memref<16xi32, #tpu.memory_space<hbm>>
      %dma_wait3A_196 = tpu.memref_slice %arg4[%add3A_164] : memref<160000xi32, #tpu.memory_space<hbm>> -> memref<16xi32, #tpu.memory_space<hbm>>
      tpu.wait_dma2 semaphore(%run_scoped3A : memref<!tpu.dma_semaphore, #tpu.memory_space<semaphore_mem>>) src(%dma_wait3A_196 : memref<16xi32, #tpu.memory_space<hbm>>) dst(%arg14 : memref<16xi32, #tpu.memory_space<vmem>>)
      tpu.yield
    }) : () -> ()
    %get3A_165 = arith.constant 0 : index
    %get3A_166 = tpu.vector_load %arg13[%get3A_165] {strides = array<i32>} : memref<16xi32, #tpu.memory_space<vmem>>, vector<16xi32>,
    %get3A_167 = vector.shape_cast %get3A_166 : vector<16xi32> to vector<16xi32>
    %add3A_168 = vector.broadcast %mul3A_4 : i32 to vector<16xi32>
    %add3A_169 = arith.addi %get3A_167, %add3A_168 : vector<16xi32>
    %swap3A_170 = arith.constant 0 : index
    %swap3A_171 = tpu.vector_load %arg13[%swap3A_170] {strides = array<i32>} : memref<16xi32, #tpu.memory_space<vmem>>, vector<16xi32>,
    %swap3A_172 = vector.shape_cast %swap3A_171 : vector<16xi32> to vector<16xi32>
    %swap3A_173 = vector.shape_cast %add3A_169 : vector<16xi32> to vector<16xi32>
    tpu.vector_store %arg13[%swap3A_170], %swap3A_173 {strides = array<i32>} : memref<16xi32, #tpu.memory_space<vmem>>, vector<16xi32>,
    %dma_start3A_174 = arith.constant 0 : i32
    %dma_start3A_175 = arith.constant 0 : i32
    %dma_start3A_176 = tpu.memref_slice %arg15[%dma_start3A_174, %dma_start3A_175] : memref<128x128xf32, #tpu.memory_space<vmem>> -> memref<16x128xf32, #tpu.memory_space<vmem>>
    %dma_start3A_177 = arith.constant 0 : i32
    %dma_start3A_178 = arith.constant 0 : i32
    %dma_start3A_179 = tpu.memref_slice %arg2[%dma_start3A_177, %dma_start3A_178] : memref<20000x128xf32, #tpu.memory_space<hbm>> -> memref<20000x128xf32, #tpu.memory_space<hbm>>
    tpu.enqueue_indirect_dma source(%dma_start3A_179 : memref<20000x128xf32, #tpu.memory_space<hbm>>) target(%dma_start3A_176 : memref<16x128xf32, #tpu.memory_space<vmem>>) offsets(%arg13 : memref<16xi32, #tpu.memory_space<vmem>>) semaphore(%arg18 : memref<!tpu.dma_semaphore, #tpu.memory_space<semaphore_mem>>)
    %dma_wait3A = arith.constant 0 : i32
    %dma_wait3A_180 = arith.constant 0 : i32
    %dma_wait3A_181 = tpu.memref_slice %arg15[%dma_wait3A, %dma_wait3A_180] : memref<128x128xf32, #tpu.memory_space<vmem>> -> memref<16x128xf32, #tpu.memory_space<vmem>>
    %dma_wait3A_182 = arith.constant 0 : i32
    %dma_wait3A_183 = arith.constant 0 : i32
    %dma_wait3A_184 = tpu.memref_slice %arg2[%dma_wait3A_182, %dma_wait3A_183] : memref<20000x128xf32, #tpu.memory_space<hbm>> -> memref<20000x128xf32, #tpu.memory_space<hbm>>
    tpu.wait_indirect_dma semaphore(%arg18 : memref<!tpu.dma_semaphore, #tpu.memory_space<semaphore_mem>>) src(%dma_wait3A_184 : memref<20000x128xf32, #tpu.memory_space<hbm>>) dst(%dma_wait3A_181 : memref<16x128xf32, #tpu.memory_space<vmem>>)
    "tpu.region"() ({
      %run_scoped3A = tpu.sem_alloc : memref<!tpu.dma_semaphore, #tpu.memory_space<semaphore_mem>>
      %dma_start3A_193 = arith.constant 0 : i32
      %dma_start3A_194 = arith.constant 0 : i32
      %dma_start3A_195 = tpu.memref_slice %arg15[%dma_start3A_193, %dma_start3A_194] : memref<128x128xf32, #tpu.memory_space<vmem>> -> memref<16x128xf32, #tpu.memory_space<vmem>>
      %dma_start3A_196 = arith.constant 0 : i32
      %dma_start3A_197 = arith.constant 0 : i32
      %dma_start3A_198 = tpu.memref_slice %arg17[%dma_start3A_196, %dma_start3A_197] : memref<10000x128xf32, #tpu.memory_space<vmem_shared>> -> memref<10000x128xf32, #tpu.memory_space<vmem_shared>>
      tpu.enqueue_indirect_dma source(%dma_start3A_195 : memref<16x128xf32, #tpu.memory_space<vmem>>) target(%dma_start3A_198 : memref<10000x128xf32, #tpu.memory_space<vmem_shared>>) offsets(%arg14 : memref<16xi32, #tpu.memory_space<vmem>>) semaphore(%run_scoped3A : memref<!tpu.dma_semaphore, #tpu.memory_space<semaphore_mem>>) {add = true}
      %dma_wait3A_199 = arith.constant 0 : i32
      %dma_wait3A_200 = arith.constant 0 : i32
      %dma_wait3A_201 = tpu.memref_slice %arg15[%dma_wait3A_199, %dma_wait3A_200] : memref<128x128xf32, #tpu.memory_space<vmem>> -> memref<16x128xf32, #tpu.memory_space<vmem>>
      %dma_wait3A_202 = arith.constant 0 : i32
      %dma_wait3A_203 = arith.constant 0 : i32
      %dma_wait3A_204 = tpu.memref_slice %arg17[%dma_wait3A_202, %dma_wait3A_203] : memref<10000x128xf32, #tpu.memory_space<vmem_shared>> -> memref<10000x128xf32, #tpu.memory_space<vmem_shared>>
      tpu.wait_indirect_dma semaphore(%run_scoped3A : memref<!tpu.dma_semaphore, #tpu.memory_space<semaphore_mem>>) src(%dma_wait3A_201 : memref<16x128xf32, #tpu.memory_space<vmem>>) dst(%dma_wait3A_204 : memref<10000x128xf32, #tpu.memory_space<vmem_shared>>)
      tpu.yield
    }) : () -> ()
    %barrier3A_185 = arith.constant 0 : index
    tpu.barrier barrier_id(%barrier3A_185)
    %mul3A_186 = arith.constant 624 : i32
    %mul3A_187 = arith.muli %arg1, %mul3A_186 : i32
    %mul3A_188 = arith.constant 10000 : i32
    %mul3A_189 = arith.muli %arg0, %mul3A_188 : i32
    %add3A_190 = arith.addi %mul3A_189, %mul3A_187 : i32
    "tpu.region"() ({
      %run_scoped3A = tpu.sem_alloc : memref<!tpu.dma_semaphore, #tpu.memory_space<semaphore_mem>>
      %dma_start3A_193 = arith.constant 0 : i32
      %dma_start3A_194 = tpu.memref_slice %arg6[%add3A_190, %dma_start3A_193] : memref<20000x128xf32, #tpu.memory_space<hbm>> -> memref<624x128xf32, #tpu.memory_space<hbm>>
      %dma_start3A_195 = arith.constant 0 : i32
      %dma_start3A_196 = tpu.memref_slice %arg17[%mul3A_187, %dma_start3A_195] : memref<10000x128xf32, #tpu.memory_space<vmem_shared>> -> memref<624x128xf32, #tpu.memory_space<vmem_shared>>
      tpu.enqueue_dma source(%dma_start3A_196 : memref<624x128xf32, #tpu.memory_space<vmem_shared>>) target(%dma_start3A_194 : memref<624x128xf32, #tpu.memory_space<hbm>>) target_semaphore(%run_scoped3A : memref<!tpu.dma_semaphore, #tpu.memory_space<semaphore_mem>>)
      %dma_wait3A_197 = arith.constant 0 : i32
      %dma_wait3A_198 = tpu.memref_slice %arg6[%add3A_190, %dma_wait3A_197] : memref<20000x128xf32, #tpu.memory_space<hbm>> -> memref<624x128xf32, #tpu.memory_space<hbm>>
      %dma_wait3A_199 = arith.constant 0 : i32
      %dma_wait3A_200 = tpu.memref_slice %arg17[%mul3A_187, %dma_wait3A_199] : memref<10000x128xf32, #tpu.memory_space<vmem_shared>> -> memref<624x128xf32, #tpu.memory_space<vmem_shared>>
      tpu.wait_dma2 semaphore(%run_scoped3A : memref<!tpu.dma_semaphore, #tpu.memory_space<semaphore_mem>>) src(%dma_wait3A_200 : memref<624x128xf32, #tpu.memory_space<vmem_shared>>) dst(%dma_wait3A_198 : memref<624x128xf32, #tpu.memory_space<hbm>>)
      tpu.yield
    }) : () -> ()
    %eq3A = arith.constant 15 : i32
    %eq3A_191 = arith.cmpi eq, %arg1, %eq3A : i32
    %convert_element_type3A = arith.extui %eq3A_191 : i1 to i32
    %cond3A = arith.constant 0 : i32
    %cond3A_192 = arith.cmpi ne, %convert_element_type3A, %cond3A : i32
    scf.if %cond3A_192 {
      %mul3A_193 = arith.constant 10000 : i32
      %mul3A_194 = arith.muli %arg0, %mul3A_193 : i32
      %add3A_195 = arith.constant 9984 : i32
      %add3A_196 = arith.addi %mul3A_194, %add3A_195 : i32
      "tpu.region"() ({
        %run_scoped3A = tpu.sem_alloc : memref<!tpu.dma_semaphore, #tpu.memory_space<semaphore_mem>>
        %dma_start3A_197 = arith.constant 0 : i32
        %dma_start3A_198 = tpu.memref_slice %arg6[%add3A_196, %dma_start3A_197] : memref<20000x128xf32, #tpu.memory_space<hbm>> -> memref<16x128xf32, #tpu.memory_space<hbm>>
        %dma_start3A_199 = arith.constant 9984 : i32
        %dma_start3A_200 = arith.constant 0 : i32
        %dma_start3A_201 = tpu.memref_slice %arg17[%dma_start3A_199, %dma_start3A_200] : memref<10000x128xf32, #tpu.memory_space<vmem_shared>> -> memref<16x128xf32, #tpu.memory_space<vmem_shared>>
        tpu.enqueue_dma source(%dma_start3A_201 : memref<16x128xf32, #tpu.memory_space<vmem_shared>>) target(%dma_start3A_198 : memref<16x128xf32, #tpu.memory_space<hbm>>) target_semaphore(%run_scoped3A : memref<!tpu.dma_semaphore, #tpu.memory_space<semaphore_mem>>)
        %dma_wait3A_202 = arith.constant 0 : i32
        %dma_wait3A_203 = tpu.memref_slice %arg6[%add3A_196, %dma_wait3A_202] : memref<20000x128xf32, #tpu.memory_space<hbm>> -> memref<16x128xf32, #tpu.memory_space<hbm>>
        %dma_wait3A_204 = arith.constant 9984 : i32
        %dma_wait3A_205 = arith.constant 0 : i32
        %dma_wait3A_206 = tpu.memref_slice %arg17[%dma_wait3A_204, %dma_wait3A_205] : memref<10000x128xf32, #tpu.memory_space<vmem_shared>> -> memref<16x128xf32, #tpu.memory_space<vmem_shared>>
        tpu.wait_dma2 semaphore(%run_scoped3A : memref<!tpu.dma_semaphore, #tpu.memory_space<semaphore_mem>>) src(%dma_wait3A_206 : memref<16x128xf32, #tpu.memory_space<vmem_shared>>) dst(%dma_wait3A_203 : memref<16x128xf32, #tpu.memory_space<hbm>>)
        tpu.yield
      }) : () -> ()
    } else {
    }
    return
  }
}

#map = affine_map<(d0, d1) -> (0, 0)>
#map1 = affine_map<(d0, d1) -> (0)>
module attributes {stable_mosaic.version = 14 : i64} {
  func.func @_agg_body(%arg0: i32, %arg1: i32, %arg2: memref<20000x128xf32, #tpu.memory_space<hbm>>, %arg3: memref<160000xi32, #tpu.memory_space<hbm>>, %arg4: memref<160000xi32, #tpu.memory_space<hbm>>, %arg5: memref<625x128xf32, #tpu.memory_space<hbm>>, %arg6: memref<20000x128xf32, #tpu.memory_space<hbm>>, %arg7: memref<128xi32, #tpu.memory_space<vmem>>, %arg8: memref<128xi32, #tpu.memory_space<vmem>>, %arg9: memref<128xi32, #tpu.memory_space<vmem>>, %arg10: memref<128xi32, #tpu.memory_space<vmem>>, %arg11: memref<128xi32, #tpu.memory_space<vmem>>, %arg12: memref<128xi32, #tpu.memory_space<vmem>>, %arg13: memref<16xi32, #tpu.memory_space<vmem>>, %arg14: memref<16xi32, #tpu.memory_space<vmem>>, %arg15: memref<128x128xf32, #tpu.memory_space<vmem>>, %arg16: memref<128x128xf32, #tpu.memory_space<vmem>>, %arg17: memref<10000x128xf32, #tpu.memory_space<vmem_shared>>, %arg18: memref<!tpu.dma_semaphore, #tpu.memory_space<semaphore_mem>>, %arg19: memref<!tpu.dma_semaphore, #tpu.memory_space<semaphore_mem>>, %arg20: memref<!tpu.dma_semaphore, #tpu.memory_space<semaphore_mem>>, %arg21: memref<!tpu.dma_semaphore, #tpu.memory_space<semaphore_mem>>, %arg22: memref<!tpu.dma_semaphore, #tpu.memory_space<semaphore_mem>>) attributes {dimension_semantics = [#tpu.dimension_semantics<core_parallel>, #tpu.dimension_semantics<subcore_parallel>], iteration_bounds = array<i64: 2, 16>, scalar_prefetch = 0 : i64, scratch_operands = 16 : i64, tpu.core_type = #tpu.core_type<sc_vector_subcore>, window_params = [{transform_indices = #map}, {transform_indices = #map1}, {transform_indices = #map1}, {transform_indices = #map}, {transform_indices = #map}]} {
    %mul3A = arith.constant 625 : i32
    %mul3A_0 = arith.muli %arg1, %mul3A : i32
    "tpu.region"() ({
      %run_scoped3A = tpu.sem_alloc : memref<!tpu.dma_semaphore, #tpu.memory_space<semaphore_mem>>
      %dma_start3A_193 = arith.constant 0 : i32
      %dma_start3A_194 = tpu.memref_slice %arg17[%mul3A_0, %dma_start3A_193] : memref<10000x128xf32, #tpu.memory_space<vmem_shared>> -> memref<625x128xf32, #tpu.memory_space<vmem_shared>>
      tpu.enqueue_dma source(%arg5 : memref<625x128xf32, #tpu.memory_space<hbm>>) target(%dma_start3A_194 : memref<625x128xf32, #tpu.memory_space<vmem_shared>>) target_semaphore(%run_scoped3A : memref<!tpu.dma_semaphore, #tpu.memory_space<semaphore_mem>>)
      %dma_wait3A_195 = arith.constant 0 : i32
      %dma_wait3A_196 = tpu.memref_slice %arg17[%mul3A_0, %dma_wait3A_195] : memref<10000x128xf32, #tpu.memory_space<vmem_shared>> -> memref<625x128xf32, #tpu.memory_space<vmem_shared>>
      tpu.wait_dma2 semaphore(%run_scoped3A : memref<!tpu.dma_semaphore, #tpu.memory_space<semaphore_mem>>) src(%arg5 : memref<625x128xf32, #tpu.memory_space<hbm>>) dst(%dma_wait3A_196 : memref<625x128xf32, #tpu.memory_space<vmem_shared>>)
      tpu.yield
    }) : () -> ()
    %barrier3A = arith.constant 0 : index
    tpu.barrier barrier_id(%barrier3A)
    %mul3A_1 = arith.constant 10000 : i32
    %mul3A_2 = arith.muli %arg1, %mul3A_1 : i32
    %mul3A_3 = arith.constant 10000 : i32
    %mul3A_4 = arith.muli %arg0, %mul3A_3 : i32
    %add3A = arith.constant 0 : i32
    %add3A_5 = arith.addi %mul3A_2, %add3A : i32
    "tpu.region"() ({
      %run_scoped3A = tpu.sem_alloc : memref<!tpu.dma_semaphore, #tpu.memory_space<semaphore_mem>>
      %dma_start3A_193 = tpu.memref_slice %arg3[%add3A_5] : memref<160000xi32, #tpu.memory_space<hbm>> -> memref<128xi32, #tpu.memory_space<hbm>>
      %dma_start3A_194 = tpu.memref_slice %arg3[%add3A_5] : memref<160000xi32, #tpu.memory_space<hbm>> -> memref<128xi32, #tpu.memory_space<hbm>>
      tpu.enqueue_dma source(%dma_start3A_194 : memref<128xi32, #tpu.memory_space<hbm>>) target(%arg7 : memref<128xi32, #tpu.memory_space<vmem>>) target_semaphore(%run_scoped3A : memref<!tpu.dma_semaphore, #tpu.memory_space<semaphore_mem>>)
      %dma_wait3A_195 = tpu.memref_slice %arg3[%add3A_5] : memref<160000xi32, #tpu.memory_space<hbm>> -> memref<128xi32, #tpu.memory_space<hbm>>
      %dma_wait3A_196 = tpu.memref_slice %arg3[%add3A_5] : memref<160000xi32, #tpu.memory_space<hbm>> -> memref<128xi32, #tpu.memory_space<hbm>>
      tpu.wait_dma2 semaphore(%run_scoped3A : memref<!tpu.dma_semaphore, #tpu.memory_space<semaphore_mem>>) src(%dma_wait3A_196 : memref<128xi32, #tpu.memory_space<hbm>>) dst(%arg7 : memref<128xi32, #tpu.memory_space<vmem>>)
      tpu.yield
    }) : () -> ()
    %add3A_6 = arith.constant 0 : i32
    %add3A_7 = arith.addi %mul3A_2, %add3A_6 : i32
    "tpu.region"() ({
      %run_scoped3A = tpu.sem_alloc : memref<!tpu.dma_semaphore, #tpu.memory_space<semaphore_mem>>
      %dma_start3A_193 = tpu.memref_slice %arg4[%add3A_7] : memref<160000xi32, #tpu.memory_space<hbm>> -> memref<128xi32, #tpu.memory_space<hbm>>
      %dma_start3A_194 = tpu.memref_slice %arg4[%add3A_7] : memref<160000xi32, #tpu.memory_space<hbm>> -> memref<128xi32, #tpu.memory_space<hbm>>
      tpu.enqueue_dma source(%dma_start3A_194 : memref<128xi32, #tpu.memory_space<hbm>>) target(%arg8 : memref<128xi32, #tpu.memory_space<vmem>>) target_semaphore(%run_scoped3A : memref<!tpu.dma_semaphore, #tpu.memory_space<semaphore_mem>>)
      %dma_wait3A_195 = tpu.memref_slice %arg4[%add3A_7] : memref<160000xi32, #tpu.memory_space<hbm>> -> memref<128xi32, #tpu.memory_space<hbm>>
      %dma_wait3A_196 = tpu.memref_slice %arg4[%add3A_7] : memref<160000xi32, #tpu.memory_space<hbm>> -> memref<128xi32, #tpu.memory_space<hbm>>
      tpu.wait_dma2 semaphore(%run_scoped3A : memref<!tpu.dma_semaphore, #tpu.memory_space<semaphore_mem>>) src(%dma_wait3A_196 : memref<128xi32, #tpu.memory_space<hbm>>) dst(%arg8 : memref<128xi32, #tpu.memory_space<vmem>>)
      tpu.yield
    }) : () -> ()
    %get3A = arith.constant 0 : index
    %get3A_8 = tpu.vector_load %arg7[%get3A] {strides = array<i32>} : memref<128xi32, #tpu.memory_space<vmem>>, vector<16xi32>,
    %get3A_9 = vector.shape_cast %get3A_8 : vector<16xi32> to vector<16xi32>
    %add3A_10 = vector.broadcast %mul3A_4 : i32 to vector<16xi32>
    %add3A_11 = arith.addi %get3A_9, %add3A_10 : vector<16xi32>
    %swap3A = arith.constant 0 : index
    %swap3A_12 = tpu.vector_load %arg7[%swap3A] {strides = array<i32>} : memref<128xi32, #tpu.memory_space<vmem>>, vector<16xi32>,
    %swap3A_13 = vector.shape_cast %swap3A_12 : vector<16xi32> to vector<16xi32>
    %swap3A_14 = vector.shape_cast %add3A_11 : vector<16xi32> to vector<16xi32>
    tpu.vector_store %arg7[%swap3A], %swap3A_14 {strides = array<i32>} : memref<128xi32, #tpu.memory_space<vmem>>, vector<16xi32>,
    %get3A_15 = arith.constant 16 : index
    %get3A_16 = tpu.vector_load %arg7[%get3A_15] {strides = array<i32>} : memref<128xi32, #tpu.memory_space<vmem>>, vector<16xi32>,
    %get3A_17 = vector.shape_cast %get3A_16 : vector<16xi32> to vector<16xi32>
    %add3A_18 = vector.broadcast %mul3A_4 : i32 to vector<16xi32>
    %add3A_19 = arith.addi %get3A_17, %add3A_18 : vector<16xi32>
    %swap3A_20 = arith.constant 16 : index
    %swap3A_21 = tpu.vector_load %arg7[%swap3A_20] {strides = array<i32>} : memref<128xi32, #tpu.memory_space<vmem>>, vector<16xi32>,
    %swap3A_22 = vector.shape_cast %swap3A_21 : vector<16xi32> to vector<16xi32>
    %swap3A_23 = vector.shape_cast %add3A_19 : vector<16xi32> to vector<16xi32>
    tpu.vector_store %arg7[%swap3A_20], %swap3A_23 {strides = array<i32>} : memref<128xi32, #tpu.memory_space<vmem>>, vector<16xi32>,
    %get3A_24 = arith.constant 32 : index
    %get3A_25 = tpu.vector_load %arg7[%get3A_24] {strides = array<i32>} : memref<128xi32, #tpu.memory_space<vmem>>, vector<16xi32>,
    %get3A_26 = vector.shape_cast %get3A_25 : vector<16xi32> to vector<16xi32>
    %add3A_27 = vector.broadcast %mul3A_4 : i32 to vector<16xi32>
    %add3A_28 = arith.addi %get3A_26, %add3A_27 : vector<16xi32>
    %swap3A_29 = arith.constant 32 : index
    %swap3A_30 = tpu.vector_load %arg7[%swap3A_29] {strides = array<i32>} : memref<128xi32, #tpu.memory_space<vmem>>, vector<16xi32>,
    %swap3A_31 = vector.shape_cast %swap3A_30 : vector<16xi32> to vector<16xi32>
    %swap3A_32 = vector.shape_cast %add3A_28 : vector<16xi32> to vector<16xi32>
    tpu.vector_store %arg7[%swap3A_29], %swap3A_32 {strides = array<i32>} : memref<128xi32, #tpu.memory_space<vmem>>, vector<16xi32>,
    %get3A_33 = arith.constant 48 : index
    %get3A_34 = tpu.vector_load %arg7[%get3A_33] {strides = array<i32>} : memref<128xi32, #tpu.memory_space<vmem>>, vector<16xi32>,
    %get3A_35 = vector.shape_cast %get3A_34 : vector<16xi32> to vector<16xi32>
    %add3A_36 = vector.broadcast %mul3A_4 : i32 to vector<16xi32>
    %add3A_37 = arith.addi %get3A_35, %add3A_36 : vector<16xi32>
    %swap3A_38 = arith.constant 48 : index
    %swap3A_39 = tpu.vector_load %arg7[%swap3A_38] {strides = array<i32>} : memref<128xi32, #tpu.memory_space<vmem>>, vector<16xi32>,
    %swap3A_40 = vector.shape_cast %swap3A_39 : vector<16xi32> to vector<16xi32>
    %swap3A_41 = vector.shape_cast %add3A_37 : vector<16xi32> to vector<16xi32>
    tpu.vector_store %arg7[%swap3A_38], %swap3A_41 {strides = array<i32>} : memref<128xi32, #tpu.memory_space<vmem>>, vector<16xi32>,
    %get3A_42 = arith.constant 64 : index
    %get3A_43 = tpu.vector_load %arg7[%get3A_42] {strides = array<i32>} : memref<128xi32, #tpu.memory_space<vmem>>, vector<16xi32>,
    %get3A_44 = vector.shape_cast %get3A_43 : vector<16xi32> to vector<16xi32>
    %add3A_45 = vector.broadcast %mul3A_4 : i32 to vector<16xi32>
    %add3A_46 = arith.addi %get3A_44, %add3A_45 : vector<16xi32>
    %swap3A_47 = arith.constant 64 : index
    %swap3A_48 = tpu.vector_load %arg7[%swap3A_47] {strides = array<i32>} : memref<128xi32, #tpu.memory_space<vmem>>, vector<16xi32>,
    %swap3A_49 = vector.shape_cast %swap3A_48 : vector<16xi32> to vector<16xi32>
    %swap3A_50 = vector.shape_cast %add3A_46 : vector<16xi32> to vector<16xi32>
    tpu.vector_store %arg7[%swap3A_47], %swap3A_50 {strides = array<i32>} : memref<128xi32, #tpu.memory_space<vmem>>, vector<16xi32>,
    %get3A_51 = arith.constant 80 : index
    %get3A_52 = tpu.vector_load %arg7[%get3A_51] {strides = array<i32>} : memref<128xi32, #tpu.memory_space<vmem>>, vector<16xi32>,
    %get3A_53 = vector.shape_cast %get3A_52 : vector<16xi32> to vector<16xi32>
    %add3A_54 = vector.broadcast %mul3A_4 : i32 to vector<16xi32>
    %add3A_55 = arith.addi %get3A_53, %add3A_54 : vector<16xi32>
    %swap3A_56 = arith.constant 80 : index
    %swap3A_57 = tpu.vector_load %arg7[%swap3A_56] {strides = array<i32>} : memref<128xi32, #tpu.memory_space<vmem>>, vector<16xi32>,
    %swap3A_58 = vector.shape_cast %swap3A_57 : vector<16xi32> to vector<16xi32>
    %swap3A_59 = vector.shape_cast %add3A_55 : vector<16xi32> to vector<16xi32>
    tpu.vector_store %arg7[%swap3A_56], %swap3A_59 {strides = array<i32>} : memref<128xi32, #tpu.memory_space<vmem>>, vector<16xi32>,
    %get3A_60 = arith.constant 96 : index
    %get3A_61 = tpu.vector_load %arg7[%get3A_60] {strides = array<i32>} : memref<128xi32, #tpu.memory_space<vmem>>, vector<16xi32>,
    %get3A_62 = vector.shape_cast %get3A_61 : vector<16xi32> to vector<16xi32>
    %add3A_63 = vector.broadcast %mul3A_4 : i32 to vector<16xi32>
    %add3A_64 = arith.addi %get3A_62, %add3A_63 : vector<16xi32>
    %swap3A_65 = arith.constant 96 : index
    %swap3A_66 = tpu.vector_load %arg7[%swap3A_65] {strides = array<i32>} : memref<128xi32, #tpu.memory_space<vmem>>, vector<16xi32>,
    %swap3A_67 = vector.shape_cast %swap3A_66 : vector<16xi32> to vector<16xi32>
    %swap3A_68 = vector.shape_cast %add3A_64 : vector<16xi32> to vector<16xi32>
    tpu.vector_store %arg7[%swap3A_65], %swap3A_68 {strides = array<i32>} : memref<128xi32, #tpu.memory_space<vmem>>, vector<16xi32>,
    %get3A_69 = arith.constant 112 : index
    %get3A_70 = tpu.vector_load %arg7[%get3A_69] {strides = array<i32>} : memref<128xi32, #tpu.memory_space<vmem>>, vector<16xi32>,
    %get3A_71 = vector.shape_cast %get3A_70 : vector<16xi32> to vector<16xi32>
    %add3A_72 = vector.broadcast %mul3A_4 : i32 to vector<16xi32>
    %add3A_73 = arith.addi %get3A_71, %add3A_72 : vector<16xi32>
    %swap3A_74 = arith.constant 112 : index
    %swap3A_75 = tpu.vector_load %arg7[%swap3A_74] {strides = array<i32>} : memref<128xi32, #tpu.memory_space<vmem>>, vector<16xi32>,
    %swap3A_76 = vector.shape_cast %swap3A_75 : vector<16xi32> to vector<16xi32>
    %swap3A_77 = vector.shape_cast %add3A_73 : vector<16xi32> to vector<16xi32>
    tpu.vector_store %arg7[%swap3A_74], %swap3A_77 {strides = array<i32>} : memref<128xi32, #tpu.memory_space<vmem>>, vector<16xi32>,
    %dma_start3A = arith.constant 0 : i32
    %dma_start3A_78 = arith.constant 0 : i32
    %dma_start3A_79 = tpu.memref_slice %arg2[%dma_start3A, %dma_start3A_78] : memref<20000x128xf32, #tpu.memory_space<hbm>> -> memref<20000x128xf32, #tpu.memory_space<hbm>>
    tpu.enqueue_indirect_dma source(%dma_start3A_79 : memref<20000x128xf32, #tpu.memory_space<hbm>>) target(%arg15 : memref<128x128xf32, #tpu.memory_space<vmem>>) offsets(%arg7 : memref<128xi32, #tpu.memory_space<vmem>>) semaphore(%arg18 : memref<!tpu.dma_semaphore, #tpu.memory_space<semaphore_mem>>)
    %add3A_80 = arith.constant 128 : i32
    %add3A_81 = arith.addi %mul3A_2, %add3A_80 : i32
    "tpu.region"() ({
      %run_scoped3A = tpu.sem_alloc : memref<!tpu.dma_semaphore, #tpu.memory_space<semaphore_mem>>
      %dma_start3A_193 = tpu.memref_slice %arg3[%add3A_81] : memref<160000xi32, #tpu.memory_space<hbm>> -> memref<128xi32, #tpu.memory_space<hbm>>
      %dma_start3A_194 = tpu.memref_slice %arg3[%add3A_81] : memref<160000xi32, #tpu.memory_space<hbm>> -> memref<128xi32, #tpu.memory_space<hbm>>
      tpu.enqueue_dma source(%dma_start3A_194 : memref<128xi32, #tpu.memory_space<hbm>>) target(%arg9 : memref<128xi32, #tpu.memory_space<vmem>>) target_semaphore(%run_scoped3A : memref<!tpu.dma_semaphore, #tpu.memory_space<semaphore_mem>>)
      %dma_wait3A_195 = tpu.memref_slice %arg3[%add3A_81] : memref<160000xi32, #tpu.memory_space<hbm>> -> memref<128xi32, #tpu.memory_space<hbm>>
      %dma_wait3A_196 = tpu.memref_slice %arg3[%add3A_81] : memref<160000xi32, #tpu.memory_space<hbm>> -> memref<128xi32, #tpu.memory_space<hbm>>
      tpu.wait_dma2 semaphore(%run_scoped3A : memref<!tpu.dma_semaphore, #tpu.memory_space<semaphore_mem>>) src(%dma_wait3A_196 : memref<128xi32, #tpu.memory_space<hbm>>) dst(%arg9 : memref<128xi32, #tpu.memory_space<vmem>>)
      tpu.yield
    }) : () -> ()
    %add3A_82 = arith.constant 128 : i32
    %add3A_83 = arith.addi %mul3A_2, %add3A_82 : i32
    "tpu.region"() ({
      %run_scoped3A = tpu.sem_alloc : memref<!tpu.dma_semaphore, #tpu.memory_space<semaphore_mem>>
      %dma_start3A_193 = tpu.memref_slice %arg4[%add3A_83] : memref<160000xi32, #tpu.memory_space<hbm>> -> memref<128xi32, #tpu.memory_space<hbm>>
      %dma_start3A_194 = tpu.memref_slice %arg4[%add3A_83] : memref<160000xi32, #tpu.memory_space<hbm>> -> memref<128xi32, #tpu.memory_space<hbm>>
      tpu.enqueue_dma source(%dma_start3A_194 : memref<128xi32, #tpu.memory_space<hbm>>) target(%arg10 : memref<128xi32, #tpu.memory_space<vmem>>) target_semaphore(%run_scoped3A : memref<!tpu.dma_semaphore, #tpu.memory_space<semaphore_mem>>)
      %dma_wait3A_195 = tpu.memref_slice %arg4[%add3A_83] : memref<160000xi32, #tpu.memory_space<hbm>> -> memref<128xi32, #tpu.memory_space<hbm>>
      %dma_wait3A_196 = tpu.memref_slice %arg4[%add3A_83] : memref<160000xi32, #tpu.memory_space<hbm>> -> memref<128xi32, #tpu.memory_space<hbm>>
      tpu.wait_dma2 semaphore(%run_scoped3A : memref<!tpu.dma_semaphore, #tpu.memory_space<semaphore_mem>>) src(%dma_wait3A_196 : memref<128xi32, #tpu.memory_space<hbm>>) dst(%arg10 : memref<128xi32, #tpu.memory_space<vmem>>)
      tpu.yield
    }) : () -> ()
    %get3A_84 = arith.constant 0 : index
    %get3A_85 = tpu.vector_load %arg9[%get3A_84] {strides = array<i32>} : memref<128xi32, #tpu.memory_space<vmem>>, vector<16xi32>,
    %get3A_86 = vector.shape_cast %get3A_85 : vector<16xi32> to vector<16xi32>
    %add3A_87 = vector.broadcast %mul3A_4 : i32 to vector<16xi32>
    %add3A_88 = arith.addi %get3A_86, %add3A_87 : vector<16xi32>
    %swap3A_89 = arith.constant 0 : index
    %swap3A_90 = tpu.vector_load %arg9[%swap3A_89] {strides = array<i32>} : memref<128xi32, #tpu.memory_space<vmem>>, vector<16xi32>,
    %swap3A_91 = vector.shape_cast %swap3A_90 : vector<16xi32> to vector<16xi32>
    %swap3A_92 = vector.shape_cast %add3A_88 : vector<16xi32> to vector<16xi32>
    tpu.vector_store %arg9[%swap3A_89], %swap3A_92 {strides = array<i32>} : memref<128xi32, #tpu.memory_space<vmem>>, vector<16xi32>,
    %get3A_93 = arith.constant 16 : index
    %get3A_94 = tpu.vector_load %arg9[%get3A_93] {strides = array<i32>} : memref<128xi32, #tpu.memory_space<vmem>>, vector<16xi32>,
    %get3A_95 = vector.shape_cast %get3A_94 : vector<16xi32> to vector<16xi32>
    %add3A_96 = vector.broadcast %mul3A_4 : i32 to vector<16xi32>
    %add3A_97 = arith.addi %get3A_95, %add3A_96 : vector<16xi32>
    %swap3A_98 = arith.constant 16 : index
    %swap3A_99 = tpu.vector_load %arg9[%swap3A_98] {strides = array<i32>} : memref<128xi32, #tpu.memory_space<vmem>>, vector<16xi32>,
    %swap3A_100 = vector.shape_cast %swap3A_99 : vector<16xi32> to vector<16xi32>
    %swap3A_101 = vector.shape_cast %add3A_97 : vector<16xi32> to vector<16xi32>
    tpu.vector_store %arg9[%swap3A_98], %swap3A_101 {strides = array<i32>} : memref<128xi32, #tpu.memory_space<vmem>>, vector<16xi32>,
    %get3A_102 = arith.constant 32 : index
    %get3A_103 = tpu.vector_load %arg9[%get3A_102] {strides = array<i32>} : memref<128xi32, #tpu.memory_space<vmem>>, vector<16xi32>,
    %get3A_104 = vector.shape_cast %get3A_103 : vector<16xi32> to vector<16xi32>
    %add3A_105 = vector.broadcast %mul3A_4 : i32 to vector<16xi32>
    %add3A_106 = arith.addi %get3A_104, %add3A_105 : vector<16xi32>
    %swap3A_107 = arith.constant 32 : index
    %swap3A_108 = tpu.vector_load %arg9[%swap3A_107] {strides = array<i32>} : memref<128xi32, #tpu.memory_space<vmem>>, vector<16xi32>,
    %swap3A_109 = vector.shape_cast %swap3A_108 : vector<16xi32> to vector<16xi32>
    %swap3A_110 = vector.shape_cast %add3A_106 : vector<16xi32> to vector<16xi32>
    tpu.vector_store %arg9[%swap3A_107], %swap3A_110 {strides = array<i32>} : memref<128xi32, #tpu.memory_space<vmem>>, vector<16xi32>,
    %get3A_111 = arith.constant 48 : index
    %get3A_112 = tpu.vector_load %arg9[%get3A_111] {strides = array<i32>} : memref<128xi32, #tpu.memory_space<vmem>>, vector<16xi32>,
    %get3A_113 = vector.shape_cast %get3A_112 : vector<16xi32> to vector<16xi32>
    %add3A_114 = vector.broadcast %mul3A_4 : i32 to vector<16xi32>
    %add3A_115 = arith.addi %get3A_113, %add3A_114 : vector<16xi32>
    %swap3A_116 = arith.constant 48 : index
    %swap3A_117 = tpu.vector_load %arg9[%swap3A_116] {strides = array<i32>} : memref<128xi32, #tpu.memory_space<vmem>>, vector<16xi32>,
    %swap3A_118 = vector.shape_cast %swap3A_117 : vector<16xi32> to vector<16xi32>
    %swap3A_119 = vector.shape_cast %add3A_115 : vector<16xi32> to vector<16xi32>
    tpu.vector_store %arg9[%swap3A_116], %swap3A_119 {strides = array<i32>} : memref<128xi32, #tpu.memory_space<vmem>>, vector<16xi32>,
    %get3A_120 = arith.constant 64 : index
    %get3A_121 = tpu.vector_load %arg9[%get3A_120] {strides = array<i32>} : memref<128xi32, #tpu.memory_space<vmem>>, vector<16xi32>,
    %get3A_122 = vector.shape_cast %get3A_121 : vector<16xi32> to vector<16xi32>
    %add3A_123 = vector.broadcast %mul3A_4 : i32 to vector<16xi32>
    %add3A_124 = arith.addi %get3A_122, %add3A_123 : vector<16xi32>
    %swap3A_125 = arith.constant 64 : index
    %swap3A_126 = tpu.vector_load %arg9[%swap3A_125] {strides = array<i32>} : memref<128xi32, #tpu.memory_space<vmem>>, vector<16xi32>,
    %swap3A_127 = vector.shape_cast %swap3A_126 : vector<16xi32> to vector<16xi32>
    %swap3A_128 = vector.shape_cast %add3A_124 : vector<16xi32> to vector<16xi32>
    tpu.vector_store %arg9[%swap3A_125], %swap3A_128 {strides = array<i32>} : memref<128xi32, #tpu.memory_space<vmem>>, vector<16xi32>,
    %get3A_129 = arith.constant 80 : index
    %get3A_130 = tpu.vector_load %arg9[%get3A_129] {strides = array<i32>} : memref<128xi32, #tpu.memory_space<vmem>>, vector<16xi32>,
    %get3A_131 = vector.shape_cast %get3A_130 : vector<16xi32> to vector<16xi32>
    %add3A_132 = vector.broadcast %mul3A_4 : i32 to vector<16xi32>
    %add3A_133 = arith.addi %get3A_131, %add3A_132 : vector<16xi32>
    %swap3A_134 = arith.constant 80 : index
    %swap3A_135 = tpu.vector_load %arg9[%swap3A_134] {strides = array<i32>} : memref<128xi32, #tpu.memory_space<vmem>>, vector<16xi32>,
    %swap3A_136 = vector.shape_cast %swap3A_135 : vector<16xi32> to vector<16xi32>
    %swap3A_137 = vector.shape_cast %add3A_133 : vector<16xi32> to vector<16xi32>
    tpu.vector_store %arg9[%swap3A_134], %swap3A_137 {strides = array<i32>} : memref<128xi32, #tpu.memory_space<vmem>>, vector<16xi32>,
    %get3A_138 = arith.constant 96 : index
    %get3A_139 = tpu.vector_load %arg9[%get3A_138] {strides = array<i32>} : memref<128xi32, #tpu.memory_space<vmem>>, vector<16xi32>,
    %get3A_140 = vector.shape_cast %get3A_139 : vector<16xi32> to vector<16xi32>
    %add3A_141 = vector.broadcast %mul3A_4 : i32 to vector<16xi32>
    %add3A_142 = arith.addi %get3A_140, %add3A_141 : vector<16xi32>
    %swap3A_143 = arith.constant 96 : index
    %swap3A_144 = tpu.vector_load %arg9[%swap3A_143] {strides = array<i32>} : memref<128xi32, #tpu.memory_space<vmem>>, vector<16xi32>,
    %swap3A_145 = vector.shape_cast %swap3A_144 : vector<16xi32> to vector<16xi32>
    %swap3A_146 = vector.shape_cast %add3A_142 : vector<16xi32> to vector<16xi32>
    tpu.vector_store %arg9[%swap3A_143], %swap3A_146 {strides = array<i32>} : memref<128xi32, #tpu.memory_space<vmem>>, vector<16xi32>,
    %get3A_147 = arith.constant 112 : index
    %get3A_148 = tpu.vector_load %arg9[%get3A_147] {strides = array<i32>} : memref<128xi32, #tpu.memory_space<vmem>>, vector<16xi32>,
    %get3A_149 = vector.shape_cast %get3A_148 : vector<16xi32> to vector<16xi32>
    %add3A_150 = vector.broadcast %mul3A_4 : i32 to vector<16xi32>
    %add3A_151 = arith.addi %get3A_149, %add3A_150 : vector<16xi32>
    %swap3A_152 = arith.constant 112 : index
    %swap3A_153 = tpu.vector_load %arg9[%swap3A_152] {strides = array<i32>} : memref<128xi32, #tpu.memory_space<vmem>>, vector<16xi32>,
    %swap3A_154 = vector.shape_cast %swap3A_153 : vector<16xi32> to vector<16xi32>
    %swap3A_155 = vector.shape_cast %add3A_151 : vector<16xi32> to vector<16xi32>
    tpu.vector_store %arg9[%swap3A_152], %swap3A_155 {strides = array<i32>} : memref<128xi32, #tpu.memory_space<vmem>>, vector<16xi32>,
    %scan3A = arith.constant 0 : i32
    %scan3A_156 = arith.constant 0 : i32
    %scan3A_157 = arith.constant 39 : i32
    %scan3A_158 = arith.addi %scan3A_156, %scan3A_157 : i32
    %scan3A_159 = arith.constant 1 : i32
    scf.for %scan3A_193 = %scan3A_156 to %scan3A_158 step %scan3A_159  : i32 {
      %dma_start3A_194 = arith.constant 0 : i32
      %dma_start3A_195 = arith.constant 0 : i32
      %dma_start3A_196 = tpu.memref_slice %arg2[%dma_start3A_194, %dma_start3A_195] : memref<20000x128xf32, #tpu.memory_space<hbm>> -> memref<20000x128xf32, #tpu.memory_space<hbm>>
      tpu.enqueue_indirect_dma source(%dma_start3A_196 : memref<20000x128xf32, #tpu.memory_space<hbm>>) target(%arg16 : memref<128x128xf32, #tpu.memory_space<vmem>>) offsets(%arg9 : memref<128xi32, #tpu.memory_space<vmem>>) semaphore(%arg19 : memref<!tpu.dma_semaphore, #tpu.memory_space<semaphore_mem>>)
      %dma_wait3A_197 = arith.constant 0 : i32
      %dma_wait3A_198 = arith.constant 0 : i32
      %dma_wait3A_199 = tpu.memref_slice %arg2[%dma_wait3A_197, %dma_wait3A_198] : memref<20000x128xf32, #tpu.memory_space<hbm>> -> memref<20000x128xf32, #tpu.memory_space<hbm>>
      tpu.wait_indirect_dma semaphore(%arg18 : memref<!tpu.dma_semaphore, #tpu.memory_space<semaphore_mem>>) src(%dma_wait3A_199 : memref<20000x128xf32, #tpu.memory_space<hbm>>) dst(%arg15 : memref<128x128xf32, #tpu.memory_space<vmem>>)
      %eq3A_200 = arith.constant 38 : i32
      %eq3A_201 = arith.cmpi eq, %scan3A_193, %eq3A_200 : i32
      %get3A_202 = arith.constant 0 : index
      %get3A_203 = tpu.vector_load %arg8[%get3A_202] {strides = array<i32>} : memref<128xi32, #tpu.memory_space<vmem>>, vector<16xi32>,
      %get3A_204 = vector.shape_cast %get3A_203 : vector<16xi32> to vector<16xi32>
      %swap3A_205 = arith.constant 0 : index
      %swap3A_206 = tpu.vector_load %arg11[%swap3A_205] {strides = array<i32>} : memref<128xi32, #tpu.memory_space<vmem>>, vector<16xi32>,
      %swap3A_207 = vector.shape_cast %swap3A_206 : vector<16xi32> to vector<16xi32>
      %swap3A_208 = vector.shape_cast %get3A_204 : vector<16xi32> to vector<16xi32>
      tpu.vector_store %arg11[%swap3A_205], %swap3A_208 {strides = array<i32>} : memref<128xi32, #tpu.memory_space<vmem>>, vector<16xi32>,
      %get3A_209 = arith.constant 16 : index
      %get3A_210 = tpu.vector_load %arg8[%get3A_209] {strides = array<i32>} : memref<128xi32, #tpu.memory_space<vmem>>, vector<16xi32>,
      %get3A_211 = vector.shape_cast %get3A_210 : vector<16xi32> to vector<16xi32>
      %swap3A_212 = arith.constant 16 : index
      %swap3A_213 = tpu.vector_load %arg11[%swap3A_212] {strides = array<i32>} : memref<128xi32, #tpu.memory_space<vmem>>, vector<16xi32>,
      %swap3A_214 = vector.shape_cast %swap3A_213 : vector<16xi32> to vector<16xi32>
      %swap3A_215 = vector.shape_cast %get3A_211 : vector<16xi32> to vector<16xi32>
      tpu.vector_store %arg11[%swap3A_212], %swap3A_215 {strides = array<i32>} : memref<128xi32, #tpu.memory_space<vmem>>, vector<16xi32>,
      %get3A_216 = arith.constant 32 : index
      %get3A_217 = tpu.vector_load %arg8[%get3A_216] {strides = array<i32>} : memref<128xi32, #tpu.memory_space<vmem>>, vector<16xi32>,
      %get3A_218 = vector.shape_cast %get3A_217 : vector<16xi32> to vector<16xi32>
      %swap3A_219 = arith.constant 32 : index
      %swap3A_220 = tpu.vector_load %arg11[%swap3A_219] {strides = array<i32>} : memref<128xi32, #tpu.memory_space<vmem>>, vector<16xi32>,
      %swap3A_221 = vector.shape_cast %swap3A_220 : vector<16xi32> to vector<16xi32>
      %swap3A_222 = vector.shape_cast %get3A_218 : vector<16xi32> to vector<16xi32>
      tpu.vector_store %arg11[%swap3A_219], %swap3A_222 {strides = array<i32>} : memref<128xi32, #tpu.memory_space<vmem>>, vector<16xi32>,
      %get3A_223 = arith.constant 48 : index
      %get3A_224 = tpu.vector_load %arg8[%get3A_223] {strides = array<i32>} : memref<128xi32, #tpu.memory_space<vmem>>, vector<16xi32>,
      %get3A_225 = vector.shape_cast %get3A_224 : vector<16xi32> to vector<16xi32>
      %swap3A_226 = arith.constant 48 : index
      %swap3A_227 = tpu.vector_load %arg11[%swap3A_226] {strides = array<i32>} : memref<128xi32, #tpu.memory_space<vmem>>, vector<16xi32>,
      %swap3A_228 = vector.shape_cast %swap3A_227 : vector<16xi32> to vector<16xi32>
      %swap3A_229 = vector.shape_cast %get3A_225 : vector<16xi32> to vector<16xi32>
      tpu.vector_store %arg11[%swap3A_226], %swap3A_229 {strides = array<i32>} : memref<128xi32, #tpu.memory_space<vmem>>, vector<16xi32>,
      %get3A_230 = arith.constant 64 : index
      %get3A_231 = tpu.vector_load %arg8[%get3A_230] {strides = array<i32>} : memref<128xi32, #tpu.memory_space<vmem>>, vector<16xi32>,
      %get3A_232 = vector.shape_cast %get3A_231 : vector<16xi32> to vector<16xi32>
      %swap3A_233 = arith.constant 64 : index
      %swap3A_234 = tpu.vector_load %arg11[%swap3A_233] {strides = array<i32>} : memref<128xi32, #tpu.memory_space<vmem>>, vector<16xi32>,
      %swap3A_235 = vector.shape_cast %swap3A_234 : vector<16xi32> to vector<16xi32>
      %swap3A_236 = vector.shape_cast %get3A_232 : vector<16xi32> to vector<16xi32>
      tpu.vector_store %arg11[%swap3A_233], %swap3A_236 {strides = array<i32>} : memref<128xi32, #tpu.memory_space<vmem>>, vector<16xi32>,
      %get3A_237 = arith.constant 80 : index
      %get3A_238 = tpu.vector_load %arg8[%get3A_237] {strides = array<i32>} : memref<128xi32, #tpu.memory_space<vmem>>, vector<16xi32>,
      %get3A_239 = vector.shape_cast %get3A_238 : vector<16xi32> to vector<16xi32>
      %swap3A_240 = arith.constant 80 : index
      %swap3A_241 = tpu.vector_load %arg11[%swap3A_240] {strides = array<i32>} : memref<128xi32, #tpu.memory_space<vmem>>, vector<16xi32>,
      %swap3A_242 = vector.shape_cast %swap3A_241 : vector<16xi32> to vector<16xi32>
      %swap3A_243 = vector.shape_cast %get3A_239 : vector<16xi32> to vector<16xi32>
      tpu.vector_store %arg11[%swap3A_240], %swap3A_243 {strides = array<i32>} : memref<128xi32, #tpu.memory_space<vmem>>, vector<16xi32>,
      %get3A_244 = arith.constant 96 : index
      %get3A_245 = tpu.vector_load %arg8[%get3A_244] {strides = array<i32>} : memref<128xi32, #tpu.memory_space<vmem>>, vector<16xi32>,
      %get3A_246 = vector.shape_cast %get3A_245 : vector<16xi32> to vector<16xi32>
      %swap3A_247 = arith.constant 96 : index
      %swap3A_248 = tpu.vector_load %arg11[%swap3A_247] {strides = array<i32>} : memref<128xi32, #tpu.memory_space<vmem>>, vector<16xi32>,
      %swap3A_249 = vector.shape_cast %swap3A_248 : vector<16xi32> to vector<16xi32>
      %swap3A_250 = vector.shape_cast %get3A_246 : vector<16xi32> to vector<16xi32>
      tpu.vector_store %arg11[%swap3A_247], %swap3A_250 {strides = array<i32>} : memref<128xi32, #tpu.memory_space<vmem>>, vector<16xi32>,
      %get3A_251 = arith.constant 112 : index
      %get3A_252 = tpu.vector_load %arg8[%get3A_251] {strides = array<i32>} : memref<128xi32, #tpu.memory_space<vmem>>, vector<16xi32>,
      %get3A_253 = vector.shape_cast %get3A_252 : vector<16xi32> to vector<16xi32>
      %swap3A_254 = arith.constant 112 : index
      %swap3A_255 = tpu.vector_load %arg11[%swap3A_254] {strides = array<i32>} : memref<128xi32, #tpu.memory_space<vmem>>, vector<16xi32>,
      %swap3A_256 = vector.shape_cast %swap3A_255 : vector<16xi32> to vector<16xi32>
      %swap3A_257 = vector.shape_cast %get3A_253 : vector<16xi32> to vector<16xi32>
      tpu.vector_store %arg11[%swap3A_254], %swap3A_257 {strides = array<i32>} : memref<128xi32, #tpu.memory_space<vmem>>, vector<16xi32>,
      %not3A = arith.constant true
      %not3A_258 = arith.xori %eq3A_201, %not3A : i1
      %convert_element_type3A_259 = arith.extui %not3A_258 : i1 to i32
      %cond3A_260 = arith.constant 0 : i32
      %cond3A_261 = arith.cmpi ne, %convert_element_type3A_259, %cond3A_260 : i32
      scf.if %cond3A_261 {
        %mul3A_336 = arith.constant 2 : i32
        %mul3A_337 = arith.muli %mul3A_336, %scan3A_193 : i32
        %add3A_338 = arith.constant 2 : i32
        %add3A_339 = arith.addi %mul3A_337, %add3A_338 : i32
        %mul3A_340 = arith.constant 128 : i32
        %mul3A_341 = arith.muli %add3A_339, %mul3A_340 : i32
        %add3A_342 = arith.addi %mul3A_2, %mul3A_341 : i32
        %dma_start3A_343 = tpu.memref_slice %arg3[%add3A_342] : memref<160000xi32, #tpu.memory_space<hbm>> -> memref<128xi32, #tpu.memory_space<hbm>>
        %dma_start3A_344 = tpu.memref_slice %arg3[%add3A_342] : memref<160000xi32, #tpu.memory_space<hbm>> -> memref<128xi32, #tpu.memory_space<hbm>>
        tpu.enqueue_dma source(%dma_start3A_344 : memref<128xi32, #tpu.memory_space<hbm>>) target(%arg7 : memref<128xi32, #tpu.memory_space<vmem>>) target_semaphore(%arg22 : memref<!tpu.dma_semaphore, #tpu.memory_space<semaphore_mem>>)
        %mul3A_345 = arith.constant 128 : i32
        %mul3A_346 = arith.muli %add3A_339, %mul3A_345 : i32
        %add3A_347 = arith.addi %mul3A_2, %mul3A_346 : i32
        %dma_start3A_348 = tpu.memref_slice %arg4[%add3A_347] : memref<160000xi32, #tpu.memory_space<hbm>> -> memref<128xi32, #tpu.memory_space<hbm>>
        %dma_start3A_349 = tpu.memref_slice %arg4[%add3A_347] : memref<160000xi32, #tpu.memory_space<hbm>> -> memref<128xi32, #tpu.memory_space<hbm>>
        tpu.enqueue_dma source(%dma_start3A_349 : memref<128xi32, #tpu.memory_space<hbm>>) target(%arg8 : memref<128xi32, #tpu.memory_space<vmem>>) target_semaphore(%arg22 : memref<!tpu.dma_semaphore, #tpu.memory_space<semaphore_mem>>)
      } else {
      }
      "tpu.region"() ({
        %run_scoped3A = tpu.sem_alloc : memref<!tpu.dma_semaphore, #tpu.memory_space<semaphore_mem>>
        %dma_start3A_336 = arith.constant 0 : i32
        %dma_start3A_337 = arith.constant 0 : i32
        %dma_start3A_338 = tpu.memref_slice %arg17[%dma_start3A_336, %dma_start3A_337] : memref<10000x128xf32, #tpu.memory_space<vmem_shared>> -> memref<10000x128xf32, #tpu.memory_space<vmem_shared>>
        tpu.enqueue_indirect_dma source(%arg15 : memref<128x128xf32, #tpu.memory_space<vmem>>) target(%dma_start3A_338 : memref<10000x128xf32, #tpu.memory_space<vmem_shared>>) offsets(%arg11 : memref<128xi32, #tpu.memory_space<vmem>>) semaphore(%run_scoped3A : memref<!tpu.dma_semaphore, #tpu.memory_space<semaphore_mem>>) {add = true}
        %dma_wait3A_339 = arith.constant 0 : i32
        %dma_wait3A_340 = arith.constant 0 : i32
        %dma_wait3A_341 = tpu.memref_slice %arg17[%dma_wait3A_339, %dma_wait3A_340] : memref<10000x128xf32, #tpu.memory_space<vmem_shared>> -> memref<10000x128xf32, #tpu.memory_space<vmem_shared>>
        tpu.wait_indirect_dma semaphore(%run_scoped3A : memref<!tpu.dma_semaphore, #tpu.memory_space<semaphore_mem>>) src(%arg15 : memref<128x128xf32, #tpu.memory_space<vmem>>) dst(%dma_wait3A_341 : memref<10000x128xf32, #tpu.memory_space<vmem_shared>>)
        tpu.yield
      }) : () -> ()
      %not3A_262 = arith.constant true
      %not3A_263 = arith.xori %eq3A_201, %not3A_262 : i1
      %convert_element_type3A_264 = arith.extui %not3A_263 : i1 to i32
      %cond3A_265 = arith.constant 0 : i32
      %cond3A_266 = arith.cmpi ne, %convert_element_type3A_264, %cond3A_265 : i32
      scf.if %cond3A_266 {
        %mul3A_336 = arith.constant 2 : i32
        %mul3A_337 = arith.muli %mul3A_336, %scan3A_193 : i32
        %add3A_338 = arith.constant 2 : i32
        %add3A_339 = arith.addi %mul3A_337, %add3A_338 : i32
        %mul3A_340 = arith.constant 128 : i32
        %mul3A_341 = arith.muli %add3A_339, %mul3A_340 : i32
        %add3A_342 = arith.addi %mul3A_2, %mul3A_341 : i32
        %dma_wait3A_343 = tpu.memref_slice %arg3[%add3A_342] : memref<160000xi32, #tpu.memory_space<hbm>> -> memref<128xi32, #tpu.memory_space<hbm>>
        %dma_wait3A_344 = tpu.memref_slice %arg3[%add3A_342] : memref<160000xi32, #tpu.memory_space<hbm>> -> memref<128xi32, #tpu.memory_space<hbm>>
        tpu.wait_dma2 semaphore(%arg22 : memref<!tpu.dma_semaphore, #tpu.memory_space<semaphore_mem>>) src(%dma_wait3A_344 : memref<128xi32, #tpu.memory_space<hbm>>) dst(%arg7 : memref<128xi32, #tpu.memory_space<vmem>>)
        %mul3A_345 = arith.constant 128 : i32
        %mul3A_346 = arith.muli %add3A_339, %mul3A_345 : i32
        %add3A_347 = arith.addi %mul3A_2, %mul3A_346 : i32
        %dma_wait3A_348 = tpu.memref_slice %arg4[%add3A_347] : memref<160000xi32, #tpu.memory_space<hbm>> -> memref<128xi32, #tpu.memory_space<hbm>>
        %dma_wait3A_349 = tpu.memref_slice %arg4[%add3A_347] : memref<160000xi32, #tpu.memory_space<hbm>> -> memref<128xi32, #tpu.memory_space<hbm>>
        tpu.wait_dma2 semaphore(%arg22 : memref<!tpu.dma_semaphore, #tpu.memory_space<semaphore_mem>>) src(%dma_wait3A_349 : memref<128xi32, #tpu.memory_space<hbm>>) dst(%arg8 : memref<128xi32, #tpu.memory_space<vmem>>)
        %get3A_350 = arith.constant 0 : index
        %get3A_351 = tpu.vector_load %arg7[%get3A_350] {strides = array<i32>} : memref<128xi32, #tpu.memory_space<vmem>>, vector<16xi32>,
        %get3A_352 = vector.shape_cast %get3A_351 : vector<16xi32> to vector<16xi32>
        %add3A_353 = vector.broadcast %mul3A_4 : i32 to vector<16xi32>
        %add3A_354 = arith.addi %get3A_352, %add3A_353 : vector<16xi32>
        %swap3A_355 = arith.constant 0 : index
        %swap3A_356 = tpu.vector_load %arg7[%swap3A_355] {strides = array<i32>} : memref<128xi32, #tpu.memory_space<vmem>>, vector<16xi32>,
        %swap3A_357 = vector.shape_cast %swap3A_356 : vector<16xi32> to vector<16xi32>
        %swap3A_358 = vector.shape_cast %add3A_354 : vector<16xi32> to vector<16xi32>
        tpu.vector_store %arg7[%swap3A_355], %swap3A_358 {strides = array<i32>} : memref<128xi32, #tpu.memory_space<vmem>>, vector<16xi32>,
        %get3A_359 = arith.constant 16 : index
        %get3A_360 = tpu.vector_load %arg7[%get3A_359] {strides = array<i32>} : memref<128xi32, #tpu.memory_space<vmem>>, vector<16xi32>,
        %get3A_361 = vector.shape_cast %get3A_360 : vector<16xi32> to vector<16xi32>
        %add3A_362 = vector.broadcast %mul3A_4 : i32 to vector<16xi32>
        %add3A_363 = arith.addi %get3A_361, %add3A_362 : vector<16xi32>
        %swap3A_364 = arith.constant 16 : index
        %swap3A_365 = tpu.vector_load %arg7[%swap3A_364] {strides = array<i32>} : memref<128xi32, #tpu.memory_space<vmem>>, vector<16xi32>,
        %swap3A_366 = vector.shape_cast %swap3A_365 : vector<16xi32> to vector<16xi32>
        %swap3A_367 = vector.shape_cast %add3A_363 : vector<16xi32> to vector<16xi32>
        tpu.vector_store %arg7[%swap3A_364], %swap3A_367 {strides = array<i32>} : memref<128xi32, #tpu.memory_space<vmem>>, vector<16xi32>,
        %get3A_368 = arith.constant 32 : index
        %get3A_369 = tpu.vector_load %arg7[%get3A_368] {strides = array<i32>} : memref<128xi32, #tpu.memory_space<vmem>>, vector<16xi32>,
        %get3A_370 = vector.shape_cast %get3A_369 : vector<16xi32> to vector<16xi32>
        %add3A_371 = vector.broadcast %mul3A_4 : i32 to vector<16xi32>
        %add3A_372 = arith.addi %get3A_370, %add3A_371 : vector<16xi32>
        %swap3A_373 = arith.constant 32 : index
        %swap3A_374 = tpu.vector_load %arg7[%swap3A_373] {strides = array<i32>} : memref<128xi32, #tpu.memory_space<vmem>>, vector<16xi32>,
        %swap3A_375 = vector.shape_cast %swap3A_374 : vector<16xi32> to vector<16xi32>
        %swap3A_376 = vector.shape_cast %add3A_372 : vector<16xi32> to vector<16xi32>
        tpu.vector_store %arg7[%swap3A_373], %swap3A_376 {strides = array<i32>} : memref<128xi32, #tpu.memory_space<vmem>>, vector<16xi32>,
        %get3A_377 = arith.constant 48 : index
        %get3A_378 = tpu.vector_load %arg7[%get3A_377] {strides = array<i32>} : memref<128xi32, #tpu.memory_space<vmem>>, vector<16xi32>,
        %get3A_379 = vector.shape_cast %get3A_378 : vector<16xi32> to vector<16xi32>
        %add3A_380 = vector.broadcast %mul3A_4 : i32 to vector<16xi32>
        %add3A_381 = arith.addi %get3A_379, %add3A_380 : vector<16xi32>
        %swap3A_382 = arith.constant 48 : index
        %swap3A_383 = tpu.vector_load %arg7[%swap3A_382] {strides = array<i32>} : memref<128xi32, #tpu.memory_space<vmem>>, vector<16xi32>,
        %swap3A_384 = vector.shape_cast %swap3A_383 : vector<16xi32> to vector<16xi32>
        %swap3A_385 = vector.shape_cast %add3A_381 : vector<16xi32> to vector<16xi32>
        tpu.vector_store %arg7[%swap3A_382], %swap3A_385 {strides = array<i32>} : memref<128xi32, #tpu.memory_space<vmem>>, vector<16xi32>,
        %get3A_386 = arith.constant 64 : index
        %get3A_387 = tpu.vector_load %arg7[%get3A_386] {strides = array<i32>} : memref<128xi32, #tpu.memory_space<vmem>>, vector<16xi32>,
        %get3A_388 = vector.shape_cast %get3A_387 : vector<16xi32> to vector<16xi32>
        %add3A_389 = vector.broadcast %mul3A_4 : i32 to vector<16xi32>
        %add3A_390 = arith.addi %get3A_388, %add3A_389 : vector<16xi32>
        %swap3A_391 = arith.constant 64 : index
        %swap3A_392 = tpu.vector_load %arg7[%swap3A_391] {strides = array<i32>} : memref<128xi32, #tpu.memory_space<vmem>>, vector<16xi32>,
        %swap3A_393 = vector.shape_cast %swap3A_392 : vector<16xi32> to vector<16xi32>
        %swap3A_394 = vector.shape_cast %add3A_390 : vector<16xi32> to vector<16xi32>
        tpu.vector_store %arg7[%swap3A_391], %swap3A_394 {strides = array<i32>} : memref<128xi32, #tpu.memory_space<vmem>>, vector<16xi32>,
        %get3A_395 = arith.constant 80 : index
        %get3A_396 = tpu.vector_load %arg7[%get3A_395] {strides = array<i32>} : memref<128xi32, #tpu.memory_space<vmem>>, vector<16xi32>,
        %get3A_397 = vector.shape_cast %get3A_396 : vector<16xi32> to vector<16xi32>
        %add3A_398 = vector.broadcast %mul3A_4 : i32 to vector<16xi32>
        %add3A_399 = arith.addi %get3A_397, %add3A_398 : vector<16xi32>
        %swap3A_400 = arith.constant 80 : index
        %swap3A_401 = tpu.vector_load %arg7[%swap3A_400] {strides = array<i32>} : memref<128xi32, #tpu.memory_space<vmem>>, vector<16xi32>,
        %swap3A_402 = vector.shape_cast %swap3A_401 : vector<16xi32> to vector<16xi32>
        %swap3A_403 = vector.shape_cast %add3A_399 : vector<16xi32> to vector<16xi32>
        tpu.vector_store %arg7[%swap3A_400], %swap3A_403 {strides = array<i32>} : memref<128xi32, #tpu.memory_space<vmem>>, vector<16xi32>,
        %get3A_404 = arith.constant 96 : index
        %get3A_405 = tpu.vector_load %arg7[%get3A_404] {strides = array<i32>} : memref<128xi32, #tpu.memory_space<vmem>>, vector<16xi32>,
        %get3A_406 = vector.shape_cast %get3A_405 : vector<16xi32> to vector<16xi32>
        %add3A_407 = vector.broadcast %mul3A_4 : i32 to vector<16xi32>
        %add3A_408 = arith.addi %get3A_406, %add3A_407 : vector<16xi32>
        %swap3A_409 = arith.constant 96 : index
        %swap3A_410 = tpu.vector_load %arg7[%swap3A_409] {strides = array<i32>} : memref<128xi32, #tpu.memory_space<vmem>>, vector<16xi32>,
        %swap3A_411 = vector.shape_cast %swap3A_410 : vector<16xi32> to vector<16xi32>
        %swap3A_412 = vector.shape_cast %add3A_408 : vector<16xi32> to vector<16xi32>
        tpu.vector_store %arg7[%swap3A_409], %swap3A_412 {strides = array<i32>} : memref<128xi32, #tpu.memory_space<vmem>>, vector<16xi32>,
        %get3A_413 = arith.constant 112 : index
        %get3A_414 = tpu.vector_load %arg7[%get3A_413] {strides = array<i32>} : memref<128xi32, #tpu.memory_space<vmem>>, vector<16xi32>,
        %get3A_415 = vector.shape_cast %get3A_414 : vector<16xi32> to vector<16xi32>
        %add3A_416 = vector.broadcast %mul3A_4 : i32 to vector<16xi32>
        %add3A_417 = arith.addi %get3A_415, %add3A_416 : vector<16xi32>
        %swap3A_418 = arith.constant 112 : index
        %swap3A_419 = tpu.vector_load %arg7[%swap3A_418] {strides = array<i32>} : memref<128xi32, #tpu.memory_space<vmem>>, vector<16xi32>,
        %swap3A_420 = vector.shape_cast %swap3A_419 : vector<16xi32> to vector<16xi32>
        %swap3A_421 = vector.shape_cast %add3A_417 : vector<16xi32> to vector<16xi32>
        tpu.vector_store %arg7[%swap3A_418], %swap3A_421 {strides = array<i32>} : memref<128xi32, #tpu.memory_space<vmem>>, vector<16xi32>,
        %dma_start3A_422 = arith.constant 0 : i32
        %dma_start3A_423 = arith.constant 0 : i32
        %dma_start3A_424 = tpu.memref_slice %arg2[%dma_start3A_422, %dma_start3A_423] : memref<20000x128xf32, #tpu.memory_space<hbm>> -> memref<20000x128xf32, #tpu.memory_space<hbm>>
        tpu.enqueue_indirect_dma source(%dma_start3A_424 : memref<20000x128xf32, #tpu.memory_space<hbm>>) target(%arg15 : memref<128x128xf32, #tpu.memory_space<vmem>>) offsets(%arg7 : memref<128xi32, #tpu.memory_space<vmem>>) semaphore(%arg18 : memref<!tpu.dma_semaphore, #tpu.memory_space<semaphore_mem>>)
      } else {
      }
      %dma_wait3A_267 = arith.constant 0 : i32
      %dma_wait3A_268 = arith.constant 0 : i32
      %dma_wait3A_269 = tpu.memref_slice %arg2[%dma_wait3A_267, %dma_wait3A_268] : memref<20000x128xf32, #tpu.memory_space<hbm>> -> memref<20000x128xf32, #tpu.memory_space<hbm>>
      tpu.wait_indirect_dma semaphore(%arg19 : memref<!tpu.dma_semaphore, #tpu.memory_space<semaphore_mem>>) src(%dma_wait3A_269 : memref<20000x128xf32, #tpu.memory_space<hbm>>) dst(%arg16 : memref<128x128xf32, #tpu.memory_space<vmem>>)
      %get3A_270 = arith.constant 0 : index
      %get3A_271 = tpu.vector_load %arg10[%get3A_270] {strides = array<i32>} : memref<128xi32, #tpu.memory_space<vmem>>, vector<16xi32>,
      %get3A_272 = vector.shape_cast %get3A_271 : vector<16xi32> to vector<16xi32>
      %swap3A_273 = arith.constant 0 : index
      %swap3A_274 = tpu.vector_load %arg12[%swap3A_273] {strides = array<i32>} : memref<128xi32, #tpu.memory_space<vmem>>, vector<16xi32>,
      %swap3A_275 = vector.shape_cast %swap3A_274 : vector<16xi32> to vector<16xi32>
      %swap3A_276 = vector.shape_cast %get3A_272 : vector<16xi32> to vector<16xi32>
      tpu.vector_store %arg12[%swap3A_273], %swap3A_276 {strides = array<i32>} : memref<128xi32, #tpu.memory_space<vmem>>, vector<16xi32>,
      %get3A_277 = arith.constant 16 : index
      %get3A_278 = tpu.vector_load %arg10[%get3A_277] {strides = array<i32>} : memref<128xi32, #tpu.memory_space<vmem>>, vector<16xi32>,
      %get3A_279 = vector.shape_cast %get3A_278 : vector<16xi32> to vector<16xi32>
      %swap3A_280 = arith.constant 16 : index
      %swap3A_281 = tpu.vector_load %arg12[%swap3A_280] {strides = array<i32>} : memref<128xi32, #tpu.memory_space<vmem>>, vector<16xi32>,
      %swap3A_282 = vector.shape_cast %swap3A_281 : vector<16xi32> to vector<16xi32>
      %swap3A_283 = vector.shape_cast %get3A_279 : vector<16xi32> to vector<16xi32>
      tpu.vector_store %arg12[%swap3A_280], %swap3A_283 {strides = array<i32>} : memref<128xi32, #tpu.memory_space<vmem>>, vector<16xi32>,
      %get3A_284 = arith.constant 32 : index
      %get3A_285 = tpu.vector_load %arg10[%get3A_284] {strides = array<i32>} : memref<128xi32, #tpu.memory_space<vmem>>, vector<16xi32>,
      %get3A_286 = vector.shape_cast %get3A_285 : vector<16xi32> to vector<16xi32>
      %swap3A_287 = arith.constant 32 : index
      %swap3A_288 = tpu.vector_load %arg12[%swap3A_287] {strides = array<i32>} : memref<128xi32, #tpu.memory_space<vmem>>, vector<16xi32>,
      %swap3A_289 = vector.shape_cast %swap3A_288 : vector<16xi32> to vector<16xi32>
      %swap3A_290 = vector.shape_cast %get3A_286 : vector<16xi32> to vector<16xi32>
      tpu.vector_store %arg12[%swap3A_287], %swap3A_290 {strides = array<i32>} : memref<128xi32, #tpu.memory_space<vmem>>, vector<16xi32>,
      %get3A_291 = arith.constant 48 : index
      %get3A_292 = tpu.vector_load %arg10[%get3A_291] {strides = array<i32>} : memref<128xi32, #tpu.memory_space<vmem>>, vector<16xi32>,
      %get3A_293 = vector.shape_cast %get3A_292 : vector<16xi32> to vector<16xi32>
      %swap3A_294 = arith.constant 48 : index
      %swap3A_295 = tpu.vector_load %arg12[%swap3A_294] {strides = array<i32>} : memref<128xi32, #tpu.memory_space<vmem>>, vector<16xi32>,
      %swap3A_296 = vector.shape_cast %swap3A_295 : vector<16xi32> to vector<16xi32>
      %swap3A_297 = vector.shape_cast %get3A_293 : vector<16xi32> to vector<16xi32>
      tpu.vector_store %arg12[%swap3A_294], %swap3A_297 {strides = array<i32>} : memref<128xi32, #tpu.memory_space<vmem>>, vector<16xi32>,
      %get3A_298 = arith.constant 64 : index
      %get3A_299 = tpu.vector_load %arg10[%get3A_298] {strides = array<i32>} : memref<128xi32, #tpu.memory_space<vmem>>, vector<16xi32>,
      %get3A_300 = vector.shape_cast %get3A_299 : vector<16xi32> to vector<16xi32>
      %swap3A_301 = arith.constant 64 : index
      %swap3A_302 = tpu.vector_load %arg12[%swap3A_301] {strides = array<i32>} : memref<128xi32, #tpu.memory_space<vmem>>, vector<16xi32>,
      %swap3A_303 = vector.shape_cast %swap3A_302 : vector<16xi32> to vector<16xi32>
      %swap3A_304 = vector.shape_cast %get3A_300 : vector<16xi32> to vector<16xi32>
      tpu.vector_store %arg12[%swap3A_301], %swap3A_304 {strides = array<i32>} : memref<128xi32, #tpu.memory_space<vmem>>, vector<16xi32>,
      %get3A_305 = arith.constant 80 : index
      %get3A_306 = tpu.vector_load %arg10[%get3A_305] {strides = array<i32>} : memref<128xi32, #tpu.memory_space<vmem>>, vector<16xi32>,
      %get3A_307 = vector.shape_cast %get3A_306 : vector<16xi32> to vector<16xi32>
      %swap3A_308 = arith.constant 80 : index
      %swap3A_309 = tpu.vector_load %arg12[%swap3A_308] {strides = array<i32>} : memref<128xi32, #tpu.memory_space<vmem>>, vector<16xi32>,
      %swap3A_310 = vector.shape_cast %swap3A_309 : vector<16xi32> to vector<16xi32>
      %swap3A_311 = vector.shape_cast %get3A_307 : vector<16xi32> to vector<16xi32>
      tpu.vector_store %arg12[%swap3A_308], %swap3A_311 {strides = array<i32>} : memref<128xi32, #tpu.memory_space<vmem>>, vector<16xi32>,
      %get3A_312 = arith.constant 96 : index
      %get3A_313 = tpu.vector_load %arg10[%get3A_312] {strides = array<i32>} : memref<128xi32, #tpu.memory_space<vmem>>, vector<16xi32>,
      %get3A_314 = vector.shape_cast %get3A_313 : vector<16xi32> to vector<16xi32>
      %swap3A_315 = arith.constant 96 : index
      %swap3A_316 = tpu.vector_load %arg12[%swap3A_315] {strides = array<i32>} : memref<128xi32, #tpu.memory_space<vmem>>, vector<16xi32>,
      %swap3A_317 = vector.shape_cast %swap3A_316 : vector<16xi32> to vector<16xi32>
      %swap3A_318 = vector.shape_cast %get3A_314 : vector<16xi32> to vector<16xi32>
      tpu.vector_store %arg12[%swap3A_315], %swap3A_318 {strides = array<i32>} : memref<128xi32, #tpu.memory_space<vmem>>, vector<16xi32>,
      %get3A_319 = arith.constant 112 : index
      %get3A_320 = tpu.vector_load %arg10[%get3A_319] {strides = array<i32>} : memref<128xi32, #tpu.memory_space<vmem>>, vector<16xi32>,
      %get3A_321 = vector.shape_cast %get3A_320 : vector<16xi32> to vector<16xi32>
      %swap3A_322 = arith.constant 112 : index
      %swap3A_323 = tpu.vector_load %arg12[%swap3A_322] {strides = array<i32>} : memref<128xi32, #tpu.memory_space<vmem>>, vector<16xi32>,
      %swap3A_324 = vector.shape_cast %swap3A_323 : vector<16xi32> to vector<16xi32>
      %swap3A_325 = vector.shape_cast %get3A_321 : vector<16xi32> to vector<16xi32>
      tpu.vector_store %arg12[%swap3A_322], %swap3A_325 {strides = array<i32>} : memref<128xi32, #tpu.memory_space<vmem>>, vector<16xi32>,
      %not3A_326 = arith.constant true
      %not3A_327 = arith.xori %eq3A_201, %not3A_326 : i1
      %convert_element_type3A_328 = arith.extui %not3A_327 : i1 to i32
      %cond3A_329 = arith.constant 0 : i32
      %cond3A_330 = arith.cmpi ne, %convert_element_type3A_328, %cond3A_329 : i32
      scf.if %cond3A_330 {
        %mul3A_336 = arith.constant 2 : i32
        %mul3A_337 = arith.muli %mul3A_336, %scan3A_193 : i32
        %add3A_338 = arith.constant 3 : i32
        %add3A_339 = arith.addi %mul3A_337, %add3A_338 : i32
        %mul3A_340 = arith.constant 128 : i32
        %mul3A_341 = arith.muli %add3A_339, %mul3A_340 : i32
        %add3A_342 = arith.addi %mul3A_2, %mul3A_341 : i32
        %dma_start3A_343 = tpu.memref_slice %arg3[%add3A_342] : memref<160000xi32, #tpu.memory_space<hbm>> -> memref<128xi32, #tpu.memory_space<hbm>>
        %dma_start3A_344 = tpu.memref_slice %arg3[%add3A_342] : memref<160000xi32, #tpu.memory_space<hbm>> -> memref<128xi32, #tpu.memory_space<hbm>>
        tpu.enqueue_dma source(%dma_start3A_344 : memref<128xi32, #tpu.memory_space<hbm>>) target(%arg9 : memref<128xi32, #tpu.memory_space<vmem>>) target_semaphore(%arg22 : memref<!tpu.dma_semaphore, #tpu.memory_space<semaphore_mem>>)
        %mul3A_345 = arith.constant 128 : i32
        %mul3A_346 = arith.muli %add3A_339, %mul3A_345 : i32
        %add3A_347 = arith.addi %mul3A_2, %mul3A_346 : i32
        %dma_start3A_348 = tpu.memref_slice %arg4[%add3A_347] : memref<160000xi32, #tpu.memory_space<hbm>> -> memref<128xi32, #tpu.memory_space<hbm>>
        %dma_start3A_349 = tpu.memref_slice %arg4[%add3A_347] : memref<160000xi32, #tpu.memory_space<hbm>> -> memref<128xi32, #tpu.memory_space<hbm>>
        tpu.enqueue_dma source(%dma_start3A_349 : memref<128xi32, #tpu.memory_space<hbm>>) target(%arg10 : memref<128xi32, #tpu.memory_space<vmem>>) target_semaphore(%arg22 : memref<!tpu.dma_semaphore, #tpu.memory_space<semaphore_mem>>)
      } else {
      }
      "tpu.region"() ({
        %run_scoped3A = tpu.sem_alloc : memref<!tpu.dma_semaphore, #tpu.memory_space<semaphore_mem>>
        %dma_start3A_336 = arith.constant 0 : i32
        %dma_start3A_337 = arith.constant 0 : i32
        %dma_start3A_338 = tpu.memref_slice %arg17[%dma_start3A_336, %dma_start3A_337] : memref<10000x128xf32, #tpu.memory_space<vmem_shared>> -> memref<10000x128xf32, #tpu.memory_space<vmem_shared>>
        tpu.enqueue_indirect_dma source(%arg16 : memref<128x128xf32, #tpu.memory_space<vmem>>) target(%dma_start3A_338 : memref<10000x128xf32, #tpu.memory_space<vmem_shared>>) offsets(%arg12 : memref<128xi32, #tpu.memory_space<vmem>>) semaphore(%run_scoped3A : memref<!tpu.dma_semaphore, #tpu.memory_space<semaphore_mem>>) {add = true}
        %dma_wait3A_339 = arith.constant 0 : i32
        %dma_wait3A_340 = arith.constant 0 : i32
        %dma_wait3A_341 = tpu.memref_slice %arg17[%dma_wait3A_339, %dma_wait3A_340] : memref<10000x128xf32, #tpu.memory_space<vmem_shared>> -> memref<10000x128xf32, #tpu.memory_space<vmem_shared>>
        tpu.wait_indirect_dma semaphore(%run_scoped3A : memref<!tpu.dma_semaphore, #tpu.memory_space<semaphore_mem>>) src(%arg16 : memref<128x128xf32, #tpu.memory_space<vmem>>) dst(%dma_wait3A_341 : memref<10000x128xf32, #tpu.memory_space<vmem_shared>>)
        tpu.yield
      }) : () -> ()
      %not3A_331 = arith.constant true
      %not3A_332 = arith.xori %eq3A_201, %not3A_331 : i1
      %convert_element_type3A_333 = arith.extui %not3A_332 : i1 to i32
      %cond3A_334 = arith.constant 0 : i32
      %cond3A_335 = arith.cmpi ne, %convert_element_type3A_333, %cond3A_334 : i32
      scf.if %cond3A_335 {
        %mul3A_336 = arith.constant 2 : i32
        %mul3A_337 = arith.muli %mul3A_336, %scan3A_193 : i32
        %add3A_338 = arith.constant 3 : i32
        %add3A_339 = arith.addi %mul3A_337, %add3A_338 : i32
        %mul3A_340 = arith.constant 128 : i32
        %mul3A_341 = arith.muli %add3A_339, %mul3A_340 : i32
        %add3A_342 = arith.addi %mul3A_2, %mul3A_341 : i32
        %dma_wait3A_343 = tpu.memref_slice %arg3[%add3A_342] : memref<160000xi32, #tpu.memory_space<hbm>> -> memref<128xi32, #tpu.memory_space<hbm>>
        %dma_wait3A_344 = tpu.memref_slice %arg3[%add3A_342] : memref<160000xi32, #tpu.memory_space<hbm>> -> memref<128xi32, #tpu.memory_space<hbm>>
        tpu.wait_dma2 semaphore(%arg22 : memref<!tpu.dma_semaphore, #tpu.memory_space<semaphore_mem>>) src(%dma_wait3A_344 : memref<128xi32, #tpu.memory_space<hbm>>) dst(%arg9 : memref<128xi32, #tpu.memory_space<vmem>>)
        %mul3A_345 = arith.constant 128 : i32
        %mul3A_346 = arith.muli %add3A_339, %mul3A_345 : i32
        %add3A_347 = arith.addi %mul3A_2, %mul3A_346 : i32
        %dma_wait3A_348 = tpu.memref_slice %arg4[%add3A_347] : memref<160000xi32, #tpu.memory_space<hbm>> -> memref<128xi32, #tpu.memory_space<hbm>>
        %dma_wait3A_349 = tpu.memref_slice %arg4[%add3A_347] : memref<160000xi32, #tpu.memory_space<hbm>> -> memref<128xi32, #tpu.memory_space<hbm>>
        tpu.wait_dma2 semaphore(%arg22 : memref<!tpu.dma_semaphore, #tpu.memory_space<semaphore_mem>>) src(%dma_wait3A_349 : memref<128xi32, #tpu.memory_space<hbm>>) dst(%arg10 : memref<128xi32, #tpu.memory_space<vmem>>)
        %get3A_350 = arith.constant 0 : index
        %get3A_351 = tpu.vector_load %arg9[%get3A_350] {strides = array<i32>} : memref<128xi32, #tpu.memory_space<vmem>>, vector<16xi32>,
        %get3A_352 = vector.shape_cast %get3A_351 : vector<16xi32> to vector<16xi32>
        %add3A_353 = vector.broadcast %mul3A_4 : i32 to vector<16xi32>
        %add3A_354 = arith.addi %get3A_352, %add3A_353 : vector<16xi32>
        %swap3A_355 = arith.constant 0 : index
        %swap3A_356 = tpu.vector_load %arg9[%swap3A_355] {strides = array<i32>} : memref<128xi32, #tpu.memory_space<vmem>>, vector<16xi32>,
        %swap3A_357 = vector.shape_cast %swap3A_356 : vector<16xi32> to vector<16xi32>
        %swap3A_358 = vector.shape_cast %add3A_354 : vector<16xi32> to vector<16xi32>
        tpu.vector_store %arg9[%swap3A_355], %swap3A_358 {strides = array<i32>} : memref<128xi32, #tpu.memory_space<vmem>>, vector<16xi32>,
        %get3A_359 = arith.constant 16 : index
        %get3A_360 = tpu.vector_load %arg9[%get3A_359] {strides = array<i32>} : memref<128xi32, #tpu.memory_space<vmem>>, vector<16xi32>,
        %get3A_361 = vector.shape_cast %get3A_360 : vector<16xi32> to vector<16xi32>
        %add3A_362 = vector.broadcast %mul3A_4 : i32 to vector<16xi32>
        %add3A_363 = arith.addi %get3A_361, %add3A_362 : vector<16xi32>
        %swap3A_364 = arith.constant 16 : index
        %swap3A_365 = tpu.vector_load %arg9[%swap3A_364] {strides = array<i32>} : memref<128xi32, #tpu.memory_space<vmem>>, vector<16xi32>,
        %swap3A_366 = vector.shape_cast %swap3A_365 : vector<16xi32> to vector<16xi32>
        %swap3A_367 = vector.shape_cast %add3A_363 : vector<16xi32> to vector<16xi32>
        tpu.vector_store %arg9[%swap3A_364], %swap3A_367 {strides = array<i32>} : memref<128xi32, #tpu.memory_space<vmem>>, vector<16xi32>,
        %get3A_368 = arith.constant 32 : index
        %get3A_369 = tpu.vector_load %arg9[%get3A_368] {strides = array<i32>} : memref<128xi32, #tpu.memory_space<vmem>>, vector<16xi32>,
        %get3A_370 = vector.shape_cast %get3A_369 : vector<16xi32> to vector<16xi32>
        %add3A_371 = vector.broadcast %mul3A_4 : i32 to vector<16xi32>
        %add3A_372 = arith.addi %get3A_370, %add3A_371 : vector<16xi32>
        %swap3A_373 = arith.constant 32 : index
        %swap3A_374 = tpu.vector_load %arg9[%swap3A_373] {strides = array<i32>} : memref<128xi32, #tpu.memory_space<vmem>>, vector<16xi32>,
        %swap3A_375 = vector.shape_cast %swap3A_374 : vector<16xi32> to vector<16xi32>
        %swap3A_376 = vector.shape_cast %add3A_372 : vector<16xi32> to vector<16xi32>
        tpu.vector_store %arg9[%swap3A_373], %swap3A_376 {strides = array<i32>} : memref<128xi32, #tpu.memory_space<vmem>>, vector<16xi32>,
        %get3A_377 = arith.constant 48 : index
        %get3A_378 = tpu.vector_load %arg9[%get3A_377] {strides = array<i32>} : memref<128xi32, #tpu.memory_space<vmem>>, vector<16xi32>,
        %get3A_379 = vector.shape_cast %get3A_378 : vector<16xi32> to vector<16xi32>
        %add3A_380 = vector.broadcast %mul3A_4 : i32 to vector<16xi32>
        %add3A_381 = arith.addi %get3A_379, %add3A_380 : vector<16xi32>
        %swap3A_382 = arith.constant 48 : index
        %swap3A_383 = tpu.vector_load %arg9[%swap3A_382] {strides = array<i32>} : memref<128xi32, #tpu.memory_space<vmem>>, vector<16xi32>,
        %swap3A_384 = vector.shape_cast %swap3A_383 : vector<16xi32> to vector<16xi32>
        %swap3A_385 = vector.shape_cast %add3A_381 : vector<16xi32> to vector<16xi32>
        tpu.vector_store %arg9[%swap3A_382], %swap3A_385 {strides = array<i32>} : memref<128xi32, #tpu.memory_space<vmem>>, vector<16xi32>,
        %get3A_386 = arith.constant 64 : index
        %get3A_387 = tpu.vector_load %arg9[%get3A_386] {strides = array<i32>} : memref<128xi32, #tpu.memory_space<vmem>>, vector<16xi32>,
        %get3A_388 = vector.shape_cast %get3A_387 : vector<16xi32> to vector<16xi32>
        %add3A_389 = vector.broadcast %mul3A_4 : i32 to vector<16xi32>
        %add3A_390 = arith.addi %get3A_388, %add3A_389 : vector<16xi32>
        %swap3A_391 = arith.constant 64 : index
        %swap3A_392 = tpu.vector_load %arg9[%swap3A_391] {strides = array<i32>} : memref<128xi32, #tpu.memory_space<vmem>>, vector<16xi32>,
        %swap3A_393 = vector.shape_cast %swap3A_392 : vector<16xi32> to vector<16xi32>
        %swap3A_394 = vector.shape_cast %add3A_390 : vector<16xi32> to vector<16xi32>
        tpu.vector_store %arg9[%swap3A_391], %swap3A_394 {strides = array<i32>} : memref<128xi32, #tpu.memory_space<vmem>>, vector<16xi32>,
        %get3A_395 = arith.constant 80 : index
        %get3A_396 = tpu.vector_load %arg9[%get3A_395] {strides = array<i32>} : memref<128xi32, #tpu.memory_space<vmem>>, vector<16xi32>,
        %get3A_397 = vector.shape_cast %get3A_396 : vector<16xi32> to vector<16xi32>
        %add3A_398 = vector.broadcast %mul3A_4 : i32 to vector<16xi32>
        %add3A_399 = arith.addi %get3A_397, %add3A_398 : vector<16xi32>
        %swap3A_400 = arith.constant 80 : index
        %swap3A_401 = tpu.vector_load %arg9[%swap3A_400] {strides = array<i32>} : memref<128xi32, #tpu.memory_space<vmem>>, vector<16xi32>,
        %swap3A_402 = vector.shape_cast %swap3A_401 : vector<16xi32> to vector<16xi32>
        %swap3A_403 = vector.shape_cast %add3A_399 : vector<16xi32> to vector<16xi32>
        tpu.vector_store %arg9[%swap3A_400], %swap3A_403 {strides = array<i32>} : memref<128xi32, #tpu.memory_space<vmem>>, vector<16xi32>,
        %get3A_404 = arith.constant 96 : index
        %get3A_405 = tpu.vector_load %arg9[%get3A_404] {strides = array<i32>} : memref<128xi32, #tpu.memory_space<vmem>>, vector<16xi32>,
        %get3A_406 = vector.shape_cast %get3A_405 : vector<16xi32> to vector<16xi32>
        %add3A_407 = vector.broadcast %mul3A_4 : i32 to vector<16xi32>
        %add3A_408 = arith.addi %get3A_406, %add3A_407 : vector<16xi32>
        %swap3A_409 = arith.constant 96 : index
        %swap3A_410 = tpu.vector_load %arg9[%swap3A_409] {strides = array<i32>} : memref<128xi32, #tpu.memory_space<vmem>>, vector<16xi32>,
        %swap3A_411 = vector.shape_cast %swap3A_410 : vector<16xi32> to vector<16xi32>
        %swap3A_412 = vector.shape_cast %add3A_408 : vector<16xi32> to vector<16xi32>
        tpu.vector_store %arg9[%swap3A_409], %swap3A_412 {strides = array<i32>} : memref<128xi32, #tpu.memory_space<vmem>>, vector<16xi32>,
        %get3A_413 = arith.constant 112 : index
        %get3A_414 = tpu.vector_load %arg9[%get3A_413] {strides = array<i32>} : memref<128xi32, #tpu.memory_space<vmem>>, vector<16xi32>,
        %get3A_415 = vector.shape_cast %get3A_414 : vector<16xi32> to vector<16xi32>
        %add3A_416 = vector.broadcast %mul3A_4 : i32 to vector<16xi32>
        %add3A_417 = arith.addi %get3A_415, %add3A_416 : vector<16xi32>
        %swap3A_418 = arith.constant 112 : index
        %swap3A_419 = tpu.vector_load %arg9[%swap3A_418] {strides = array<i32>} : memref<128xi32, #tpu.memory_space<vmem>>, vector<16xi32>,
        %swap3A_420 = vector.shape_cast %swap3A_419 : vector<16xi32> to vector<16xi32>
        %swap3A_421 = vector.shape_cast %add3A_417 : vector<16xi32> to vector<16xi32>
        tpu.vector_store %arg9[%swap3A_418], %swap3A_421 {strides = array<i32>} : memref<128xi32, #tpu.memory_space<vmem>>, vector<16xi32>,
      } else {
      }
    }
    %scan3A_160 = arith.constant 39 : i32
    %add3A_161 = arith.constant 9984 : i32
    %add3A_162 = arith.addi %mul3A_2, %add3A_161 : i32
    "tpu.region"() ({
      %run_scoped3A = tpu.sem_alloc : memref<!tpu.dma_semaphore, #tpu.memory_space<semaphore_mem>>
      %dma_start3A_193 = tpu.memref_slice %arg3[%add3A_162] : memref<160000xi32, #tpu.memory_space<hbm>> -> memref<16xi32, #tpu.memory_space<hbm>>
      %dma_start3A_194 = tpu.memref_slice %arg3[%add3A_162] : memref<160000xi32, #tpu.memory_space<hbm>> -> memref<16xi32, #tpu.memory_space<hbm>>
      tpu.enqueue_dma source(%dma_start3A_194 : memref<16xi32, #tpu.memory_space<hbm>>) target(%arg13 : memref<16xi32, #tpu.memory_space<vmem>>) target_semaphore(%run_scoped3A : memref<!tpu.dma_semaphore, #tpu.memory_space<semaphore_mem>>)
      %dma_wait3A_195 = tpu.memref_slice %arg3[%add3A_162] : memref<160000xi32, #tpu.memory_space<hbm>> -> memref<16xi32, #tpu.memory_space<hbm>>
      %dma_wait3A_196 = tpu.memref_slice %arg3[%add3A_162] : memref<160000xi32, #tpu.memory_space<hbm>> -> memref<16xi32, #tpu.memory_space<hbm>>
      tpu.wait_dma2 semaphore(%run_scoped3A : memref<!tpu.dma_semaphore, #tpu.memory_space<semaphore_mem>>) src(%dma_wait3A_196 : memref<16xi32, #tpu.memory_space<hbm>>) dst(%arg13 : memref<16xi32, #tpu.memory_space<vmem>>)
      tpu.yield
    }) : () -> ()
    %add3A_163 = arith.constant 9984 : i32
    %add3A_164 = arith.addi %mul3A_2, %add3A_163 : i32
    "tpu.region"() ({
      %run_scoped3A = tpu.sem_alloc : memref<!tpu.dma_semaphore, #tpu.memory_space<semaphore_mem>>
      %dma_start3A_193 = tpu.memref_slice %arg4[%add3A_164] : memref<160000xi32, #tpu.memory_space<hbm>> -> memref<16xi32, #tpu.memory_space<hbm>>
      %dma_start3A_194 = tpu.memref_slice %arg4[%add3A_164] : memref<160000xi32, #tpu.memory_space<hbm>> -> memref<16xi32, #tpu.memory_space<hbm>>
      tpu.enqueue_dma source(%dma_start3A_194 : memref<16xi32, #tpu.memory_space<hbm>>) target(%arg14 : memref<16xi32, #tpu.memory_space<vmem>>) target_semaphore(%run_scoped3A : memref<!tpu.dma_semaphore, #tpu.memory_space<semaphore_mem>>)
      %dma_wait3A_195 = tpu.memref_slice %arg4[%add3A_164] : memref<160000xi32, #tpu.memory_space<hbm>> -> memref<16xi32, #tpu.memory_space<hbm>>
      %dma_wait3A_196 = tpu.memref_slice %arg4[%add3A_164] : memref<160000xi32, #tpu.memory_space<hbm>> -> memref<16xi32, #tpu.memory_space<hbm>>
      tpu.wait_dma2 semaphore(%run_scoped3A : memref<!tpu.dma_semaphore, #tpu.memory_space<semaphore_mem>>) src(%dma_wait3A_196 : memref<16xi32, #tpu.memory_space<hbm>>) dst(%arg14 : memref<16xi32, #tpu.memory_space<vmem>>)
      tpu.yield
    }) : () -> ()
    %get3A_165 = arith.constant 0 : index
    %get3A_166 = tpu.vector_load %arg13[%get3A_165] {strides = array<i32>} : memref<16xi32, #tpu.memory_space<vmem>>, vector<16xi32>,
    %get3A_167 = vector.shape_cast %get3A_166 : vector<16xi32> to vector<16xi32>
    %add3A_168 = vector.broadcast %mul3A_4 : i32 to vector<16xi32>
    %add3A_169 = arith.addi %get3A_167, %add3A_168 : vector<16xi32>
    %swap3A_170 = arith.constant 0 : index
    %swap3A_171 = tpu.vector_load %arg13[%swap3A_170] {strides = array<i32>} : memref<16xi32, #tpu.memory_space<vmem>>, vector<16xi32>,
    %swap3A_172 = vector.shape_cast %swap3A_171 : vector<16xi32> to vector<16xi32>
    %swap3A_173 = vector.shape_cast %add3A_169 : vector<16xi32> to vector<16xi32>
    tpu.vector_store %arg13[%swap3A_170], %swap3A_173 {strides = array<i32>} : memref<16xi32, #tpu.memory_space<vmem>>, vector<16xi32>,
    %dma_start3A_174 = arith.constant 0 : i32
    %dma_start3A_175 = arith.constant 0 : i32
    %dma_start3A_176 = tpu.memref_slice %arg15[%dma_start3A_174, %dma_start3A_175] : memref<128x128xf32, #tpu.memory_space<vmem>> -> memref<16x128xf32, #tpu.memory_space<vmem>>
    %dma_start3A_177 = arith.constant 0 : i32
    %dma_start3A_178 = arith.constant 0 : i32
    %dma_start3A_179 = tpu.memref_slice %arg2[%dma_start3A_177, %dma_start3A_178] : memref<20000x128xf32, #tpu.memory_space<hbm>> -> memref<20000x128xf32, #tpu.memory_space<hbm>>
    tpu.enqueue_indirect_dma source(%dma_start3A_179 : memref<20000x128xf32, #tpu.memory_space<hbm>>) target(%dma_start3A_176 : memref<16x128xf32, #tpu.memory_space<vmem>>) offsets(%arg13 : memref<16xi32, #tpu.memory_space<vmem>>) semaphore(%arg18 : memref<!tpu.dma_semaphore, #tpu.memory_space<semaphore_mem>>)
    %dma_wait3A = arith.constant 0 : i32
    %dma_wait3A_180 = arith.constant 0 : i32
    %dma_wait3A_181 = tpu.memref_slice %arg15[%dma_wait3A, %dma_wait3A_180] : memref<128x128xf32, #tpu.memory_space<vmem>> -> memref<16x128xf32, #tpu.memory_space<vmem>>
    %dma_wait3A_182 = arith.constant 0 : i32
    %dma_wait3A_183 = arith.constant 0 : i32
    %dma_wait3A_184 = tpu.memref_slice %arg2[%dma_wait3A_182, %dma_wait3A_183] : memref<20000x128xf32, #tpu.memory_space<hbm>> -> memref<20000x128xf32, #tpu.memory_space<hbm>>
    tpu.wait_indirect_dma semaphore(%arg18 : memref<!tpu.dma_semaphore, #tpu.memory_space<semaphore_mem>>) src(%dma_wait3A_184 : memref<20000x128xf32, #tpu.memory_space<hbm>>) dst(%dma_wait3A_181 : memref<16x128xf32, #tpu.memory_space<vmem>>)
    "tpu.region"() ({
      %run_scoped3A = tpu.sem_alloc : memref<!tpu.dma_semaphore, #tpu.memory_space<semaphore_mem>>
      %dma_start3A_193 = arith.constant 0 : i32
      %dma_start3A_194 = arith.constant 0 : i32
      %dma_start3A_195 = tpu.memref_slice %arg15[%dma_start3A_193, %dma_start3A_194] : memref<128x128xf32, #tpu.memory_space<vmem>> -> memref<16x128xf32, #tpu.memory_space<vmem>>
      %dma_start3A_196 = arith.constant 0 : i32
      %dma_start3A_197 = arith.constant 0 : i32
      %dma_start3A_198 = tpu.memref_slice %arg17[%dma_start3A_196, %dma_start3A_197] : memref<10000x128xf32, #tpu.memory_space<vmem_shared>> -> memref<10000x128xf32, #tpu.memory_space<vmem_shared>>
      tpu.enqueue_indirect_dma source(%dma_start3A_195 : memref<16x128xf32, #tpu.memory_space<vmem>>) target(%dma_start3A_198 : memref<10000x128xf32, #tpu.memory_space<vmem_shared>>) offsets(%arg14 : memref<16xi32, #tpu.memory_space<vmem>>) semaphore(%run_scoped3A : memref<!tpu.dma_semaphore, #tpu.memory_space<semaphore_mem>>) {add = true}
      %dma_wait3A_199 = arith.constant 0 : i32
      %dma_wait3A_200 = arith.constant 0 : i32
      %dma_wait3A_201 = tpu.memref_slice %arg15[%dma_wait3A_199, %dma_wait3A_200] : memref<128x128xf32, #tpu.memory_space<vmem>> -> memref<16x128xf32, #tpu.memory_space<vmem>>
      %dma_wait3A_202 = arith.constant 0 : i32
      %dma_wait3A_203 = arith.constant 0 : i32
      %dma_wait3A_204 = tpu.memref_slice %arg17[%dma_wait3A_202, %dma_wait3A_203] : memref<10000x128xf32, #tpu.memory_space<vmem_shared>> -> memref<10000x128xf32, #tpu.memory_space<vmem_shared>>
      tpu.wait_indirect_dma semaphore(%run_scoped3A : memref<!tpu.dma_semaphore, #tpu.memory_space<semaphore_mem>>) src(%dma_wait3A_201 : memref<16x128xf32, #tpu.memory_space<vmem>>) dst(%dma_wait3A_204 : memref<10000x128xf32, #tpu.memory_space<vmem_shared>>)
      tpu.yield
    }) : () -> ()
    %barrier3A_185 = arith.constant 0 : index
    tpu.barrier barrier_id(%barrier3A_185)
    %mul3A_186 = arith.constant 624 : i32
    %mul3A_187 = arith.muli %arg1, %mul3A_186 : i32
    %mul3A_188 = arith.constant 10000 : i32
    %mul3A_189 = arith.muli %arg0, %mul3A_188 : i32
    %add3A_190 = arith.addi %mul3A_189, %mul3A_187 : i32
    "tpu.region"() ({
      %run_scoped3A = tpu.sem_alloc : memref<!tpu.dma_semaphore, #tpu.memory_space<semaphore_mem>>
      %dma_start3A_193 = arith.constant 0 : i32
      %dma_start3A_194 = tpu.memref_slice %arg6[%add3A_190, %dma_start3A_193] : memref<20000x128xf32, #tpu.memory_space<hbm>> -> memref<624x128xf32, #tpu.memory_space<hbm>>
      %dma_start3A_195 = arith.constant 0 : i32
      %dma_start3A_196 = tpu.memref_slice %arg17[%mul3A_187, %dma_start3A_195] : memref<10000x128xf32, #tpu.memory_space<vmem_shared>> -> memref<624x128xf32, #tpu.memory_space<vmem_shared>>
      tpu.enqueue_dma source(%dma_start3A_196 : memref<624x128xf32, #tpu.memory_space<vmem_shared>>) target(%dma_start3A_194 : memref<624x128xf32, #tpu.memory_space<hbm>>) target_semaphore(%run_scoped3A : memref<!tpu.dma_semaphore, #tpu.memory_space<semaphore_mem>>)
      %dma_wait3A_197 = arith.constant 0 : i32
      %dma_wait3A_198 = tpu.memref_slice %arg6[%add3A_190, %dma_wait3A_197] : memref<20000x128xf32, #tpu.memory_space<hbm>> -> memref<624x128xf32, #tpu.memory_space<hbm>>
      %dma_wait3A_199 = arith.constant 0 : i32
      %dma_wait3A_200 = tpu.memref_slice %arg17[%mul3A_187, %dma_wait3A_199] : memref<10000x128xf32, #tpu.memory_space<vmem_shared>> -> memref<624x128xf32, #tpu.memory_space<vmem_shared>>
      tpu.wait_dma2 semaphore(%run_scoped3A : memref<!tpu.dma_semaphore, #tpu.memory_space<semaphore_mem>>) src(%dma_wait3A_200 : memref<624x128xf32, #tpu.memory_space<vmem_shared>>) dst(%dma_wait3A_198 : memref<624x128xf32, #tpu.memory_space<hbm>>)
      tpu.yield
    }) : () -> ()
    %eq3A = arith.constant 15 : i32
    %eq3A_191 = arith.cmpi eq, %arg1, %eq3A : i32
    %convert_element_type3A = arith.extui %eq3A_191 : i1 to i32
    %cond3A = arith.constant 0 : i32
    %cond3A_192 = arith.cmpi ne, %convert_element_type3A, %cond3A : i32
    scf.if %cond3A_192 {
      %mul3A_193 = arith.constant 10000 : i32
      %mul3A_194 = arith.muli %arg0, %mul3A_193 : i32
      %add3A_195 = arith.constant 9984 : i32
      %add3A_196 = arith.addi %mul3A_194, %add3A_195 : i32
      "tpu.region"() ({
        %run_scoped3A = tpu.sem_alloc : memref<!tpu.dma_semaphore, #tpu.memory_space<semaphore_mem>>
        %dma_start3A_197 = arith.constant 0 : i32
        %dma_start3A_198 = tpu.memref_slice %arg6[%add3A_196, %dma_start3A_197] : memref<20000x128xf32, #tpu.memory_space<hbm>> -> memref<16x128xf32, #tpu.memory_space<hbm>>
        %dma_start3A_199 = arith.constant 9984 : i32
        %dma_start3A_200 = arith.constant 0 : i32
        %dma_start3A_201 = tpu.memref_slice %arg17[%dma_start3A_199, %dma_start3A_200] : memref<10000x128xf32, #tpu.memory_space<vmem_shared>> -> memref<16x128xf32, #tpu.memory_space<vmem_shared>>
        tpu.enqueue_dma source(%dma_start3A_201 : memref<16x128xf32, #tpu.memory_space<vmem_shared>>) target(%dma_start3A_198 : memref<16x128xf32, #tpu.memory_space<hbm>>) target_semaphore(%run_scoped3A : memref<!tpu.dma_semaphore, #tpu.memory_space<semaphore_mem>>)
        %dma_wait3A_202 = arith.constant 0 : i32
        %dma_wait3A_203 = tpu.memref_slice %arg6[%add3A_196, %dma_wait3A_202] : memref<20000x128xf32, #tpu.memory_space<hbm>> -> memref<16x128xf32, #tpu.memory_space<hbm>>
        %dma_wait3A_204 = arith.constant 9984 : i32
        %dma_wait3A_205 = arith.constant 0 : i32
        %dma_wait3A_206 = tpu.memref_slice %arg17[%dma_wait3A_204, %dma_wait3A_205] : memref<10000x128xf32, #tpu.memory_space<vmem_shared>> -> memref<16x128xf32, #tpu.memory_space<vmem_shared>>
        tpu.wait_dma2 semaphore(%run_scoped3A : memref<!tpu.dma_semaphore, #tpu.memory_space<semaphore_mem>>) src(%dma_wait3A_206 : memref<16x128xf32, #tpu.memory_space<vmem_shared>>) dst(%dma_wait3A_203 : memref<16x128xf32, #tpu.memory_space<hbm>>)
        tpu.yield
      }) : () -> ()
    } else {
    }
    return
  }
}

#map = affine_map<(d0, d1) -> (0, 0)>
#map1 = affine_map<(d0, d1) -> (0)>
module attributes {stable_mosaic.version = 14 : i64} {
  func.func @_agg_body(%arg0: i32, %arg1: i32, %arg2: memref<20000x128xf32, #tpu.memory_space<hbm>>, %arg3: memref<160000xi32, #tpu.memory_space<hbm>>, %arg4: memref<160000xi32, #tpu.memory_space<hbm>>, %arg5: memref<625x128xf32, #tpu.memory_space<hbm>>, %arg6: memref<20000x128xf32, #tpu.memory_space<hbm>>, %arg7: memref<128xi32, #tpu.memory_space<vmem>>, %arg8: memref<128xi32, #tpu.memory_space<vmem>>, %arg9: memref<128xi32, #tpu.memory_space<vmem>>, %arg10: memref<128xi32, #tpu.memory_space<vmem>>, %arg11: memref<128xi32, #tpu.memory_space<vmem>>, %arg12: memref<128xi32, #tpu.memory_space<vmem>>, %arg13: memref<16xi32, #tpu.memory_space<vmem>>, %arg14: memref<16xi32, #tpu.memory_space<vmem>>, %arg15: memref<128x128xf32, #tpu.memory_space<vmem>>, %arg16: memref<128x128xf32, #tpu.memory_space<vmem>>, %arg17: memref<10000x128xf32, #tpu.memory_space<vmem_shared>>, %arg18: memref<!tpu.dma_semaphore, #tpu.memory_space<semaphore_mem>>, %arg19: memref<!tpu.dma_semaphore, #tpu.memory_space<semaphore_mem>>, %arg20: memref<!tpu.dma_semaphore, #tpu.memory_space<semaphore_mem>>, %arg21: memref<!tpu.dma_semaphore, #tpu.memory_space<semaphore_mem>>, %arg22: memref<!tpu.dma_semaphore, #tpu.memory_space<semaphore_mem>>) attributes {dimension_semantics = [#tpu.dimension_semantics<core_parallel>, #tpu.dimension_semantics<subcore_parallel>], iteration_bounds = array<i64: 2, 16>, scalar_prefetch = 0 : i64, scratch_operands = 16 : i64, tpu.core_type = #tpu.core_type<sc_vector_subcore>, window_params = [{transform_indices = #map}, {transform_indices = #map1}, {transform_indices = #map1}, {transform_indices = #map}, {transform_indices = #map}]} {
    %mul3A = arith.constant 625 : i32
    %mul3A_0 = arith.muli %arg1, %mul3A : i32
    "tpu.region"() ({
      %run_scoped3A = tpu.sem_alloc : memref<!tpu.dma_semaphore, #tpu.memory_space<semaphore_mem>>
      %dma_start3A_193 = arith.constant 0 : i32
      %dma_start3A_194 = tpu.memref_slice %arg17[%mul3A_0, %dma_start3A_193] : memref<10000x128xf32, #tpu.memory_space<vmem_shared>> -> memref<625x128xf32, #tpu.memory_space<vmem_shared>>
      tpu.enqueue_dma source(%arg5 : memref<625x128xf32, #tpu.memory_space<hbm>>) target(%dma_start3A_194 : memref<625x128xf32, #tpu.memory_space<vmem_shared>>) target_semaphore(%run_scoped3A : memref<!tpu.dma_semaphore, #tpu.memory_space<semaphore_mem>>)
      %dma_wait3A_195 = arith.constant 0 : i32
      %dma_wait3A_196 = tpu.memref_slice %arg17[%mul3A_0, %dma_wait3A_195] : memref<10000x128xf32, #tpu.memory_space<vmem_shared>> -> memref<625x128xf32, #tpu.memory_space<vmem_shared>>
      tpu.wait_dma2 semaphore(%run_scoped3A : memref<!tpu.dma_semaphore, #tpu.memory_space<semaphore_mem>>) src(%arg5 : memref<625x128xf32, #tpu.memory_space<hbm>>) dst(%dma_wait3A_196 : memref<625x128xf32, #tpu.memory_space<vmem_shared>>)
      tpu.yield
    }) : () -> ()
    %barrier3A = arith.constant 0 : index
    tpu.barrier barrier_id(%barrier3A)
    %mul3A_1 = arith.constant 10000 : i32
    %mul3A_2 = arith.muli %arg1, %mul3A_1 : i32
    %mul3A_3 = arith.constant 10000 : i32
    %mul3A_4 = arith.muli %arg0, %mul3A_3 : i32
    %add3A = arith.constant 0 : i32
    %add3A_5 = arith.addi %mul3A_2, %add3A : i32
    "tpu.region"() ({
      %run_scoped3A = tpu.sem_alloc : memref<!tpu.dma_semaphore, #tpu.memory_space<semaphore_mem>>
      %dma_start3A_193 = tpu.memref_slice %arg3[%add3A_5] : memref<160000xi32, #tpu.memory_space<hbm>> -> memref<128xi32, #tpu.memory_space<hbm>>
      %dma_start3A_194 = tpu.memref_slice %arg3[%add3A_5] : memref<160000xi32, #tpu.memory_space<hbm>> -> memref<128xi32, #tpu.memory_space<hbm>>
      tpu.enqueue_dma source(%dma_start3A_194 : memref<128xi32, #tpu.memory_space<hbm>>) target(%arg7 : memref<128xi32, #tpu.memory_space<vmem>>) target_semaphore(%run_scoped3A : memref<!tpu.dma_semaphore, #tpu.memory_space<semaphore_mem>>)
      %dma_wait3A_195 = tpu.memref_slice %arg3[%add3A_5] : memref<160000xi32, #tpu.memory_space<hbm>> -> memref<128xi32, #tpu.memory_space<hbm>>
      %dma_wait3A_196 = tpu.memref_slice %arg3[%add3A_5] : memref<160000xi32, #tpu.memory_space<hbm>> -> memref<128xi32, #tpu.memory_space<hbm>>
      tpu.wait_dma2 semaphore(%run_scoped3A : memref<!tpu.dma_semaphore, #tpu.memory_space<semaphore_mem>>) src(%dma_wait3A_196 : memref<128xi32, #tpu.memory_space<hbm>>) dst(%arg7 : memref<128xi32, #tpu.memory_space<vmem>>)
      tpu.yield
    }) : () -> ()
    %add3A_6 = arith.constant 0 : i32
    %add3A_7 = arith.addi %mul3A_2, %add3A_6 : i32
    "tpu.region"() ({
      %run_scoped3A = tpu.sem_alloc : memref<!tpu.dma_semaphore, #tpu.memory_space<semaphore_mem>>
      %dma_start3A_193 = tpu.memref_slice %arg4[%add3A_7] : memref<160000xi32, #tpu.memory_space<hbm>> -> memref<128xi32, #tpu.memory_space<hbm>>
      %dma_start3A_194 = tpu.memref_slice %arg4[%add3A_7] : memref<160000xi32, #tpu.memory_space<hbm>> -> memref<128xi32, #tpu.memory_space<hbm>>
      tpu.enqueue_dma source(%dma_start3A_194 : memref<128xi32, #tpu.memory_space<hbm>>) target(%arg8 : memref<128xi32, #tpu.memory_space<vmem>>) target_semaphore(%run_scoped3A : memref<!tpu.dma_semaphore, #tpu.memory_space<semaphore_mem>>)
      %dma_wait3A_195 = tpu.memref_slice %arg4[%add3A_7] : memref<160000xi32, #tpu.memory_space<hbm>> -> memref<128xi32, #tpu.memory_space<hbm>>
      %dma_wait3A_196 = tpu.memref_slice %arg4[%add3A_7] : memref<160000xi32, #tpu.memory_space<hbm>> -> memref<128xi32, #tpu.memory_space<hbm>>
      tpu.wait_dma2 semaphore(%run_scoped3A : memref<!tpu.dma_semaphore, #tpu.memory_space<semaphore_mem>>) src(%dma_wait3A_196 : memref<128xi32, #tpu.memory_space<hbm>>) dst(%arg8 : memref<128xi32, #tpu.memory_space<vmem>>)
      tpu.yield
    }) : () -> ()
    %get3A = arith.constant 0 : index
    %get3A_8 = tpu.vector_load %arg7[%get3A] {strides = array<i32>} : memref<128xi32, #tpu.memory_space<vmem>>, vector<16xi32>,
    %get3A_9 = vector.shape_cast %get3A_8 : vector<16xi32> to vector<16xi32>
    %add3A_10 = vector.broadcast %mul3A_4 : i32 to vector<16xi32>
    %add3A_11 = arith.addi %get3A_9, %add3A_10 : vector<16xi32>
    %swap3A = arith.constant 0 : index
    %swap3A_12 = tpu.vector_load %arg7[%swap3A] {strides = array<i32>} : memref<128xi32, #tpu.memory_space<vmem>>, vector<16xi32>,
    %swap3A_13 = vector.shape_cast %swap3A_12 : vector<16xi32> to vector<16xi32>
    %swap3A_14 = vector.shape_cast %add3A_11 : vector<16xi32> to vector<16xi32>
    tpu.vector_store %arg7[%swap3A], %swap3A_14 {strides = array<i32>} : memref<128xi32, #tpu.memory_space<vmem>>, vector<16xi32>,
    %get3A_15 = arith.constant 16 : index
    %get3A_16 = tpu.vector_load %arg7[%get3A_15] {strides = array<i32>} : memref<128xi32, #tpu.memory_space<vmem>>, vector<16xi32>,
    %get3A_17 = vector.shape_cast %get3A_16 : vector<16xi32> to vector<16xi32>
    %add3A_18 = vector.broadcast %mul3A_4 : i32 to vector<16xi32>
    %add3A_19 = arith.addi %get3A_17, %add3A_18 : vector<16xi32>
    %swap3A_20 = arith.constant 16 : index
    %swap3A_21 = tpu.vector_load %arg7[%swap3A_20] {strides = array<i32>} : memref<128xi32, #tpu.memory_space<vmem>>, vector<16xi32>,
    %swap3A_22 = vector.shape_cast %swap3A_21 : vector<16xi32> to vector<16xi32>
    %swap3A_23 = vector.shape_cast %add3A_19 : vector<16xi32> to vector<16xi32>
    tpu.vector_store %arg7[%swap3A_20], %swap3A_23 {strides = array<i32>} : memref<128xi32, #tpu.memory_space<vmem>>, vector<16xi32>,
    %get3A_24 = arith.constant 32 : index
    %get3A_25 = tpu.vector_load %arg7[%get3A_24] {strides = array<i32>} : memref<128xi32, #tpu.memory_space<vmem>>, vector<16xi32>,
    %get3A_26 = vector.shape_cast %get3A_25 : vector<16xi32> to vector<16xi32>
    %add3A_27 = vector.broadcast %mul3A_4 : i32 to vector<16xi32>
    %add3A_28 = arith.addi %get3A_26, %add3A_27 : vector<16xi32>
    %swap3A_29 = arith.constant 32 : index
    %swap3A_30 = tpu.vector_load %arg7[%swap3A_29] {strides = array<i32>} : memref<128xi32, #tpu.memory_space<vmem>>, vector<16xi32>,
    %swap3A_31 = vector.shape_cast %swap3A_30 : vector<16xi32> to vector<16xi32>
    %swap3A_32 = vector.shape_cast %add3A_28 : vector<16xi32> to vector<16xi32>
    tpu.vector_store %arg7[%swap3A_29], %swap3A_32 {strides = array<i32>} : memref<128xi32, #tpu.memory_space<vmem>>, vector<16xi32>,
    %get3A_33 = arith.constant 48 : index
    %get3A_34 = tpu.vector_load %arg7[%get3A_33] {strides = array<i32>} : memref<128xi32, #tpu.memory_space<vmem>>, vector<16xi32>,
    %get3A_35 = vector.shape_cast %get3A_34 : vector<16xi32> to vector<16xi32>
    %add3A_36 = vector.broadcast %mul3A_4 : i32 to vector<16xi32>
    %add3A_37 = arith.addi %get3A_35, %add3A_36 : vector<16xi32>
    %swap3A_38 = arith.constant 48 : index
    %swap3A_39 = tpu.vector_load %arg7[%swap3A_38] {strides = array<i32>} : memref<128xi32, #tpu.memory_space<vmem>>, vector<16xi32>,
    %swap3A_40 = vector.shape_cast %swap3A_39 : vector<16xi32> to vector<16xi32>
    %swap3A_41 = vector.shape_cast %add3A_37 : vector<16xi32> to vector<16xi32>
    tpu.vector_store %arg7[%swap3A_38], %swap3A_41 {strides = array<i32>} : memref<128xi32, #tpu.memory_space<vmem>>, vector<16xi32>,
    %get3A_42 = arith.constant 64 : index
    %get3A_43 = tpu.vector_load %arg7[%get3A_42] {strides = array<i32>} : memref<128xi32, #tpu.memory_space<vmem>>, vector<16xi32>,
    %get3A_44 = vector.shape_cast %get3A_43 : vector<16xi32> to vector<16xi32>
    %add3A_45 = vector.broadcast %mul3A_4 : i32 to vector<16xi32>
    %add3A_46 = arith.addi %get3A_44, %add3A_45 : vector<16xi32>
    %swap3A_47 = arith.constant 64 : index
    %swap3A_48 = tpu.vector_load %arg7[%swap3A_47] {strides = array<i32>} : memref<128xi32, #tpu.memory_space<vmem>>, vector<16xi32>,
    %swap3A_49 = vector.shape_cast %swap3A_48 : vector<16xi32> to vector<16xi32>
    %swap3A_50 = vector.shape_cast %add3A_46 : vector<16xi32> to vector<16xi32>
    tpu.vector_store %arg7[%swap3A_47], %swap3A_50 {strides = array<i32>} : memref<128xi32, #tpu.memory_space<vmem>>, vector<16xi32>,
    %get3A_51 = arith.constant 80 : index
    %get3A_52 = tpu.vector_load %arg7[%get3A_51] {strides = array<i32>} : memref<128xi32, #tpu.memory_space<vmem>>, vector<16xi32>,
    %get3A_53 = vector.shape_cast %get3A_52 : vector<16xi32> to vector<16xi32>
    %add3A_54 = vector.broadcast %mul3A_4 : i32 to vector<16xi32>
    %add3A_55 = arith.addi %get3A_53, %add3A_54 : vector<16xi32>
    %swap3A_56 = arith.constant 80 : index
    %swap3A_57 = tpu.vector_load %arg7[%swap3A_56] {strides = array<i32>} : memref<128xi32, #tpu.memory_space<vmem>>, vector<16xi32>,
    %swap3A_58 = vector.shape_cast %swap3A_57 : vector<16xi32> to vector<16xi32>
    %swap3A_59 = vector.shape_cast %add3A_55 : vector<16xi32> to vector<16xi32>
    tpu.vector_store %arg7[%swap3A_56], %swap3A_59 {strides = array<i32>} : memref<128xi32, #tpu.memory_space<vmem>>, vector<16xi32>,
    %get3A_60 = arith.constant 96 : index
    %get3A_61 = tpu.vector_load %arg7[%get3A_60] {strides = array<i32>} : memref<128xi32, #tpu.memory_space<vmem>>, vector<16xi32>,
    %get3A_62 = vector.shape_cast %get3A_61 : vector<16xi32> to vector<16xi32>
    %add3A_63 = vector.broadcast %mul3A_4 : i32 to vector<16xi32>
    %add3A_64 = arith.addi %get3A_62, %add3A_63 : vector<16xi32>
    %swap3A_65 = arith.constant 96 : index
    %swap3A_66 = tpu.vector_load %arg7[%swap3A_65] {strides = array<i32>} : memref<128xi32, #tpu.memory_space<vmem>>, vector<16xi32>,
    %swap3A_67 = vector.shape_cast %swap3A_66 : vector<16xi32> to vector<16xi32>
    %swap3A_68 = vector.shape_cast %add3A_64 : vector<16xi32> to vector<16xi32>
    tpu.vector_store %arg7[%swap3A_65], %swap3A_68 {strides = array<i32>} : memref<128xi32, #tpu.memory_space<vmem>>, vector<16xi32>,
    %get3A_69 = arith.constant 112 : index
    %get3A_70 = tpu.vector_load %arg7[%get3A_69] {strides = array<i32>} : memref<128xi32, #tpu.memory_space<vmem>>, vector<16xi32>,
    %get3A_71 = vector.shape_cast %get3A_70 : vector<16xi32> to vector<16xi32>
    %add3A_72 = vector.broadcast %mul3A_4 : i32 to vector<16xi32>
    %add3A_73 = arith.addi %get3A_71, %add3A_72 : vector<16xi32>
    %swap3A_74 = arith.constant 112 : index
    %swap3A_75 = tpu.vector_load %arg7[%swap3A_74] {strides = array<i32>} : memref<128xi32, #tpu.memory_space<vmem>>, vector<16xi32>,
    %swap3A_76 = vector.shape_cast %swap3A_75 : vector<16xi32> to vector<16xi32>
    %swap3A_77 = vector.shape_cast %add3A_73 : vector<16xi32> to vector<16xi32>
    tpu.vector_store %arg7[%swap3A_74], %swap3A_77 {strides = array<i32>} : memref<128xi32, #tpu.memory_space<vmem>>, vector<16xi32>,
    %dma_start3A = arith.constant 0 : i32
    %dma_start3A_78 = arith.constant 0 : i32
    %dma_start3A_79 = tpu.memref_slice %arg2[%dma_start3A, %dma_start3A_78] : memref<20000x128xf32, #tpu.memory_space<hbm>> -> memref<20000x128xf32, #tpu.memory_space<hbm>>
    tpu.enqueue_indirect_dma source(%dma_start3A_79 : memref<20000x128xf32, #tpu.memory_space<hbm>>) target(%arg15 : memref<128x128xf32, #tpu.memory_space<vmem>>) offsets(%arg7 : memref<128xi32, #tpu.memory_space<vmem>>) semaphore(%arg18 : memref<!tpu.dma_semaphore, #tpu.memory_space<semaphore_mem>>)
    %add3A_80 = arith.constant 128 : i32
    %add3A_81 = arith.addi %mul3A_2, %add3A_80 : i32
    "tpu.region"() ({
      %run_scoped3A = tpu.sem_alloc : memref<!tpu.dma_semaphore, #tpu.memory_space<semaphore_mem>>
      %dma_start3A_193 = tpu.memref_slice %arg3[%add3A_81] : memref<160000xi32, #tpu.memory_space<hbm>> -> memref<128xi32, #tpu.memory_space<hbm>>
      %dma_start3A_194 = tpu.memref_slice %arg3[%add3A_81] : memref<160000xi32, #tpu.memory_space<hbm>> -> memref<128xi32, #tpu.memory_space<hbm>>
      tpu.enqueue_dma source(%dma_start3A_194 : memref<128xi32, #tpu.memory_space<hbm>>) target(%arg9 : memref<128xi32, #tpu.memory_space<vmem>>) target_semaphore(%run_scoped3A : memref<!tpu.dma_semaphore, #tpu.memory_space<semaphore_mem>>)
      %dma_wait3A_195 = tpu.memref_slice %arg3[%add3A_81] : memref<160000xi32, #tpu.memory_space<hbm>> -> memref<128xi32, #tpu.memory_space<hbm>>
      %dma_wait3A_196 = tpu.memref_slice %arg3[%add3A_81] : memref<160000xi32, #tpu.memory_space<hbm>> -> memref<128xi32, #tpu.memory_space<hbm>>
      tpu.wait_dma2 semaphore(%run_scoped3A : memref<!tpu.dma_semaphore, #tpu.memory_space<semaphore_mem>>) src(%dma_wait3A_196 : memref<128xi32, #tpu.memory_space<hbm>>) dst(%arg9 : memref<128xi32, #tpu.memory_space<vmem>>)
      tpu.yield
    }) : () -> ()
    %add3A_82 = arith.constant 128 : i32
    %add3A_83 = arith.addi %mul3A_2, %add3A_82 : i32
    "tpu.region"() ({
      %run_scoped3A = tpu.sem_alloc : memref<!tpu.dma_semaphore, #tpu.memory_space<semaphore_mem>>
      %dma_start3A_193 = tpu.memref_slice %arg4[%add3A_83] : memref<160000xi32, #tpu.memory_space<hbm>> -> memref<128xi32, #tpu.memory_space<hbm>>
      %dma_start3A_194 = tpu.memref_slice %arg4[%add3A_83] : memref<160000xi32, #tpu.memory_space<hbm>> -> memref<128xi32, #tpu.memory_space<hbm>>
      tpu.enqueue_dma source(%dma_start3A_194 : memref<128xi32, #tpu.memory_space<hbm>>) target(%arg10 : memref<128xi32, #tpu.memory_space<vmem>>) target_semaphore(%run_scoped3A : memref<!tpu.dma_semaphore, #tpu.memory_space<semaphore_mem>>)
      %dma_wait3A_195 = tpu.memref_slice %arg4[%add3A_83] : memref<160000xi32, #tpu.memory_space<hbm>> -> memref<128xi32, #tpu.memory_space<hbm>>
      %dma_wait3A_196 = tpu.memref_slice %arg4[%add3A_83] : memref<160000xi32, #tpu.memory_space<hbm>> -> memref<128xi32, #tpu.memory_space<hbm>>
      tpu.wait_dma2 semaphore(%run_scoped3A : memref<!tpu.dma_semaphore, #tpu.memory_space<semaphore_mem>>) src(%dma_wait3A_196 : memref<128xi32, #tpu.memory_space<hbm>>) dst(%arg10 : memref<128xi32, #tpu.memory_space<vmem>>)
      tpu.yield
    }) : () -> ()
    %get3A_84 = arith.constant 0 : index
    %get3A_85 = tpu.vector_load %arg9[%get3A_84] {strides = array<i32>} : memref<128xi32, #tpu.memory_space<vmem>>, vector<16xi32>,
    %get3A_86 = vector.shape_cast %get3A_85 : vector<16xi32> to vector<16xi32>
    %add3A_87 = vector.broadcast %mul3A_4 : i32 to vector<16xi32>
    %add3A_88 = arith.addi %get3A_86, %add3A_87 : vector<16xi32>
    %swap3A_89 = arith.constant 0 : index
    %swap3A_90 = tpu.vector_load %arg9[%swap3A_89] {strides = array<i32>} : memref<128xi32, #tpu.memory_space<vmem>>, vector<16xi32>,
    %swap3A_91 = vector.shape_cast %swap3A_90 : vector<16xi32> to vector<16xi32>
    %swap3A_92 = vector.shape_cast %add3A_88 : vector<16xi32> to vector<16xi32>
    tpu.vector_store %arg9[%swap3A_89], %swap3A_92 {strides = array<i32>} : memref<128xi32, #tpu.memory_space<vmem>>, vector<16xi32>,
    %get3A_93 = arith.constant 16 : index
    %get3A_94 = tpu.vector_load %arg9[%get3A_93] {strides = array<i32>} : memref<128xi32, #tpu.memory_space<vmem>>, vector<16xi32>,
    %get3A_95 = vector.shape_cast %get3A_94 : vector<16xi32> to vector<16xi32>
    %add3A_96 = vector.broadcast %mul3A_4 : i32 to vector<16xi32>
    %add3A_97 = arith.addi %get3A_95, %add3A_96 : vector<16xi32>
    %swap3A_98 = arith.constant 16 : index
    %swap3A_99 = tpu.vector_load %arg9[%swap3A_98] {strides = array<i32>} : memref<128xi32, #tpu.memory_space<vmem>>, vector<16xi32>,
    %swap3A_100 = vector.shape_cast %swap3A_99 : vector<16xi32> to vector<16xi32>
    %swap3A_101 = vector.shape_cast %add3A_97 : vector<16xi32> to vector<16xi32>
    tpu.vector_store %arg9[%swap3A_98], %swap3A_101 {strides = array<i32>} : memref<128xi32, #tpu.memory_space<vmem>>, vector<16xi32>,
    %get3A_102 = arith.constant 32 : index
    %get3A_103 = tpu.vector_load %arg9[%get3A_102] {strides = array<i32>} : memref<128xi32, #tpu.memory_space<vmem>>, vector<16xi32>,
    %get3A_104 = vector.shape_cast %get3A_103 : vector<16xi32> to vector<16xi32>
    %add3A_105 = vector.broadcast %mul3A_4 : i32 to vector<16xi32>
    %add3A_106 = arith.addi %get3A_104, %add3A_105 : vector<16xi32>
    %swap3A_107 = arith.constant 32 : index
    %swap3A_108 = tpu.vector_load %arg9[%swap3A_107] {strides = array<i32>} : memref<128xi32, #tpu.memory_space<vmem>>, vector<16xi32>,
    %swap3A_109 = vector.shape_cast %swap3A_108 : vector<16xi32> to vector<16xi32>
    %swap3A_110 = vector.shape_cast %add3A_106 : vector<16xi32> to vector<16xi32>
    tpu.vector_store %arg9[%swap3A_107], %swap3A_110 {strides = array<i32>} : memref<128xi32, #tpu.memory_space<vmem>>, vector<16xi32>,
    %get3A_111 = arith.constant 48 : index
    %get3A_112 = tpu.vector_load %arg9[%get3A_111] {strides = array<i32>} : memref<128xi32, #tpu.memory_space<vmem>>, vector<16xi32>,
    %get3A_113 = vector.shape_cast %get3A_112 : vector<16xi32> to vector<16xi32>
    %add3A_114 = vector.broadcast %mul3A_4 : i32 to vector<16xi32>
    %add3A_115 = arith.addi %get3A_113, %add3A_114 : vector<16xi32>
    %swap3A_116 = arith.constant 48 : index
    %swap3A_117 = tpu.vector_load %arg9[%swap3A_116] {strides = array<i32>} : memref<128xi32, #tpu.memory_space<vmem>>, vector<16xi32>,
    %swap3A_118 = vector.shape_cast %swap3A_117 : vector<16xi32> to vector<16xi32>
    %swap3A_119 = vector.shape_cast %add3A_115 : vector<16xi32> to vector<16xi32>
    tpu.vector_store %arg9[%swap3A_116], %swap3A_119 {strides = array<i32>} : memref<128xi32, #tpu.memory_space<vmem>>, vector<16xi32>,
    %get3A_120 = arith.constant 64 : index
    %get3A_121 = tpu.vector_load %arg9[%get3A_120] {strides = array<i32>} : memref<128xi32, #tpu.memory_space<vmem>>, vector<16xi32>,
    %get3A_122 = vector.shape_cast %get3A_121 : vector<16xi32> to vector<16xi32>
    %add3A_123 = vector.broadcast %mul3A_4 : i32 to vector<16xi32>
    %add3A_124 = arith.addi %get3A_122, %add3A_123 : vector<16xi32>
    %swap3A_125 = arith.constant 64 : index
    %swap3A_126 = tpu.vector_load %arg9[%swap3A_125] {strides = array<i32>} : memref<128xi32, #tpu.memory_space<vmem>>, vector<16xi32>,
    %swap3A_127 = vector.shape_cast %swap3A_126 : vector<16xi32> to vector<16xi32>
    %swap3A_128 = vector.shape_cast %add3A_124 : vector<16xi32> to vector<16xi32>
    tpu.vector_store %arg9[%swap3A_125], %swap3A_128 {strides = array<i32>} : memref<128xi32, #tpu.memory_space<vmem>>, vector<16xi32>,
    %get3A_129 = arith.constant 80 : index
    %get3A_130 = tpu.vector_load %arg9[%get3A_129] {strides = array<i32>} : memref<128xi32, #tpu.memory_space<vmem>>, vector<16xi32>,
    %get3A_131 = vector.shape_cast %get3A_130 : vector<16xi32> to vector<16xi32>
    %add3A_132 = vector.broadcast %mul3A_4 : i32 to vector<16xi32>
    %add3A_133 = arith.addi %get3A_131, %add3A_132 : vector<16xi32>
    %swap3A_134 = arith.constant 80 : index
    %swap3A_135 = tpu.vector_load %arg9[%swap3A_134] {strides = array<i32>} : memref<128xi32, #tpu.memory_space<vmem>>, vector<16xi32>,
    %swap3A_136 = vector.shape_cast %swap3A_135 : vector<16xi32> to vector<16xi32>
    %swap3A_137 = vector.shape_cast %add3A_133 : vector<16xi32> to vector<16xi32>
    tpu.vector_store %arg9[%swap3A_134], %swap3A_137 {strides = array<i32>} : memref<128xi32, #tpu.memory_space<vmem>>, vector<16xi32>,
    %get3A_138 = arith.constant 96 : index
    %get3A_139 = tpu.vector_load %arg9[%get3A_138] {strides = array<i32>} : memref<128xi32, #tpu.memory_space<vmem>>, vector<16xi32>,
    %get3A_140 = vector.shape_cast %get3A_139 : vector<16xi32> to vector<16xi32>
    %add3A_141 = vector.broadcast %mul3A_4 : i32 to vector<16xi32>
    %add3A_142 = arith.addi %get3A_140, %add3A_141 : vector<16xi32>
    %swap3A_143 = arith.constant 96 : index
    %swap3A_144 = tpu.vector_load %arg9[%swap3A_143] {strides = array<i32>} : memref<128xi32, #tpu.memory_space<vmem>>, vector<16xi32>,
    %swap3A_145 = vector.shape_cast %swap3A_144 : vector<16xi32> to vector<16xi32>
    %swap3A_146 = vector.shape_cast %add3A_142 : vector<16xi32> to vector<16xi32>
    tpu.vector_store %arg9[%swap3A_143], %swap3A_146 {strides = array<i32>} : memref<128xi32, #tpu.memory_space<vmem>>, vector<16xi32>,
    %get3A_147 = arith.constant 112 : index
    %get3A_148 = tpu.vector_load %arg9[%get3A_147] {strides = array<i32>} : memref<128xi32, #tpu.memory_space<vmem>>, vector<16xi32>,
    %get3A_149 = vector.shape_cast %get3A_148 : vector<16xi32> to vector<16xi32>
    %add3A_150 = vector.broadcast %mul3A_4 : i32 to vector<16xi32>
    %add3A_151 = arith.addi %get3A_149, %add3A_150 : vector<16xi32>
    %swap3A_152 = arith.constant 112 : index
    %swap3A_153 = tpu.vector_load %arg9[%swap3A_152] {strides = array<i32>} : memref<128xi32, #tpu.memory_space<vmem>>, vector<16xi32>,
    %swap3A_154 = vector.shape_cast %swap3A_153 : vector<16xi32> to vector<16xi32>
    %swap3A_155 = vector.shape_cast %add3A_151 : vector<16xi32> to vector<16xi32>
    tpu.vector_store %arg9[%swap3A_152], %swap3A_155 {strides = array<i32>} : memref<128xi32, #tpu.memory_space<vmem>>, vector<16xi32>,
    %scan3A = arith.constant 0 : i32
    %scan3A_156 = arith.constant 0 : i32
    %scan3A_157 = arith.constant 39 : i32
    %scan3A_158 = arith.addi %scan3A_156, %scan3A_157 : i32
    %scan3A_159 = arith.constant 1 : i32
    scf.for %scan3A_193 = %scan3A_156 to %scan3A_158 step %scan3A_159  : i32 {
      %dma_start3A_194 = arith.constant 0 : i32
      %dma_start3A_195 = arith.constant 0 : i32
      %dma_start3A_196 = tpu.memref_slice %arg2[%dma_start3A_194, %dma_start3A_195] : memref<20000x128xf32, #tpu.memory_space<hbm>> -> memref<20000x128xf32, #tpu.memory_space<hbm>>
      tpu.enqueue_indirect_dma source(%dma_start3A_196 : memref<20000x128xf32, #tpu.memory_space<hbm>>) target(%arg16 : memref<128x128xf32, #tpu.memory_space<vmem>>) offsets(%arg9 : memref<128xi32, #tpu.memory_space<vmem>>) semaphore(%arg19 : memref<!tpu.dma_semaphore, #tpu.memory_space<semaphore_mem>>)
      %dma_wait3A_197 = arith.constant 0 : i32
      %dma_wait3A_198 = arith.constant 0 : i32
      %dma_wait3A_199 = tpu.memref_slice %arg2[%dma_wait3A_197, %dma_wait3A_198] : memref<20000x128xf32, #tpu.memory_space<hbm>> -> memref<20000x128xf32, #tpu.memory_space<hbm>>
      tpu.wait_indirect_dma semaphore(%arg18 : memref<!tpu.dma_semaphore, #tpu.memory_space<semaphore_mem>>) src(%dma_wait3A_199 : memref<20000x128xf32, #tpu.memory_space<hbm>>) dst(%arg15 : memref<128x128xf32, #tpu.memory_space<vmem>>)
      %eq3A_200 = arith.constant 38 : i32
      %eq3A_201 = arith.cmpi eq, %scan3A_193, %eq3A_200 : i32
      %get3A_202 = arith.constant 0 : index
      %get3A_203 = tpu.vector_load %arg8[%get3A_202] {strides = array<i32>} : memref<128xi32, #tpu.memory_space<vmem>>, vector<16xi32>,
      %get3A_204 = vector.shape_cast %get3A_203 : vector<16xi32> to vector<16xi32>
      %swap3A_205 = arith.constant 0 : index
      %swap3A_206 = tpu.vector_load %arg11[%swap3A_205] {strides = array<i32>} : memref<128xi32, #tpu.memory_space<vmem>>, vector<16xi32>,
      %swap3A_207 = vector.shape_cast %swap3A_206 : vector<16xi32> to vector<16xi32>
      %swap3A_208 = vector.shape_cast %get3A_204 : vector<16xi32> to vector<16xi32>
      tpu.vector_store %arg11[%swap3A_205], %swap3A_208 {strides = array<i32>} : memref<128xi32, #tpu.memory_space<vmem>>, vector<16xi32>,
      %get3A_209 = arith.constant 16 : index
      %get3A_210 = tpu.vector_load %arg8[%get3A_209] {strides = array<i32>} : memref<128xi32, #tpu.memory_space<vmem>>, vector<16xi32>,
      %get3A_211 = vector.shape_cast %get3A_210 : vector<16xi32> to vector<16xi32>
      %swap3A_212 = arith.constant 16 : index
      %swap3A_213 = tpu.vector_load %arg11[%swap3A_212] {strides = array<i32>} : memref<128xi32, #tpu.memory_space<vmem>>, vector<16xi32>,
      %swap3A_214 = vector.shape_cast %swap3A_213 : vector<16xi32> to vector<16xi32>
      %swap3A_215 = vector.shape_cast %get3A_211 : vector<16xi32> to vector<16xi32>
      tpu.vector_store %arg11[%swap3A_212], %swap3A_215 {strides = array<i32>} : memref<128xi32, #tpu.memory_space<vmem>>, vector<16xi32>,
      %get3A_216 = arith.constant 32 : index
      %get3A_217 = tpu.vector_load %arg8[%get3A_216] {strides = array<i32>} : memref<128xi32, #tpu.memory_space<vmem>>, vector<16xi32>,
      %get3A_218 = vector.shape_cast %get3A_217 : vector<16xi32> to vector<16xi32>
      %swap3A_219 = arith.constant 32 : index
      %swap3A_220 = tpu.vector_load %arg11[%swap3A_219] {strides = array<i32>} : memref<128xi32, #tpu.memory_space<vmem>>, vector<16xi32>,
      %swap3A_221 = vector.shape_cast %swap3A_220 : vector<16xi32> to vector<16xi32>
      %swap3A_222 = vector.shape_cast %get3A_218 : vector<16xi32> to vector<16xi32>
      tpu.vector_store %arg11[%swap3A_219], %swap3A_222 {strides = array<i32>} : memref<128xi32, #tpu.memory_space<vmem>>, vector<16xi32>,
      %get3A_223 = arith.constant 48 : index
      %get3A_224 = tpu.vector_load %arg8[%get3A_223] {strides = array<i32>} : memref<128xi32, #tpu.memory_space<vmem>>, vector<16xi32>,
      %get3A_225 = vector.shape_cast %get3A_224 : vector<16xi32> to vector<16xi32>
      %swap3A_226 = arith.constant 48 : index
      %swap3A_227 = tpu.vector_load %arg11[%swap3A_226] {strides = array<i32>} : memref<128xi32, #tpu.memory_space<vmem>>, vector<16xi32>,
      %swap3A_228 = vector.shape_cast %swap3A_227 : vector<16xi32> to vector<16xi32>
      %swap3A_229 = vector.shape_cast %get3A_225 : vector<16xi32> to vector<16xi32>
      tpu.vector_store %arg11[%swap3A_226], %swap3A_229 {strides = array<i32>} : memref<128xi32, #tpu.memory_space<vmem>>, vector<16xi32>,
      %get3A_230 = arith.constant 64 : index
      %get3A_231 = tpu.vector_load %arg8[%get3A_230] {strides = array<i32>} : memref<128xi32, #tpu.memory_space<vmem>>, vector<16xi32>,
      %get3A_232 = vector.shape_cast %get3A_231 : vector<16xi32> to vector<16xi32>
      %swap3A_233 = arith.constant 64 : index
      %swap3A_234 = tpu.vector_load %arg11[%swap3A_233] {strides = array<i32>} : memref<128xi32, #tpu.memory_space<vmem>>, vector<16xi32>,
      %swap3A_235 = vector.shape_cast %swap3A_234 : vector<16xi32> to vector<16xi32>
      %swap3A_236 = vector.shape_cast %get3A_232 : vector<16xi32> to vector<16xi32>
      tpu.vector_store %arg11[%swap3A_233], %swap3A_236 {strides = array<i32>} : memref<128xi32, #tpu.memory_space<vmem>>, vector<16xi32>,
      %get3A_237 = arith.constant 80 : index
      %get3A_238 = tpu.vector_load %arg8[%get3A_237] {strides = array<i32>} : memref<128xi32, #tpu.memory_space<vmem>>, vector<16xi32>,
      %get3A_239 = vector.shape_cast %get3A_238 : vector<16xi32> to vector<16xi32>
      %swap3A_240 = arith.constant 80 : index
      %swap3A_241 = tpu.vector_load %arg11[%swap3A_240] {strides = array<i32>} : memref<128xi32, #tpu.memory_space<vmem>>, vector<16xi32>,
      %swap3A_242 = vector.shape_cast %swap3A_241 : vector<16xi32> to vector<16xi32>
      %swap3A_243 = vector.shape_cast %get3A_239 : vector<16xi32> to vector<16xi32>
      tpu.vector_store %arg11[%swap3A_240], %swap3A_243 {strides = array<i32>} : memref<128xi32, #tpu.memory_space<vmem>>, vector<16xi32>,
      %get3A_244 = arith.constant 96 : index
      %get3A_245 = tpu.vector_load %arg8[%get3A_244] {strides = array<i32>} : memref<128xi32, #tpu.memory_space<vmem>>, vector<16xi32>,
      %get3A_246 = vector.shape_cast %get3A_245 : vector<16xi32> to vector<16xi32>
      %swap3A_247 = arith.constant 96 : index
      %swap3A_248 = tpu.vector_load %arg11[%swap3A_247] {strides = array<i32>} : memref<128xi32, #tpu.memory_space<vmem>>, vector<16xi32>,
      %swap3A_249 = vector.shape_cast %swap3A_248 : vector<16xi32> to vector<16xi32>
      %swap3A_250 = vector.shape_cast %get3A_246 : vector<16xi32> to vector<16xi32>
      tpu.vector_store %arg11[%swap3A_247], %swap3A_250 {strides = array<i32>} : memref<128xi32, #tpu.memory_space<vmem>>, vector<16xi32>,
      %get3A_251 = arith.constant 112 : index
      %get3A_252 = tpu.vector_load %arg8[%get3A_251] {strides = array<i32>} : memref<128xi32, #tpu.memory_space<vmem>>, vector<16xi32>,
      %get3A_253 = vector.shape_cast %get3A_252 : vector<16xi32> to vector<16xi32>
      %swap3A_254 = arith.constant 112 : index
      %swap3A_255 = tpu.vector_load %arg11[%swap3A_254] {strides = array<i32>} : memref<128xi32, #tpu.memory_space<vmem>>, vector<16xi32>,
      %swap3A_256 = vector.shape_cast %swap3A_255 : vector<16xi32> to vector<16xi32>
      %swap3A_257 = vector.shape_cast %get3A_253 : vector<16xi32> to vector<16xi32>
      tpu.vector_store %arg11[%swap3A_254], %swap3A_257 {strides = array<i32>} : memref<128xi32, #tpu.memory_space<vmem>>, vector<16xi32>,
      %not3A = arith.constant true
      %not3A_258 = arith.xori %eq3A_201, %not3A : i1
      %convert_element_type3A_259 = arith.extui %not3A_258 : i1 to i32
      %cond3A_260 = arith.constant 0 : i32
      %cond3A_261 = arith.cmpi ne, %convert_element_type3A_259, %cond3A_260 : i32
      scf.if %cond3A_261 {
        %mul3A_336 = arith.constant 2 : i32
        %mul3A_337 = arith.muli %mul3A_336, %scan3A_193 : i32
        %add3A_338 = arith.constant 2 : i32
        %add3A_339 = arith.addi %mul3A_337, %add3A_338 : i32
        %mul3A_340 = arith.constant 128 : i32
        %mul3A_341 = arith.muli %add3A_339, %mul3A_340 : i32
        %add3A_342 = arith.addi %mul3A_2, %mul3A_341 : i32
        %dma_start3A_343 = tpu.memref_slice %arg3[%add3A_342] : memref<160000xi32, #tpu.memory_space<hbm>> -> memref<128xi32, #tpu.memory_space<hbm>>
        %dma_start3A_344 = tpu.memref_slice %arg3[%add3A_342] : memref<160000xi32, #tpu.memory_space<hbm>> -> memref<128xi32, #tpu.memory_space<hbm>>
        tpu.enqueue_dma source(%dma_start3A_344 : memref<128xi32, #tpu.memory_space<hbm>>) target(%arg7 : memref<128xi32, #tpu.memory_space<vmem>>) target_semaphore(%arg22 : memref<!tpu.dma_semaphore, #tpu.memory_space<semaphore_mem>>)
        %mul3A_345 = arith.constant 128 : i32
        %mul3A_346 = arith.muli %add3A_339, %mul3A_345 : i32
        %add3A_347 = arith.addi %mul3A_2, %mul3A_346 : i32
        %dma_start3A_348 = tpu.memref_slice %arg4[%add3A_347] : memref<160000xi32, #tpu.memory_space<hbm>> -> memref<128xi32, #tpu.memory_space<hbm>>
        %dma_start3A_349 = tpu.memref_slice %arg4[%add3A_347] : memref<160000xi32, #tpu.memory_space<hbm>> -> memref<128xi32, #tpu.memory_space<hbm>>
        tpu.enqueue_dma source(%dma_start3A_349 : memref<128xi32, #tpu.memory_space<hbm>>) target(%arg8 : memref<128xi32, #tpu.memory_space<vmem>>) target_semaphore(%arg22 : memref<!tpu.dma_semaphore, #tpu.memory_space<semaphore_mem>>)
      } else {
      }
      "tpu.region"() ({
        %run_scoped3A = tpu.sem_alloc : memref<!tpu.dma_semaphore, #tpu.memory_space<semaphore_mem>>
        %dma_start3A_336 = arith.constant 0 : i32
        %dma_start3A_337 = arith.constant 0 : i32
        %dma_start3A_338 = tpu.memref_slice %arg17[%dma_start3A_336, %dma_start3A_337] : memref<10000x128xf32, #tpu.memory_space<vmem_shared>> -> memref<10000x128xf32, #tpu.memory_space<vmem_shared>>
        tpu.enqueue_indirect_dma source(%arg15 : memref<128x128xf32, #tpu.memory_space<vmem>>) target(%dma_start3A_338 : memref<10000x128xf32, #tpu.memory_space<vmem_shared>>) offsets(%arg11 : memref<128xi32, #tpu.memory_space<vmem>>) semaphore(%run_scoped3A : memref<!tpu.dma_semaphore, #tpu.memory_space<semaphore_mem>>) {add = true}
        %dma_wait3A_339 = arith.constant 0 : i32
        %dma_wait3A_340 = arith.constant 0 : i32
        %dma_wait3A_341 = tpu.memref_slice %arg17[%dma_wait3A_339, %dma_wait3A_340] : memref<10000x128xf32, #tpu.memory_space<vmem_shared>> -> memref<10000x128xf32, #tpu.memory_space<vmem_shared>>
        tpu.wait_indirect_dma semaphore(%run_scoped3A : memref<!tpu.dma_semaphore, #tpu.memory_space<semaphore_mem>>) src(%arg15 : memref<128x128xf32, #tpu.memory_space<vmem>>) dst(%dma_wait3A_341 : memref<10000x128xf32, #tpu.memory_space<vmem_shared>>)
        tpu.yield
      }) : () -> ()
      %not3A_262 = arith.constant true
      %not3A_263 = arith.xori %eq3A_201, %not3A_262 : i1
      %convert_element_type3A_264 = arith.extui %not3A_263 : i1 to i32
      %cond3A_265 = arith.constant 0 : i32
      %cond3A_266 = arith.cmpi ne, %convert_element_type3A_264, %cond3A_265 : i32
      scf.if %cond3A_266 {
        %mul3A_336 = arith.constant 2 : i32
        %mul3A_337 = arith.muli %mul3A_336, %scan3A_193 : i32
        %add3A_338 = arith.constant 2 : i32
        %add3A_339 = arith.addi %mul3A_337, %add3A_338 : i32
        %mul3A_340 = arith.constant 128 : i32
        %mul3A_341 = arith.muli %add3A_339, %mul3A_340 : i32
        %add3A_342 = arith.addi %mul3A_2, %mul3A_341 : i32
        %dma_wait3A_343 = tpu.memref_slice %arg3[%add3A_342] : memref<160000xi32, #tpu.memory_space<hbm>> -> memref<128xi32, #tpu.memory_space<hbm>>
        %dma_wait3A_344 = tpu.memref_slice %arg3[%add3A_342] : memref<160000xi32, #tpu.memory_space<hbm>> -> memref<128xi32, #tpu.memory_space<hbm>>
        tpu.wait_dma2 semaphore(%arg22 : memref<!tpu.dma_semaphore, #tpu.memory_space<semaphore_mem>>) src(%dma_wait3A_344 : memref<128xi32, #tpu.memory_space<hbm>>) dst(%arg7 : memref<128xi32, #tpu.memory_space<vmem>>)
        %mul3A_345 = arith.constant 128 : i32
        %mul3A_346 = arith.muli %add3A_339, %mul3A_345 : i32
        %add3A_347 = arith.addi %mul3A_2, %mul3A_346 : i32
        %dma_wait3A_348 = tpu.memref_slice %arg4[%add3A_347] : memref<160000xi32, #tpu.memory_space<hbm>> -> memref<128xi32, #tpu.memory_space<hbm>>
        %dma_wait3A_349 = tpu.memref_slice %arg4[%add3A_347] : memref<160000xi32, #tpu.memory_space<hbm>> -> memref<128xi32, #tpu.memory_space<hbm>>
        tpu.wait_dma2 semaphore(%arg22 : memref<!tpu.dma_semaphore, #tpu.memory_space<semaphore_mem>>) src(%dma_wait3A_349 : memref<128xi32, #tpu.memory_space<hbm>>) dst(%arg8 : memref<128xi32, #tpu.memory_space<vmem>>)
        %get3A_350 = arith.constant 0 : index
        %get3A_351 = tpu.vector_load %arg7[%get3A_350] {strides = array<i32>} : memref<128xi32, #tpu.memory_space<vmem>>, vector<16xi32>,
        %get3A_352 = vector.shape_cast %get3A_351 : vector<16xi32> to vector<16xi32>
        %add3A_353 = vector.broadcast %mul3A_4 : i32 to vector<16xi32>
        %add3A_354 = arith.addi %get3A_352, %add3A_353 : vector<16xi32>
        %swap3A_355 = arith.constant 0 : index
        %swap3A_356 = tpu.vector_load %arg7[%swap3A_355] {strides = array<i32>} : memref<128xi32, #tpu.memory_space<vmem>>, vector<16xi32>,
        %swap3A_357 = vector.shape_cast %swap3A_356 : vector<16xi32> to vector<16xi32>
        %swap3A_358 = vector.shape_cast %add3A_354 : vector<16xi32> to vector<16xi32>
        tpu.vector_store %arg7[%swap3A_355], %swap3A_358 {strides = array<i32>} : memref<128xi32, #tpu.memory_space<vmem>>, vector<16xi32>,
        %get3A_359 = arith.constant 16 : index
        %get3A_360 = tpu.vector_load %arg7[%get3A_359] {strides = array<i32>} : memref<128xi32, #tpu.memory_space<vmem>>, vector<16xi32>,
        %get3A_361 = vector.shape_cast %get3A_360 : vector<16xi32> to vector<16xi32>
        %add3A_362 = vector.broadcast %mul3A_4 : i32 to vector<16xi32>
        %add3A_363 = arith.addi %get3A_361, %add3A_362 : vector<16xi32>
        %swap3A_364 = arith.constant 16 : index
        %swap3A_365 = tpu.vector_load %arg7[%swap3A_364] {strides = array<i32>} : memref<128xi32, #tpu.memory_space<vmem>>, vector<16xi32>,
        %swap3A_366 = vector.shape_cast %swap3A_365 : vector<16xi32> to vector<16xi32>
        %swap3A_367 = vector.shape_cast %add3A_363 : vector<16xi32> to vector<16xi32>
        tpu.vector_store %arg7[%swap3A_364], %swap3A_367 {strides = array<i32>} : memref<128xi32, #tpu.memory_space<vmem>>, vector<16xi32>,
        %get3A_368 = arith.constant 32 : index
        %get3A_369 = tpu.vector_load %arg7[%get3A_368] {strides = array<i32>} : memref<128xi32, #tpu.memory_space<vmem>>, vector<16xi32>,
        %get3A_370 = vector.shape_cast %get3A_369 : vector<16xi32> to vector<16xi32>
        %add3A_371 = vector.broadcast %mul3A_4 : i32 to vector<16xi32>
        %add3A_372 = arith.addi %get3A_370, %add3A_371 : vector<16xi32>
        %swap3A_373 = arith.constant 32 : index
        %swap3A_374 = tpu.vector_load %arg7[%swap3A_373] {strides = array<i32>} : memref<128xi32, #tpu.memory_space<vmem>>, vector<16xi32>,
        %swap3A_375 = vector.shape_cast %swap3A_374 : vector<16xi32> to vector<16xi32>
        %swap3A_376 = vector.shape_cast %add3A_372 : vector<16xi32> to vector<16xi32>
        tpu.vector_store %arg7[%swap3A_373], %swap3A_376 {strides = array<i32>} : memref<128xi32, #tpu.memory_space<vmem>>, vector<16xi32>,
        %get3A_377 = arith.constant 48 : index
        %get3A_378 = tpu.vector_load %arg7[%get3A_377] {strides = array<i32>} : memref<128xi32, #tpu.memory_space<vmem>>, vector<16xi32>,
        %get3A_379 = vector.shape_cast %get3A_378 : vector<16xi32> to vector<16xi32>
        %add3A_380 = vector.broadcast %mul3A_4 : i32 to vector<16xi32>
        %add3A_381 = arith.addi %get3A_379, %add3A_380 : vector<16xi32>
        %swap3A_382 = arith.constant 48 : index
        %swap3A_383 = tpu.vector_load %arg7[%swap3A_382] {strides = array<i32>} : memref<128xi32, #tpu.memory_space<vmem>>, vector<16xi32>,
        %swap3A_384 = vector.shape_cast %swap3A_383 : vector<16xi32> to vector<16xi32>
        %swap3A_385 = vector.shape_cast %add3A_381 : vector<16xi32> to vector<16xi32>
        tpu.vector_store %arg7[%swap3A_382], %swap3A_385 {strides = array<i32>} : memref<128xi32, #tpu.memory_space<vmem>>, vector<16xi32>,
        %get3A_386 = arith.constant 64 : index
        %get3A_387 = tpu.vector_load %arg7[%get3A_386] {strides = array<i32>} : memref<128xi32, #tpu.memory_space<vmem>>, vector<16xi32>,
        %get3A_388 = vector.shape_cast %get3A_387 : vector<16xi32> to vector<16xi32>
        %add3A_389 = vector.broadcast %mul3A_4 : i32 to vector<16xi32>
        %add3A_390 = arith.addi %get3A_388, %add3A_389 : vector<16xi32>
        %swap3A_391 = arith.constant 64 : index
        %swap3A_392 = tpu.vector_load %arg7[%swap3A_391] {strides = array<i32>} : memref<128xi32, #tpu.memory_space<vmem>>, vector<16xi32>,
        %swap3A_393 = vector.shape_cast %swap3A_392 : vector<16xi32> to vector<16xi32>
        %swap3A_394 = vector.shape_cast %add3A_390 : vector<16xi32> to vector<16xi32>
        tpu.vector_store %arg7[%swap3A_391], %swap3A_394 {strides = array<i32>} : memref<128xi32, #tpu.memory_space<vmem>>, vector<16xi32>,
        %get3A_395 = arith.constant 80 : index
        %get3A_396 = tpu.vector_load %arg7[%get3A_395] {strides = array<i32>} : memref<128xi32, #tpu.memory_space<vmem>>, vector<16xi32>,
        %get3A_397 = vector.shape_cast %get3A_396 : vector<16xi32> to vector<16xi32>
        %add3A_398 = vector.broadcast %mul3A_4 : i32 to vector<16xi32>
        %add3A_399 = arith.addi %get3A_397, %add3A_398 : vector<16xi32>
        %swap3A_400 = arith.constant 80 : index
        %swap3A_401 = tpu.vector_load %arg7[%swap3A_400] {strides = array<i32>} : memref<128xi32, #tpu.memory_space<vmem>>, vector<16xi32>,
        %swap3A_402 = vector.shape_cast %swap3A_401 : vector<16xi32> to vector<16xi32>
        %swap3A_403 = vector.shape_cast %add3A_399 : vector<16xi32> to vector<16xi32>
        tpu.vector_store %arg7[%swap3A_400], %swap3A_403 {strides = array<i32>} : memref<128xi32, #tpu.memory_space<vmem>>, vector<16xi32>,
        %get3A_404 = arith.constant 96 : index
        %get3A_405 = tpu.vector_load %arg7[%get3A_404] {strides = array<i32>} : memref<128xi32, #tpu.memory_space<vmem>>, vector<16xi32>,
        %get3A_406 = vector.shape_cast %get3A_405 : vector<16xi32> to vector<16xi32>
        %add3A_407 = vector.broadcast %mul3A_4 : i32 to vector<16xi32>
        %add3A_408 = arith.addi %get3A_406, %add3A_407 : vector<16xi32>
        %swap3A_409 = arith.constant 96 : index
        %swap3A_410 = tpu.vector_load %arg7[%swap3A_409] {strides = array<i32>} : memref<128xi32, #tpu.memory_space<vmem>>, vector<16xi32>,
        %swap3A_411 = vector.shape_cast %swap3A_410 : vector<16xi32> to vector<16xi32>
        %swap3A_412 = vector.shape_cast %add3A_408 : vector<16xi32> to vector<16xi32>
        tpu.vector_store %arg7[%swap3A_409], %swap3A_412 {strides = array<i32>} : memref<128xi32, #tpu.memory_space<vmem>>, vector<16xi32>,
        %get3A_413 = arith.constant 112 : index
        %get3A_414 = tpu.vector_load %arg7[%get3A_413] {strides = array<i32>} : memref<128xi32, #tpu.memory_space<vmem>>, vector<16xi32>,
        %get3A_415 = vector.shape_cast %get3A_414 : vector<16xi32> to vector<16xi32>
        %add3A_416 = vector.broadcast %mul3A_4 : i32 to vector<16xi32>
        %add3A_417 = arith.addi %get3A_415, %add3A_416 : vector<16xi32>
        %swap3A_418 = arith.constant 112 : index
        %swap3A_419 = tpu.vector_load %arg7[%swap3A_418] {strides = array<i32>} : memref<128xi32, #tpu.memory_space<vmem>>, vector<16xi32>,
        %swap3A_420 = vector.shape_cast %swap3A_419 : vector<16xi32> to vector<16xi32>
        %swap3A_421 = vector.shape_cast %add3A_417 : vector<16xi32> to vector<16xi32>
        tpu.vector_store %arg7[%swap3A_418], %swap3A_421 {strides = array<i32>} : memref<128xi32, #tpu.memory_space<vmem>>, vector<16xi32>,
        %dma_start3A_422 = arith.constant 0 : i32
        %dma_start3A_423 = arith.constant 0 : i32
        %dma_start3A_424 = tpu.memref_slice %arg2[%dma_start3A_422, %dma_start3A_423] : memref<20000x128xf32, #tpu.memory_space<hbm>> -> memref<20000x128xf32, #tpu.memory_space<hbm>>
        tpu.enqueue_indirect_dma source(%dma_start3A_424 : memref<20000x128xf32, #tpu.memory_space<hbm>>) target(%arg15 : memref<128x128xf32, #tpu.memory_space<vmem>>) offsets(%arg7 : memref<128xi32, #tpu.memory_space<vmem>>) semaphore(%arg18 : memref<!tpu.dma_semaphore, #tpu.memory_space<semaphore_mem>>)
      } else {
      }
      %dma_wait3A_267 = arith.constant 0 : i32
      %dma_wait3A_268 = arith.constant 0 : i32
      %dma_wait3A_269 = tpu.memref_slice %arg2[%dma_wait3A_267, %dma_wait3A_268] : memref<20000x128xf32, #tpu.memory_space<hbm>> -> memref<20000x128xf32, #tpu.memory_space<hbm>>
      tpu.wait_indirect_dma semaphore(%arg19 : memref<!tpu.dma_semaphore, #tpu.memory_space<semaphore_mem>>) src(%dma_wait3A_269 : memref<20000x128xf32, #tpu.memory_space<hbm>>) dst(%arg16 : memref<128x128xf32, #tpu.memory_space<vmem>>)
      %get3A_270 = arith.constant 0 : index
      %get3A_271 = tpu.vector_load %arg10[%get3A_270] {strides = array<i32>} : memref<128xi32, #tpu.memory_space<vmem>>, vector<16xi32>,
      %get3A_272 = vector.shape_cast %get3A_271 : vector<16xi32> to vector<16xi32>
      %swap3A_273 = arith.constant 0 : index
      %swap3A_274 = tpu.vector_load %arg12[%swap3A_273] {strides = array<i32>} : memref<128xi32, #tpu.memory_space<vmem>>, vector<16xi32>,
      %swap3A_275 = vector.shape_cast %swap3A_274 : vector<16xi32> to vector<16xi32>
      %swap3A_276 = vector.shape_cast %get3A_272 : vector<16xi32> to vector<16xi32>
      tpu.vector_store %arg12[%swap3A_273], %swap3A_276 {strides = array<i32>} : memref<128xi32, #tpu.memory_space<vmem>>, vector<16xi32>,
      %get3A_277 = arith.constant 16 : index
      %get3A_278 = tpu.vector_load %arg10[%get3A_277] {strides = array<i32>} : memref<128xi32, #tpu.memory_space<vmem>>, vector<16xi32>,
      %get3A_279 = vector.shape_cast %get3A_278 : vector<16xi32> to vector<16xi32>
      %swap3A_280 = arith.constant 16 : index
      %swap3A_281 = tpu.vector_load %arg12[%swap3A_280] {strides = array<i32>} : memref<128xi32, #tpu.memory_space<vmem>>, vector<16xi32>,
      %swap3A_282 = vector.shape_cast %swap3A_281 : vector<16xi32> to vector<16xi32>
      %swap3A_283 = vector.shape_cast %get3A_279 : vector<16xi32> to vector<16xi32>
      tpu.vector_store %arg12[%swap3A_280], %swap3A_283 {strides = array<i32>} : memref<128xi32, #tpu.memory_space<vmem>>, vector<16xi32>,
      %get3A_284 = arith.constant 32 : index
      %get3A_285 = tpu.vector_load %arg10[%get3A_284] {strides = array<i32>} : memref<128xi32, #tpu.memory_space<vmem>>, vector<16xi32>,
      %get3A_286 = vector.shape_cast %get3A_285 : vector<16xi32> to vector<16xi32>
      %swap3A_287 = arith.constant 32 : index
      %swap3A_288 = tpu.vector_load %arg12[%swap3A_287] {strides = array<i32>} : memref<128xi32, #tpu.memory_space<vmem>>, vector<16xi32>,
      %swap3A_289 = vector.shape_cast %swap3A_288 : vector<16xi32> to vector<16xi32>
      %swap3A_290 = vector.shape_cast %get3A_286 : vector<16xi32> to vector<16xi32>
      tpu.vector_store %arg12[%swap3A_287], %swap3A_290 {strides = array<i32>} : memref<128xi32, #tpu.memory_space<vmem>>, vector<16xi32>,
      %get3A_291 = arith.constant 48 : index
      %get3A_292 = tpu.vector_load %arg10[%get3A_291] {strides = array<i32>} : memref<128xi32, #tpu.memory_space<vmem>>, vector<16xi32>,
      %get3A_293 = vector.shape_cast %get3A_292 : vector<16xi32> to vector<16xi32>
      %swap3A_294 = arith.constant 48 : index
      %swap3A_295 = tpu.vector_load %arg12[%swap3A_294] {strides = array<i32>} : memref<128xi32, #tpu.memory_space<vmem>>, vector<16xi32>,
      %swap3A_296 = vector.shape_cast %swap3A_295 : vector<16xi32> to vector<16xi32>
      %swap3A_297 = vector.shape_cast %get3A_293 : vector<16xi32> to vector<16xi32>
      tpu.vector_store %arg12[%swap3A_294], %swap3A_297 {strides = array<i32>} : memref<128xi32, #tpu.memory_space<vmem>>, vector<16xi32>,
      %get3A_298 = arith.constant 64 : index
      %get3A_299 = tpu.vector_load %arg10[%get3A_298] {strides = array<i32>} : memref<128xi32, #tpu.memory_space<vmem>>, vector<16xi32>,
      %get3A_300 = vector.shape_cast %get3A_299 : vector<16xi32> to vector<16xi32>
      %swap3A_301 = arith.constant 64 : index
      %swap3A_302 = tpu.vector_load %arg12[%swap3A_301] {strides = array<i32>} : memref<128xi32, #tpu.memory_space<vmem>>, vector<16xi32>,
      %swap3A_303 = vector.shape_cast %swap3A_302 : vector<16xi32> to vector<16xi32>
      %swap3A_304 = vector.shape_cast %get3A_300 : vector<16xi32> to vector<16xi32>
      tpu.vector_store %arg12[%swap3A_301], %swap3A_304 {strides = array<i32>} : memref<128xi32, #tpu.memory_space<vmem>>, vector<16xi32>,
      %get3A_305 = arith.constant 80 : index
      %get3A_306 = tpu.vector_load %arg10[%get3A_305] {strides = array<i32>} : memref<128xi32, #tpu.memory_space<vmem>>, vector<16xi32>,
      %get3A_307 = vector.shape_cast %get3A_306 : vector<16xi32> to vector<16xi32>
      %swap3A_308 = arith.constant 80 : index
      %swap3A_309 = tpu.vector_load %arg12[%swap3A_308] {strides = array<i32>} : memref<128xi32, #tpu.memory_space<vmem>>, vector<16xi32>,
      %swap3A_310 = vector.shape_cast %swap3A_309 : vector<16xi32> to vector<16xi32>
      %swap3A_311 = vector.shape_cast %get3A_307 : vector<16xi32> to vector<16xi32>
      tpu.vector_store %arg12[%swap3A_308], %swap3A_311 {strides = array<i32>} : memref<128xi32, #tpu.memory_space<vmem>>, vector<16xi32>,
      %get3A_312 = arith.constant 96 : index
      %get3A_313 = tpu.vector_load %arg10[%get3A_312] {strides = array<i32>} : memref<128xi32, #tpu.memory_space<vmem>>, vector<16xi32>,
      %get3A_314 = vector.shape_cast %get3A_313 : vector<16xi32> to vector<16xi32>
      %swap3A_315 = arith.constant 96 : index
      %swap3A_316 = tpu.vector_load %arg12[%swap3A_315] {strides = array<i32>} : memref<128xi32, #tpu.memory_space<vmem>>, vector<16xi32>,
      %swap3A_317 = vector.shape_cast %swap3A_316 : vector<16xi32> to vector<16xi32>
      %swap3A_318 = vector.shape_cast %get3A_314 : vector<16xi32> to vector<16xi32>
      tpu.vector_store %arg12[%swap3A_315], %swap3A_318 {strides = array<i32>} : memref<128xi32, #tpu.memory_space<vmem>>, vector<16xi32>,
      %get3A_319 = arith.constant 112 : index
      %get3A_320 = tpu.vector_load %arg10[%get3A_319] {strides = array<i32>} : memref<128xi32, #tpu.memory_space<vmem>>, vector<16xi32>,
      %get3A_321 = vector.shape_cast %get3A_320 : vector<16xi32> to vector<16xi32>
      %swap3A_322 = arith.constant 112 : index
      %swap3A_323 = tpu.vector_load %arg12[%swap3A_322] {strides = array<i32>} : memref<128xi32, #tpu.memory_space<vmem>>, vector<16xi32>,
      %swap3A_324 = vector.shape_cast %swap3A_323 : vector<16xi32> to vector<16xi32>
      %swap3A_325 = vector.shape_cast %get3A_321 : vector<16xi32> to vector<16xi32>
      tpu.vector_store %arg12[%swap3A_322], %swap3A_325 {strides = array<i32>} : memref<128xi32, #tpu.memory_space<vmem>>, vector<16xi32>,
      %not3A_326 = arith.constant true
      %not3A_327 = arith.xori %eq3A_201, %not3A_326 : i1
      %convert_element_type3A_328 = arith.extui %not3A_327 : i1 to i32
      %cond3A_329 = arith.constant 0 : i32
      %cond3A_330 = arith.cmpi ne, %convert_element_type3A_328, %cond3A_329 : i32
      scf.if %cond3A_330 {
        %mul3A_336 = arith.constant 2 : i32
        %mul3A_337 = arith.muli %mul3A_336, %scan3A_193 : i32
        %add3A_338 = arith.constant 3 : i32
        %add3A_339 = arith.addi %mul3A_337, %add3A_338 : i32
        %mul3A_340 = arith.constant 128 : i32
        %mul3A_341 = arith.muli %add3A_339, %mul3A_340 : i32
        %add3A_342 = arith.addi %mul3A_2, %mul3A_341 : i32
        %dma_start3A_343 = tpu.memref_slice %arg3[%add3A_342] : memref<160000xi32, #tpu.memory_space<hbm>> -> memref<128xi32, #tpu.memory_space<hbm>>
        %dma_start3A_344 = tpu.memref_slice %arg3[%add3A_342] : memref<160000xi32, #tpu.memory_space<hbm>> -> memref<128xi32, #tpu.memory_space<hbm>>
        tpu.enqueue_dma source(%dma_start3A_344 : memref<128xi32, #tpu.memory_space<hbm>>) target(%arg9 : memref<128xi32, #tpu.memory_space<vmem>>) target_semaphore(%arg22 : memref<!tpu.dma_semaphore, #tpu.memory_space<semaphore_mem>>)
        %mul3A_345 = arith.constant 128 : i32
        %mul3A_346 = arith.muli %add3A_339, %mul3A_345 : i32
        %add3A_347 = arith.addi %mul3A_2, %mul3A_346 : i32
        %dma_start3A_348 = tpu.memref_slice %arg4[%add3A_347] : memref<160000xi32, #tpu.memory_space<hbm>> -> memref<128xi32, #tpu.memory_space<hbm>>
        %dma_start3A_349 = tpu.memref_slice %arg4[%add3A_347] : memref<160000xi32, #tpu.memory_space<hbm>> -> memref<128xi32, #tpu.memory_space<hbm>>
        tpu.enqueue_dma source(%dma_start3A_349 : memref<128xi32, #tpu.memory_space<hbm>>) target(%arg10 : memref<128xi32, #tpu.memory_space<vmem>>) target_semaphore(%arg22 : memref<!tpu.dma_semaphore, #tpu.memory_space<semaphore_mem>>)
      } else {
      }
      "tpu.region"() ({
        %run_scoped3A = tpu.sem_alloc : memref<!tpu.dma_semaphore, #tpu.memory_space<semaphore_mem>>
        %dma_start3A_336 = arith.constant 0 : i32
        %dma_start3A_337 = arith.constant 0 : i32
        %dma_start3A_338 = tpu.memref_slice %arg17[%dma_start3A_336, %dma_start3A_337] : memref<10000x128xf32, #tpu.memory_space<vmem_shared>> -> memref<10000x128xf32, #tpu.memory_space<vmem_shared>>
        tpu.enqueue_indirect_dma source(%arg16 : memref<128x128xf32, #tpu.memory_space<vmem>>) target(%dma_start3A_338 : memref<10000x128xf32, #tpu.memory_space<vmem_shared>>) offsets(%arg12 : memref<128xi32, #tpu.memory_space<vmem>>) semaphore(%run_scoped3A : memref<!tpu.dma_semaphore, #tpu.memory_space<semaphore_mem>>) {add = true}
        %dma_wait3A_339 = arith.constant 0 : i32
        %dma_wait3A_340 = arith.constant 0 : i32
        %dma_wait3A_341 = tpu.memref_slice %arg17[%dma_wait3A_339, %dma_wait3A_340] : memref<10000x128xf32, #tpu.memory_space<vmem_shared>> -> memref<10000x128xf32, #tpu.memory_space<vmem_shared>>
        tpu.wait_indirect_dma semaphore(%run_scoped3A : memref<!tpu.dma_semaphore, #tpu.memory_space<semaphore_mem>>) src(%arg16 : memref<128x128xf32, #tpu.memory_space<vmem>>) dst(%dma_wait3A_341 : memref<10000x128xf32, #tpu.memory_space<vmem_shared>>)
        tpu.yield
      }) : () -> ()
      %not3A_331 = arith.constant true
      %not3A_332 = arith.xori %eq3A_201, %not3A_331 : i1
      %convert_element_type3A_333 = arith.extui %not3A_332 : i1 to i32
      %cond3A_334 = arith.constant 0 : i32
      %cond3A_335 = arith.cmpi ne, %convert_element_type3A_333, %cond3A_334 : i32
      scf.if %cond3A_335 {
        %mul3A_336 = arith.constant 2 : i32
        %mul3A_337 = arith.muli %mul3A_336, %scan3A_193 : i32
        %add3A_338 = arith.constant 3 : i32
        %add3A_339 = arith.addi %mul3A_337, %add3A_338 : i32
        %mul3A_340 = arith.constant 128 : i32
        %mul3A_341 = arith.muli %add3A_339, %mul3A_340 : i32
        %add3A_342 = arith.addi %mul3A_2, %mul3A_341 : i32
        %dma_wait3A_343 = tpu.memref_slice %arg3[%add3A_342] : memref<160000xi32, #tpu.memory_space<hbm>> -> memref<128xi32, #tpu.memory_space<hbm>>
        %dma_wait3A_344 = tpu.memref_slice %arg3[%add3A_342] : memref<160000xi32, #tpu.memory_space<hbm>> -> memref<128xi32, #tpu.memory_space<hbm>>
        tpu.wait_dma2 semaphore(%arg22 : memref<!tpu.dma_semaphore, #tpu.memory_space<semaphore_mem>>) src(%dma_wait3A_344 : memref<128xi32, #tpu.memory_space<hbm>>) dst(%arg9 : memref<128xi32, #tpu.memory_space<vmem>>)
        %mul3A_345 = arith.constant 128 : i32
        %mul3A_346 = arith.muli %add3A_339, %mul3A_345 : i32
        %add3A_347 = arith.addi %mul3A_2, %mul3A_346 : i32
        %dma_wait3A_348 = tpu.memref_slice %arg4[%add3A_347] : memref<160000xi32, #tpu.memory_space<hbm>> -> memref<128xi32, #tpu.memory_space<hbm>>
        %dma_wait3A_349 = tpu.memref_slice %arg4[%add3A_347] : memref<160000xi32, #tpu.memory_space<hbm>> -> memref<128xi32, #tpu.memory_space<hbm>>
        tpu.wait_dma2 semaphore(%arg22 : memref<!tpu.dma_semaphore, #tpu.memory_space<semaphore_mem>>) src(%dma_wait3A_349 : memref<128xi32, #tpu.memory_space<hbm>>) dst(%arg10 : memref<128xi32, #tpu.memory_space<vmem>>)
        %get3A_350 = arith.constant 0 : index
        %get3A_351 = tpu.vector_load %arg9[%get3A_350] {strides = array<i32>} : memref<128xi32, #tpu.memory_space<vmem>>, vector<16xi32>,
        %get3A_352 = vector.shape_cast %get3A_351 : vector<16xi32> to vector<16xi32>
        %add3A_353 = vector.broadcast %mul3A_4 : i32 to vector<16xi32>
        %add3A_354 = arith.addi %get3A_352, %add3A_353 : vector<16xi32>
        %swap3A_355 = arith.constant 0 : index
        %swap3A_356 = tpu.vector_load %arg9[%swap3A_355] {strides = array<i32>} : memref<128xi32, #tpu.memory_space<vmem>>, vector<16xi32>,
        %swap3A_357 = vector.shape_cast %swap3A_356 : vector<16xi32> to vector<16xi32>
        %swap3A_358 = vector.shape_cast %add3A_354 : vector<16xi32> to vector<16xi32>
        tpu.vector_store %arg9[%swap3A_355], %swap3A_358 {strides = array<i32>} : memref<128xi32, #tpu.memory_space<vmem>>, vector<16xi32>,
        %get3A_359 = arith.constant 16 : index
        %get3A_360 = tpu.vector_load %arg9[%get3A_359] {strides = array<i32>} : memref<128xi32, #tpu.memory_space<vmem>>, vector<16xi32>,
        %get3A_361 = vector.shape_cast %get3A_360 : vector<16xi32> to vector<16xi32>
        %add3A_362 = vector.broadcast %mul3A_4 : i32 to vector<16xi32>
        %add3A_363 = arith.addi %get3A_361, %add3A_362 : vector<16xi32>
        %swap3A_364 = arith.constant 16 : index
        %swap3A_365 = tpu.vector_load %arg9[%swap3A_364] {strides = array<i32>} : memref<128xi32, #tpu.memory_space<vmem>>, vector<16xi32>,
        %swap3A_366 = vector.shape_cast %swap3A_365 : vector<16xi32> to vector<16xi32>
        %swap3A_367 = vector.shape_cast %add3A_363 : vector<16xi32> to vector<16xi32>
        tpu.vector_store %arg9[%swap3A_364], %swap3A_367 {strides = array<i32>} : memref<128xi32, #tpu.memory_space<vmem>>, vector<16xi32>,
        %get3A_368 = arith.constant 32 : index
        %get3A_369 = tpu.vector_load %arg9[%get3A_368] {strides = array<i32>} : memref<128xi32, #tpu.memory_space<vmem>>, vector<16xi32>,
        %get3A_370 = vector.shape_cast %get3A_369 : vector<16xi32> to vector<16xi32>
        %add3A_371 = vector.broadcast %mul3A_4 : i32 to vector<16xi32>
        %add3A_372 = arith.addi %get3A_370, %add3A_371 : vector<16xi32>
        %swap3A_373 = arith.constant 32 : index
        %swap3A_374 = tpu.vector_load %arg9[%swap3A_373] {strides = array<i32>} : memref<128xi32, #tpu.memory_space<vmem>>, vector<16xi32>,
        %swap3A_375 = vector.shape_cast %swap3A_374 : vector<16xi32> to vector<16xi32>
        %swap3A_376 = vector.shape_cast %add3A_372 : vector<16xi32> to vector<16xi32>
        tpu.vector_store %arg9[%swap3A_373], %swap3A_376 {strides = array<i32>} : memref<128xi32, #tpu.memory_space<vmem>>, vector<16xi32>,
        %get3A_377 = arith.constant 48 : index
        %get3A_378 = tpu.vector_load %arg9[%get3A_377] {strides = array<i32>} : memref<128xi32, #tpu.memory_space<vmem>>, vector<16xi32>,
        %get3A_379 = vector.shape_cast %get3A_378 : vector<16xi32> to vector<16xi32>
        %add3A_380 = vector.broadcast %mul3A_4 : i32 to vector<16xi32>
        %add3A_381 = arith.addi %get3A_379, %add3A_380 : vector<16xi32>
        %swap3A_382 = arith.constant 48 : index
        %swap3A_383 = tpu.vector_load %arg9[%swap3A_382] {strides = array<i32>} : memref<128xi32, #tpu.memory_space<vmem>>, vector<16xi32>,
        %swap3A_384 = vector.shape_cast %swap3A_383 : vector<16xi32> to vector<16xi32>
        %swap3A_385 = vector.shape_cast %add3A_381 : vector<16xi32> to vector<16xi32>
        tpu.vector_store %arg9[%swap3A_382], %swap3A_385 {strides = array<i32>} : memref<128xi32, #tpu.memory_space<vmem>>, vector<16xi32>,
        %get3A_386 = arith.constant 64 : index
        %get3A_387 = tpu.vector_load %arg9[%get3A_386] {strides = array<i32>} : memref<128xi32, #tpu.memory_space<vmem>>, vector<16xi32>,
        %get3A_388 = vector.shape_cast %get3A_387 : vector<16xi32> to vector<16xi32>
        %add3A_389 = vector.broadcast %mul3A_4 : i32 to vector<16xi32>
        %add3A_390 = arith.addi %get3A_388, %add3A_389 : vector<16xi32>
        %swap3A_391 = arith.constant 64 : index
        %swap3A_392 = tpu.vector_load %arg9[%swap3A_391] {strides = array<i32>} : memref<128xi32, #tpu.memory_space<vmem>>, vector<16xi32>,
        %swap3A_393 = vector.shape_cast %swap3A_392 : vector<16xi32> to vector<16xi32>
        %swap3A_394 = vector.shape_cast %add3A_390 : vector<16xi32> to vector<16xi32>
        tpu.vector_store %arg9[%swap3A_391], %swap3A_394 {strides = array<i32>} : memref<128xi32, #tpu.memory_space<vmem>>, vector<16xi32>,
        %get3A_395 = arith.constant 80 : index
        %get3A_396 = tpu.vector_load %arg9[%get3A_395] {strides = array<i32>} : memref<128xi32, #tpu.memory_space<vmem>>, vector<16xi32>,
        %get3A_397 = vector.shape_cast %get3A_396 : vector<16xi32> to vector<16xi32>
        %add3A_398 = vector.broadcast %mul3A_4 : i32 to vector<16xi32>
        %add3A_399 = arith.addi %get3A_397, %add3A_398 : vector<16xi32>
        %swap3A_400 = arith.constant 80 : index
        %swap3A_401 = tpu.vector_load %arg9[%swap3A_400] {strides = array<i32>} : memref<128xi32, #tpu.memory_space<vmem>>, vector<16xi32>,
        %swap3A_402 = vector.shape_cast %swap3A_401 : vector<16xi32> to vector<16xi32>
        %swap3A_403 = vector.shape_cast %add3A_399 : vector<16xi32> to vector<16xi32>
        tpu.vector_store %arg9[%swap3A_400], %swap3A_403 {strides = array<i32>} : memref<128xi32, #tpu.memory_space<vmem>>, vector<16xi32>,
        %get3A_404 = arith.constant 96 : index
        %get3A_405 = tpu.vector_load %arg9[%get3A_404] {strides = array<i32>} : memref<128xi32, #tpu.memory_space<vmem>>, vector<16xi32>,
        %get3A_406 = vector.shape_cast %get3A_405 : vector<16xi32> to vector<16xi32>
        %add3A_407 = vector.broadcast %mul3A_4 : i32 to vector<16xi32>
        %add3A_408 = arith.addi %get3A_406, %add3A_407 : vector<16xi32>
        %swap3A_409 = arith.constant 96 : index
        %swap3A_410 = tpu.vector_load %arg9[%swap3A_409] {strides = array<i32>} : memref<128xi32, #tpu.memory_space<vmem>>, vector<16xi32>,
        %swap3A_411 = vector.shape_cast %swap3A_410 : vector<16xi32> to vector<16xi32>
        %swap3A_412 = vector.shape_cast %add3A_408 : vector<16xi32> to vector<16xi32>
        tpu.vector_store %arg9[%swap3A_409], %swap3A_412 {strides = array<i32>} : memref<128xi32, #tpu.memory_space<vmem>>, vector<16xi32>,
        %get3A_413 = arith.constant 112 : index
        %get3A_414 = tpu.vector_load %arg9[%get3A_413] {strides = array<i32>} : memref<128xi32, #tpu.memory_space<vmem>>, vector<16xi32>,
        %get3A_415 = vector.shape_cast %get3A_414 : vector<16xi32> to vector<16xi32>
        %add3A_416 = vector.broadcast %mul3A_4 : i32 to vector<16xi32>
        %add3A_417 = arith.addi %get3A_415, %add3A_416 : vector<16xi32>
        %swap3A_418 = arith.constant 112 : index
        %swap3A_419 = tpu.vector_load %arg9[%swap3A_418] {strides = array<i32>} : memref<128xi32, #tpu.memory_space<vmem>>, vector<16xi32>,
        %swap3A_420 = vector.shape_cast %swap3A_419 : vector<16xi32> to vector<16xi32>
        %swap3A_421 = vector.shape_cast %add3A_417 : vector<16xi32> to vector<16xi32>
        tpu.vector_store %arg9[%swap3A_418], %swap3A_421 {strides = array<i32>} : memref<128xi32, #tpu.memory_space<vmem>>, vector<16xi32>,
      } else {
      }
    }
    %scan3A_160 = arith.constant 39 : i32
    %add3A_161 = arith.constant 9984 : i32
    %add3A_162 = arith.addi %mul3A_2, %add3A_161 : i32
    "tpu.region"() ({
      %run_scoped3A = tpu.sem_alloc : memref<!tpu.dma_semaphore, #tpu.memory_space<semaphore_mem>>
      %dma_start3A_193 = tpu.memref_slice %arg3[%add3A_162] : memref<160000xi32, #tpu.memory_space<hbm>> -> memref<16xi32, #tpu.memory_space<hbm>>
      %dma_start3A_194 = tpu.memref_slice %arg3[%add3A_162] : memref<160000xi32, #tpu.memory_space<hbm>> -> memref<16xi32, #tpu.memory_space<hbm>>
      tpu.enqueue_dma source(%dma_start3A_194 : memref<16xi32, #tpu.memory_space<hbm>>) target(%arg13 : memref<16xi32, #tpu.memory_space<vmem>>) target_semaphore(%run_scoped3A : memref<!tpu.dma_semaphore, #tpu.memory_space<semaphore_mem>>)
      %dma_wait3A_195 = tpu.memref_slice %arg3[%add3A_162] : memref<160000xi32, #tpu.memory_space<hbm>> -> memref<16xi32, #tpu.memory_space<hbm>>
      %dma_wait3A_196 = tpu.memref_slice %arg3[%add3A_162] : memref<160000xi32, #tpu.memory_space<hbm>> -> memref<16xi32, #tpu.memory_space<hbm>>
      tpu.wait_dma2 semaphore(%run_scoped3A : memref<!tpu.dma_semaphore, #tpu.memory_space<semaphore_mem>>) src(%dma_wait3A_196 : memref<16xi32, #tpu.memory_space<hbm>>) dst(%arg13 : memref<16xi32, #tpu.memory_space<vmem>>)
      tpu.yield
    }) : () -> ()
    %add3A_163 = arith.constant 9984 : i32
    %add3A_164 = arith.addi %mul3A_2, %add3A_163 : i32
    "tpu.region"() ({
      %run_scoped3A = tpu.sem_alloc : memref<!tpu.dma_semaphore, #tpu.memory_space<semaphore_mem>>
      %dma_start3A_193 = tpu.memref_slice %arg4[%add3A_164] : memref<160000xi32, #tpu.memory_space<hbm>> -> memref<16xi32, #tpu.memory_space<hbm>>
      %dma_start3A_194 = tpu.memref_slice %arg4[%add3A_164] : memref<160000xi32, #tpu.memory_space<hbm>> -> memref<16xi32, #tpu.memory_space<hbm>>
      tpu.enqueue_dma source(%dma_start3A_194 : memref<16xi32, #tpu.memory_space<hbm>>) target(%arg14 : memref<16xi32, #tpu.memory_space<vmem>>) target_semaphore(%run_scoped3A : memref<!tpu.dma_semaphore, #tpu.memory_space<semaphore_mem>>)
      %dma_wait3A_195 = tpu.memref_slice %arg4[%add3A_164] : memref<160000xi32, #tpu.memory_space<hbm>> -> memref<16xi32, #tpu.memory_space<hbm>>
      %dma_wait3A_196 = tpu.memref_slice %arg4[%add3A_164] : memref<160000xi32, #tpu.memory_space<hbm>> -> memref<16xi32, #tpu.memory_space<hbm>>
      tpu.wait_dma2 semaphore(%run_scoped3A : memref<!tpu.dma_semaphore, #tpu.memory_space<semaphore_mem>>) src(%dma_wait3A_196 : memref<16xi32, #tpu.memory_space<hbm>>) dst(%arg14 : memref<16xi32, #tpu.memory_space<vmem>>)
      tpu.yield
    }) : () -> ()
    %get3A_165 = arith.constant 0 : index
    %get3A_166 = tpu.vector_load %arg13[%get3A_165] {strides = array<i32>} : memref<16xi32, #tpu.memory_space<vmem>>, vector<16xi32>,
    %get3A_167 = vector.shape_cast %get3A_166 : vector<16xi32> to vector<16xi32>
    %add3A_168 = vector.broadcast %mul3A_4 : i32 to vector<16xi32>
    %add3A_169 = arith.addi %get3A_167, %add3A_168 : vector<16xi32>
    %swap3A_170 = arith.constant 0 : index
    %swap3A_171 = tpu.vector_load %arg13[%swap3A_170] {strides = array<i32>} : memref<16xi32, #tpu.memory_space<vmem>>, vector<16xi32>,
    %swap3A_172 = vector.shape_cast %swap3A_171 : vector<16xi32> to vector<16xi32>
    %swap3A_173 = vector.shape_cast %add3A_169 : vector<16xi32> to vector<16xi32>
    tpu.vector_store %arg13[%swap3A_170], %swap3A_173 {strides = array<i32>} : memref<16xi32, #tpu.memory_space<vmem>>, vector<16xi32>,
    %dma_start3A_174 = arith.constant 0 : i32
    %dma_start3A_175 = arith.constant 0 : i32
    %dma_start3A_176 = tpu.memref_slice %arg15[%dma_start3A_174, %dma_start3A_175] : memref<128x128xf32, #tpu.memory_space<vmem>> -> memref<16x128xf32, #tpu.memory_space<vmem>>
    %dma_start3A_177 = arith.constant 0 : i32
    %dma_start3A_178 = arith.constant 0 : i32
    %dma_start3A_179 = tpu.memref_slice %arg2[%dma_start3A_177, %dma_start3A_178] : memref<20000x128xf32, #tpu.memory_space<hbm>> -> memref<20000x128xf32, #tpu.memory_space<hbm>>
    tpu.enqueue_indirect_dma source(%dma_start3A_179 : memref<20000x128xf32, #tpu.memory_space<hbm>>) target(%dma_start3A_176 : memref<16x128xf32, #tpu.memory_space<vmem>>) offsets(%arg13 : memref<16xi32, #tpu.memory_space<vmem>>) semaphore(%arg18 : memref<!tpu.dma_semaphore, #tpu.memory_space<semaphore_mem>>)
    %dma_wait3A = arith.constant 0 : i32
    %dma_wait3A_180 = arith.constant 0 : i32
    %dma_wait3A_181 = tpu.memref_slice %arg15[%dma_wait3A, %dma_wait3A_180] : memref<128x128xf32, #tpu.memory_space<vmem>> -> memref<16x128xf32, #tpu.memory_space<vmem>>
    %dma_wait3A_182 = arith.constant 0 : i32
    %dma_wait3A_183 = arith.constant 0 : i32
    %dma_wait3A_184 = tpu.memref_slice %arg2[%dma_wait3A_182, %dma_wait3A_183] : memref<20000x128xf32, #tpu.memory_space<hbm>> -> memref<20000x128xf32, #tpu.memory_space<hbm>>
    tpu.wait_indirect_dma semaphore(%arg18 : memref<!tpu.dma_semaphore, #tpu.memory_space<semaphore_mem>>) src(%dma_wait3A_184 : memref<20000x128xf32, #tpu.memory_space<hbm>>) dst(%dma_wait3A_181 : memref<16x128xf32, #tpu.memory_space<vmem>>)
    "tpu.region"() ({
      %run_scoped3A = tpu.sem_alloc : memref<!tpu.dma_semaphore, #tpu.memory_space<semaphore_mem>>
      %dma_start3A_193 = arith.constant 0 : i32
      %dma_start3A_194 = arith.constant 0 : i32
      %dma_start3A_195 = tpu.memref_slice %arg15[%dma_start3A_193, %dma_start3A_194] : memref<128x128xf32, #tpu.memory_space<vmem>> -> memref<16x128xf32, #tpu.memory_space<vmem>>
      %dma_start3A_196 = arith.constant 0 : i32
      %dma_start3A_197 = arith.constant 0 : i32
      %dma_start3A_198 = tpu.memref_slice %arg17[%dma_start3A_196, %dma_start3A_197] : memref<10000x128xf32, #tpu.memory_space<vmem_shared>> -> memref<10000x128xf32, #tpu.memory_space<vmem_shared>>
      tpu.enqueue_indirect_dma source(%dma_start3A_195 : memref<16x128xf32, #tpu.memory_space<vmem>>) target(%dma_start3A_198 : memref<10000x128xf32, #tpu.memory_space<vmem_shared>>) offsets(%arg14 : memref<16xi32, #tpu.memory_space<vmem>>) semaphore(%run_scoped3A : memref<!tpu.dma_semaphore, #tpu.memory_space<semaphore_mem>>) {add = true}
      %dma_wait3A_199 = arith.constant 0 : i32
      %dma_wait3A_200 = arith.constant 0 : i32
      %dma_wait3A_201 = tpu.memref_slice %arg15[%dma_wait3A_199, %dma_wait3A_200] : memref<128x128xf32, #tpu.memory_space<vmem>> -> memref<16x128xf32, #tpu.memory_space<vmem>>
      %dma_wait3A_202 = arith.constant 0 : i32
      %dma_wait3A_203 = arith.constant 0 : i32
      %dma_wait3A_204 = tpu.memref_slice %arg17[%dma_wait3A_202, %dma_wait3A_203] : memref<10000x128xf32, #tpu.memory_space<vmem_shared>> -> memref<10000x128xf32, #tpu.memory_space<vmem_shared>>
      tpu.wait_indirect_dma semaphore(%run_scoped3A : memref<!tpu.dma_semaphore, #tpu.memory_space<semaphore_mem>>) src(%dma_wait3A_201 : memref<16x128xf32, #tpu.memory_space<vmem>>) dst(%dma_wait3A_204 : memref<10000x128xf32, #tpu.memory_space<vmem_shared>>)
      tpu.yield
    }) : () -> ()
    %barrier3A_185 = arith.constant 0 : index
    tpu.barrier barrier_id(%barrier3A_185)
    %mul3A_186 = arith.constant 624 : i32
    %mul3A_187 = arith.muli %arg1, %mul3A_186 : i32
    %mul3A_188 = arith.constant 10000 : i32
    %mul3A_189 = arith.muli %arg0, %mul3A_188 : i32
    %add3A_190 = arith.addi %mul3A_189, %mul3A_187 : i32
    "tpu.region"() ({
      %run_scoped3A = tpu.sem_alloc : memref<!tpu.dma_semaphore, #tpu.memory_space<semaphore_mem>>
      %dma_start3A_193 = arith.constant 0 : i32
      %dma_start3A_194 = tpu.memref_slice %arg6[%add3A_190, %dma_start3A_193] : memref<20000x128xf32, #tpu.memory_space<hbm>> -> memref<624x128xf32, #tpu.memory_space<hbm>>
      %dma_start3A_195 = arith.constant 0 : i32
      %dma_start3A_196 = tpu.memref_slice %arg17[%mul3A_187, %dma_start3A_195] : memref<10000x128xf32, #tpu.memory_space<vmem_shared>> -> memref<624x128xf32, #tpu.memory_space<vmem_shared>>
      tpu.enqueue_dma source(%dma_start3A_196 : memref<624x128xf32, #tpu.memory_space<vmem_shared>>) target(%dma_start3A_194 : memref<624x128xf32, #tpu.memory_space<hbm>>) target_semaphore(%run_scoped3A : memref<!tpu.dma_semaphore, #tpu.memory_space<semaphore_mem>>)
      %dma_wait3A_197 = arith.constant 0 : i32
      %dma_wait3A_198 = tpu.memref_slice %arg6[%add3A_190, %dma_wait3A_197] : memref<20000x128xf32, #tpu.memory_space<hbm>> -> memref<624x128xf32, #tpu.memory_space<hbm>>
      %dma_wait3A_199 = arith.constant 0 : i32
      %dma_wait3A_200 = tpu.memref_slice %arg17[%mul3A_187, %dma_wait3A_199] : memref<10000x128xf32, #tpu.memory_space<vmem_shared>> -> memref<624x128xf32, #tpu.memory_space<vmem_shared>>
      tpu.wait_dma2 semaphore(%run_scoped3A : memref<!tpu.dma_semaphore, #tpu.memory_space<semaphore_mem>>) src(%dma_wait3A_200 : memref<624x128xf32, #tpu.memory_space<vmem_shared>>) dst(%dma_wait3A_198 : memref<624x128xf32, #tpu.memory_space<hbm>>)
      tpu.yield
    }) : () -> ()
    %eq3A = arith.constant 15 : i32
    %eq3A_191 = arith.cmpi eq, %arg1, %eq3A : i32
    %convert_element_type3A = arith.extui %eq3A_191 : i1 to i32
    %cond3A = arith.constant 0 : i32
    %cond3A_192 = arith.cmpi ne, %convert_element_type3A, %cond3A : i32
    scf.if %cond3A_192 {
      %mul3A_193 = arith.constant 10000 : i32
      %mul3A_194 = arith.muli %arg0, %mul3A_193 : i32
      %add3A_195 = arith.constant 9984 : i32
      %add3A_196 = arith.addi %mul3A_194, %add3A_195 : i32
      "tpu.region"() ({
        %run_scoped3A = tpu.sem_alloc : memref<!tpu.dma_semaphore, #tpu.memory_space<semaphore_mem>>
        %dma_start3A_197 = arith.constant 0 : i32
        %dma_start3A_198 = tpu.memref_slice %arg6[%add3A_196, %dma_start3A_197] : memref<20000x128xf32, #tpu.memory_space<hbm>> -> memref<16x128xf32, #tpu.memory_space<hbm>>
        %dma_start3A_199 = arith.constant 9984 : i32
        %dma_start3A_200 = arith.constant 0 : i32
        %dma_start3A_201 = tpu.memref_slice %arg17[%dma_start3A_199, %dma_start3A_200] : memref<10000x128xf32, #tpu.memory_space<vmem_shared>> -> memref<16x128xf32, #tpu.memory_space<vmem_shared>>
        tpu.enqueue_dma source(%dma_start3A_201 : memref<16x128xf32, #tpu.memory_space<vmem_shared>>) target(%dma_start3A_198 : memref<16x128xf32, #tpu.memory_space<hbm>>) target_semaphore(%run_scoped3A : memref<!tpu.dma_semaphore, #tpu.memory_space<semaphore_mem>>)
        %dma_wait3A_202 = arith.constant 0 : i32
        %dma_wait3A_203 = tpu.memref_slice %arg6[%add3A_196, %dma_wait3A_202] : memref<20000x128xf32, #tpu.memory_space<hbm>> -> memref<16x128xf32, #tpu.memory_space<hbm>>
        %dma_wait3A_204 = arith.constant 9984 : i32
        %dma_wait3A_205 = arith.constant 0 : i32
        %dma_wait3A_206 = tpu.memref_slice %arg17[%dma_wait3A_204, %dma_wait3A_205] : memref<10000x128xf32, #tpu.memory_space<vmem_shared>> -> memref<16x128xf32, #tpu.memory_space<vmem_shared>>
        tpu.wait_dma2 semaphore(%run_scoped3A : memref<!tpu.dma_semaphore, #tpu.memory_space<semaphore_mem>>) src(%dma_wait3A_206 : memref<16x128xf32, #tpu.memory_space<vmem_shared>>) dst(%dma_wait3A_203 : memref<16x128xf32, #tpu.memory_space<hbm>>)
        tpu.yield
      }) : () -> ()
    } else {
    }
    return
  }
}

module attributes {stable_mosaic.version = 14 : i64} {
  func.func @_mlp_body(%arg0: i32, %arg1: memref<1000x256xf32, #tpu.memory_space<vmem>>, %arg2: memref<256x256xf32, #tpu.memory_space<vmem>>, %arg3: memref<1x256xf32, #tpu.memory_space<vmem>>, %arg4: memref<256x256xf32, #tpu.memory_space<vmem>>, %arg5: memref<1x256xf32, #tpu.memory_space<vmem>>, %arg6: memref<256x256xf32, #tpu.memory_space<vmem>>, %arg7: memref<1000x256xf32, #tpu.memory_space<vmem>>, %arg8: memref<1000x128xf32, #tpu.memory_space<vmem>>, %arg9: memref<1000x128xf32, #tpu.memory_space<vmem>>) attributes {dimension_semantics = [#tpu.dimension_semantics<arbitrary>], iteration_bounds = array<i64: 10>, scalar_prefetch = 0 : i64, scratch_operands = 0 : i64, tpu.core_type = #tpu.core_type<tc>, window_params = [{transform_indices = @transform_0, window_bounds = array<i64: 1000, 256>}, {pipeline_mode = #tpu.pipeline_mode<synchronous>, transform_indices = @transform_1, window_bounds = array<i64: 256, 256>}, {pipeline_mode = #tpu.pipeline_mode<synchronous>, transform_indices = @transform_2, window_bounds = array<i64: 1, 256>}, {pipeline_mode = #tpu.pipeline_mode<synchronous>, transform_indices = @transform_3, window_bounds = array<i64: 256, 256>}, {pipeline_mode = #tpu.pipeline_mode<synchronous>, transform_indices = @transform_4, window_bounds = array<i64: 1, 256>}, {pipeline_mode = #tpu.pipeline_mode<synchronous>, transform_indices = @transform_5, window_bounds = array<i64: 256, 256>}, {transform_indices = @transform_6, window_bounds = array<i64: 1000, 256>}, {transform_indices = @transform_7, window_bounds = array<i64: 1000, 128>}, {transform_indices = @transform_8, window_bounds = array<i64: 1000, 128>}]} {
    %get3A = arith.constant 0 : index
    %get3A_0 = arith.constant 0 : index
    %get3A_1 = vector.load %arg1[%get3A, %get3A_0] : memref<1000x256xf32, #tpu.memory_space<vmem>>, vector<1000x256xf32>
    %get3A_2 = arith.constant 0 : index
    %get3A_3 = arith.constant 0 : index
    %get3A_4 = vector.load %arg2[%get3A_2, %get3A_3] : memref<256x256xf32, #tpu.memory_space<vmem>>, vector<256x256xf32>
    %dot_general3A = arith.constant dense<0.000000e+00> : vector<1000x256xf32>
    %dot_general3A_5 = tpu.matmul %get3A_1, %get3A_4, %dot_general3A {dimension_numbers = #tpu.dot_dimension_numbers<[1], [0], [0], [1], [0, 0, 1, 1], [], []>, transpose_lhs_hint = false} : vector<1000x256xf32>, vector<256x256xf32>, vector<1000x256xf32> -> vector<1000x256xf32>
    %get3A_6 = arith.constant 0 : index
    %get3A_7 = arith.constant 0 : index
    %get3A_8 = vector.load %arg3[%get3A_6, %get3A_7] : memref<1x256xf32, #tpu.memory_space<vmem>>, vector<1x256xf32>
    %add3A = vector.broadcast %get3A_8 : vector<1x256xf32> to vector<1000x256xf32>
    %add3A_9 = arith.addf %dot_general3A_5, %add3A : vector<1000x256xf32>
    %max3A = arith.constant 0.000000e+00 : f32
    %max3A_10 = vector.broadcast %max3A : f32 to vector<1000x256xf32>
    %max3A_11 = arith.maximumf %add3A_9, %max3A_10 : vector<1000x256xf32>
    %get3A_12 = arith.constant 0 : index
    %get3A_13 = arith.constant 0 : index
    %get3A_14 = vector.load %arg4[%get3A_12, %get3A_13] : memref<256x256xf32, #tpu.memory_space<vmem>>, vector<256x256xf32>
    %dot_general3A_15 = arith.constant dense<0.000000e+00> : vector<1000x256xf32>
    %dot_general3A_16 = tpu.matmul %max3A_11, %get3A_14, %dot_general3A_15 {dimension_numbers = #tpu.dot_dimension_numbers<[1], [0], [0], [1], [0, 0, 1, 1], [], []>, transpose_lhs_hint = false} : vector<1000x256xf32>, vector<256x256xf32>, vector<1000x256xf32> -> vector<1000x256xf32>
    %get3A_17 = arith.constant 0 : index
    %get3A_18 = arith.constant 0 : index
    %get3A_19 = vector.load %arg5[%get3A_17, %get3A_18] : memref<1x256xf32, #tpu.memory_space<vmem>>, vector<1x256xf32>
    %add3A_20 = vector.broadcast %get3A_19 : vector<1x256xf32> to vector<1000x256xf32>
    %add3A_21 = arith.addf %dot_general3A_16, %add3A_20 : vector<1000x256xf32>
    %max3A_22 = arith.constant 0.000000e+00 : f32
    %max3A_23 = vector.broadcast %max3A_22 : f32 to vector<1000x256xf32>
    %max3A_24 = arith.maximumf %add3A_21, %max3A_23 : vector<1000x256xf32>
    %swap3A = arith.constant 0 : index
    %swap3A_25 = arith.constant 0 : index
    %swap3A_26 = vector.load %arg7[%swap3A, %swap3A_25] : memref<1000x256xf32, #tpu.memory_space<vmem>>, vector<1000x256xf32>
    tpu.vector_store %arg7[%swap3A, %swap3A_25], %max3A_24 {strides = array<i32>} : memref<1000x256xf32, #tpu.memory_space<vmem>>, vector<1000x256xf32>,
    %get3A_27 = arith.constant 0 : index
    %get3A_28 = arith.constant 0 : index
    %get3A_29 = vector.load %arg6[%get3A_27, %get3A_28] : memref<256x256xf32, #tpu.memory_space<vmem>>, vector<256x256xf32>
    %dot_general3A_30 = arith.constant dense<0.000000e+00> : vector<1000x256xf32>
    %dot_general3A_31 = tpu.matmul %max3A_24, %get3A_29, %dot_general3A_30 {dimension_numbers = #tpu.dot_dimension_numbers<[1], [0], [0], [1], [0, 0, 1, 1], [], []>, transpose_lhs_hint = false} : vector<1000x256xf32>, vector<256x256xf32>, vector<1000x256xf32> -> vector<1000x256xf32>
    %slice3A = vector.extract_strided_slice %dot_general3A_31 {offsets = [0, 0], sizes = [1000, 128], strides = [1, 1]} : vector<1000x256xf32> to vector<1000x128xf32>
    %swap3A_32 = arith.constant 0 : index
    %swap3A_33 = arith.constant 0 : index
    %swap3A_34 = vector.load %arg8[%swap3A_32, %swap3A_33] : memref<1000x128xf32, #tpu.memory_space<vmem>>, vector<1000x128xf32>
    tpu.vector_store %arg8[%swap3A_32, %swap3A_33], %slice3A {strides = array<i32>} : memref<1000x128xf32, #tpu.memory_space<vmem>>, vector<1000x128xf32>,
    %slice3A_35 = vector.extract_strided_slice %dot_general3A_31 {offsets = [0, 128], sizes = [1000, 128], strides = [1, 1]} : vector<1000x256xf32> to vector<1000x128xf32>
    %swap3A_36 = arith.constant 0 : index
    %swap3A_37 = arith.constant 0 : index
    %swap3A_38 = vector.load %arg9[%swap3A_36, %swap3A_37] : memref<1000x128xf32, #tpu.memory_space<vmem>>, vector<1000x128xf32>
    tpu.vector_store %arg9[%swap3A_36, %swap3A_37], %slice3A_35 {strides = array<i32>} : memref<1000x128xf32, #tpu.memory_space<vmem>>, vector<1000x128xf32>,
    return
  }
  func.func @transform_0(%arg0: i32) -> (i32, i32) {
    %c0_i32 = arith.constant 0 : i32
    %c0_i32_0 = arith.constant 0 : i32
    return %arg0, %c0_i32 : i32, i32
  }
  func.func @transform_1(%arg0: i32) -> (i32, i32) {
    %c0_i32 = arith.constant 0 : i32
    %c0_i32_0 = arith.constant 0 : i32
    %c0_i32_1 = arith.constant 0 : i32
    return %c0_i32, %c0_i32_0 : i32, i32
  }
  func.func @transform_2(%arg0: i32) -> (i32, i32) {
    %c0_i32 = arith.constant 0 : i32
    %c0_i32_0 = arith.constant 0 : i32
    %c0_i32_1 = arith.constant 0 : i32
    return %c0_i32, %c0_i32_0 : i32, i32
  }
  func.func @transform_3(%arg0: i32) -> (i32, i32) {
    %c0_i32 = arith.constant 0 : i32
    %c0_i32_0 = arith.constant 0 : i32
    %c0_i32_1 = arith.constant 0 : i32
    return %c0_i32, %c0_i32_0 : i32, i32
  }
  func.func @transform_4(%arg0: i32) -> (i32, i32) {
    %c0_i32 = arith.constant 0 : i32
    %c0_i32_0 = arith.constant 0 : i32
    %c0_i32_1 = arith.constant 0 : i32
    return %c0_i32, %c0_i32_0 : i32, i32
  }
  func.func @transform_5(%arg0: i32) -> (i32, i32) {
    %c0_i32 = arith.constant 0 : i32
    %c0_i32_0 = arith.constant 0 : i32
    %c0_i32_1 = arith.constant 0 : i32
    return %c0_i32, %c0_i32_0 : i32, i32
  }
  func.func @transform_6(%arg0: i32) -> (i32, i32) {
    %c0_i32 = arith.constant 0 : i32
    %c0_i32_0 = arith.constant 0 : i32
    return %arg0, %c0_i32 : i32, i32
  }
  func.func @transform_7(%arg0: i32) -> (i32, i32) {
    %c0_i32 = arith.constant 0 : i32
    %c0_i32_0 = arith.constant 0 : i32
    return %arg0, %c0_i32 : i32, i32
  }
  func.func @transform_8(%arg0: i32) -> (i32, i32) {
    %c0_i32 = arith.constant 0 : i32
    %c0_i32_0 = arith.constant 0 : i32
    return %arg0, %c0_i32 : i32, i32
  }
}

module attributes {stable_mosaic.version = 14 : i64} {
  func.func @_gru_m2_body(%arg0: i32, %arg1: memref<1000x128xf32, #tpu.memory_space<vmem>>, %arg2: memref<1000x128xf32, #tpu.memory_space<vmem>>, %arg3: memref<1000x256xf32, #tpu.memory_space<vmem>>, %arg4: memref<768x256xf32, #tpu.memory_space<vmem>>, %arg5: memref<768x256xf32, #tpu.memory_space<vmem>>, %arg6: memref<1x768xf32, #tpu.memory_space<vmem>>, %arg7: memref<1x768xf32, #tpu.memory_space<vmem>>, %arg8: memref<256x256xf32, #tpu.memory_space<vmem>>, %arg9: memref<1000x256xf32, #tpu.memory_space<vmem>>, %arg10: memref<1000x128xf32, #tpu.memory_space<vmem>>, %arg11: memref<1000x128xf32, #tpu.memory_space<vmem>>) attributes {dimension_semantics = [#tpu.dimension_semantics<arbitrary>], iteration_bounds = array<i64: 10>, scalar_prefetch = 0 : i64, scratch_operands = 0 : i64, tpu.core_type = #tpu.core_type<tc>, window_params = [{transform_indices = @transform_0, window_bounds = array<i64: 1000, 128>}, {transform_indices = @transform_1, window_bounds = array<i64: 1000, 128>}, {transform_indices = @transform_2, window_bounds = array<i64: 1000, 256>}, {pipeline_mode = #tpu.pipeline_mode<synchronous>, transform_indices = @transform_3, window_bounds = array<i64: 768, 256>}, {pipeline_mode = #tpu.pipeline_mode<synchronous>, transform_indices = @transform_4, window_bounds = array<i64: 768, 256>}, {pipeline_mode = #tpu.pipeline_mode<synchronous>, transform_indices = @transform_5, window_bounds = array<i64: 1, 768>}, {pipeline_mode = #tpu.pipeline_mode<synchronous>, transform_indices = @transform_6, window_bounds = array<i64: 1, 768>}, {pipeline_mode = #tpu.pipeline_mode<synchronous>, transform_indices = @transform_7, window_bounds = array<i64: 256, 256>}, {transform_indices = @transform_8, window_bounds = array<i64: 1000, 256>}, {transform_indices = @transform_9, window_bounds = array<i64: 1000, 128>}, {transform_indices = @transform_10, window_bounds = array<i64: 1000, 128>}]} {
    %get3A = arith.constant 0 : index
    %get3A_0 = arith.constant 0 : index
    %get3A_1 = vector.load %arg1[%get3A, %get3A_0] : memref<1000x128xf32, #tpu.memory_space<vmem>>, vector<1000x128xf32>
    %get3A_2 = arith.constant 0 : index
    %get3A_3 = arith.constant 0 : index
    %get3A_4 = vector.load %arg2[%get3A_2, %get3A_3] : memref<1000x128xf32, #tpu.memory_space<vmem>>, vector<1000x128xf32>
    %concatenate3A = tpu.concatenate %get3A_1, %get3A_4 in 1 : vector<1000x128xf32>, vector<1000x128xf32> -> vector<1000x256xf32>
    %get3A_5 = arith.constant 0 : index
    %get3A_6 = arith.constant 0 : index
    %get3A_7 = vector.load %arg3[%get3A_5, %get3A_6] : memref<1000x256xf32, #tpu.memory_space<vmem>>, vector<1000x256xf32>
    %get3A_8 = arith.constant 0 : index
    %get3A_9 = arith.constant 0 : index
    %get3A_10 = vector.load %arg4[%get3A_8, %get3A_9] : memref<768x256xf32, #tpu.memory_space<vmem>>, vector<768x256xf32>
    %dot_general3A = arith.constant dense<0.000000e+00> : vector<1000x768xf32>
    %dot_general3A_11 = tpu.matmul %concatenate3A, %get3A_10, %dot_general3A {dimension_numbers = #tpu.dot_dimension_numbers<[1], [1], [0], [0], [0, 0, 1, 0], [], []>, transpose_lhs_hint = false} : vector<1000x256xf32>, vector<768x256xf32>, vector<1000x768xf32> -> vector<1000x768xf32>
    %get3A_12 = arith.constant 0 : index
    %get3A_13 = arith.constant 0 : index
    %get3A_14 = vector.load %arg6[%get3A_12, %get3A_13] : memref<1x768xf32, #tpu.memory_space<vmem>>, vector<1x768xf32>
    %add3A = vector.broadcast %get3A_14 : vector<1x768xf32> to vector<1000x768xf32>
    %add3A_15 = arith.addf %dot_general3A_11, %add3A : vector<1000x768xf32>
    %get3A_16 = arith.constant 0 : index
    %get3A_17 = arith.constant 0 : index
    %get3A_18 = vector.load %arg5[%get3A_16, %get3A_17] : memref<768x256xf32, #tpu.memory_space<vmem>>, vector<768x256xf32>
    %dot_general3A_19 = arith.constant dense<0.000000e+00> : vector<1000x768xf32>
    %dot_general3A_20 = tpu.matmul %get3A_7, %get3A_18, %dot_general3A_19 {dimension_numbers = #tpu.dot_dimension_numbers<[1], [1], [0], [0], [0, 0, 1, 0], [], []>, transpose_lhs_hint = false} : vector<1000x256xf32>, vector<768x256xf32>, vector<1000x768xf32> -> vector<1000x768xf32>
    %get3A_21 = arith.constant 0 : index
    %get3A_22 = arith.constant 0 : index
    %get3A_23 = vector.load %arg7[%get3A_21, %get3A_22] : memref<1x768xf32, #tpu.memory_space<vmem>>, vector<1x768xf32>
    %add3A_24 = vector.broadcast %get3A_23 : vector<1x768xf32> to vector<1000x768xf32>
    %add3A_25 = arith.addf %dot_general3A_20, %add3A_24 : vector<1000x768xf32>
    %slice3A = vector.extract_strided_slice %add3A_15 {offsets = [0, 0], sizes = [1000, 256], strides = [1, 1]} : vector<1000x768xf32> to vector<1000x256xf32>
    %slice3A_26 = vector.extract_strided_slice %add3A_25 {offsets = [0, 0], sizes = [1000, 256], strides = [1, 1]} : vector<1000x768xf32> to vector<1000x256xf32>
    %add3A_27 = arith.addf %slice3A, %slice3A_26 : vector<1000x256xf32>
    %logistic3A = arith.negf %add3A_27 : vector<1000x256xf32>
    %logistic3A_28 = math.exp %logistic3A : vector<1000x256xf32>
    %logistic3A_29 = arith.constant 1.000000e+00 : f32
    %logistic3A_30 = vector.broadcast %logistic3A_29 : f32 to vector<1000x256xf32>
    %logistic3A_31 = arith.addf %logistic3A_30, %logistic3A_28 : vector<1000x256xf32>
    %logistic3A_32 = arith.divf %logistic3A_30, %logistic3A_31 : vector<1000x256xf32>
    %slice3A_33 = vector.extract_strided_slice %add3A_15 {offsets = [0, 256], sizes = [1000, 256], strides = [1, 1]} : vector<1000x768xf32> to vector<1000x256xf32>
    %slice3A_34 = vector.extract_strided_slice %add3A_25 {offsets = [0, 256], sizes = [1000, 256], strides = [1, 1]} : vector<1000x768xf32> to vector<1000x256xf32>
    %add3A_35 = arith.addf %slice3A_33, %slice3A_34 : vector<1000x256xf32>
    %logistic3A_36 = arith.negf %add3A_35 : vector<1000x256xf32>
    %logistic3A_37 = math.exp %logistic3A_36 : vector<1000x256xf32>
    %logistic3A_38 = arith.constant 1.000000e+00 : f32
    %logistic3A_39 = vector.broadcast %logistic3A_38 : f32 to vector<1000x256xf32>
    %logistic3A_40 = arith.addf %logistic3A_39, %logistic3A_37 : vector<1000x256xf32>
    %logistic3A_41 = arith.divf %logistic3A_39, %logistic3A_40 : vector<1000x256xf32>
    %slice3A_42 = vector.extract_strided_slice %add3A_15 {offsets = [0, 512], sizes = [1000, 256], strides = [1, 1]} : vector<1000x768xf32> to vector<1000x256xf32>
    %slice3A_43 = vector.extract_strided_slice %add3A_25 {offsets = [0, 512], sizes = [1000, 256], strides = [1, 1]} : vector<1000x768xf32> to vector<1000x256xf32>
    %mul3A = arith.mulf %logistic3A_32, %slice3A_43 : vector<1000x256xf32>
    %add3A_44 = arith.addf %slice3A_42, %mul3A : vector<1000x256xf32>
    %tanh3A = math.tanh %add3A_44 : vector<1000x256xf32>
    %sub3A = arith.constant 1.000000e+00 : f32
    %sub3A_45 = vector.broadcast %sub3A : f32 to vector<1000x256xf32>
    %sub3A_46 = arith.subf %sub3A_45, %logistic3A_41 : vector<1000x256xf32>
    %mul3A_47 = arith.mulf %sub3A_46, %tanh3A : vector<1000x256xf32>
    %mul3A_48 = arith.mulf %logistic3A_41, %get3A_7 : vector<1000x256xf32>
    %add3A_49 = arith.addf %mul3A_47, %mul3A_48 : vector<1000x256xf32>
    %swap3A = arith.constant 0 : index
    %swap3A_50 = arith.constant 0 : index
    %swap3A_51 = vector.load %arg9[%swap3A, %swap3A_50] : memref<1000x256xf32, #tpu.memory_space<vmem>>, vector<1000x256xf32>
    tpu.vector_store %arg9[%swap3A, %swap3A_50], %add3A_49 {strides = array<i32>} : memref<1000x256xf32, #tpu.memory_space<vmem>>, vector<1000x256xf32>,
    %get3A_52 = arith.constant 0 : index
    %get3A_53 = arith.constant 0 : index
    %get3A_54 = vector.load %arg8[%get3A_52, %get3A_53] : memref<256x256xf32, #tpu.memory_space<vmem>>, vector<256x256xf32>
    %dot_general3A_55 = arith.constant dense<0.000000e+00> : vector<1000x256xf32>
    %dot_general3A_56 = tpu.matmul %add3A_49, %get3A_54, %dot_general3A_55 {dimension_numbers = #tpu.dot_dimension_numbers<[1], [0], [0], [1], [0, 0, 1, 1], [], []>, transpose_lhs_hint = false} : vector<1000x256xf32>, vector<256x256xf32>, vector<1000x256xf32> -> vector<1000x256xf32>
    %slice3A_57 = vector.extract_strided_slice %dot_general3A_56 {offsets = [0, 0], sizes = [1000, 128], strides = [1, 1]} : vector<1000x256xf32> to vector<1000x128xf32>
    %swap3A_58 = arith.constant 0 : index
    %swap3A_59 = arith.constant 0 : index
    %swap3A_60 = vector.load %arg10[%swap3A_58, %swap3A_59] : memref<1000x128xf32, #tpu.memory_space<vmem>>, vector<1000x128xf32>
    tpu.vector_store %arg10[%swap3A_58, %swap3A_59], %slice3A_57 {strides = array<i32>} : memref<1000x128xf32, #tpu.memory_space<vmem>>, vector<1000x128xf32>,
    %slice3A_61 = vector.extract_strided_slice %dot_general3A_56 {offsets = [0, 128], sizes = [1000, 128], strides = [1, 1]} : vector<1000x256xf32> to vector<1000x128xf32>
    %swap3A_62 = arith.constant 0 : index
    %swap3A_63 = arith.constant 0 : index
    %swap3A_64 = vector.load %arg11[%swap3A_62, %swap3A_63] : memref<1000x128xf32, #tpu.memory_space<vmem>>, vector<1000x128xf32>
    tpu.vector_store %arg11[%swap3A_62, %swap3A_63], %slice3A_61 {strides = array<i32>} : memref<1000x128xf32, #tpu.memory_space<vmem>>, vector<1000x128xf32>,
    return
  }
  func.func @transform_0(%arg0: i32) -> (i32, i32) {
    %c0_i32 = arith.constant 0 : i32
    %c0_i32_0 = arith.constant 0 : i32
    return %arg0, %c0_i32 : i32, i32
  }
  func.func @transform_1(%arg0: i32) -> (i32, i32) {
    %add3A = arith.constant 10 : i32
    %add3A_0 = arith.addi %add3A, %arg0 : i32
    %c0_i32 = arith.constant 0 : i32
    %c0_i32_1 = arith.constant 0 : i32
    return %add3A_0, %c0_i32 : i32, i32
  }
  func.func @transform_2(%arg0: i32) -> (i32, i32) {
    %c0_i32 = arith.constant 0 : i32
    %c0_i32_0 = arith.constant 0 : i32
    return %arg0, %c0_i32 : i32, i32
  }
  func.func @transform_3(%arg0: i32) -> (i32, i32) {
    %c0_i32 = arith.constant 0 : i32
    %c0_i32_0 = arith.constant 0 : i32
    %c0_i32_1 = arith.constant 0 : i32
    return %c0_i32, %c0_i32_0 : i32, i32
  }
  func.func @transform_4(%arg0: i32) -> (i32, i32) {
    %c0_i32 = arith.constant 0 : i32
    %c0_i32_0 = arith.constant 0 : i32
    %c0_i32_1 = arith.constant 0 : i32
    return %c0_i32, %c0_i32_0 : i32, i32
  }
  func.func @transform_5(%arg0: i32) -> (i32, i32) {
    %c0_i32 = arith.constant 0 : i32
    %c0_i32_0 = arith.constant 0 : i32
    %c0_i32_1 = arith.constant 0 : i32
    return %c0_i32, %c0_i32_0 : i32, i32
  }
  func.func @transform_6(%arg0: i32) -> (i32, i32) {
    %c0_i32 = arith.constant 0 : i32
    %c0_i32_0 = arith.constant 0 : i32
    %c0_i32_1 = arith.constant 0 : i32
    return %c0_i32, %c0_i32_0 : i32, i32
  }
  func.func @transform_7(%arg0: i32) -> (i32, i32) {
    %c0_i32 = arith.constant 0 : i32
    %c0_i32_0 = arith.constant 0 : i32
    %c0_i32_1 = arith.constant 0 : i32
    return %c0_i32, %c0_i32_0 : i32, i32
  }
  func.func @transform_8(%arg0: i32) -> (i32, i32) {
    %c0_i32 = arith.constant 0 : i32
    %c0_i32_0 = arith.constant 0 : i32
    return %arg0, %c0_i32 : i32, i32
  }
  func.func @transform_9(%arg0: i32) -> (i32, i32) {
    %c0_i32 = arith.constant 0 : i32
    %c0_i32_0 = arith.constant 0 : i32
    return %arg0, %c0_i32 : i32, i32
  }
  func.func @transform_10(%arg0: i32) -> (i32, i32) {
    %c0_i32 = arith.constant 0 : i32
    %c0_i32_0 = arith.constant 0 : i32
    return %arg0, %c0_i32 : i32, i32
  }
}

module attributes {stable_mosaic.version = 14 : i64} {
  func.func @_gru_last_body(%arg0: i32, %arg1: memref<1000x128xf32, #tpu.memory_space<vmem>>, %arg2: memref<1000x128xf32, #tpu.memory_space<vmem>>, %arg3: memref<1000x256xf32, #tpu.memory_space<vmem>>, %arg4: memref<768x256xf32, #tpu.memory_space<vmem>>, %arg5: memref<768x256xf32, #tpu.memory_space<vmem>>, %arg6: memref<1x768xf32, #tpu.memory_space<vmem>>, %arg7: memref<1x768xf32, #tpu.memory_space<vmem>>, %arg8: memref<1000x256xf32, #tpu.memory_space<vmem>>) attributes {dimension_semantics = [#tpu.dimension_semantics<arbitrary>], iteration_bounds = array<i64: 10>, scalar_prefetch = 0 : i64, scratch_operands = 0 : i64, tpu.core_type = #tpu.core_type<tc>, window_params = [{transform_indices = @transform_0, window_bounds = array<i64: 1000, 128>}, {transform_indices = @transform_1, window_bounds = array<i64: 1000, 128>}, {transform_indices = @transform_2, window_bounds = array<i64: 1000, 256>}, {pipeline_mode = #tpu.pipeline_mode<synchronous>, transform_indices = @transform_3, window_bounds = array<i64: 768, 256>}, {pipeline_mode = #tpu.pipeline_mode<synchronous>, transform_indices = @transform_4, window_bounds = array<i64: 768, 256>}, {pipeline_mode = #tpu.pipeline_mode<synchronous>, transform_indices = @transform_5, window_bounds = array<i64: 1, 768>}, {pipeline_mode = #tpu.pipeline_mode<synchronous>, transform_indices = @transform_6, window_bounds = array<i64: 1, 768>}, {transform_indices = @transform_7, window_bounds = array<i64: 1000, 256>}]} {
    %get3A = arith.constant 0 : index
    %get3A_0 = arith.constant 0 : index
    %get3A_1 = vector.load %arg1[%get3A, %get3A_0] : memref<1000x128xf32, #tpu.memory_space<vmem>>, vector<1000x128xf32>
    %get3A_2 = arith.constant 0 : index
    %get3A_3 = arith.constant 0 : index
    %get3A_4 = vector.load %arg2[%get3A_2, %get3A_3] : memref<1000x128xf32, #tpu.memory_space<vmem>>, vector<1000x128xf32>
    %concatenate3A = tpu.concatenate %get3A_1, %get3A_4 in 1 : vector<1000x128xf32>, vector<1000x128xf32> -> vector<1000x256xf32>
    %get3A_5 = arith.constant 0 : index
    %get3A_6 = arith.constant 0 : index
    %get3A_7 = vector.load %arg3[%get3A_5, %get3A_6] : memref<1000x256xf32, #tpu.memory_space<vmem>>, vector<1000x256xf32>
    %get3A_8 = arith.constant 0 : index
    %get3A_9 = arith.constant 0 : index
    %get3A_10 = vector.load %arg4[%get3A_8, %get3A_9] : memref<768x256xf32, #tpu.memory_space<vmem>>, vector<768x256xf32>
    %dot_general3A = arith.constant dense<0.000000e+00> : vector<1000x768xf32>
    %dot_general3A_11 = tpu.matmul %concatenate3A, %get3A_10, %dot_general3A {dimension_numbers = #tpu.dot_dimension_numbers<[1], [1], [0], [0], [0, 0, 1, 0], [], []>, transpose_lhs_hint = false} : vector<1000x256xf32>, vector<768x256xf32>, vector<1000x768xf32> -> vector<1000x768xf32>
    %get3A_12 = arith.constant 0 : index
    %get3A_13 = arith.constant 0 : index
    %get3A_14 = vector.load %arg6[%get3A_12, %get3A_13] : memref<1x768xf32, #tpu.memory_space<vmem>>, vector<1x768xf32>
    %add3A = vector.broadcast %get3A_14 : vector<1x768xf32> to vector<1000x768xf32>
    %add3A_15 = arith.addf %dot_general3A_11, %add3A : vector<1000x768xf32>
    %get3A_16 = arith.constant 0 : index
    %get3A_17 = arith.constant 0 : index
    %get3A_18 = vector.load %arg5[%get3A_16, %get3A_17] : memref<768x256xf32, #tpu.memory_space<vmem>>, vector<768x256xf32>
    %dot_general3A_19 = arith.constant dense<0.000000e+00> : vector<1000x768xf32>
    %dot_general3A_20 = tpu.matmul %get3A_7, %get3A_18, %dot_general3A_19 {dimension_numbers = #tpu.dot_dimension_numbers<[1], [1], [0], [0], [0, 0, 1, 0], [], []>, transpose_lhs_hint = false} : vector<1000x256xf32>, vector<768x256xf32>, vector<1000x768xf32> -> vector<1000x768xf32>
    %get3A_21 = arith.constant 0 : index
    %get3A_22 = arith.constant 0 : index
    %get3A_23 = vector.load %arg7[%get3A_21, %get3A_22] : memref<1x768xf32, #tpu.memory_space<vmem>>, vector<1x768xf32>
    %add3A_24 = vector.broadcast %get3A_23 : vector<1x768xf32> to vector<1000x768xf32>
    %add3A_25 = arith.addf %dot_general3A_20, %add3A_24 : vector<1000x768xf32>
    %slice3A = vector.extract_strided_slice %add3A_15 {offsets = [0, 0], sizes = [1000, 256], strides = [1, 1]} : vector<1000x768xf32> to vector<1000x256xf32>
    %slice3A_26 = vector.extract_strided_slice %add3A_25 {offsets = [0, 0], sizes = [1000, 256], strides = [1, 1]} : vector<1000x768xf32> to vector<1000x256xf32>
    %add3A_27 = arith.addf %slice3A, %slice3A_26 : vector<1000x256xf32>
    %logistic3A = arith.negf %add3A_27 : vector<1000x256xf32>
    %logistic3A_28 = math.exp %logistic3A : vector<1000x256xf32>
    %logistic3A_29 = arith.constant 1.000000e+00 : f32
    %logistic3A_30 = vector.broadcast %logistic3A_29 : f32 to vector<1000x256xf32>
    %logistic3A_31 = arith.addf %logistic3A_30, %logistic3A_28 : vector<1000x256xf32>
    %logistic3A_32 = arith.divf %logistic3A_30, %logistic3A_31 : vector<1000x256xf32>
    %slice3A_33 = vector.extract_strided_slice %add3A_15 {offsets = [0, 256], sizes = [1000, 256], strides = [1, 1]} : vector<1000x768xf32> to vector<1000x256xf32>
    %slice3A_34 = vector.extract_strided_slice %add3A_25 {offsets = [0, 256], sizes = [1000, 256], strides = [1, 1]} : vector<1000x768xf32> to vector<1000x256xf32>
    %add3A_35 = arith.addf %slice3A_33, %slice3A_34 : vector<1000x256xf32>
    %logistic3A_36 = arith.negf %add3A_35 : vector<1000x256xf32>
    %logistic3A_37 = math.exp %logistic3A_36 : vector<1000x256xf32>
    %logistic3A_38 = arith.constant 1.000000e+00 : f32
    %logistic3A_39 = vector.broadcast %logistic3A_38 : f32 to vector<1000x256xf32>
    %logistic3A_40 = arith.addf %logistic3A_39, %logistic3A_37 : vector<1000x256xf32>
    %logistic3A_41 = arith.divf %logistic3A_39, %logistic3A_40 : vector<1000x256xf32>
    %slice3A_42 = vector.extract_strided_slice %add3A_15 {offsets = [0, 512], sizes = [1000, 256], strides = [1, 1]} : vector<1000x768xf32> to vector<1000x256xf32>
    %slice3A_43 = vector.extract_strided_slice %add3A_25 {offsets = [0, 512], sizes = [1000, 256], strides = [1, 1]} : vector<1000x768xf32> to vector<1000x256xf32>
    %mul3A = arith.mulf %logistic3A_32, %slice3A_43 : vector<1000x256xf32>
    %add3A_44 = arith.addf %slice3A_42, %mul3A : vector<1000x256xf32>
    %tanh3A = math.tanh %add3A_44 : vector<1000x256xf32>
    %sub3A = arith.constant 1.000000e+00 : f32
    %sub3A_45 = vector.broadcast %sub3A : f32 to vector<1000x256xf32>
    %sub3A_46 = arith.subf %sub3A_45, %logistic3A_41 : vector<1000x256xf32>
    %mul3A_47 = arith.mulf %sub3A_46, %tanh3A : vector<1000x256xf32>
    %mul3A_48 = arith.mulf %logistic3A_41, %get3A_7 : vector<1000x256xf32>
    %add3A_49 = arith.addf %mul3A_47, %mul3A_48 : vector<1000x256xf32>
    %swap3A = arith.constant 0 : index
    %swap3A_50 = arith.constant 0 : index
    %swap3A_51 = vector.load %arg8[%swap3A, %swap3A_50] : memref<1000x256xf32, #tpu.memory_space<vmem>>, vector<1000x256xf32>
    tpu.vector_store %arg8[%swap3A, %swap3A_50], %add3A_49 {strides = array<i32>} : memref<1000x256xf32, #tpu.memory_space<vmem>>, vector<1000x256xf32>,
    return
  }
  func.func @transform_0(%arg0: i32) -> (i32, i32) {
    %c0_i32 = arith.constant 0 : i32
    %c0_i32_0 = arith.constant 0 : i32
    return %arg0, %c0_i32 : i32, i32
  }
  func.func @transform_1(%arg0: i32) -> (i32, i32) {
    %add3A = arith.constant 10 : i32
    %add3A_0 = arith.addi %add3A, %arg0 : i32
    %c0_i32 = arith.constant 0 : i32
    %c0_i32_1 = arith.constant 0 : i32
    return %add3A_0, %c0_i32 : i32, i32
  }
  func.func @transform_2(%arg0: i32) -> (i32, i32) {
    %c0_i32 = arith.constant 0 : i32
    %c0_i32_0 = arith.constant 0 : i32
    return %arg0, %c0_i32 : i32, i32
  }
  func.func @transform_3(%arg0: i32) -> (i32, i32) {
    %c0_i32 = arith.constant 0 : i32
    %c0_i32_0 = arith.constant 0 : i32
    %c0_i32_1 = arith.constant 0 : i32
    return %c0_i32, %c0_i32_0 : i32, i32
  }
  func.func @transform_4(%arg0: i32) -> (i32, i32) {
    %c0_i32 = arith.constant 0 : i32
    %c0_i32_0 = arith.constant 0 : i32
    %c0_i32_1 = arith.constant 0 : i32
    return %c0_i32, %c0_i32_0 : i32, i32
  }
  func.func @transform_5(%arg0: i32) -> (i32, i32) {
    %c0_i32 = arith.constant 0 : i32
    %c0_i32_0 = arith.constant 0 : i32
    %c0_i32_1 = arith.constant 0 : i32
    return %c0_i32, %c0_i32_0 : i32, i32
  }
  func.func @transform_6(%arg0: i32) -> (i32, i32) {
    %c0_i32 = arith.constant 0 : i32
    %c0_i32_0 = arith.constant 0 : i32
    %c0_i32_1 = arith.constant 0 : i32
    return %c0_i32, %c0_i32_0 : i32, i32
  }
  func.func @transform_7(%arg0: i32) -> (i32, i32) {
    %c0_i32 = arith.constant 0 : i32
    %c0_i32_0 = arith.constant 0 : i32
    return %arg0, %c0_i32 : i32, i32
  }
}

module attributes {stable_mosaic.version = 14 : i64} {
  func.func @_pool_body(%arg0: memref<10000x256xf32, #tpu.memory_space<vmem>>, %arg1: memref<10000x1xi32, #tpu.memory_space<vmem>>, %arg2: memref<256x2xf32, #tpu.memory_space<vmem>>, %arg3: memref<1x2xf32, #tpu.memory_space<vmem>>, %arg4: memref<64x2xf32, #tpu.memory_space<vmem>>) attributes {dimension_semantics = [], scalar_prefetch = 0 : i64, scratch_operands = 0 : i64, tpu.core_type = #tpu.core_type<tc>} {
    %get3A = arith.constant 0 : index
    %get3A_0 = arith.constant 0 : index
    %get3A_1 = vector.load %arg0[%get3A, %get3A_0] : memref<10000x256xf32, #tpu.memory_space<vmem>>, vector<10000x256xf32>
    %get3A_2 = arith.constant 0 : index
    %get3A_3 = arith.constant 0 : index
    %get3A_4 = vector.load %arg1[%get3A_2, %get3A_3] : memref<10000x1xi32, #tpu.memory_space<vmem>>, vector<10000x1xi32>
    %iota3A = tpu.iota {dimensions = array<i32: 1>} : vector<1x64xi32>
    %eq3A = vector.broadcast %get3A_4 : vector<10000x1xi32> to vector<10000x64xi32>
    %eq3A_5 = vector.broadcast %iota3A : vector<1x64xi32> to vector<10000x64xi32>
    %eq3A_6 = arith.cmpi eq, %eq3A, %eq3A_5 : vector<10000x64xi32>
    %convert_element_type3A = arith.extui %eq3A_6 : vector<10000x64xi1> to vector<10000x64xi32>
    %convert_element_type3A_7 = arith.sitofp %convert_element_type3A : vector<10000x64xi32> to vector<10000x64xf32>
    %dot_general3A = arith.constant dense<0.000000e+00> : vector<64x256xf32>
    %dot_general3A_8 = tpu.matmul %convert_element_type3A_7, %get3A_1, %dot_general3A {dimension_numbers = #tpu.dot_dimension_numbers<[0], [0], [1], [1], [0, 1, 1, 1], [], []>, transpose_lhs_hint = false} : vector<10000x64xf32>, vector<10000x256xf32>, vector<64x256xf32> -> vector<64x256xf32>
    %reduce_sum3A = arith.constant dense<0.000000e+00> : vector<64xf32>
    %reduce_sum3A_9 = vector.multi_reduction <add>, %convert_element_type3A_7, %reduce_sum3A [0] : vector<10000x64xf32> to vector<64xf32>
    %broadcast_in_dim3A = vector.shape_cast %reduce_sum3A_9 : vector<64xf32> to vector<64x1xf32>
    %max3A = arith.constant 1.000000e+00 : f32
    %max3A_10 = vector.broadcast %max3A : f32 to vector<64x1xf32>
    %max3A_11 = arith.maximumf %broadcast_in_dim3A, %max3A_10 : vector<64x1xf32>
    %div3A = vector.broadcast %max3A_11 : vector<64x1xf32> to vector<64x256xf32>
    %div3A_12 = arith.divf %dot_general3A_8, %div3A : vector<64x256xf32>
    %get3A_13 = arith.constant 0 : index
    %get3A_14 = arith.constant 0 : index
    %get3A_15 = vector.load %arg2[%get3A_13, %get3A_14] : memref<256x2xf32, #tpu.memory_space<vmem>>, vector<256x2xf32>
    %dot_general3A_16 = arith.constant dense<0.000000e+00> : vector<64x2xf32>
    %dot_general3A_17 = tpu.matmul %div3A_12, %get3A_15, %dot_general3A_16 {dimension_numbers = #tpu.dot_dimension_numbers<[1], [0], [0], [1], [0, 0, 1, 1], [], []>, transpose_lhs_hint = false} : vector<64x256xf32>, vector<256x2xf32>, vector<64x2xf32> -> vector<64x2xf32>
    %get3A_18 = arith.constant 0 : index
    %get3A_19 = arith.constant 0 : index
    %get3A_20 = vector.load %arg3[%get3A_18, %get3A_19] : memref<1x2xf32, #tpu.memory_space<vmem>>, vector<1x2xf32>
    %add3A = vector.broadcast %get3A_20 : vector<1x2xf32> to vector<64x2xf32>
    %add3A_21 = arith.addf %dot_general3A_17, %add3A : vector<64x2xf32>
    %swap3A = arith.constant 0 : index
    %swap3A_22 = arith.constant 0 : index
    %swap3A_23 = vector.load %arg4[%swap3A, %swap3A_22] : memref<64x2xf32, #tpu.memory_space<vmem>>, vector<64x2xf32>
    tpu.vector_store %arg4[%swap3A, %swap3A_22], %add3A_21 {strides = array<i32>} : memref<64x2xf32, #tpu.memory_space<vmem>>, vector<64x2xf32>,
    return
  }
}

</mosaic_0001>

<sc_bundles>
// kernel: kernel.10.cloned.1.call-start
scs
__scs_entry_jumppad:
0x0: {  	(pc) =	sbr.rel $0x88, $3  }
0x1: {  	(tag) =	ssettag $0x0;
	lr =	simm.s32 $0x1  }
0x2: {  	[smem:$0x3F93] =	sst lr;
	_ =	strace $0xD0000000  }
0x3: {  	_ = 	snop  }
0x4: {  	_ = 	snop  }
0x5: {  	_ = 	snop  }
0x6: {  	_ = 	snop  }
0x7: {  	_ = 	snop  }
__scs_overlays_trampoline_lowered:
0x8: {  	[smem:$0x3FA2] =	sst s0  }
0x9: {  	[smem:$0x3FA3] =	sst s1  }
0xa: {  	[smem:$0x3FA4] =	sst s2  }
0xb: {  	[smem:$0x3FA5] =	sst s3  }
0xc: {  	[smem:$0x3FA6] =	sst s4  }
0xd: {  	[smem:$0x3FA7] =	sst s5  }
0xe: {  	[smem:$0x3FA8] =	sst s6  }
0xf: {  	[smem:$0x3FA9] =	sst s7  }
0x10: {  	[smem:$0x3FAA] =	sst s8  }
0x11: {  	[smem:$0x3FAB] =	sst s9;
	s0 =	simm.s32 @!p0 $0x0  }
0x12: {  	s1 =	sld [smem:$0x3F91];
	s0 =	simm.s32 @p0 $0x1  }
0x13: {  	[smem:$0x3FAC] =	sst s0;
	s0 =	simm.s32 @!p1 $0x0  }
0x14: {  	s2 =	sld [smem:$0x3F90];
	s0 =	simm.s32 @p1 $0x1  }
0x15: {  	[smem:$0x3FAD] =	sst s0;
	s0 =	simm.s32 @!p2 $0x0  }
0x16: {  	s3 =	sld [smem:$0x3FDB];
	s0 =	simm.s32 @p2 $0x1  }
0x17: {  	s4 =	simm.s32 $0x1BF5;
	[smem:$0x3FAF] =	sst s0  }
0x18: {  	s0 =	sld [smem:$0x3F92];
	_ =	swait.ge [sflag:s4], $0x0  }
0x19: {  	s7 =	sld [smem:$0x3F93]  }
0x1a: {  	s8 =	sadd.s32 $0xFFFFE003, lr  }
0x1b: {  	s9 =	sadd.s32 $0xFFFFFEF7, lr;
	s5 =	simm.s32 $0xFFFFFFFF;
	p2 =	slt.u32 s8, $0xFFFFF086  }
0x1c: {  	p1 =	slt.u32 s9, $0xF7A;
	s5 =	simm.s32 @!p2 $0x0  }
0x1d: {  	s5 =	simm.s32 @p1 $0x1;
	p0 =	seq.s32 s7, s2  }
0x1e: {  	s7 =	smul.u32 @!p0 $0xF7A, s2;
	p2 =	seq.s32 @!p0 s5, $0x0  }
0x1f: {  	s9 =	smul.u32 $0xF7A, s1;
	s8 =	simm.s32 @!p0 $0x1BF5;
	p2 =	por !p2, p0  }
0x20: {  	[sflag:s8] =	ssyncset.s32 @!p0 $0xFFFFF086;
	s6 =	sadd.s32 @!p0 s3, s7;
	s7 =	simm.s32 @!p0 $0x108  }
0x21: {  	s3 =	sadd.s32 s3, s9;
	s6 =	sadd.s32 @!p0 $0x88, s6;
	s7 =	simm.s32 @p2 $0x1082  }
0x22: {  	[simem:s7], [sflag:s8] =	dma.local @!p0 [hbm:s6], $0xF7A  }
0x23: {  	s9 =	sor.u32 $0xD0000000, s2;
	s6 =	simm.s32 $0x108;
	_ =	swait.ge @!p0 [sflag:s8], $0x0  }
0x24: {  	s3 =	sadd.s32 $0x88, s3;
	s6 =	simm.s32 @!p1 $0x1082;
	[sflag:s4] =	ssyncset.s32 $0xFFFFF086  }
0x25: {  	[simem:s6], [sflag:s4] =	dma.local [hbm:s3], $0xF7A  }
0x26: {  	[smem:$0x3F93] =	sst s1;
	(tag) =	ssettag s2;
	_ =	strace s9  }
0x27: {  	s1 =	sld [smem:$0x3FA3]  }
0x28: {  	s2 =	sld [smem:$0x3FA4]  }
0x29: {  	s4 =	sld [smem:$0x3FA6]  }
0x2a: {  	p0 =	seq.s32 s5, $0x0;
	s5 =	sld [smem:$0x3FA7]  }
0x2b: {  	s6 =	sld [smem:$0x3FA8]  }
0x2c: {  	s7 =	sld [smem:$0x3FA9]  }
0x2d: {  	s3 =	simm.s32 $0x108;
	s8 =	sld [smem:$0x3FAA]  }
0x2e: {  	s3 =	simm.s32 @!p0 $0x1082;
	s9 =	sld [smem:$0x3FAB]  }
0x2f: {  	lr =	sadd.s32 s0, s3;
	s0 =	sld [smem:$0x3FA2]  }
0x30: {  	s3 =	sld [smem:$0x3FA5]  }
0x31: {  	[smem:$0x3FAE] =	sst s10  }
0x32: {  	s10 =	sld [smem:$0x3FAC];
	_ =	sdelay $0x3  }
0x33: {  	p0 =	seq.s32 s10, $0x1;
	s10 =	sld [smem:$0x3FAE];
	_ =	sdelay $0x3  }
0x34: {  	[smem:$0x3FAE] =	sst s10  }
0x35: {  	s10 =	sld [smem:$0x3FAD];
	_ =	sdelay $0x3  }
0x36: {  	p1 =	seq.s32 s10, $0x1;
	s10 =	sld [smem:$0x3FAE];
	_ =	sdelay $0x3  }
0x37: {  	[smem:$0x3FAE] =	sst s10  }
0x38: {  	s10 =	sld [smem:$0x3FAF]  }
0x39: {  	_ = 	snop;
	(pc) =	sbr.ind lr, $3  }
0x3a: {  	_ = 	snop  }
0x3b: {  	_ = 	snop  }
0x3c: {  	p2 =	seq.s32 s10, $0x1;
	s10 =	sld [smem:$0x3FAE]  }
0x3d: {  	_ =	shalt  }
0x3e: {  	_ =	shalt  }
0x3f: {  	_ =	shalt  }
0x40: {  	_ =	shalt  }
0x41: {  	_ =	shalt  }
0x42: {  	_ =	shalt  }
0x43: {  	_ =	shalt  }
0x44: {  	_ =	shalt  }
0x45: {  	_ =	shalt  }
0x46: {  	_ =	shalt  }
0x47: {  	_ =	shalt  }
0x48: {  	_ =	shalt  }
0x49: {  	_ =	shalt  }
0x4a: {  	_ =	shalt  }
0x4b: {  	_ =	shalt  }
0x4c: {  	_ =	shalt  }
0x4d: {  	_ =	shalt  }
0x4e: {  	_ =	shalt  }
0x4f: {  	_ =	shalt  }
0x50: {  	_ =	shalt  }
0x51: {  	_ =	shalt  }
0x52: {  	_ =	shalt  }
0x53: {  	_ =	shalt  }
0x54: {  	_ =	shalt  }
0x55: {  	_ =	shalt  }
0x56: {  	_ =	shalt  }
0x57: {  	_ =	shalt  }
0x58: {  	_ =	shalt  }
0x59: {  	_ =	shalt  }
0x5a: {  	_ =	shalt  }
0x5b: {  	_ =	shalt  }
0x5c: {  	_ =	shalt  }
0x5d: {  	_ =	shalt  }
0x5e: {  	_ =	shalt  }
0x5f: {  	_ =	shalt  }
0x60: {  	_ =	shalt  }
0x61: {  	_ =	shalt  }
0x62: {  	_ =	shalt  }
0x63: {  	_ =	shalt  }
0x64: {  	_ =	shalt  }
0x65: {  	_ =	shalt  }
0x66: {  	_ =	shalt  }
0x67: {  	_ =	shalt  }
0x68: {  	_ =	shalt  }
0x69: {  	_ =	shalt  }
0x6a: {  	_ =	shalt  }
0x6b: {  	_ =	shalt  }
0x6c: {  	_ =	shalt  }
0x6d: {  	_ =	shalt  }
0x6e: {  	_ =	shalt  }
0x6f: {  	_ =	shalt  }
0x70: {  	_ =	shalt  }
0x71: {  	_ =	shalt  }
0x72: {  	_ =	shalt  }
0x73: {  	_ =	shalt  }
0x74: {  	_ =	shalt  }
0x75: {  	_ =	shalt  }
0x76: {  	_ =	shalt  }
0x77: {  	_ =	shalt  }
0x78: {  	_ =	shalt  }
0x79: {  	_ =	shalt  }
0x7a: {  	_ =	shalt  }
0x7b: {  	_ =	shalt  }
0x7c: {  	_ =	shalt  }
0x7d: {  	_ =	shalt  }
0x7e: {  	_ =	shalt  }
0x7f: {  	_ =	shalt  }
0x80: {  	_ =	shalt  }
0x81: {  	_ =	shalt  }
0x82: {  	_ =	shalt  }
0x83: {  	_ =	shalt  }
0x84: {  	_ =	shalt  }
0x85: {  	_ =	shalt  }
0x86: {  	_ =	shalt  }
0x87: {  	_ =	shalt  }
.Lfunc_end0:
.L_simem_size_0:
called_computation_lowered:
.L_overlay_start_0:
0x88: {  	s2 =	sld [smem:$0x3FD9]  }
0x89: {  	s3 =	sld [smem:$0x3FFE];
	_ =	sdelay $0x1  }
0x8a: {  	s1 =	srdreg.scid  }
0x8b: {  	s0 =	sand.u32 $0x1, s1  }
0x8c: {  	s16 =	sshll.u32 s0, $0xA;
	s2 =	sadd.s32 s3, s2  }
0x8d: {  	s2 =	sadd.s32 s2, s16  }
0x8e: {  	[smem:$0x3FBA] =	sst s2  }
0x8f: {  	_ = 	snop  }
0x90: {  	(tm) =	ssettm $0x1  }
0x91: {  	s17 =	sld [smem:$0x3FFB];
	_ =	sdelay $0x3  }
0x92: {  	_ =	strace s17  }
0x93: {  	s2 =	sld [smem:$0x3FFC];
	_ =	sdelay $0x3  }
0x94: {  	_ =	strace s2  }
0x95: {  	s2 =	sld [smem:$0x3FFD];
	_ =	sdelay $0x3  }
0x96: {  	_ =	strace s2  }
0x97: {  	_ =	strace $0x8FFFFFFF  }
0x98: {  	s18 =	sld [smem:$0x3FDB];
	_ =	sdelay $0x1  }
0x99: {  	s19 =	simm.s32 $_scs_section_size  }
0x9a: {  	s4 =	simm.s32 $_size__tile_overlayer_lowered;
	s5 =	simm.s32 $_tile_overlayer_lowered  }
0x9b: {  	s22 =	simm.s32 $0x1BFF;
	s21 =	sshll.u32 s5, $0x1;
	s2 =	sadd.s32 s19, s18  }
0x9c: {  	s6 =	simm.s32 $0x0;
	s20 =	sshll.u32 s4, $0x1;
	s4 =	sadd.s32 s21, s2  }
0x9d: {  	[timem:s6], [sflag:s22] =	dma.local [hbm:s4], s20  }
0x9e: {  	_ =	swait.ge [sflag:s22], s20  }
0x9f: {  	s3 =	ssub.s32 $0x0, s20;
	[sflag:s22] =	ssyncset.done $0x0  }
0xa0: {  	[sflag:s22] =	ssyncadd.s32 s3;
	_ =	sdelay $0x1  }
0xa1: {  	s23 =	simm.s32 $0x1B8B  }
0xa2: {  	_ =	swait.ge [sflag:s23], $0x1  }
0xa3: {  	[sflag:s23] =	ssyncset.done $0x0  }
0xa4: {  	s25 =	simm.s32 $0x1B8E;
	s24 =	sld [smem:$0x3FFE];
	[sflag:s23] =	ssyncadd.s32 $0xFFFFFFFF  }
0xa5: {  	s26 =	simm.s32 $execute0_lowered;
	[smem:$0x3FD2] =	sst s25  }
0xa6: {  	s4 =	sshll.u32 s26, $0x1;
	_ =	strace $0x80000046;
	[dreg:$0x1] =	wrdreg $0xFFFFFFFF  }
0xa7: {  	s28 =	simm.s32 $_size_execute0_lowered;
	s2 =	sadd.s32 s2, s4;
	[dreg:$0x0] =	wrdreg $0x0  }
0xa8: {  	s4 =	sshll.u32 s28, $0x1;
	[dreg:$0x2] =	wrdreg s2  }
0xa9: {  	[dreg:$0x3] =	wrdreg s4  }
0xaa: {  	[dreg:$0x4] =	wrdreg $0xC0  }
0xab: {  	_ =	task [dreg:s6], $0x5FFFF  }
0xac: {  	[dreg:$0x1] =	wrdreg $0xFFFFFFFF  }
0xad: {  	[dreg:$0x0] =	wrdreg $0x60  }
0xae: {  	[dreg:$0x2] =	wrdreg s24  }
0xaf: {  	[dreg:$0x3] =	wrdreg $0x84000  }
0xb0: {  	[dreg:$0x4] =	wrdreg $0x9  }
0xb1: {  	_ =	task.clear_ibuf [dreg:s6], $0x5FFFF;
	_ =	strace $0x90000046  }
0xb2: {  	s29 =	simm.s32 $0x9;
	_ =	strace $0x80000048  }
0xb3: {  	_ =	swait.ge [sflag:s29], $0x1  }
0xb4: {  	[sflag:s29] =	ssyncadd.s32 $0xFFFFFFFF  }
0xb5: {  	_ =	strace $0x90000048  }
0xb6: {  	_ =	sfence  }
0xb7: {  	s30 =	sld [smem:$0x0];
	_ =	sdelay $0x2  }
0xb8: {  	s31 =	sshll.u32 s1, $0xD;
	s1 =	sshrl.u32 s1, $0x2  }
0xb9: {  	s3 =	sand.u32 $0x4000, s31;
	s1 =	sadd.s32 s1, s30  }
0xba: {  	s0 =	sor.u32 s3, s0;
	s1 =	sshll.u32 s1, $0x11  }
0xbb: {  	s0 =	sor.u32 s1, s0  }
0xbc: {  	s0 =	sadd.s32 $0x8F2B, s0  }
0xbd: {  	[sflag:s0] =	ssyncadd.remote.s32 $0x1  }
0xbe: {  	_ =	sfence.sel $0xFFFF  }
0xbf: {  	[dreg:$0x0] =	wrdreg $0xFFFFFFFF;
	(pc) =	sbr.abs _section_cstart, $3  }
0xc0: {  	[dreg:$0x1] =	wrdreg $0xFFFFFFFF  }
0xc1: {  	_ =	task.clear_ibuf [dreg:s6], $0x2FFFF;
	_ =	strace $0x9FFFFFFF  }
0xc2: {  	(tm) =	ssettm $0x7FFFFFFF  }
0xc3: {  	_ =	shalt  }
tec
execute0_lowered:
.L_overlay_start_1:
0x0: {  	(tag) =	ssettag $0x1  }
0x1: {  	s0 =	rddreg [dreg:$0x0]  }
0x2: {  	s1 =	rddreg [dreg:$0x1]  }
0x3: {  	s2 =	simm.s32 $0x0;
	s5 =	srdreg.scid;
	s24 =	stileid.u32  }
0x4: {  	s28 =	simm.s32 $0x1;
	s29 =	simm.s32 $0x2;
	s30 =	simm.s32 $0x280  }
0x5: {  	s31 =	simm.s32 $0x300;
	[smem:$0x7FF] =	sst s2;
	s4 =	sadd.s32 $0x5AC00, s0  }
0x6: {  	s3 =	sadd.s32 $0x7A00, s0;
	s7 =	sadd.s32 $0x2A00, s0;
	s6 =	smul.u32 $0x4E200, s24  }
0x7: {  	s5 =	sand.u32 $0x1, s5;
	s8 =	sadd.s32 $0xA8E00, s0;
	s10 =	smul.u32 $0x2710, s24  }
0x8: {  	s0 =	sadd.s32 $0xAB600, s0;
	s17 =	sshll.u32 s24, $0x6;
	s13 =	smul.u32 $0x4E000, s24  }
0x9: {  	s14 =	smul.u32 $0x270, s24;
	p0 =	sne.s32 s24, $0xF;
	_ =	strace $0x80000047  }
0xa: {  	[dreg:$0x3] =	wrdreg s8;
	s16 =	ssub.s32 $0x2, s5;
	s8 =	smul.u32 $0x2710, s5  }
0xb: {  	s5 =	smul.u32 $0x138800, s5;
	s9 =	sshrl.u32 s16, $0x1;
	s6 =	sshrl.u32 s6, $0x2  }
0xc: {  	s11 =	sshrl.u32 s10, $0x3;
	s13 =	sshrl.u32 s13, $0x2;
	s15 =	ssub.s32 s16, s9  }
0xd: {  	s18 =	sadd.s32 s6, s1;
	s6 =	sor.u32 $0x1C04, s17;
	s19 =	sadd.s32 s3, s11  }
0xe: {  	s10 =	sadd.s32 $0x10, s11;
	s20 =	sadd.s32 s7, s11;
	s12 =	sadd.s32 $0x4E0, s11  }
0xf: {  	s26 =	sadd.s32 s14, s8;
	s5 =	sshrl.u32 s5, $0x3;
	[dreg:$0x4] =	wrdreg s19  }
0x10: {  	s17 =	smul.u32 $0x4E2, s24;
	[dreg:$0x5] =	wrdreg s20;
	s21 =	sadd.s32 s3, s10  }
0x11: {  	s22 =	sadd.s32 s7, s10;
	s23 =	sadd.s32 s3, s12;
	[dreg:$0x6] =	wrdreg s21  }
0x12: {  	s25 =	sadd.s32 s7, s12;
	s5 =	sadd.s32 s0, s5;
	[dreg:$0x7] =	wrdreg s22  }
0x13: {  	s15 =	smax.u32 s15, $0x1;
	s18 =	sshrl.u32 s18, $0x3;
	[dreg:$0x8] =	wrdreg s23  }
0x14: {  	s19 =	simm.s32 $0x4;
	s20 =	simm.s32 $0x80;
	[dreg:$0x9] =	wrdreg s25  }
0x15: {  	s23 =	sadd.s32 s13, s1;
	s13 =	sshll.u32 s26, $0x4;
	s14 =	sadd.s32 $0x27000, s5  }
.Ltmp0:
0x16: {  	s16 =	sadd.s32 s17, s7;
	s17 =	sadd.s32 s17, s3;
	(pc) =	sbr.rel .LBB2_1-.Ltmp0, $4  }
0x17: {  	s21 =	simm.s32 $0x400;
	s22 =	simm.s32 $0x100;
	s25 =	simm.s32 $0x180  }
0x18: {  	s26 =	simm.s32 $0x4400;
	s3 =	simm.s32 $0x10;
	s5 =	simm.s32 $0x3  }
0x19: {  	s7 =	simm.s32 $0x0;
	s13 =	sadd.s32 s0, s13;
	s0 =	sadd.s32 $0x138000, s1  }
0x1a: {  	v0 =	vmov s8;
	s23 =	sshrl.u32 s23, $0x3;
	s24 =	sshrl.u32 @!p0 s0, $0x3;
	s0 =	simm.s32 $0x380  }
.LBB2_4:
0x1b: {  	[spmem:s1] =	stream.indirect.scatter.add.f32 [tilespmem:s26], [sflag:$0x4], $0x80, s30, s20, $0xb8;
	[tilespmem:$0x1BC80] =	vst v63  }
0x1c: {  	_ =	swait.ge [sflag:s19], $0x4000  }
0x1d: {  	[sflag:s19] =	ssyncset.done $0x0  }
0x1e: {  	s8 =	rddreg [dreg:$0x8];
	[sflag:s19] =	ssyncadd.s32 $0xFFFFC000  }
0x1f: {  	[tilespmem:s31], [sflag:$0x4] =	stream.linear.gather [hbm4b:s8+s2], $0x10, $0x38;
	[tilespmem:$0x1BC80] =	vst v63  }
0x20: {  	_ =	swait.ge [sflag:s19], $0x10  }
0x21: {  	[sflag:s19] =	ssyncset.done $0x0  }
0x22: {  	s12 =	rddreg [dreg:$0x9];
	[sflag:s19] =	ssyncadd.s32 $0xFFFFFFF0  }
0x23: {  	[tilespmem:s0], [sflag:$0x4] =	stream.linear.gather [hbm4b:s12+s2], $0x10, $0x38;
	[tilespmem:$0x1BC80] =	vst v63  }
0x24: {  	_ =	swait.ge [sflag:s19], $0x10  }
0x25: {  	[sflag:s19] =	ssyncset.done $0x0  }
0x26: {  	[sflag:s19] =	ssyncadd.s32 $0xFFFFFFF0  }
0x27: {  	v1 =	vld [tilespmem:$0x300];
	_ =	sdelay $0x4  }
0x28: {  	v1 =	vadd.s32 v0, v1  }
0x29: {  	[tilespmem:$0x300] =	vst v1  }
0x2a: {  	[tilespmem:s21], [sflag:$0x1] =	stream.indirect.gather [hbm4b:s4+s3], $0x80, s31, s3, $0xb8;
	[tilespmem:$0x1BC80] =	vst v63  }
0x2b: {  	_ =	swait.ge [sflag:s28], $0x800  }
0x2c: {  	[sflag:s28] =	ssyncset.done $0x0  }
0x2d: {  	[sflag:s28] =	ssyncadd.s32 $0xFFFFF800  }
0x2e: {  	[spmem:s1] =	stream.indirect.scatter.add.f32 [tilespmem:s21], [sflag:$0x4], $0x80, s0, s3, $0xb8;
	[tilespmem:$0x1BC80] =	vst v63  }
0x2f: {  	_ =	swait.ge [sflag:s19], $0x800  }
0x30: {  	[sflag:s19] =	ssyncset.done $0x0  }
0x31: {  	[sflag:s19] =	ssyncadd.s32 $0xFFFFF800  }
0x32: {  	[bflag:$0x0] =	sbarrier.arrive $0xFFFF  }
0x33: {  	[hbm:s13], [sflag:s6] =	dma.local [spmem:s23], $0x2700  }
0x34: {  	s7 =	sadd.s32 $0x1, s7;
	_ =	swait.ge [sflag:s19], $0x2700  }
0x35: {  	p1 =	sne.s32 s7, s15;
	[sflag:s19] =	ssyncset.done $0x0  }
.Ltmp1:
0x36: {  	s8 =	simm.s32 @!p0 $0x4;
	[sflag:s19] =	ssyncadd.s32 $0xFFFFD900;
	(pc) =	sbr.rel @!p1 .LBB2_5-.Ltmp1, $4  }
0x37: {  	[hbm:s14], [sflag:s6] =	dma.local @!p0 [spmem:s24], $0x100  }
0x38: {  	_ =	swait.ge @!p0 [sflag:s8], $0x100  }
0x39: {  	[sflag:s8] =	ssyncset.done @!p0 $0x0  }
0x3a: {  	[sflag:s8] =	ssyncadd.s32 @!p0 $0xFFFFFF00  }
.LBB2_1:
0x3b: {  	s8 =	rddreg [dreg:$0x3]  }
0x3c: {  	[spmem:s18], [sflag:s6] =	dma.local [hbm:s8], $0x2710  }
0x3d: {  	_ =	swait.ge [sflag:s19], $0x2710  }
0x3e: {  	[sflag:s19] =	ssyncset.done $0x0  }
0x3f: {  	[sflag:s19] =	ssyncadd.s32 $0xFFFFD8F0  }
0x40: {  	[bflag:$0x0] =	sbarrier.arrive $0xFFFF  }
0x41: {  	s9 =	rddreg [dreg:$0x4]  }
0x42: {  	[tilespmem:s2], [sflag:$0x4] =	stream.linear.gather [hbm4b:s9+s2], $0x80, $0x38;
	[tilespmem:$0x1BC80] =	vst v63  }
0x43: {  	_ =	swait.ge [sflag:s19], $0x80  }
0x44: {  	[sflag:s19] =	ssyncset.done $0x0  }
0x45: {  	s10 =	rddreg [dreg:$0x5];
	[sflag:s19] =	ssyncadd.s32 $0xFFFFFF80  }
0x46: {  	[tilespmem:s20], [sflag:$0x4] =	stream.linear.gather [hbm4b:s10+s2], $0x80, $0x38;
	[tilespmem:$0x1BC80] =	vst v63  }
0x47: {  	_ =	swait.ge [sflag:s19], $0x80  }
0x48: {  	[sflag:s19] =	ssyncset.done $0x0  }
0x49: {  	[sflag:s19] =	ssyncadd.s32 $0xFFFFFF80  }
0x4a: {  	v1 =	vld [tilespmem:$0x0]  }
0x4b: {  	v2 =	vld [tilespmem:$0x10]  }
0x4c: {  	v3 =	vld [tilespmem:$0x20]  }
0x4d: {  	v4 =	vld [tilespmem:$0x30]  }
0x4e: {  	v5 =	vld [tilespmem:$0x40]  }
0x4f: {  	v6 =	vld [tilespmem:$0x50];
	v1 =	vadd.s32 v0, v1  }
0x50: {  	[tilespmem:$0x0] =	vst v1;
	v1 =	vadd.s32 v0, v2;
	v2 =	vld [tilespmem:$0x60]  }
0x51: {  	[tilespmem:$0x10] =	vst v1;
	v1 =	vadd.s32 v0, v3;
	v3 =	vld [tilespmem:$0x70]  }
0x52: {  	[tilespmem:$0x20] =	vst v1;
	v1 =	vadd.s32 v0, v4  }
0x53: {  	[tilespmem:$0x30] =	vst v1;
	v1 =	vadd.s32 v0, v5  }
0x54: {  	[tilespmem:$0x40] =	vst v1;
	v1 =	vadd.s32 v0, v6  }
0x55: {  	[tilespmem:$0x50] =	vst v1;
	v1 =	vadd.s32 v0, v2  }
0x56: {  	[tilespmem:$0x60] =	vst v1;
	v1 =	vadd.s32 v0, v3  }
0x57: {  	[tilespmem:$0x70] =	vst v1  }
0x58: {  	[tilespmem:s21], [sflag:$0x1] =	stream.indirect.gather [hbm4b:s4+s20], $0x80, s2, s20, $0xb8;
	[tilespmem:$0x1BC80] =	vst v63  }
0x59: {  	s11 =	rddreg [dreg:$0x6]  }
0x5a: {  	[tilespmem:s22], [sflag:$0x4] =	stream.linear.gather [hbm4b:s11+s2], $0x80, $0x38;
	[tilespmem:$0x1BC80] =	vst v63  }
0x5b: {  	_ =	swait.ge [sflag:s19], $0x80  }
0x5c: {  	[sflag:s19] =	ssyncset.done $0x0  }
0x5d: {  	s12 =	rddreg [dreg:$0x7];
	[sflag:s19] =	ssyncadd.s32 $0xFFFFFF80  }
0x5e: {  	[tilespmem:s25], [sflag:$0x4] =	stream.linear.gather [hbm4b:s12+s2], $0x80, $0x38;
	[tilespmem:$0x1BC80] =	vst v63  }
0x5f: {  	_ =	swait.ge [sflag:s19], $0x80  }
0x60: {  	[sflag:s19] =	ssyncset.done $0x0  }
0x61: {  	[sflag:s19] =	ssyncadd.s32 $0xFFFFFF80  }
0x62: {  	v1 =	vld [tilespmem:$0x100]  }
0x63: {  	v2 =	vld [tilespmem:$0x110]  }
0x64: {  	v3 =	vld [tilespmem:$0x120]  }
0x65: {  	v61 =	vld [tilespmem:$0x130]  }
0x66: {  	v62 =	vld [tilespmem:$0x140]  }
0x67: {  	v63 =	vld [tilespmem:$0x150];
	v1 =	vadd.s32 v0, v1  }
0x68: {  	[tilespmem:$0x100] =	vst v1;
	v1 =	vadd.s32 v0, v2;
	v2 =	vld [tilespmem:$0x160]  }
0x69: {  	[tilespmem:$0x110] =	vst v1;
	v1 =	vadd.s32 v0, v3;
	v3 =	vld [tilespmem:$0x170]  }
0x6a: {  	[tilespmem:$0x120] =	vst v1;
	v1 =	vadd.s32 v0, v61  }
0x6b: {  	[tilespmem:$0x130] =	vst v1;
	v1 =	vadd.s32 v0, v62  }
0x6c: {  	[tilespmem:$0x140] =	vst v1;
	v1 =	vadd.s32 v0, v63  }
0x6d: {  	[tilespmem:$0x150] =	vst v1;
	v1 =	vadd.s32 v0, v2  }
0x6e: {  	[tilespmem:$0x160] =	vst v1;
	v1 =	vadd.s32 v0, v3  }
0x6f: {  	s8 =	simm.s32 $0xFFFFFB40;
	[tilespmem:$0x170] =	vst v1  }
.LBB2_2:
0x70: {  	[tilespmem:s26], [sflag:$0x2] =	stream.indirect.gather [hbm4b:s4+s20], $0x80, s22, s20, $0xb8;
	[tilespmem:$0x1BC80] =	vst v63  }
0x71: {  	_ =	swait.ge [sflag:s28], $0x4000  }
0x72: {  	[sflag:s28] =	ssyncset.done $0x0  }
0x73: {  	[sflag:s28] =	ssyncadd.s32 $0xFFFFC000  }
0x74: {  	v1 =	vld [tilespmem:$0x80]  }
0x75: {  	v2 =	vld [tilespmem:$0x90]  }
0x76: {  	v3 =	vld [tilespmem:$0xA0]  }
0x77: {  	v4 =	vld [tilespmem:$0xB0]  }
0x78: {  	v5 =	vld [tilespmem:$0xC0]  }
0x79: {  	[tilespmem:$0x200] =	vst v1;
	v1 =	vld [tilespmem:$0xD0]  }
0x7a: {  	[tilespmem:$0x210] =	vst v2;
	v2 =	vld [tilespmem:$0xE0]  }
0x7b: {  	[tilespmem:$0x220] =	vst v3;
	v3 =	vld [tilespmem:$0xF0]  }
0x7c: {  	[tilespmem:$0x230] =	vst v4  }
0x7d: {  	[tilespmem:$0x240] =	vst v5  }
0x7e: {  	[tilespmem:$0x250] =	vst v1  }
0x7f: {  	p1 =	seq.s32 s8, $0x0;
	[tilespmem:$0x260] =	vst v2  }
0x80: {  	s9 =	simm.s32 @p1 $0x80;
	s10 =	simm.s32 @p1 $0x200;
	s11 =	simm.s32 @p1 $0x400;
	[tilespmem:$0x270] =	vst v3  }
0x81: {  	[spmem:s1] =	stream.indirect.scatter.add.f32 @p1 [tilespmem:s11], [sflag:$0x4], $0x80, s10, s9, $0xb8;
	[tilespmem:$0x1BC80] =	vst v63  }
0x82: {  	s9 =	simm.s32 @p1 $0x4  }
0x83: {  	_ =	swait.ge @p1 [sflag:s9], $0x4000  }
0x84: {  	s10 =	sadd.s32 @!p1 s8, s17;
	[sflag:s9] =	ssyncset.done @p1 $0x0  }
0x85: {  	[sflag:s9] =	ssyncadd.s32 @p1 $0xFFFFC000;
	s9 =	sadd.s32 @!p1 $0x4E0, s10;
	s10 =	simm.s32 @!p1 $0x0  }
0x86: {  	[tilespmem:s10], [sflag:$0x3] =	stream.linear.gather @!p1 [hbm4b:s9+s10], $0x80, $0x38;
	[tilespmem:$0x1BC80] =	vst v63  }
0x87: {  	s9 =	sadd.s32 @!p1 s8, s16  }
0x88: {  	s11 =	simm.s32 @!p1 $0x80;
	s9 =	sadd.s32 @!p1 $0x4E0, s9  }
0x89: {  	[tilespmem:s11], [sflag:$0x3] =	stream.linear.gather @!p1 [hbm4b:s9+s10], $0x80, $0x38;
	[tilespmem:$0x1BC80] =	vst v63  }
0x8a: {  	s12 =	simm.s32 @!p1 $0x400;
	s9 =	simm.s32 @!p1 $0x200  }
0x8b: {  	[spmem:s1] =	stream.indirect.scatter.add.f32 @!p1 [tilespmem:s12], [sflag:$0x4], $0x80, s9, s11, $0xb8;
	[tilespmem:$0x1BC80] =	vst v63  }
0x8c: {  	s9 =	simm.s32 @!p1 $0x4  }
0x8d: {  	_ =	swait.ge @!p1 [sflag:s9], $0x4000  }
0x8e: {  	[sflag:s9] =	ssyncset.done @!p1 $0x0  }
0x8f: {  	[sflag:s9] =	ssyncadd.s32 @!p1 $0xFFFFC000;
	s9 =	simm.s32 @!p1 $0x3  }
0x90: {  	_ =	swait.ge @!p1 [sflag:s9], $0x80  }
0x91: {  	[sflag:s9] =	ssyncset.done @!p1 $0x0  }
0x92: {  	[sflag:s9] =	ssyncadd.s32 @!p1 $0xFFFFFF80  }
0x93: {  	_ =	swait.ge @!p1 [sflag:s9], $0x80  }
0x94: {  	[sflag:s9] =	ssyncset.done @!p1 $0x0  }
0x95: {  	[sflag:s9] =	ssyncadd.s32 @!p1 $0xFFFFFF80  }
0x96: {  	v1 =	vld @!p1 [tilespmem:$0x0]  }
0x97: {  	v2 =	vld @!p1 [tilespmem:$0x10]  }
0x98: {  	v3 =	vld @!p1 [tilespmem:$0x20]  }
0x99: {  	v4 =	vld @!p1 [tilespmem:$0x30]  }
0x9a: {  	v5 =	vld @!p1 [tilespmem:$0x40]  }
0x9b: {  	v6 =	vld @!p1 [tilespmem:$0x50];
	v1 =	vadd.s32 @!p1 v0, v1  }
0x9c: {  	[tilespmem:$0x0] =	vst @!p1 v1;
	v1 =	vadd.s32 @!p1 v0, v2;
	v2 =	vld @!p1 [tilespmem:$0x60]  }
0x9d: {  	[tilespmem:$0x10] =	vst @!p1 v1;
	v1 =	vadd.s32 @!p1 v0, v3;
	v3 =	vld @!p1 [tilespmem:$0x70]  }
0x9e: {  	[tilespmem:$0x20] =	vst @!p1 v1;
	v1 =	vadd.s32 @!p1 v0, v4  }
0x9f: {  	[tilespmem:$0x30] =	vst @!p1 v1;
	v1 =	vadd.s32 @!p1 v0, v5  }
0xa0: {  	[tilespmem:$0x40] =	vst @!p1 v1;
	v1 =	vadd.s32 @!p1 v0, v6  }
0xa1: {  	[tilespmem:$0x50] =	vst @!p1 v1;
	v1 =	vadd.s32 @!p1 v0, v2  }
0xa2: {  	[tilespmem:$0x60] =	vst @!p1 v1;
	v1 =	vadd.s32 @!p1 v0, v3  }
0xa3: {  	[tilespmem:$0x70] =	vst @!p1 v1  }
0xa4: {  	[tilespmem:s12], [sflag:$0x1] =	stream.indirect.gather @!p1 [hbm4b:s4+s11], $0x80, s10, s11, $0xb8;
	[tilespmem:$0x1BC80] =	vst v63  }
0xa5: {  	_ =	swait.ge [sflag:s29], $0x4000  }
0xa6: {  	[sflag:s29] =	ssyncset.done $0x0  }
0xa7: {  	[sflag:s29] =	ssyncadd.s32 $0xFFFFC000  }
0xa8: {  	v1 =	vld [tilespmem:$0x180]  }
0xa9: {  	v2 =	vld [tilespmem:$0x190]  }
0xaa: {  	v3 =	vld [tilespmem:$0x1A0]  }
0xab: {  	v62 =	vld [tilespmem:$0x1B0]  }
0xac: {  	v63 =	vld [tilespmem:$0x1C0]  }
0xad: {  	[tilespmem:$0x280] =	vst v1;
	v1 =	vld [tilespmem:$0x1D0]  }
0xae: {  	[tilespmem:$0x290] =	vst v2;
	v2 =	vld [tilespmem:$0x1E0]  }
0xaf: {  	[tilespmem:$0x2A0] =	vst v3;
	v3 =	vld [tilespmem:$0x1F0]  }
.Ltmp2:
0xb0: {  	[tilespmem:$0x2B0] =	vst v62;
	(pc) =	sbr.rel @p1 .LBB2_4-.Ltmp2, $4  }
0xb1: {  	[tilespmem:$0x2C0] =	vst v63  }
0xb2: {  	[tilespmem:$0x2D0] =	vst v1  }
0xb3: {  	[tilespmem:$0x2E0] =	vst v2  }
0xb4: {  	[tilespmem:$0x2F0] =	vst v3  }
0xb5: {  	s9 =	sadd.s32 s8, s17  }
0xb6: {  	s12 =	sadd.s32 s8, s16;
	s9 =	sadd.s32 $0x4F0, s9  }
0xb7: {  	[tilespmem:s22], [sflag:$0x3] =	stream.linear.gather [hbm4b:s9+s2], $0x80, $0x38;
	[tilespmem:$0x1BC80] =	vst v63  }
0xb8: {  	s9 =	sadd.s32 $0x4F0, s12  }
0xb9: {  	[tilespmem:s25], [sflag:$0x3] =	stream.linear.gather [hbm4b:s9+s2], $0x80, $0x38;
	[tilespmem:$0x1BC80] =	vst v63  }
0xba: {  	_ = 	snop  }
0xbb: {  	[spmem:s1] =	stream.indirect.scatter.add.f32 [tilespmem:s26], [sflag:$0x4], $0x80, s30, s20, $0xb8;
	[tilespmem:$0x1BC80] =	vst v63  }
0xbc: {  	_ =	swait.ge [sflag:s19], $0x4000  }
0xbd: {  	[sflag:s19] =	ssyncset.done $0x0  }
0xbe: {  	[sflag:s19] =	ssyncadd.s32 $0xFFFFC000  }
0xbf: {  	_ =	swait.ge [sflag:s5], $0x80  }
0xc0: {  	[sflag:s5] =	ssyncset.done $0x0  }
0xc1: {  	[sflag:s5] =	ssyncadd.s32 $0xFFFFFF80  }
0xc2: {  	_ =	swait.ge [sflag:s5], $0x80  }
0xc3: {  	[sflag:s5] =	ssyncset.done $0x0  }
0xc4: {  	[sflag:s5] =	ssyncadd.s32 $0xFFFFFF80  }
0xc5: {  	v1 =	vld [tilespmem:$0x100]  }
0xc6: {  	v2 =	vld [tilespmem:$0x110]  }
0xc7: {  	v3 =	vld [tilespmem:$0x120]  }
0xc8: {  	v4 =	vld [tilespmem:$0x130]  }
0xc9: {  	v5 =	vld [tilespmem:$0x140]  }
0xca: {  	v6 =	vld [tilespmem:$0x150];
	v1 =	vadd.s32 v0, v1  }
0xcb: {  	[tilespmem:$0x100] =	vst v1;
	v1 =	vadd.s32 v0, v2;
	v2 =	vld [tilespmem:$0x160]  }
0xcc: {  	[tilespmem:$0x110] =	vst v1;
	v1 =	vadd.s32 v0, v3;
	v3 =	vld [tilespmem:$0x170]  }
0xcd: {  	[tilespmem:$0x120] =	vst v1;
	v1 =	vadd.s32 v0, v4  }
.Ltmp3:
0xce: {  	[tilespmem:$0x130] =	vst v1;
	v1 =	vadd.s32 v0, v5;
	(pc) =	sbr.rel .LBB2_2-.Ltmp3, $4  }
0xcf: {  	[tilespmem:$0x140] =	vst v1;
	v1 =	vadd.s32 v0, v6  }
0xd0: {  	[tilespmem:$0x150] =	vst v1;
	v1 =	vadd.s32 v0, v2  }
0xd1: {  	[tilespmem:$0x160] =	vst v1;
	v1 =	vadd.s32 v0, v3  }
0xd2: {  	s8 =	sadd.s32 $0x20, s8;
	[tilespmem:$0x170] =	vst v1  }
.LBB2_5:
0xd3: {  	_ =	sfence.sel $0x180000  }
0xd4: {  	[bflag:$0x0] =	sbarrier.arrive $0xFFFF  }
0xd5: {  	_ =	strace $0x90000047  }
0xd6: {  	s0 =	stileid.u32;
	[bflag:$0x2] =	sbarrier.arrive $0xFFFF  }
0xd7: {  	p0 =	sne.s32 s0, $0x0;
	s0 =	rddreg [dreg:$0x2]  }
0xd8: {  	s0 =	sadd.s32 @!p0 $0x100000, s0  }
0xd9: {  	[sflag:s0] =	ssyncadd.tile.s32 @!p0 $0x1;
	_ =	shalt  }
.Lfunc_end2:
_tile_overlayer_lowered:
.L_overlay_start_2:
0xda: {  	(tag) =	ssettag $0x2  }
0xdb: {  	s0 =	rddreg [dreg:$0x0];
	s2 =	stileid.u32  }
0xdc: {  	s1 =	rddreg [dreg:$0x1];
	p0 =	sne.s32 s2, $0x0  }
0xdd: {  	s3 =	rddreg [dreg:$0x2];
	[bflag:$0x3] =	sbarrier.arrive $0xFFFF;
	s2 =	simm.s32 @!p0 $0x1C04  }
0xde: {  	[timem:s3], [sflag:s2] =	dma.local @!p0 [hbm:s0], s1  }
0xdf: {  	s0 =	simm.s32 @!p0 $0x4  }
0xe0: {  	_ =	swait.ge @!p0 [sflag:s0], s1  }
0xe1: {  	s1 =	ssub.s32 @!p0 $0x0, s1;
	[sflag:s0] =	ssyncset.done @!p0 $0x0  }
0xe2: {  	[sflag:s0] =	ssyncadd.s32 @!p0 s1  }
0xe3: {  	[bflag:$0x3] =	sbarrier.arrive $0xFFFF  }
0xe4: {  	_ =	shalt  }

// kernel: kernel.13.cloned.1.call-start
scs
__scs_entry_jumppad:
0x0: {  	(pc) =	sbr.rel $0x88, $3  }
0x1: {  	(tag) =	ssettag $0x0;
	lr =	simm.s32 $0x1  }
0x2: {  	[smem:$0x3F93] =	sst lr;
	_ =	strace $0xD0000000  }
0x3: {  	_ = 	snop  }
0x4: {  	_ = 	snop  }
0x5: {  	_ = 	snop  }
0x6: {  	_ = 	snop  }
0x7: {  	_ = 	snop  }
__scs_overlays_trampoline_lowered:
0x8: {  	[smem:$0x3FA2] =	sst s0  }
0x9: {  	[smem:$0x3FA3] =	sst s1  }
0xa: {  	[smem:$0x3FA4] =	sst s2  }
0xb: {  	[smem:$0x3FA5] =	sst s3  }
0xc: {  	[smem:$0x3FA6] =	sst s4  }
0xd: {  	[smem:$0x3FA7] =	sst s5  }
0xe: {  	[smem:$0x3FA8] =	sst s6  }
0xf: {  	[smem:$0x3FA9] =	sst s7  }
0x10: {  	[smem:$0x3FAA] =	sst s8  }
0x11: {  	[smem:$0x3FAB] =	sst s9;
	s0 =	simm.s32 @!p0 $0x0  }
0x12: {  	s1 =	sld [smem:$0x3F91];
	s0 =	simm.s32 @p0 $0x1  }
0x13: {  	[smem:$0x3FAC] =	sst s0;
	s0 =	simm.s32 @!p1 $0x0  }
0x14: {  	s2 =	sld [smem:$0x3F90];
	s0 =	simm.s32 @p1 $0x1  }
0x15: {  	[smem:$0x3FAD] =	sst s0;
	s0 =	simm.s32 @!p2 $0x0  }
0x16: {  	s3 =	sld [smem:$0x3FDB];
	s0 =	simm.s32 @p2 $0x1  }
0x17: {  	s4 =	simm.s32 $0x1BF5;
	[smem:$0x3FAF] =	sst s0  }
0x18: {  	s0 =	sld [smem:$0x3F92];
	_ =	swait.ge [sflag:s4], $0x0  }
0x19: {  	s7 =	sld [smem:$0x3F93]  }
0x1a: {  	s8 =	sadd.s32 $0xFFFFE003, lr  }
0x1b: {  	s9 =	sadd.s32 $0xFFFFFEF7, lr;
	s5 =	simm.s32 $0xFFFFFFFF;
	p2 =	slt.u32 s8, $0xFFFFF086  }
0x1c: {  	p1 =	slt.u32 s9, $0xF7A;
	s5 =	simm.s32 @!p2 $0x0  }
0x1d: {  	s5 =	simm.s32 @p1 $0x1;
	p0 =	seq.s32 s7, s2  }
0x1e: {  	s7 =	smul.u32 @!p0 $0xF7A, s2;
	p2 =	seq.s32 @!p0 s5, $0x0  }
0x1f: {  	s9 =	smul.u32 $0xF7A, s1;
	s8 =	simm.s32 @!p0 $0x1BF5;
	p2 =	por !p2, p0  }
0x20: {  	[sflag:s8] =	ssyncset.s32 @!p0 $0xFFFFF086;
	s6 =	sadd.s32 @!p0 s3, s7;
	s7 =	simm.s32 @!p0 $0x108  }
0x21: {  	s3 =	sadd.s32 s3, s9;
	s6 =	sadd.s32 @!p0 $0x88, s6;
	s7 =	simm.s32 @p2 $0x1082  }
0x22: {  	[simem:s7], [sflag:s8] =	dma.local @!p0 [hbm:s6], $0xF7A  }
0x23: {  	s9 =	sor.u32 $0xD0000000, s2;
	s6 =	simm.s32 $0x108;
	_ =	swait.ge @!p0 [sflag:s8], $0x0  }
0x24: {  	s3 =	sadd.s32 $0x88, s3;
	s6 =	simm.s32 @!p1 $0x1082;
	[sflag:s4] =	ssyncset.s32 $0xFFFFF086  }
0x25: {  	[simem:s6], [sflag:s4] =	dma.local [hbm:s3], $0xF7A  }
0x26: {  	[smem:$0x3F93] =	sst s1;
	(tag) =	ssettag s2;
	_ =	strace s9  }
0x27: {  	s1 =	sld [smem:$0x3FA3]  }
0x28: {  	s2 =	sld [smem:$0x3FA4]  }
0x29: {  	s4 =	sld [smem:$0x3FA6]  }
0x2a: {  	p0 =	seq.s32 s5, $0x0;
	s5 =	sld [smem:$0x3FA7]  }
0x2b: {  	s6 =	sld [smem:$0x3FA8]  }
0x2c: {  	s7 =	sld [smem:$0x3FA9]  }
0x2d: {  	s3 =	simm.s32 $0x108;
	s8 =	sld [smem:$0x3FAA]  }
0x2e: {  	s3 =	simm.s32 @!p0 $0x1082;
	s9 =	sld [smem:$0x3FAB]  }
0x2f: {  	lr =	sadd.s32 s0, s3;
	s0 =	sld [smem:$0x3FA2]  }
0x30: {  	s3 =	sld [smem:$0x3FA5]  }
0x31: {  	[smem:$0x3FAE] =	sst s10  }
0x32: {  	s10 =	sld [smem:$0x3FAC];
	_ =	sdelay $0x3  }
0x33: {  	p0 =	seq.s32 s10, $0x1;
	s10 =	sld [smem:$0x3FAE];
	_ =	sdelay $0x3  }
0x34: {  	[smem:$0x3FAE] =	sst s10  }
0x35: {  	s10 =	sld [smem:$0x3FAD];
	_ =	sdelay $0x3  }
0x36: {  	p1 =	seq.s32 s10, $0x1;
	s10 =	sld [smem:$0x3FAE];
	_ =	sdelay $0x3  }
0x37: {  	[smem:$0x3FAE] =	sst s10  }
0x38: {  	s10 =	sld [smem:$0x3FAF]  }
0x39: {  	_ = 	snop;
	(pc) =	sbr.ind lr, $3  }
0x3a: {  	_ = 	snop  }
0x3b: {  	_ = 	snop  }
0x3c: {  	p2 =	seq.s32 s10, $0x1;
	s10 =	sld [smem:$0x3FAE]  }
0x3d: {  	_ =	shalt  }
0x3e: {  	_ =	shalt  }
0x3f: {  	_ =	shalt  }
0x40: {  	_ =	shalt  }
0x41: {  	_ =	shalt  }
0x42: {  	_ =	shalt  }
0x43: {  	_ =	shalt  }
0x44: {  	_ =	shalt  }
0x45: {  	_ =	shalt  }
0x46: {  	_ =	shalt  }
0x47: {  	_ =	shalt  }
0x48: {  	_ =	shalt  }
0x49: {  	_ =	shalt  }
0x4a: {  	_ =	shalt  }
0x4b: {  	_ =	shalt  }
0x4c: {  	_ =	shalt  }
0x4d: {  	_ =	shalt  }
0x4e: {  	_ =	shalt  }
0x4f: {  	_ =	shalt  }
0x50: {  	_ =	shalt  }
0x51: {  	_ =	shalt  }
0x52: {  	_ =	shalt  }
0x53: {  	_ =	shalt  }
0x54: {  	_ =	shalt  }
0x55: {  	_ =	shalt  }
0x56: {  	_ =	shalt  }
0x57: {  	_ =	shalt  }
0x58: {  	_ =	shalt  }
0x59: {  	_ =	shalt  }
0x5a: {  	_ =	shalt  }
0x5b: {  	_ =	shalt  }
0x5c: {  	_ =	shalt  }
0x5d: {  	_ =	shalt  }
0x5e: {  	_ =	shalt  }
0x5f: {  	_ =	shalt  }
0x60: {  	_ =	shalt  }
0x61: {  	_ =	shalt  }
0x62: {  	_ =	shalt  }
0x63: {  	_ =	shalt  }
0x64: {  	_ =	shalt  }
0x65: {  	_ =	shalt  }
0x66: {  	_ =	shalt  }
0x67: {  	_ =	shalt  }
0x68: {  	_ =	shalt  }
0x69: {  	_ =	shalt  }
0x6a: {  	_ =	shalt  }
0x6b: {  	_ =	shalt  }
0x6c: {  	_ =	shalt  }
0x6d: {  	_ =	shalt  }
0x6e: {  	_ =	shalt  }
0x6f: {  	_ =	shalt  }
0x70: {  	_ =	shalt  }
0x71: {  	_ =	shalt  }
0x72: {  	_ =	shalt  }
0x73: {  	_ =	shalt  }
0x74: {  	_ =	shalt  }
0x75: {  	_ =	shalt  }
0x76: {  	_ =	shalt  }
0x77: {  	_ =	shalt  }
0x78: {  	_ =	shalt  }
0x79: {  	_ =	shalt  }
0x7a: {  	_ =	shalt  }
0x7b: {  	_ =	shalt  }
0x7c: {  	_ =	shalt  }
0x7d: {  	_ =	shalt  }
0x7e: {  	_ =	shalt  }
0x7f: {  	_ =	shalt  }
0x80: {  	_ =	shalt  }
0x81: {  	_ =	shalt  }
0x82: {  	_ =	shalt  }
0x83: {  	_ =	shalt  }
0x84: {  	_ =	shalt  }
0x85: {  	_ =	shalt  }
0x86: {  	_ =	shalt  }
0x87: {  	_ =	shalt  }
.Lfunc_end0:
.L_simem_size_0:
called_computation.1_lowered:
.L_overlay_start_0:
0x88: {  	s2 =	sld [smem:$0x3FD9]  }
0x89: {  	s3 =	sld [smem:$0x3FFE];
	_ =	sdelay $0x1  }
0x8a: {  	s1 =	srdreg.scid  }
0x8b: {  	s0 =	sand.u32 $0x1, s1  }
0x8c: {  	s16 =	sshll.u32 s0, $0xA;
	s2 =	sadd.s32 s3, s2  }
0x8d: {  	s2 =	sadd.s32 s2, s16  }
0x8e: {  	[smem:$0x3FBA] =	sst s2  }
0x8f: {  	_ = 	snop  }
0x90: {  	(tm) =	ssettm $0x1  }
0x91: {  	s17 =	sld [smem:$0x3FFB];
	_ =	sdelay $0x3  }
0x92: {  	_ =	strace s17  }
0x93: {  	s2 =	sld [smem:$0x3FFC];
	_ =	sdelay $0x3  }
0x94: {  	_ =	strace s2  }
0x95: {  	s2 =	sld [smem:$0x3FFD];
	_ =	sdelay $0x3  }
0x96: {  	_ =	strace s2  }
0x97: {  	_ =	strace $0x8FFFFFFF  }
0x98: {  	s18 =	sld [smem:$0x3FDB];
	_ =	sdelay $0x1  }
0x99: {  	s19 =	simm.s32 $_scs_section_size  }
0x9a: {  	s4 =	simm.s32 $_size__tile_overlayer_lowered;
	s5 =	simm.s32 $_tile_overlayer_lowered  }
0x9b: {  	s22 =	simm.s32 $0x1BFF;
	s21 =	sshll.u32 s5, $0x1;
	s2 =	sadd.s32 s19, s18  }
0x9c: {  	s6 =	simm.s32 $0x0;
	s20 =	sshll.u32 s4, $0x1;
	s4 =	sadd.s32 s21, s2  }
0x9d: {  	[timem:s6], [sflag:s22] =	dma.local [hbm:s4], s20  }
0x9e: {  	_ =	swait.ge [sflag:s22], s20  }
0x9f: {  	s3 =	ssub.s32 $0x0, s20;
	[sflag:s22] =	ssyncset.done $0x0  }
0xa0: {  	[sflag:s22] =	ssyncadd.s32 s3;
	_ =	sdelay $0x1  }
0xa1: {  	s23 =	simm.s32 $0x1B8B  }
0xa2: {  	_ =	swait.ge [sflag:s23], $0x1  }
0xa3: {  	[sflag:s23] =	ssyncset.done $0x0  }
0xa4: {  	s25 =	simm.s32 $0x1B8E;
	s24 =	sld [smem:$0x3FFE];
	[sflag:s23] =	ssyncadd.s32 $0xFFFFFFFF  }
0xa5: {  	s26 =	simm.s32 $execute0_lowered;
	[smem:$0x3FD2] =	sst s25  }
0xa6: {  	s4 =	sshll.u32 s26, $0x1;
	_ =	strace $0x80000049;
	[dreg:$0x1] =	wrdreg $0xFFFFFFFF  }
0xa7: {  	s28 =	simm.s32 $_size_execute0_lowered;
	s2 =	sadd.s32 s2, s4;
	[dreg:$0x0] =	wrdreg $0x0  }
0xa8: {  	s4 =	sshll.u32 s28, $0x1;
	[dreg:$0x2] =	wrdreg s2  }
0xa9: {  	[dreg:$0x3] =	wrdreg s4  }
0xaa: {  	[dreg:$0x4] =	wrdreg $0xC0  }
0xab: {  	_ =	task [dreg:s6], $0x5FFFF  }
0xac: {  	[dreg:$0x1] =	wrdreg $0xFFFFFFFF  }
0xad: {  	[dreg:$0x0] =	wrdreg $0x60  }
0xae: {  	[dreg:$0x2] =	wrdreg s24  }
0xaf: {  	[dreg:$0x3] =	wrdreg $0x84000  }
0xb0: {  	[dreg:$0x4] =	wrdreg $0x9  }
0xb1: {  	_ =	task.clear_ibuf [dreg:s6], $0x5FFFF;
	_ =	strace $0x90000049  }
0xb2: {  	s29 =	simm.s32 $0x9;
	_ =	strace $0x8000004B  }
0xb3: {  	_ =	swait.ge [sflag:s29], $0x1  }
0xb4: {  	[sflag:s29] =	ssyncadd.s32 $0xFFFFFFFF  }
0xb5: {  	_ =	strace $0x9000004B  }
0xb6: {  	_ =	sfence  }
0xb7: {  	s30 =	sld [smem:$0x0];
	_ =	sdelay $0x2  }
0xb8: {  	s31 =	sshll.u32 s1, $0xD;
	s1 =	sshrl.u32 s1, $0x2  }
0xb9: {  	s3 =	sand.u32 $0x4000, s31;
	s1 =	sadd.s32 s1, s30  }
0xba: {  	s0 =	sor.u32 s3, s0;
	s1 =	sshll.u32 s1, $0x11  }
0xbb: {  	s0 =	sor.u32 s1, s0  }
0xbc: {  	s0 =	sadd.s32 $0x8F2B, s0  }
0xbd: {  	[sflag:s0] =	ssyncadd.remote.s32 $0x1  }
0xbe: {  	_ =	sfence.sel $0xFFFF  }
0xbf: {  	[dreg:$0x0] =	wrdreg $0xFFFFFFFF;
	(pc) =	sbr.abs _section_cstart, $3  }
0xc0: {  	[dreg:$0x1] =	wrdreg $0xFFFFFFFF  }
0xc1: {  	_ =	task.clear_ibuf [dreg:s6], $0x2FFFF;
	_ =	strace $0x9FFFFFFF  }
0xc2: {  	(tm) =	ssettm $0x7FFFFFFF  }
0xc3: {  	_ =	shalt  }
tec
execute0_lowered:
.L_overlay_start_1:
0x0: {  	(tag) =	ssettag $0x1  }
0x1: {  	s0 =	rddreg [dreg:$0x0]  }
0x2: {  	s1 =	rddreg [dreg:$0x1]  }
0x3: {  	s2 =	simm.s32 $0x0;
	s5 =	srdreg.scid;
	s24 =	stileid.u32  }
0x4: {  	s28 =	simm.s32 $0x1;
	s29 =	simm.s32 $0x2;
	s30 =	simm.s32 $0x280  }
0x5: {  	s31 =	simm.s32 $0x300;
	[smem:$0x7FF] =	sst s2;
	s4 =	sadd.s32 $0x5AC00, s0  }
0x6: {  	s3 =	sadd.s32 $0x7A00, s0;
	s7 =	sadd.s32 $0x2A00, s0;
	s6 =	smul.u32 $0x4E200, s24  }
0x7: {  	s5 =	sand.u32 $0x1, s5;
	s8 =	sadd.s32 $0xA8E00, s0;
	s10 =	smul.u32 $0x2710, s24  }
0x8: {  	s0 =	sadd.s32 $0xAB600, s0;
	s17 =	sshll.u32 s24, $0x6;
	s13 =	smul.u32 $0x4E000, s24  }
0x9: {  	s14 =	smul.u32 $0x270, s24;
	p0 =	sne.s32 s24, $0xF;
	_ =	strace $0x8000004A  }
0xa: {  	[dreg:$0x3] =	wrdreg s8;
	s16 =	ssub.s32 $0x2, s5;
	s8 =	smul.u32 $0x2710, s5  }
0xb: {  	s5 =	smul.u32 $0x138800, s5;
	s9 =	sshrl.u32 s16, $0x1;
	s6 =	sshrl.u32 s6, $0x2  }
0xc: {  	s11 =	sshrl.u32 s10, $0x3;
	s13 =	sshrl.u32 s13, $0x2;
	s15 =	ssub.s32 s16, s9  }
0xd: {  	s18 =	sadd.s32 s6, s1;
	s6 =	sor.u32 $0x1C04, s17;
	s19 =	sadd.s32 s3, s11  }
0xe: {  	s10 =	sadd.s32 $0x10, s11;
	s20 =	sadd.s32 s7, s11;
	s12 =	sadd.s32 $0x4E0, s11  }
0xf: {  	s26 =	sadd.s32 s14, s8;
	s5 =	sshrl.u32 s5, $0x3;
	[dreg:$0x4] =	wrdreg s19  }
0x10: {  	s17 =	smul.u32 $0x4E2, s24;
	[dreg:$0x5] =	wrdreg s20;
	s21 =	sadd.s32 s3, s10  }
0x11: {  	s22 =	sadd.s32 s7, s10;
	s23 =	sadd.s32 s3, s12;
	[dreg:$0x6] =	wrdreg s21  }
0x12: {  	s25 =	sadd.s32 s7, s12;
	s5 =	sadd.s32 s0, s5;
	[dreg:$0x7] =	wrdreg s22  }
0x13: {  	s15 =	smax.u32 s15, $0x1;
	s18 =	sshrl.u32 s18, $0x3;
	[dreg:$0x8] =	wrdreg s23  }
0x14: {  	s19 =	simm.s32 $0x4;
	s20 =	simm.s32 $0x80;
	[dreg:$0x9] =	wrdreg s25  }
0x15: {  	s23 =	sadd.s32 s13, s1;
	s13 =	sshll.u32 s26, $0x4;
	s14 =	sadd.s32 $0x27000, s5  }
.Ltmp0:
0x16: {  	s16 =	sadd.s32 s17, s7;
	s17 =	sadd.s32 s17, s3;
	(pc) =	sbr.rel .LBB2_1-.Ltmp0, $4  }
0x17: {  	s21 =	simm.s32 $0x400;
	s22 =	simm.s32 $0x100;
	s25 =	simm.s32 $0x180  }
0x18: {  	s26 =	simm.s32 $0x4400;
	s3 =	simm.s32 $0x10;
	s5 =	simm.s32 $0x3  }
0x19: {  	s7 =	simm.s32 $0x0;
	s13 =	sadd.s32 s0, s13;
	s0 =	sadd.s32 $0x138000, s1  }
0x1a: {  	v0 =	vmov s8;
	s23 =	sshrl.u32 s23, $0x3;
	s24 =	sshrl.u32 @!p0 s0, $0x3;
	s0 =	simm.s32 $0x380  }
.LBB2_4:
0x1b: {  	[spmem:s1] =	stream.indirect.scatter.add.f32 [tilespmem:s26], [sflag:$0x4], $0x80, s30, s20, $0xb8;
	[tilespmem:$0x1BC80] =	vst v63  }
0x1c: {  	_ =	swait.ge [sflag:s19], $0x4000  }
0x1d: {  	[sflag:s19] =	ssyncset.done $0x0  }
0x1e: {  	s8 =	rddreg [dreg:$0x8];
	[sflag:s19] =	ssyncadd.s32 $0xFFFFC000  }
0x1f: {  	[tilespmem:s31], [sflag:$0x4] =	stream.linear.gather [hbm4b:s8+s2], $0x10, $0x38;
	[tilespmem:$0x1BC80] =	vst v63  }
0x20: {  	_ =	swait.ge [sflag:s19], $0x10  }
0x21: {  	[sflag:s19] =	ssyncset.done $0x0  }
0x22: {  	s12 =	rddreg [dreg:$0x9];
	[sflag:s19] =	ssyncadd.s32 $0xFFFFFFF0  }
0x23: {  	[tilespmem:s0], [sflag:$0x4] =	stream.linear.gather [hbm4b:s12+s2], $0x10, $0x38;
	[tilespmem:$0x1BC80] =	vst v63  }
0x24: {  	_ =	swait.ge [sflag:s19], $0x10  }
0x25: {  	[sflag:s19] =	ssyncset.done $0x0  }
0x26: {  	[sflag:s19] =	ssyncadd.s32 $0xFFFFFFF0  }
0x27: {  	v1 =	vld [tilespmem:$0x300];
	_ =	sdelay $0x4  }
0x28: {  	v1 =	vadd.s32 v0, v1  }
0x29: {  	[tilespmem:$0x300] =	vst v1  }
0x2a: {  	[tilespmem:s21], [sflag:$0x1] =	stream.indirect.gather [hbm4b:s4+s3], $0x80, s31, s3, $0xb8;
	[tilespmem:$0x1BC80] =	vst v63  }
0x2b: {  	_ =	swait.ge [sflag:s28], $0x800  }
0x2c: {  	[sflag:s28] =	ssyncset.done $0x0  }
0x2d: {  	[sflag:s28] =	ssyncadd.s32 $0xFFFFF800  }
0x2e: {  	[spmem:s1] =	stream.indirect.scatter.add.f32 [tilespmem:s21], [sflag:$0x4], $0x80, s0, s3, $0xb8;
	[tilespmem:$0x1BC80] =	vst v63  }
0x2f: {  	_ =	swait.ge [sflag:s19], $0x800  }
0x30: {  	[sflag:s19] =	ssyncset.done $0x0  }
0x31: {  	[sflag:s19] =	ssyncadd.s32 $0xFFFFF800  }
0x32: {  	[bflag:$0x0] =	sbarrier.arrive $0xFFFF  }
0x33: {  	[hbm:s13], [sflag:s6] =	dma.local [spmem:s23], $0x2700  }
0x34: {  	s7 =	sadd.s32 $0x1, s7;
	_ =	swait.ge [sflag:s19], $0x2700  }
0x35: {  	p1 =	sne.s32 s7, s15;
	[sflag:s19] =	ssyncset.done $0x0  }
.Ltmp1:
0x36: {  	s8 =	simm.s32 @!p0 $0x4;
	[sflag:s19] =	ssyncadd.s32 $0xFFFFD900;
	(pc) =	sbr.rel @!p1 .LBB2_5-.Ltmp1, $4  }
0x37: {  	[hbm:s14], [sflag:s6] =	dma.local @!p0 [spmem:s24], $0x100  }
0x38: {  	_ =	swait.ge @!p0 [sflag:s8], $0x100  }
0x39: {  	[sflag:s8] =	ssyncset.done @!p0 $0x0  }
0x3a: {  	[sflag:s8] =	ssyncadd.s32 @!p0 $0xFFFFFF00  }
.LBB2_1:
0x3b: {  	s8 =	rddreg [dreg:$0x3]  }
0x3c: {  	[spmem:s18], [sflag:s6] =	dma.local [hbm:s8], $0x2710  }
0x3d: {  	_ =	swait.ge [sflag:s19], $0x2710  }
0x3e: {  	[sflag:s19] =	ssyncset.done $0x0  }
0x3f: {  	[sflag:s19] =	ssyncadd.s32 $0xFFFFD8F0  }
0x40: {  	[bflag:$0x0] =	sbarrier.arrive $0xFFFF  }
0x41: {  	s9 =	rddreg [dreg:$0x4]  }
0x42: {  	[tilespmem:s2], [sflag:$0x4] =	stream.linear.gather [hbm4b:s9+s2], $0x80, $0x38;
	[tilespmem:$0x1BC80] =	vst v63  }
0x43: {  	_ =	swait.ge [sflag:s19], $0x80  }
0x44: {  	[sflag:s19] =	ssyncset.done $0x0  }
0x45: {  	s10 =	rddreg [dreg:$0x5];
	[sflag:s19] =	ssyncadd.s32 $0xFFFFFF80  }
0x46: {  	[tilespmem:s20], [sflag:$0x4] =	stream.linear.gather [hbm4b:s10+s2], $0x80, $0x38;
	[tilespmem:$0x1BC80] =	vst v63  }
0x47: {  	_ =	swait.ge [sflag:s19], $0x80  }
0x48: {  	[sflag:s19] =	ssyncset.done $0x0  }
0x49: {  	[sflag:s19] =	ssyncadd.s32 $0xFFFFFF80  }
0x4a: {  	v1 =	vld [tilespmem:$0x0]  }
0x4b: {  	v2 =	vld [tilespmem:$0x10]  }
0x4c: {  	v3 =	vld [tilespmem:$0x20]  }
0x4d: {  	v4 =	vld [tilespmem:$0x30]  }
0x4e: {  	v5 =	vld [tilespmem:$0x40]  }
0x4f: {  	v6 =	vld [tilespmem:$0x50];
	v1 =	vadd.s32 v0, v1  }
0x50: {  	[tilespmem:$0x0] =	vst v1;
	v1 =	vadd.s32 v0, v2;
	v2 =	vld [tilespmem:$0x60]  }
0x51: {  	[tilespmem:$0x10] =	vst v1;
	v1 =	vadd.s32 v0, v3;
	v3 =	vld [tilespmem:$0x70]  }
0x52: {  	[tilespmem:$0x20] =	vst v1;
	v1 =	vadd.s32 v0, v4  }
0x53: {  	[tilespmem:$0x30] =	vst v1;
	v1 =	vadd.s32 v0, v5  }
0x54: {  	[tilespmem:$0x40] =	vst v1;
	v1 =	vadd.s32 v0, v6  }
0x55: {  	[tilespmem:$0x50] =	vst v1;
	v1 =	vadd.s32 v0, v2  }
0x56: {  	[tilespmem:$0x60] =	vst v1;
	v1 =	vadd.s32 v0, v3  }
0x57: {  	[tilespmem:$0x70] =	vst v1  }
0x58: {  	[tilespmem:s21], [sflag:$0x1] =	stream.indirect.gather [hbm4b:s4+s20], $0x80, s2, s20, $0xb8;
	[tilespmem:$0x1BC80] =	vst v63  }
0x59: {  	s11 =	rddreg [dreg:$0x6]  }
0x5a: {  	[tilespmem:s22], [sflag:$0x4] =	stream.linear.gather [hbm4b:s11+s2], $0x80, $0x38;
	[tilespmem:$0x1BC80] =	vst v63  }
0x5b: {  	_ =	swait.ge [sflag:s19], $0x80  }
0x5c: {  	[sflag:s19] =	ssyncset.done $0x0  }
0x5d: {  	s12 =	rddreg [dreg:$0x7];
	[sflag:s19] =	ssyncadd.s32 $0xFFFFFF80  }
0x5e: {  	[tilespmem:s25], [sflag:$0x4] =	stream.linear.gather [hbm4b:s12+s2], $0x80, $0x38;
	[tilespmem:$0x1BC80] =	vst v63  }
0x5f: {  	_ =	swait.ge [sflag:s19], $0x80  }
0x60: {  	[sflag:s19] =	ssyncset.done $0x0  }
0x61: {  	[sflag:s19] =	ssyncadd.s32 $0xFFFFFF80  }
0x62: {  	v1 =	vld [tilespmem:$0x100]  }
0x63: {  	v2 =	vld [tilespmem:$0x110]  }
0x64: {  	v3 =	vld [tilespmem:$0x120]  }
0x65: {  	v61 =	vld [tilespmem:$0x130]  }
0x66: {  	v62 =	vld [tilespmem:$0x140]  }
0x67: {  	v63 =	vld [tilespmem:$0x150];
	v1 =	vadd.s32 v0, v1  }
0x68: {  	[tilespmem:$0x100] =	vst v1;
	v1 =	vadd.s32 v0, v2;
	v2 =	vld [tilespmem:$0x160]  }
0x69: {  	[tilespmem:$0x110] =	vst v1;
	v1 =	vadd.s32 v0, v3;
	v3 =	vld [tilespmem:$0x170]  }
0x6a: {  	[tilespmem:$0x120] =	vst v1;
	v1 =	vadd.s32 v0, v61  }
0x6b: {  	[tilespmem:$0x130] =	vst v1;
	v1 =	vadd.s32 v0, v62  }
0x6c: {  	[tilespmem:$0x140] =	vst v1;
	v1 =	vadd.s32 v0, v63  }
0x6d: {  	[tilespmem:$0x150] =	vst v1;
	v1 =	vadd.s32 v0, v2  }
0x6e: {  	[tilespmem:$0x160] =	vst v1;
	v1 =	vadd.s32 v0, v3  }
0x6f: {  	s8 =	simm.s32 $0xFFFFFB40;
	[tilespmem:$0x170] =	vst v1  }
.LBB2_2:
0x70: {  	[tilespmem:s26], [sflag:$0x2] =	stream.indirect.gather [hbm4b:s4+s20], $0x80, s22, s20, $0xb8;
	[tilespmem:$0x1BC80] =	vst v63  }
0x71: {  	_ =	swait.ge [sflag:s28], $0x4000  }
0x72: {  	[sflag:s28] =	ssyncset.done $0x0  }
0x73: {  	[sflag:s28] =	ssyncadd.s32 $0xFFFFC000  }
0x74: {  	v1 =	vld [tilespmem:$0x80]  }
0x75: {  	v2 =	vld [tilespmem:$0x90]  }
0x76: {  	v3 =	vld [tilespmem:$0xA0]  }
0x77: {  	v4 =	vld [tilespmem:$0xB0]  }
0x78: {  	v5 =	vld [tilespmem:$0xC0]  }
0x79: {  	[tilespmem:$0x200] =	vst v1;
	v1 =	vld [tilespmem:$0xD0]  }
0x7a: {  	[tilespmem:$0x210] =	vst v2;
	v2 =	vld [tilespmem:$0xE0]  }
0x7b: {  	[tilespmem:$0x220] =	vst v3;
	v3 =	vld [tilespmem:$0xF0]  }
0x7c: {  	[tilespmem:$0x230] =	vst v4  }
0x7d: {  	[tilespmem:$0x240] =	vst v5  }
0x7e: {  	[tilespmem:$0x250] =	vst v1  }
0x7f: {  	p1 =	seq.s32 s8, $0x0;
	[tilespmem:$0x260] =	vst v2  }
0x80: {  	s9 =	simm.s32 @p1 $0x80;
	s10 =	simm.s32 @p1 $0x200;
	s11 =	simm.s32 @p1 $0x400;
	[tilespmem:$0x270] =	vst v3  }
0x81: {  	[spmem:s1] =	stream.indirect.scatter.add.f32 @p1 [tilespmem:s11], [sflag:$0x4], $0x80, s10, s9, $0xb8;
	[tilespmem:$0x1BC80] =	vst v63  }
0x82: {  	s9 =	simm.s32 @p1 $0x4  }
0x83: {  	_ =	swait.ge @p1 [sflag:s9], $0x4000  }
0x84: {  	s10 =	sadd.s32 @!p1 s8, s17;
	[sflag:s9] =	ssyncset.done @p1 $0x0  }
0x85: {  	[sflag:s9] =	ssyncadd.s32 @p1 $0xFFFFC000;
	s9 =	sadd.s32 @!p1 $0x4E0, s10;
	s10 =	simm.s32 @!p1 $0x0  }
0x86: {  	[tilespmem:s10], [sflag:$0x3] =	stream.linear.gather @!p1 [hbm4b:s9+s10], $0x80, $0x38;
	[tilespmem:$0x1BC80] =	vst v63  }
0x87: {  	s9 =	sadd.s32 @!p1 s8, s16  }
0x88: {  	s11 =	simm.s32 @!p1 $0x80;
	s9 =	sadd.s32 @!p1 $0x4E0, s9  }
0x89: {  	[tilespmem:s11], [sflag:$0x3] =	stream.linear.gather @!p1 [hbm4b:s9+s10], $0x80, $0x38;
	[tilespmem:$0x1BC80] =	vst v63  }
0x8a: {  	s12 =	simm.s32 @!p1 $0x400;
	s9 =	simm.s32 @!p1 $0x200  }
0x8b: {  	[spmem:s1] =	stream.indirect.scatter.add.f32 @!p1 [tilespmem:s12], [sflag:$0x4], $0x80, s9, s11, $0xb8;
	[tilespmem:$0x1BC80] =	vst v63  }
0x8c: {  	s9 =	simm.s32 @!p1 $0x4  }
0x8d: {  	_ =	swait.ge @!p1 [sflag:s9], $0x4000  }
0x8e: {  	[sflag:s9] =	ssyncset.done @!p1 $0x0  }
0x8f: {  	[sflag:s9] =	ssyncadd.s32 @!p1 $0xFFFFC000;
	s9 =	simm.s32 @!p1 $0x3  }
0x90: {  	_ =	swait.ge @!p1 [sflag:s9], $0x80  }
0x91: {  	[sflag:s9] =	ssyncset.done @!p1 $0x0  }
0x92: {  	[sflag:s9] =	ssyncadd.s32 @!p1 $0xFFFFFF80  }
0x93: {  	_ =	swait.ge @!p1 [sflag:s9], $0x80  }
0x94: {  	[sflag:s9] =	ssyncset.done @!p1 $0x0  }
0x95: {  	[sflag:s9] =	ssyncadd.s32 @!p1 $0xFFFFFF80  }
0x96: {  	v1 =	vld @!p1 [tilespmem:$0x0]  }
0x97: {  	v2 =	vld @!p1 [tilespmem:$0x10]  }
0x98: {  	v3 =	vld @!p1 [tilespmem:$0x20]  }
0x99: {  	v4 =	vld @!p1 [tilespmem:$0x30]  }
0x9a: {  	v5 =	vld @!p1 [tilespmem:$0x40]  }
0x9b: {  	v6 =	vld @!p1 [tilespmem:$0x50];
	v1 =	vadd.s32 @!p1 v0, v1  }
0x9c: {  	[tilespmem:$0x0] =	vst @!p1 v1;
	v1 =	vadd.s32 @!p1 v0, v2;
	v2 =	vld @!p1 [tilespmem:$0x60]  }
0x9d: {  	[tilespmem:$0x10] =	vst @!p1 v1;
	v1 =	vadd.s32 @!p1 v0, v3;
	v3 =	vld @!p1 [tilespmem:$0x70]  }
0x9e: {  	[tilespmem:$0x20] =	vst @!p1 v1;
	v1 =	vadd.s32 @!p1 v0, v4  }
0x9f: {  	[tilespmem:$0x30] =	vst @!p1 v1;
	v1 =	vadd.s32 @!p1 v0, v5  }
0xa0: {  	[tilespmem:$0x40] =	vst @!p1 v1;
	v1 =	vadd.s32 @!p1 v0, v6  }
0xa1: {  	[tilespmem:$0x50] =	vst @!p1 v1;
	v1 =	vadd.s32 @!p1 v0, v2  }
0xa2: {  	[tilespmem:$0x60] =	vst @!p1 v1;
	v1 =	vadd.s32 @!p1 v0, v3  }
0xa3: {  	[tilespmem:$0x70] =	vst @!p1 v1  }
0xa4: {  	[tilespmem:s12], [sflag:$0x1] =	stream.indirect.gather @!p1 [hbm4b:s4+s11], $0x80, s10, s11, $0xb8;
	[tilespmem:$0x1BC80] =	vst v63  }
0xa5: {  	_ =	swait.ge [sflag:s29], $0x4000  }
0xa6: {  	[sflag:s29] =	ssyncset.done $0x0  }
0xa7: {  	[sflag:s29] =	ssyncadd.s32 $0xFFFFC000  }
0xa8: {  	v1 =	vld [tilespmem:$0x180]  }
0xa9: {  	v2 =	vld [tilespmem:$0x190]  }
0xaa: {  	v3 =	vld [tilespmem:$0x1A0]  }
0xab: {  	v62 =	vld [tilespmem:$0x1B0]  }
0xac: {  	v63 =	vld [tilespmem:$0x1C0]  }
0xad: {  	[tilespmem:$0x280] =	vst v1;
	v1 =	vld [tilespmem:$0x1D0]  }
0xae: {  	[tilespmem:$0x290] =	vst v2;
	v2 =	vld [tilespmem:$0x1E0]  }
0xaf: {  	[tilespmem:$0x2A0] =	vst v3;
	v3 =	vld [tilespmem:$0x1F0]  }
.Ltmp2:
0xb0: {  	[tilespmem:$0x2B0] =	vst v62;
	(pc) =	sbr.rel @p1 .LBB2_4-.Ltmp2, $4  }
0xb1: {  	[tilespmem:$0x2C0] =	vst v63  }
0xb2: {  	[tilespmem:$0x2D0] =	vst v1  }
0xb3: {  	[tilespmem:$0x2E0] =	vst v2  }
0xb4: {  	[tilespmem:$0x2F0] =	vst v3  }
0xb5: {  	s9 =	sadd.s32 s8, s17  }
0xb6: {  	s12 =	sadd.s32 s8, s16;
	s9 =	sadd.s32 $0x4F0, s9  }
0xb7: {  	[tilespmem:s22], [sflag:$0x3] =	stream.linear.gather [hbm4b:s9+s2], $0x80, $0x38;
	[tilespmem:$0x1BC80] =	vst v63  }
0xb8: {  	s9 =	sadd.s32 $0x4F0, s12  }
0xb9: {  	[tilespmem:s25], [sflag:$0x3] =	stream.linear.gather [hbm4b:s9+s2], $0x80, $0x38;
	[tilespmem:$0x1BC80] =	vst v63  }
0xba: {  	_ = 	snop  }
0xbb: {  	[spmem:s1] =	stream.indirect.scatter.add.f32 [tilespmem:s26], [sflag:$0x4], $0x80, s30, s20, $0xb8;
	[tilespmem:$0x1BC80] =	vst v63  }
0xbc: {  	_ =	swait.ge [sflag:s19], $0x4000  }
0xbd: {  	[sflag:s19] =	ssyncset.done $0x0  }
0xbe: {  	[sflag:s19] =	ssyncadd.s32 $0xFFFFC000  }
0xbf: {  	_ =	swait.ge [sflag:s5], $0x80  }
0xc0: {  	[sflag:s5] =	ssyncset.done $0x0  }
0xc1: {  	[sflag:s5] =	ssyncadd.s32 $0xFFFFFF80  }
0xc2: {  	_ =	swait.ge [sflag:s5], $0x80  }
0xc3: {  	[sflag:s5] =	ssyncset.done $0x0  }
0xc4: {  	[sflag:s5] =	ssyncadd.s32 $0xFFFFFF80  }
0xc5: {  	v1 =	vld [tilespmem:$0x100]  }
0xc6: {  	v2 =	vld [tilespmem:$0x110]  }
0xc7: {  	v3 =	vld [tilespmem:$0x120]  }
0xc8: {  	v4 =	vld [tilespmem:$0x130]  }
0xc9: {  	v5 =	vld [tilespmem:$0x140]  }
0xca: {  	v6 =	vld [tilespmem:$0x150];
	v1 =	vadd.s32 v0, v1  }
0xcb: {  	[tilespmem:$0x100] =	vst v1;
	v1 =	vadd.s32 v0, v2;
	v2 =	vld [tilespmem:$0x160]  }
0xcc: {  	[tilespmem:$0x110] =	vst v1;
	v1 =	vadd.s32 v0, v3;
	v3 =	vld [tilespmem:$0x170]  }
0xcd: {  	[tilespmem:$0x120] =	vst v1;
	v1 =	vadd.s32 v0, v4  }
.Ltmp3:
0xce: {  	[tilespmem:$0x130] =	vst v1;
	v1 =	vadd.s32 v0, v5;
	(pc) =	sbr.rel .LBB2_2-.Ltmp3, $4  }
0xcf: {  	[tilespmem:$0x140] =	vst v1;
	v1 =	vadd.s32 v0, v6  }
0xd0: {  	[tilespmem:$0x150] =	vst v1;
	v1 =	vadd.s32 v0, v2  }
0xd1: {  	[tilespmem:$0x160] =	vst v1;
	v1 =	vadd.s32 v0, v3  }
0xd2: {  	s8 =	sadd.s32 $0x20, s8;
	[tilespmem:$0x170] =	vst v1  }
.LBB2_5:
0xd3: {  	_ =	sfence.sel $0x180000  }
0xd4: {  	[bflag:$0x0] =	sbarrier.arrive $0xFFFF  }
0xd5: {  	_ =	strace $0x9000004A  }
0xd6: {  	s0 =	stileid.u32;
	[bflag:$0x2] =	sbarrier.arrive $0xFFFF  }
0xd7: {  	p0 =	sne.s32 s0, $0x0;
	s0 =	rddreg [dreg:$0x2]  }
0xd8: {  	s0 =	sadd.s32 @!p0 $0x100000, s0  }
0xd9: {  	[sflag:s0] =	ssyncadd.tile.s32 @!p0 $0x1;
	_ =	shalt  }
.Lfunc_end2:
_tile_overlayer_lowered:
.L_overlay_start_2:
0xda: {  	(tag) =	ssettag $0x2  }
0xdb: {  	s0 =	rddreg [dreg:$0x0];
	s2 =	stileid.u32  }
0xdc: {  	s1 =	rddreg [dreg:$0x1];
	p0 =	sne.s32 s2, $0x0  }
0xdd: {  	s3 =	rddreg [dreg:$0x2];
	[bflag:$0x3] =	sbarrier.arrive $0xFFFF;
	s2 =	simm.s32 @!p0 $0x1C04  }
0xde: {  	[timem:s3], [sflag:s2] =	dma.local @!p0 [hbm:s0], s1  }
0xdf: {  	s0 =	simm.s32 @!p0 $0x4  }
0xe0: {  	_ =	swait.ge @!p0 [sflag:s0], s1  }
0xe1: {  	s1 =	ssub.s32 @!p0 $0x0, s1;
	[sflag:s0] =	ssyncset.done @!p0 $0x0  }
0xe2: {  	[sflag:s0] =	ssyncadd.s32 @!p0 s1  }
0xe3: {  	[bflag:$0x3] =	sbarrier.arrive $0xFFFF  }
0xe4: {  	_ =	shalt  }

// kernel: kernel.16.cloned.1.call-start
scs
__scs_entry_jumppad:
0x0: {  	(pc) =	sbr.rel $0x88, $3  }
0x1: {  	(tag) =	ssettag $0x0;
	lr =	simm.s32 $0x1  }
0x2: {  	[smem:$0x3F93] =	sst lr;
	_ =	strace $0xD0000000  }
0x3: {  	_ = 	snop  }
0x4: {  	_ = 	snop  }
0x5: {  	_ = 	snop  }
0x6: {  	_ = 	snop  }
0x7: {  	_ = 	snop  }
__scs_overlays_trampoline_lowered:
0x8: {  	[smem:$0x3FA2] =	sst s0  }
0x9: {  	[smem:$0x3FA3] =	sst s1  }
0xa: {  	[smem:$0x3FA4] =	sst s2  }
0xb: {  	[smem:$0x3FA5] =	sst s3  }
0xc: {  	[smem:$0x3FA6] =	sst s4  }
0xd: {  	[smem:$0x3FA7] =	sst s5  }
0xe: {  	[smem:$0x3FA8] =	sst s6  }
0xf: {  	[smem:$0x3FA9] =	sst s7  }
0x10: {  	[smem:$0x3FAA] =	sst s8  }
0x11: {  	[smem:$0x3FAB] =	sst s9;
	s0 =	simm.s32 @!p0 $0x0  }
0x12: {  	s1 =	sld [smem:$0x3F91];
	s0 =	simm.s32 @p0 $0x1  }
0x13: {  	[smem:$0x3FAC] =	sst s0;
	s0 =	simm.s32 @!p1 $0x0  }
0x14: {  	s2 =	sld [smem:$0x3F90];
	s0 =	simm.s32 @p1 $0x1  }
0x15: {  	[smem:$0x3FAD] =	sst s0;
	s0 =	simm.s32 @!p2 $0x0  }
0x16: {  	s3 =	sld [smem:$0x3FDB];
	s0 =	simm.s32 @p2 $0x1  }
0x17: {  	s4 =	simm.s32 $0x1BF5;
	[smem:$0x3FAF] =	sst s0  }
0x18: {  	s0 =	sld [smem:$0x3F92];
	_ =	swait.ge [sflag:s4], $0x0  }
0x19: {  	s7 =	sld [smem:$0x3F93]  }
0x1a: {  	s8 =	sadd.s32 $0xFFFFE003, lr  }
0x1b: {  	s9 =	sadd.s32 $0xFFFFFEF7, lr;
	s5 =	simm.s32 $0xFFFFFFFF;
	p2 =	slt.u32 s8, $0xFFFFF086  }
0x1c: {  	p1 =	slt.u32 s9, $0xF7A;
	s5 =	simm.s32 @!p2 $0x0  }
0x1d: {  	s5 =	simm.s32 @p1 $0x1;
	p0 =	seq.s32 s7, s2  }
0x1e: {  	s7 =	smul.u32 @!p0 $0xF7A, s2;
	p2 =	seq.s32 @!p0 s5, $0x0  }
0x1f: {  	s9 =	smul.u32 $0xF7A, s1;
	s8 =	simm.s32 @!p0 $0x1BF5;
	p2 =	por !p2, p0  }
0x20: {  	[sflag:s8] =	ssyncset.s32 @!p0 $0xFFFFF086;
	s6 =	sadd.s32 @!p0 s3, s7;
	s7 =	simm.s32 @!p0 $0x108  }
0x21: {  	s3 =	sadd.s32 s3, s9;
	s6 =	sadd.s32 @!p0 $0x88, s6;
	s7 =	simm.s32 @p2 $0x1082  }
0x22: {  	[simem:s7], [sflag:s8] =	dma.local @!p0 [hbm:s6], $0xF7A  }
0x23: {  	s9 =	sor.u32 $0xD0000000, s2;
	s6 =	simm.s32 $0x108;
	_ =	swait.ge @!p0 [sflag:s8], $0x0  }
0x24: {  	s3 =	sadd.s32 $0x88, s3;
	s6 =	simm.s32 @!p1 $0x1082;
	[sflag:s4] =	ssyncset.s32 $0xFFFFF086  }
0x25: {  	[simem:s6], [sflag:s4] =	dma.local [hbm:s3], $0xF7A  }
0x26: {  	[smem:$0x3F93] =	sst s1;
	(tag) =	ssettag s2;
	_ =	strace s9  }
0x27: {  	s1 =	sld [smem:$0x3FA3]  }
0x28: {  	s2 =	sld [smem:$0x3FA4]  }
0x29: {  	s4 =	sld [smem:$0x3FA6]  }
0x2a: {  	p0 =	seq.s32 s5, $0x0;
	s5 =	sld [smem:$0x3FA7]  }
0x2b: {  	s6 =	sld [smem:$0x3FA8]  }
0x2c: {  	s7 =	sld [smem:$0x3FA9]  }
0x2d: {  	s3 =	simm.s32 $0x108;
	s8 =	sld [smem:$0x3FAA]  }
0x2e: {  	s3 =	simm.s32 @!p0 $0x1082;
	s9 =	sld [smem:$0x3FAB]  }
0x2f: {  	lr =	sadd.s32 s0, s3;
	s0 =	sld [smem:$0x3FA2]  }
0x30: {  	s3 =	sld [smem:$0x3FA5]  }
0x31: {  	[smem:$0x3FAE] =	sst s10  }
0x32: {  	s10 =	sld [smem:$0x3FAC];
	_ =	sdelay $0x3  }
0x33: {  	p0 =	seq.s32 s10, $0x1;
	s10 =	sld [smem:$0x3FAE];
	_ =	sdelay $0x3  }
0x34: {  	[smem:$0x3FAE] =	sst s10  }
0x35: {  	s10 =	sld [smem:$0x3FAD];
	_ =	sdelay $0x3  }
0x36: {  	p1 =	seq.s32 s10, $0x1;
	s10 =	sld [smem:$0x3FAE];
	_ =	sdelay $0x3  }
0x37: {  	[smem:$0x3FAE] =	sst s10  }
0x38: {  	s10 =	sld [smem:$0x3FAF]  }
0x39: {  	_ = 	snop;
	(pc) =	sbr.ind lr, $3  }
0x3a: {  	_ = 	snop  }
0x3b: {  	_ = 	snop  }
0x3c: {  	p2 =	seq.s32 s10, $0x1;
	s10 =	sld [smem:$0x3FAE]  }
0x3d: {  	_ =	shalt  }
0x3e: {  	_ =	shalt  }
0x3f: {  	_ =	shalt  }
0x40: {  	_ =	shalt  }
0x41: {  	_ =	shalt  }
0x42: {  	_ =	shalt  }
0x43: {  	_ =	shalt  }
0x44: {  	_ =	shalt  }
0x45: {  	_ =	shalt  }
0x46: {  	_ =	shalt  }
0x47: {  	_ =	shalt  }
0x48: {  	_ =	shalt  }
0x49: {  	_ =	shalt  }
0x4a: {  	_ =	shalt  }
0x4b: {  	_ =	shalt  }
0x4c: {  	_ =	shalt  }
0x4d: {  	_ =	shalt  }
0x4e: {  	_ =	shalt  }
0x4f: {  	_ =	shalt  }
0x50: {  	_ =	shalt  }
0x51: {  	_ =	shalt  }
0x52: {  	_ =	shalt  }
0x53: {  	_ =	shalt  }
0x54: {  	_ =	shalt  }
0x55: {  	_ =	shalt  }
0x56: {  	_ =	shalt  }
0x57: {  	_ =	shalt  }
0x58: {  	_ =	shalt  }
0x59: {  	_ =	shalt  }
0x5a: {  	_ =	shalt  }
0x5b: {  	_ =	shalt  }
0x5c: {  	_ =	shalt  }
0x5d: {  	_ =	shalt  }
0x5e: {  	_ =	shalt  }
0x5f: {  	_ =	shalt  }
0x60: {  	_ =	shalt  }
0x61: {  	_ =	shalt  }
0x62: {  	_ =	shalt  }
0x63: {  	_ =	shalt  }
0x64: {  	_ =	shalt  }
0x65: {  	_ =	shalt  }
0x66: {  	_ =	shalt  }
0x67: {  	_ =	shalt  }
0x68: {  	_ =	shalt  }
0x69: {  	_ =	shalt  }
0x6a: {  	_ =	shalt  }
0x6b: {  	_ =	shalt  }
0x6c: {  	_ =	shalt  }
0x6d: {  	_ =	shalt  }
0x6e: {  	_ =	shalt  }
0x6f: {  	_ =	shalt  }
0x70: {  	_ =	shalt  }
0x71: {  	_ =	shalt  }
0x72: {  	_ =	shalt  }
0x73: {  	_ =	shalt  }
0x74: {  	_ =	shalt  }
0x75: {  	_ =	shalt  }
0x76: {  	_ =	shalt  }
0x77: {  	_ =	shalt  }
0x78: {  	_ =	shalt  }
0x79: {  	_ =	shalt  }
0x7a: {  	_ =	shalt  }
0x7b: {  	_ =	shalt  }
0x7c: {  	_ =	shalt  }
0x7d: {  	_ =	shalt  }
0x7e: {  	_ =	shalt  }
0x7f: {  	_ =	shalt  }
0x80: {  	_ =	shalt  }
0x81: {  	_ =	shalt  }
0x82: {  	_ =	shalt  }
0x83: {  	_ =	shalt  }
0x84: {  	_ =	shalt  }
0x85: {  	_ =	shalt  }
0x86: {  	_ =	shalt  }
0x87: {  	_ =	shalt  }
.Lfunc_end0:
.L_simem_size_0:
called_computation.2_lowered:
.L_overlay_start_0:
0x88: {  	s2 =	sld [smem:$0x3FD9]  }
0x89: {  	s3 =	sld [smem:$0x3FFE];
	_ =	sdelay $0x1  }
0x8a: {  	s1 =	srdreg.scid  }
0x8b: {  	s0 =	sand.u32 $0x1, s1  }
0x8c: {  	s16 =	sshll.u32 s0, $0xA;
	s2 =	sadd.s32 s3, s2  }
0x8d: {  	s2 =	sadd.s32 s2, s16  }
0x8e: {  	[smem:$0x3FBA] =	sst s2  }
0x8f: {  	_ = 	snop  }
0x90: {  	(tm) =	ssettm $0x1  }
0x91: {  	s17 =	sld [smem:$0x3FFB];
	_ =	sdelay $0x3  }
0x92: {  	_ =	strace s17  }
0x93: {  	s2 =	sld [smem:$0x3FFC];
	_ =	sdelay $0x3  }
0x94: {  	_ =	strace s2  }
0x95: {  	s2 =	sld [smem:$0x3FFD];
	_ =	sdelay $0x3  }
0x96: {  	_ =	strace s2  }
0x97: {  	_ =	strace $0x8FFFFFFF  }
0x98: {  	s18 =	sld [smem:$0x3FDB];
	_ =	sdelay $0x1  }
0x99: {  	s19 =	simm.s32 $_scs_section_size  }
0x9a: {  	s4 =	simm.s32 $_size__tile_overlayer_lowered;
	s5 =	simm.s32 $_tile_overlayer_lowered  }
0x9b: {  	s22 =	simm.s32 $0x1BFF;
	s21 =	sshll.u32 s5, $0x1;
	s2 =	sadd.s32 s19, s18  }
0x9c: {  	s6 =	simm.s32 $0x0;
	s20 =	sshll.u32 s4, $0x1;
	s4 =	sadd.s32 s21, s2  }
0x9d: {  	[timem:s6], [sflag:s22] =	dma.local [hbm:s4], s20  }
0x9e: {  	_ =	swait.ge [sflag:s22], s20  }
0x9f: {  	s3 =	ssub.s32 $0x0, s20;
	[sflag:s22] =	ssyncset.done $0x0  }
0xa0: {  	[sflag:s22] =	ssyncadd.s32 s3;
	_ =	sdelay $0x1  }
0xa1: {  	s23 =	simm.s32 $0x1B8B  }
0xa2: {  	_ =	swait.ge [sflag:s23], $0x1  }
0xa3: {  	[sflag:s23] =	ssyncset.done $0x0  }
0xa4: {  	s25 =	simm.s32 $0x1B8E;
	s24 =	sld [smem:$0x3FFE];
	[sflag:s23] =	ssyncadd.s32 $0xFFFFFFFF  }
0xa5: {  	s26 =	simm.s32 $execute0_lowered;
	[smem:$0x3FD2] =	sst s25  }
0xa6: {  	s4 =	sshll.u32 s26, $0x1;
	_ =	strace $0x8000004C;
	[dreg:$0x1] =	wrdreg $0xFFFFFFFF  }
0xa7: {  	s28 =	simm.s32 $_size_execute0_lowered;
	s2 =	sadd.s32 s2, s4;
	[dreg:$0x0] =	wrdreg $0x0  }
0xa8: {  	s4 =	sshll.u32 s28, $0x1;
	[dreg:$0x2] =	wrdreg s2  }
0xa9: {  	[dreg:$0x3] =	wrdreg s4  }
0xaa: {  	[dreg:$0x4] =	wrdreg $0xC0  }
0xab: {  	_ =	task [dreg:s6], $0x5FFFF  }
0xac: {  	[dreg:$0x1] =	wrdreg $0xFFFFFFFF  }
0xad: {  	[dreg:$0x0] =	wrdreg $0x60  }
0xae: {  	[dreg:$0x2] =	wrdreg s24  }
0xaf: {  	[dreg:$0x3] =	wrdreg $0x84000  }
0xb0: {  	[dreg:$0x4] =	wrdreg $0x9  }
0xb1: {  	_ =	task.clear_ibuf [dreg:s6], $0x5FFFF;
	_ =	strace $0x9000004C  }
0xb2: {  	s29 =	simm.s32 $0x9;
	_ =	strace $0x8000004E  }
0xb3: {  	_ =	swait.ge [sflag:s29], $0x1  }
0xb4: {  	[sflag:s29] =	ssyncadd.s32 $0xFFFFFFFF  }
0xb5: {  	_ =	strace $0x9000004E  }
0xb6: {  	_ =	sfence  }
0xb7: {  	s30 =	sld [smem:$0x0];
	_ =	sdelay $0x2  }
0xb8: {  	s31 =	sshll.u32 s1, $0xD;
	s1 =	sshrl.u32 s1, $0x2  }
0xb9: {  	s3 =	sand.u32 $0x4000, s31;
	s1 =	sadd.s32 s1, s30  }
0xba: {  	s0 =	sor.u32 s3, s0;
	s1 =	sshll.u32 s1, $0x11  }
0xbb: {  	s0 =	sor.u32 s1, s0  }
0xbc: {  	s0 =	sadd.s32 $0x8F2B, s0  }
0xbd: {  	[sflag:s0] =	ssyncadd.remote.s32 $0x1  }
0xbe: {  	_ =	sfence.sel $0xFFFF  }
0xbf: {  	[dreg:$0x0] =	wrdreg $0xFFFFFFFF;
	(pc) =	sbr.abs _section_cstart, $3  }
0xc0: {  	[dreg:$0x1] =	wrdreg $0xFFFFFFFF  }
0xc1: {  	_ =	task.clear_ibuf [dreg:s6], $0x2FFFF;
	_ =	strace $0x9FFFFFFF  }
0xc2: {  	(tm) =	ssettm $0x7FFFFFFF  }
0xc3: {  	_ =	shalt  }
tec
execute0_lowered:
.L_overlay_start_1:
0x0: {  	(tag) =	ssettag $0x1  }
0x1: {  	s0 =	rddreg [dreg:$0x0]  }
0x2: {  	s1 =	rddreg [dreg:$0x1]  }
0x3: {  	s2 =	simm.s32 $0x0;
	s5 =	srdreg.scid;
	s24 =	stileid.u32  }
0x4: {  	s28 =	simm.s32 $0x1;
	s29 =	simm.s32 $0x2;
	s30 =	simm.s32 $0x280  }
0x5: {  	s31 =	simm.s32 $0x300;
	[smem:$0x7FF] =	sst s2;
	s4 =	sadd.s32 $0x5AC00, s0  }
0x6: {  	s3 =	sadd.s32 $0x7A00, s0;
	s7 =	sadd.s32 $0x2A00, s0;
	s6 =	smul.u32 $0x4E200, s24  }
0x7: {  	s5 =	sand.u32 $0x1, s5;
	s8 =	sadd.s32 $0xA8E00, s0;
	s10 =	smul.u32 $0x2710, s24  }
0x8: {  	s0 =	sadd.s32 $0xAB600, s0;
	s17 =	sshll.u32 s24, $0x6;
	s13 =	smul.u32 $0x4E000, s24  }
0x9: {  	s14 =	smul.u32 $0x270, s24;
	p0 =	sne.s32 s24, $0xF;
	_ =	strace $0x8000004D  }
0xa: {  	[dreg:$0x3] =	wrdreg s8;
	s16 =	ssub.s32 $0x2, s5;
	s8 =	smul.u32 $0x2710, s5  }
0xb: {  	s5 =	smul.u32 $0x138800, s5;
	s9 =	sshrl.u32 s16, $0x1;
	s6 =	sshrl.u32 s6, $0x2  }
0xc: {  	s11 =	sshrl.u32 s10, $0x3;
	s13 =	sshrl.u32 s13, $0x2;
	s15 =	ssub.s32 s16, s9  }
0xd: {  	s18 =	sadd.s32 s6, s1;
	s6 =	sor.u32 $0x1C04, s17;
	s19 =	sadd.s32 s3, s11  }
0xe: {  	s10 =	sadd.s32 $0x10, s11;
	s20 =	sadd.s32 s7, s11;
	s12 =	sadd.s32 $0x4E0, s11  }
0xf: {  	s26 =	sadd.s32 s14, s8;
	s5 =	sshrl.u32 s5, $0x3;
	[dreg:$0x4] =	wrdreg s19  }
0x10: {  	s17 =	smul.u32 $0x4E2, s24;
	[dreg:$0x5] =	wrdreg s20;
	s21 =	sadd.s32 s3, s10  }
0x11: {  	s22 =	sadd.s32 s7, s10;
	s23 =	sadd.s32 s3, s12;
	[dreg:$0x6] =	wrdreg s21  }
0x12: {  	s25 =	sadd.s32 s7, s12;
	s5 =	sadd.s32 s0, s5;
	[dreg:$0x7] =	wrdreg s22  }
0x13: {  	s15 =	smax.u32 s15, $0x1;
	s18 =	sshrl.u32 s18, $0x3;
	[dreg:$0x8] =	wrdreg s23  }
0x14: {  	s19 =	simm.s32 $0x4;
	s20 =	simm.s32 $0x80;
	[dreg:$0x9] =	wrdreg s25  }
0x15: {  	s23 =	sadd.s32 s13, s1;
	s13 =	sshll.u32 s26, $0x4;
	s14 =	sadd.s32 $0x27000, s5  }
.Ltmp0:
0x16: {  	s16 =	sadd.s32 s17, s7;
	s17 =	sadd.s32 s17, s3;
	(pc) =	sbr.rel .LBB2_1-.Ltmp0, $4  }
0x17: {  	s21 =	simm.s32 $0x400;
	s22 =	simm.s32 $0x100;
	s25 =	simm.s32 $0x180  }
0x18: {  	s26 =	simm.s32 $0x4400;
	s3 =	simm.s32 $0x10;
	s5 =	simm.s32 $0x3  }
0x19: {  	s7 =	simm.s32 $0x0;
	s13 =	sadd.s32 s0, s13;
	s0 =	sadd.s32 $0x138000, s1  }
0x1a: {  	v0 =	vmov s8;
	s23 =	sshrl.u32 s23, $0x3;
	s24 =	sshrl.u32 @!p0 s0, $0x3;
	s0 =	simm.s32 $0x380  }
.LBB2_4:
0x1b: {  	[spmem:s1] =	stream.indirect.scatter.add.f32 [tilespmem:s26], [sflag:$0x4], $0x80, s30, s20, $0xb8;
	[tilespmem:$0x1BC80] =	vst v63  }
0x1c: {  	_ =	swait.ge [sflag:s19], $0x4000  }
0x1d: {  	[sflag:s19] =	ssyncset.done $0x0  }
0x1e: {  	s8 =	rddreg [dreg:$0x8];
	[sflag:s19] =	ssyncadd.s32 $0xFFFFC000  }
0x1f: {  	[tilespmem:s31], [sflag:$0x4] =	stream.linear.gather [hbm4b:s8+s2], $0x10, $0x38;
	[tilespmem:$0x1BC80] =	vst v63  }
0x20: {  	_ =	swait.ge [sflag:s19], $0x10  }
0x21: {  	[sflag:s19] =	ssyncset.done $0x0  }
0x22: {  	s12 =	rddreg [dreg:$0x9];
	[sflag:s19] =	ssyncadd.s32 $0xFFFFFFF0  }
0x23: {  	[tilespmem:s0], [sflag:$0x4] =	stream.linear.gather [hbm4b:s12+s2], $0x10, $0x38;
	[tilespmem:$0x1BC80] =	vst v63  }
0x24: {  	_ =	swait.ge [sflag:s19], $0x10  }
0x25: {  	[sflag:s19] =	ssyncset.done $0x0  }
0x26: {  	[sflag:s19] =	ssyncadd.s32 $0xFFFFFFF0  }
0x27: {  	v1 =	vld [tilespmem:$0x300];
	_ =	sdelay $0x4  }
0x28: {  	v1 =	vadd.s32 v0, v1  }
0x29: {  	[tilespmem:$0x300] =	vst v1  }
0x2a: {  	[tilespmem:s21], [sflag:$0x1] =	stream.indirect.gather [hbm4b:s4+s3], $0x80, s31, s3, $0xb8;
	[tilespmem:$0x1BC80] =	vst v63  }
0x2b: {  	_ =	swait.ge [sflag:s28], $0x800  }
0x2c: {  	[sflag:s28] =	ssyncset.done $0x0  }
0x2d: {  	[sflag:s28] =	ssyncadd.s32 $0xFFFFF800  }
0x2e: {  	[spmem:s1] =	stream.indirect.scatter.add.f32 [tilespmem:s21], [sflag:$0x4], $0x80, s0, s3, $0xb8;
	[tilespmem:$0x1BC80] =	vst v63  }
0x2f: {  	_ =	swait.ge [sflag:s19], $0x800  }
0x30: {  	[sflag:s19] =	ssyncset.done $0x0  }
0x31: {  	[sflag:s19] =	ssyncadd.s32 $0xFFFFF800  }
0x32: {  	[bflag:$0x0] =	sbarrier.arrive $0xFFFF  }
0x33: {  	[hbm:s13], [sflag:s6] =	dma.local [spmem:s23], $0x2700  }
0x34: {  	s7 =	sadd.s32 $0x1, s7;
	_ =	swait.ge [sflag:s19], $0x2700  }
0x35: {  	p1 =	sne.s32 s7, s15;
	[sflag:s19] =	ssyncset.done $0x0  }
.Ltmp1:
0x36: {  	s8 =	simm.s32 @!p0 $0x4;
	[sflag:s19] =	ssyncadd.s32 $0xFFFFD900;
	(pc) =	sbr.rel @!p1 .LBB2_5-.Ltmp1, $4  }
0x37: {  	[hbm:s14], [sflag:s6] =	dma.local @!p0 [spmem:s24], $0x100  }
0x38: {  	_ =	swait.ge @!p0 [sflag:s8], $0x100  }
0x39: {  	[sflag:s8] =	ssyncset.done @!p0 $0x0  }
0x3a: {  	[sflag:s8] =	ssyncadd.s32 @!p0 $0xFFFFFF00  }
.LBB2_1:
0x3b: {  	s8 =	rddreg [dreg:$0x3]  }
0x3c: {  	[spmem:s18], [sflag:s6] =	dma.local [hbm:s8], $0x2710  }
0x3d: {  	_ =	swait.ge [sflag:s19], $0x2710  }
0x3e: {  	[sflag:s19] =	ssyncset.done $0x0  }
0x3f: {  	[sflag:s19] =	ssyncadd.s32 $0xFFFFD8F0  }
0x40: {  	[bflag:$0x0] =	sbarrier.arrive $0xFFFF  }
0x41: {  	s9 =	rddreg [dreg:$0x4]  }
0x42: {  	[tilespmem:s2], [sflag:$0x4] =	stream.linear.gather [hbm4b:s9+s2], $0x80, $0x38;
	[tilespmem:$0x1BC80] =	vst v63  }
0x43: {  	_ =	swait.ge [sflag:s19], $0x80  }
0x44: {  	[sflag:s19] =	ssyncset.done $0x0  }
0x45: {  	s10 =	rddreg [dreg:$0x5];
	[sflag:s19] =	ssyncadd.s32 $0xFFFFFF80  }
0x46: {  	[tilespmem:s20], [sflag:$0x4] =	stream.linear.gather [hbm4b:s10+s2], $0x80, $0x38;
	[tilespmem:$0x1BC80] =	vst v63  }
0x47: {  	_ =	swait.ge [sflag:s19], $0x80  }
0x48: {  	[sflag:s19] =	ssyncset.done $0x0  }
0x49: {  	[sflag:s19] =	ssyncadd.s32 $0xFFFFFF80  }
0x4a: {  	v1 =	vld [tilespmem:$0x0]  }
0x4b: {  	v2 =	vld [tilespmem:$0x10]  }
0x4c: {  	v3 =	vld [tilespmem:$0x20]  }
0x4d: {  	v4 =	vld [tilespmem:$0x30]  }
0x4e: {  	v5 =	vld [tilespmem:$0x40]  }
0x4f: {  	v6 =	vld [tilespmem:$0x50];
	v1 =	vadd.s32 v0, v1  }
0x50: {  	[tilespmem:$0x0] =	vst v1;
	v1 =	vadd.s32 v0, v2;
	v2 =	vld [tilespmem:$0x60]  }
0x51: {  	[tilespmem:$0x10] =	vst v1;
	v1 =	vadd.s32 v0, v3;
	v3 =	vld [tilespmem:$0x70]  }
0x52: {  	[tilespmem:$0x20] =	vst v1;
	v1 =	vadd.s32 v0, v4  }
0x53: {  	[tilespmem:$0x30] =	vst v1;
	v1 =	vadd.s32 v0, v5  }
0x54: {  	[tilespmem:$0x40] =	vst v1;
	v1 =	vadd.s32 v0, v6  }
0x55: {  	[tilespmem:$0x50] =	vst v1;
	v1 =	vadd.s32 v0, v2  }
0x56: {  	[tilespmem:$0x60] =	vst v1;
	v1 =	vadd.s32 v0, v3  }
0x57: {  	[tilespmem:$0x70] =	vst v1  }
0x58: {  	[tilespmem:s21], [sflag:$0x1] =	stream.indirect.gather [hbm4b:s4+s20], $0x80, s2, s20, $0xb8;
	[tilespmem:$0x1BC80] =	vst v63  }
0x59: {  	s11 =	rddreg [dreg:$0x6]  }
0x5a: {  	[tilespmem:s22], [sflag:$0x4] =	stream.linear.gather [hbm4b:s11+s2], $0x80, $0x38;
	[tilespmem:$0x1BC80] =	vst v63  }
0x5b: {  	_ =	swait.ge [sflag:s19], $0x80  }
0x5c: {  	[sflag:s19] =	ssyncset.done $0x0  }
0x5d: {  	s12 =	rddreg [dreg:$0x7];
	[sflag:s19] =	ssyncadd.s32 $0xFFFFFF80  }
0x5e: {  	[tilespmem:s25], [sflag:$0x4] =	stream.linear.gather [hbm4b:s12+s2], $0x80, $0x38;
	[tilespmem:$0x1BC80] =	vst v63  }
0x5f: {  	_ =	swait.ge [sflag:s19], $0x80  }
0x60: {  	[sflag:s19] =	ssyncset.done $0x0  }
0x61: {  	[sflag:s19] =	ssyncadd.s32 $0xFFFFFF80  }
0x62: {  	v1 =	vld [tilespmem:$0x100]  }
0x63: {  	v2 =	vld [tilespmem:$0x110]  }
0x64: {  	v3 =	vld [tilespmem:$0x120]  }
0x65: {  	v61 =	vld [tilespmem:$0x130]  }
0x66: {  	v62 =	vld [tilespmem:$0x140]  }
0x67: {  	v63 =	vld [tilespmem:$0x150];
	v1 =	vadd.s32 v0, v1  }
0x68: {  	[tilespmem:$0x100] =	vst v1;
	v1 =	vadd.s32 v0, v2;
	v2 =	vld [tilespmem:$0x160]  }
0x69: {  	[tilespmem:$0x110] =	vst v1;
	v1 =	vadd.s32 v0, v3;
	v3 =	vld [tilespmem:$0x170]  }
0x6a: {  	[tilespmem:$0x120] =	vst v1;
	v1 =	vadd.s32 v0, v61  }
0x6b: {  	[tilespmem:$0x130] =	vst v1;
	v1 =	vadd.s32 v0, v62  }
0x6c: {  	[tilespmem:$0x140] =	vst v1;
	v1 =	vadd.s32 v0, v63  }
0x6d: {  	[tilespmem:$0x150] =	vst v1;
	v1 =	vadd.s32 v0, v2  }
0x6e: {  	[tilespmem:$0x160] =	vst v1;
	v1 =	vadd.s32 v0, v3  }
0x6f: {  	s8 =	simm.s32 $0xFFFFFB40;
	[tilespmem:$0x170] =	vst v1  }
.LBB2_2:
0x70: {  	[tilespmem:s26], [sflag:$0x2] =	stream.indirect.gather [hbm4b:s4+s20], $0x80, s22, s20, $0xb8;
	[tilespmem:$0x1BC80] =	vst v63  }
0x71: {  	_ =	swait.ge [sflag:s28], $0x4000  }
0x72: {  	[sflag:s28] =	ssyncset.done $0x0  }
0x73: {  	[sflag:s28] =	ssyncadd.s32 $0xFFFFC000  }
0x74: {  	v1 =	vld [tilespmem:$0x80]  }
0x75: {  	v2 =	vld [tilespmem:$0x90]  }
0x76: {  	v3 =	vld [tilespmem:$0xA0]  }
0x77: {  	v4 =	vld [tilespmem:$0xB0]  }
0x78: {  	v5 =	vld [tilespmem:$0xC0]  }
0x79: {  	[tilespmem:$0x200] =	vst v1;
	v1 =	vld [tilespmem:$0xD0]  }
0x7a: {  	[tilespmem:$0x210] =	vst v2;
	v2 =	vld [tilespmem:$0xE0]  }
0x7b: {  	[tilespmem:$0x220] =	vst v3;
	v3 =	vld [tilespmem:$0xF0]  }
0x7c: {  	[tilespmem:$0x230] =	vst v4  }
0x7d: {  	[tilespmem:$0x240] =	vst v5  }
0x7e: {  	[tilespmem:$0x250] =	vst v1  }
0x7f: {  	p1 =	seq.s32 s8, $0x0;
	[tilespmem:$0x260] =	vst v2  }
0x80: {  	s9 =	simm.s32 @p1 $0x80;
	s10 =	simm.s32 @p1 $0x200;
	s11 =	simm.s32 @p1 $0x400;
	[tilespmem:$0x270] =	vst v3  }
0x81: {  	[spmem:s1] =	stream.indirect.scatter.add.f32 @p1 [tilespmem:s11], [sflag:$0x4], $0x80, s10, s9, $0xb8;
	[tilespmem:$0x1BC80] =	vst v63  }
0x82: {  	s9 =	simm.s32 @p1 $0x4  }
0x83: {  	_ =	swait.ge @p1 [sflag:s9], $0x4000  }
0x84: {  	s10 =	sadd.s32 @!p1 s8, s17;
	[sflag:s9] =	ssyncset.done @p1 $0x0  }
0x85: {  	[sflag:s9] =	ssyncadd.s32 @p1 $0xFFFFC000;
	s9 =	sadd.s32 @!p1 $0x4E0, s10;
	s10 =	simm.s32 @!p1 $0x0  }
0x86: {  	[tilespmem:s10], [sflag:$0x3] =	stream.linear.gather @!p1 [hbm4b:s9+s10], $0x80, $0x38;
	[tilespmem:$0x1BC80] =	vst v63  }
0x87: {  	s9 =	sadd.s32 @!p1 s8, s16  }
0x88: {  	s11 =	simm.s32 @!p1 $0x80;
	s9 =	sadd.s32 @!p1 $0x4E0, s9  }
0x89: {  	[tilespmem:s11], [sflag:$0x3] =	stream.linear.gather @!p1 [hbm4b:s9+s10], $0x80, $0x38;
	[tilespmem:$0x1BC80] =	vst v63  }
0x8a: {  	s12 =	simm.s32 @!p1 $0x400;
	s9 =	simm.s32 @!p1 $0x200  }
0x8b: {  	[spmem:s1] =	stream.indirect.scatter.add.f32 @!p1 [tilespmem:s12], [sflag:$0x4], $0x80, s9, s11, $0xb8;
	[tilespmem:$0x1BC80] =	vst v63  }
0x8c: {  	s9 =	simm.s32 @!p1 $0x4  }
0x8d: {  	_ =	swait.ge @!p1 [sflag:s9], $0x4000  }
0x8e: {  	[sflag:s9] =	ssyncset.done @!p1 $0x0  }
0x8f: {  	[sflag:s9] =	ssyncadd.s32 @!p1 $0xFFFFC000;
	s9 =	simm.s32 @!p1 $0x3  }
0x90: {  	_ =	swait.ge @!p1 [sflag:s9], $0x80  }
0x91: {  	[sflag:s9] =	ssyncset.done @!p1 $0x0  }
0x92: {  	[sflag:s9] =	ssyncadd.s32 @!p1 $0xFFFFFF80  }
0x93: {  	_ =	swait.ge @!p1 [sflag:s9], $0x80  }
0x94: {  	[sflag:s9] =	ssyncset.done @!p1 $0x0  }
0x95: {  	[sflag:s9] =	ssyncadd.s32 @!p1 $0xFFFFFF80  }
0x96: {  	v1 =	vld @!p1 [tilespmem:$0x0]  }
0x97: {  	v2 =	vld @!p1 [tilespmem:$0x10]  }
0x98: {  	v3 =	vld @!p1 [tilespmem:$0x20]  }
0x99: {  	v4 =	vld @!p1 [tilespmem:$0x30]  }
0x9a: {  	v5 =	vld @!p1 [tilespmem:$0x40]  }
0x9b: {  	v6 =	vld @!p1 [tilespmem:$0x50];
	v1 =	vadd.s32 @!p1 v0, v1  }
0x9c: {  	[tilespmem:$0x0] =	vst @!p1 v1;
	v1 =	vadd.s32 @!p1 v0, v2;
	v2 =	vld @!p1 [tilespmem:$0x60]  }
0x9d: {  	[tilespmem:$0x10] =	vst @!p1 v1;
	v1 =	vadd.s32 @!p1 v0, v3;
	v3 =	vld @!p1 [tilespmem:$0x70]  }
0x9e: {  	[tilespmem:$0x20] =	vst @!p1 v1;
	v1 =	vadd.s32 @!p1 v0, v4  }
0x9f: {  	[tilespmem:$0x30] =	vst @!p1 v1;
	v1 =	vadd.s32 @!p1 v0, v5  }
0xa0: {  	[tilespmem:$0x40] =	vst @!p1 v1;
	v1 =	vadd.s32 @!p1 v0, v6  }
0xa1: {  	[tilespmem:$0x50] =	vst @!p1 v1;
	v1 =	vadd.s32 @!p1 v0, v2  }
0xa2: {  	[tilespmem:$0x60] =	vst @!p1 v1;
	v1 =	vadd.s32 @!p1 v0, v3  }
0xa3: {  	[tilespmem:$0x70] =	vst @!p1 v1  }
0xa4: {  	[tilespmem:s12], [sflag:$0x1] =	stream.indirect.gather @!p1 [hbm4b:s4+s11], $0x80, s10, s11, $0xb8;
	[tilespmem:$0x1BC80] =	vst v63  }
0xa5: {  	_ =	swait.ge [sflag:s29], $0x4000  }
0xa6: {  	[sflag:s29] =	ssyncset.done $0x0  }
0xa7: {  	[sflag:s29] =	ssyncadd.s32 $0xFFFFC000  }
0xa8: {  	v1 =	vld [tilespmem:$0x180]  }
0xa9: {  	v2 =	vld [tilespmem:$0x190]  }
0xaa: {  	v3 =	vld [tilespmem:$0x1A0]  }
0xab: {  	v62 =	vld [tilespmem:$0x1B0]  }
0xac: {  	v63 =	vld [tilespmem:$0x1C0]  }
0xad: {  	[tilespmem:$0x280] =	vst v1;
	v1 =	vld [tilespmem:$0x1D0]  }
0xae: {  	[tilespmem:$0x290] =	vst v2;
	v2 =	vld [tilespmem:$0x1E0]  }
0xaf: {  	[tilespmem:$0x2A0] =	vst v3;
	v3 =	vld [tilespmem:$0x1F0]  }
.Ltmp2:
0xb0: {  	[tilespmem:$0x2B0] =	vst v62;
	(pc) =	sbr.rel @p1 .LBB2_4-.Ltmp2, $4  }
0xb1: {  	[tilespmem:$0x2C0] =	vst v63  }
0xb2: {  	[tilespmem:$0x2D0] =	vst v1  }
0xb3: {  	[tilespmem:$0x2E0] =	vst v2  }
0xb4: {  	[tilespmem:$0x2F0] =	vst v3  }
0xb5: {  	s9 =	sadd.s32 s8, s17  }
0xb6: {  	s12 =	sadd.s32 s8, s16;
	s9 =	sadd.s32 $0x4F0, s9  }
0xb7: {  	[tilespmem:s22], [sflag:$0x3] =	stream.linear.gather [hbm4b:s9+s2], $0x80, $0x38;
	[tilespmem:$0x1BC80] =	vst v63  }
0xb8: {  	s9 =	sadd.s32 $0x4F0, s12  }
0xb9: {  	[tilespmem:s25], [sflag:$0x3] =	stream.linear.gather [hbm4b:s9+s2], $0x80, $0x38;
	[tilespmem:$0x1BC80] =	vst v63  }
0xba: {  	_ = 	snop  }
0xbb: {  	[spmem:s1] =	stream.indirect.scatter.add.f32 [tilespmem:s26], [sflag:$0x4], $0x80, s30, s20, $0xb8;
	[tilespmem:$0x1BC80] =	vst v63  }
0xbc: {  	_ =	swait.ge [sflag:s19], $0x4000  }
0xbd: {  	[sflag:s19] =	ssyncset.done $0x0  }
0xbe: {  	[sflag:s19] =	ssyncadd.s32 $0xFFFFC000  }
0xbf: {  	_ =	swait.ge [sflag:s5], $0x80  }
0xc0: {  	[sflag:s5] =	ssyncset.done $0x0  }
0xc1: {  	[sflag:s5] =	ssyncadd.s32 $0xFFFFFF80  }
0xc2: {  	_ =	swait.ge [sflag:s5], $0x80  }
0xc3: {  	[sflag:s5] =	ssyncset.done $0x0  }
0xc4: {  	[sflag:s5] =	ssyncadd.s32 $0xFFFFFF80  }
0xc5: {  	v1 =	vld [tilespmem:$0x100]  }
0xc6: {  	v2 =	vld [tilespmem:$0x110]  }
0xc7: {  	v3 =	vld [tilespmem:$0x120]  }
0xc8: {  	v4 =	vld [tilespmem:$0x130]  }
0xc9: {  	v5 =	vld [tilespmem:$0x140]  }
0xca: {  	v6 =	vld [tilespmem:$0x150];
	v1 =	vadd.s32 v0, v1  }
0xcb: {  	[tilespmem:$0x100] =	vst v1;
	v1 =	vadd.s32 v0, v2;
	v2 =	vld [tilespmem:$0x160]  }
0xcc: {  	[tilespmem:$0x110] =	vst v1;
	v1 =	vadd.s32 v0, v3;
	v3 =	vld [tilespmem:$0x170]  }
0xcd: {  	[tilespmem:$0x120] =	vst v1;
	v1 =	vadd.s32 v0, v4  }
.Ltmp3:
0xce: {  	[tilespmem:$0x130] =	vst v1;
	v1 =	vadd.s32 v0, v5;
	(pc) =	sbr.rel .LBB2_2-.Ltmp3, $4  }
0xcf: {  	[tilespmem:$0x140] =	vst v1;
	v1 =	vadd.s32 v0, v6  }
0xd0: {  	[tilespmem:$0x150] =	vst v1;
	v1 =	vadd.s32 v0, v2  }
0xd1: {  	[tilespmem:$0x160] =	vst v1;
	v1 =	vadd.s32 v0, v3  }
0xd2: {  	s8 =	sadd.s32 $0x20, s8;
	[tilespmem:$0x170] =	vst v1  }
.LBB2_5:
0xd3: {  	_ =	sfence.sel $0x180000  }
0xd4: {  	[bflag:$0x0] =	sbarrier.arrive $0xFFFF  }
0xd5: {  	_ =	strace $0x9000004D  }
0xd6: {  	s0 =	stileid.u32;
	[bflag:$0x2] =	sbarrier.arrive $0xFFFF  }
0xd7: {  	p0 =	sne.s32 s0, $0x0;
	s0 =	rddreg [dreg:$0x2]  }
0xd8: {  	s0 =	sadd.s32 @!p0 $0x100000, s0  }
0xd9: {  	[sflag:s0] =	ssyncadd.tile.s32 @!p0 $0x1;
	_ =	shalt  }
.Lfunc_end2:
_tile_overlayer_lowered:
.L_overlay_start_2:
0xda: {  	(tag) =	ssettag $0x2  }
0xdb: {  	s0 =	rddreg [dreg:$0x0];
	s2 =	stileid.u32  }
0xdc: {  	s1 =	rddreg [dreg:$0x1];
	p0 =	sne.s32 s2, $0x0  }
0xdd: {  	s3 =	rddreg [dreg:$0x2];
	[bflag:$0x3] =	sbarrier.arrive $0xFFFF;
	s2 =	simm.s32 @!p0 $0x1C04  }
0xde: {  	[timem:s3], [sflag:s2] =	dma.local @!p0 [hbm:s0], s1  }
0xdf: {  	s0 =	simm.s32 @!p0 $0x4  }
0xe0: {  	_ =	swait.ge @!p0 [sflag:s0], s1  }
0xe1: {  	s1 =	ssub.s32 @!p0 $0x0, s1;
	[sflag:s0] =	ssyncset.done @!p0 $0x0  }
0xe2: {  	[sflag:s0] =	ssyncadd.s32 @!p0 s1  }
0xe3: {  	[bflag:$0x3] =	sbarrier.arrive $0xFFFF  }
0xe4: {  	_ =	shalt  }

</sc_bundles>
